<compile_context>
chip_gen: v7x
topology: tpu7x:2x2x1
jax: 0.10.2.dev20260603
libtpu: 0.0.44.dev20260713+nightly
codegen_flags: <defaults>
</compile_context>

<pallas_src>
import functools

import jax
import jax.numpy as jnp
from jax import lax
from jax.experimental import pallas as pl
from jax.experimental.pallas import tpu as pltpu
from jax.experimental.pallas import tpu_sc as plsc

N = 10000
D = 128
E = 320000
EP = 327680
EB = EP // 128
EBT = EB // 32
NP = 10240
SL = 640
SL_LAST = N - 15 * SL
CH = 80
TRASH = N

_mesh = plsc.VectorSubcoreMesh(core_axis_name="c", subcore_axis_name="s")


@functools.partial(
    pl.kernel,
    out_type=(jax.ShapeDtypeStruct((N,), jnp.float32),
              jax.ShapeDtypeStruct((N,), jnp.float32)),
    mesh=_mesh,
    scratch_types=[
        pltpu.VMEM((EBT, 128), jnp.int32),
        pltpu.VMEM((SL,), jnp.float32),
        pltpu.VMEM((128,), jnp.float32),
        pltpu.VMEM_SHARED((NP,), jnp.float32),
    ],
)
def _deg_kernel(colp, deg0, deg1, col_v, zb, ones_v, deg_sh):
    c = lax.axis_index("c")
    s = lax.axis_index("s")

    @pl.loop(0, SL // 16)
    def _zero(i):
        zb[pl.ds(i * 16, 16)] = jnp.zeros((16,), jnp.float32)

    for i in range(8):
        ones_v[pl.ds(i * 16, 16)] = jnp.ones((16,), jnp.float32)

    pltpu.sync_copy(zb, deg_sh.at[pl.ds(s * SL, SL)])
    pltpu.sync_copy(colp.at[pl.ds((c * 16 + s) * EBT, EBT), :], col_v)
    plsc.subcore_barrier()

    @pl.loop(0, EBT)
    def _scat(j):
        pltpu.sync_copy(ones_v, deg_sh.at[col_v.at[j]], add=True)

    plsc.subcore_barrier()

    @pl.when(s < 15)
    def _():
        pltpu.sync_copy(deg_sh.at[pl.ds(s * SL, SL)], zb)

        @pl.when(c == 0)
        def _():
            pltpu.sync_copy(zb, deg0.at[pl.ds(s * SL, SL)])

        @pl.when(c == 1)
        def _():
            pltpu.sync_copy(zb, deg1.at[pl.ds(s * SL, SL)])

    @pl.when(s == 15)
    def _():
        pltpu.sync_copy(deg_sh.at[pl.ds(15 * SL, SL_LAST)], zb.at[pl.ds(0, SL_LAST)])

        @pl.when(c == 0)
        def _():
            pltpu.sync_copy(zb.at[pl.ds(0, SL_LAST)], deg0.at[pl.ds(15 * SL, SL_LAST)])

        @pl.when(c == 1)
        def _():
            pltpu.sync_copy(zb.at[pl.ds(0, SL_LAST)], deg1.at[pl.ds(15 * SL, SL_LAST)])


@functools.partial(
    pl.kernel,
    out_type=(jax.ShapeDtypeStruct((N, D), jnp.float32),
              jax.ShapeDtypeStruct((N, D), jnp.float32)),
    mesh=_mesh,
    scratch_types=[
        pltpu.VMEM((EBT // 2, 128), jnp.int32),
        pltpu.VMEM((EBT // 2, 128), jnp.int32),
        pltpu.VMEM((128, D), jnp.float32),
        pltpu.VMEM((128, D), jnp.float32),
        pltpu.VMEM_SHARED((NP, D), jnp.float32),
        pltpu.SemaphoreType.DMA,
        pltpu.SemaphoreType.DMA,
        pltpu.SemaphoreType.DMA,
        pltpu.SemaphoreType.DMA,
        pltpu.SemaphoreType.DMA,
    ],
)
def _scat_kernel(rowp, colp, hp, out0, out1, row_v, col_v, g0, g1, acc_sh,
                 zsem, gs0, gs1, ss0, ss1):
    c = lax.axis_index("c")
    s = lax.axis_index("s")
    HB = EBT // 2
    nch = jnp.where(s < 15, SL // CH, SL_LAST // CH)

    @pl.loop(0, CH)
    def _zero(r):
        for k in range(D // 16):
            g0[r, pl.ds(k * 16, 16)] = jnp.zeros((16,), jnp.float32)

    for k in range(SL // CH):
        pltpu.async_copy(g0.at[pl.ds(0, CH), :],
                         acc_sh.at[pl.ds(s * SL + k * CH, CH), :], zsem)
    for k in range(SL // CH):
        pltpu.make_async_copy(g0.at[pl.ds(0, CH), :],
                              acc_sh.at[pl.ds(s * SL + k * CH, CH), :], zsem).wait()
    plsc.subcore_barrier()

    for h in range(2):
        pltpu.sync_copy(rowp.at[pl.ds((c * 16 + s) * EBT + h * HB, HB), :], row_v)
        pltpu.sync_copy(colp.at[pl.ds((c * 16 + s) * EBT + h * HB, HB), :], col_v)

        def _issue_gathers(j, gbuf, slo, shi):
            pltpu.async_copy(hp.at[row_v.at[j, pl.ds(0, 64)]],
                             gbuf.at[pl.ds(0, 64), :], slo)
            pltpu.async_copy(hp.at[row_v.at[j, pl.ds(64, 64)]],
                             gbuf.at[pl.ds(64, 64), :], shi)

        def _wait_gathers(j, gbuf, slo, shi):
            pltpu.make_async_copy(hp.at[row_v.at[j, pl.ds(0, 64)]],
                                  gbuf.at[pl.ds(0, 64), :], slo).wait()
            pltpu.make_async_copy(hp.at[row_v.at[j, pl.ds(64, 64)]],
                                  gbuf.at[pl.ds(64, 64), :], shi).wait()

        _issue_gathers(0, g0, gs0, ss0)
        _issue_gathers(1, g1, gs1, ss1)

        @pl.loop(0, HB // 2 - 1)
        def _edges(i):
            j = 2 * i
            _wait_gathers(j, g0, gs0, ss0)
            pltpu.sync_copy(g0, acc_sh.at[col_v.at[j]], add=True)
            _issue_gathers(j + 2, g0, gs0, ss0)
            _wait_gathers(j + 1, g1, gs1, ss1)
            pltpu.sync_copy(g1, acc_sh.at[col_v.at[j + 1]], add=True)
            _issue_gathers(j + 3, g1, gs1, ss1)

        _wait_gathers(HB - 2, g0, gs0, ss0)
        pltpu.sync_copy(g0, acc_sh.at[col_v.at[HB - 2]], add=True)
        _wait_gathers(HB - 1, g1, gs1, ss1)
        pltpu.sync_copy(g1, acc_sh.at[col_v.at[HB - 1]], add=True)

    plsc.subcore_barrier()

    @pl.loop(0, nch)
    def _wb(k):
        pltpu.sync_copy(acc_sh.at[pl.ds(s * SL + k * CH, CH), :],
                        g0.at[pl.ds(0, CH), :])

        @pl.when(c == 0)
        def _():
            pltpu.sync_copy(g0.at[pl.ds(0, CH), :],
                            out0.at[pl.ds(s * SL + k * CH, CH), :])

        @pl.when(c == 1)
        def _():
            pltpu.sync_copy(g0.at[pl.ds(0, CH), :],
                            out1.at[pl.ds(s * SL + k * CH, CH), :])


def _mm_scale_body(x_ref, w_ref, dcol_ref, o_ref):
    dis = lax.rsqrt(dcol_ref[...])
    o_ref[...] = dis * jnp.dot(x_ref[...], w_ref[...],
                               preferred_element_type=jnp.float32)


_mm_scale = pl.pallas_call(
    _mm_scale_body,
    out_shape=jax.ShapeDtypeStruct((N, D), jnp.float32),
)


def _mid_body(hp_ref, p0_ref, p1_ref, dcol_ref, b_ref, w_ref, o_ref):
    dis = lax.rsqrt(dcol_ref[...])
    t = jnp.maximum(dis * (hp_ref[...] + p0_ref[...] + p1_ref[...]) + b_ref[...],
                    0.0)
    o_ref[...] = dis * jnp.dot(t, w_ref[...], preferred_element_type=jnp.float32)


_mid = pl.pallas_call(
    _mid_body,
    out_shape=jax.ShapeDtypeStruct((N, D), jnp.float32),
)


def _fin_body(hp_ref, p0_ref, p1_ref, dcol_ref, b_ref, o_ref):
    dis = lax.rsqrt(dcol_ref[...])
    o_ref[...] = jnp.maximum(
        dis * (hp_ref[...] + p0_ref[...] + p1_ref[...]) + b_ref[...], 0.0)


_fin = pl.pallas_call(
    _fin_body,
    out_shape=jax.ShapeDtypeStruct((N, D), jnp.float32),
)


def kernel(x, homo_edge_index, W1, b1, W2, b2):
    row = homo_edge_index[0].astype(jnp.int32)
    col = homo_edge_index[1].astype(jnp.int32)
    pad = EP - E
    lane16 = jnp.arange(E, dtype=jnp.int32) % 16
    colm = jnp.where(row == col, TRASH + lane16, col)
    pad_rows = (jnp.arange(pad, dtype=jnp.int32) * 37) % N
    pad_cols = TRASH + (jnp.arange(pad, dtype=jnp.int32) % 16)
    rowp = jnp.concatenate([row, pad_rows]).reshape(EB, 128)
    colp = jnp.concatenate([colm, pad_cols]).reshape(EB, 128)

    dg0, dg1 = _deg_kernel(colp)
    dcol = (1.0 + dg0 + dg1).reshape(N, 1)

    hp1 = _mm_scale(x, W1, dcol)
    p0, p1 = _scat_kernel(rowp, colp, hp1)
    hp2 = _mid(hp1, p0, p1, dcol, b1.reshape(1, D), W2)
    q0, q1 = _scat_kernel(rowp, colp, hp2)
    out = _fin(hp2, q0, q1, dcol, b2.reshape(1, D))
    return out

# --- scband reference (transcript-rebuilt; emitter-appended) ---
"""Pipeline reference for scband-homo-graph-54812372631568 (READ-ONLY COPY).

The authoritative reference and input builder live on the scoring server;
editing this copy changes nothing except your own understanding.
"""

import jax, jax.numpy as jnp
import numpy as np

N_NODES = 10000
N_EDGES = 320000
D = 128


def _gcn_layer(x, W, b, row, col):
    # x = x @ W
    x = jnp.matmul(x, W)
    N = x.shape[0]
    E = row.shape[0]
    # edge_weight = ones; add_remaining_self_loops: drop existing self-loops,
    # append self-loops for all nodes with fill_value = 1 (improved=False)
    ew = jnp.ones((E,), dtype=x.dtype)
    ew = ew * (row != col).astype(x.dtype)
    loop = jnp.arange(N, dtype=row.dtype)
    row2 = jnp.concatenate([row, loop])
    col2 = jnp.concatenate([col, loop])
    ew2 = jnp.concatenate([ew, jnp.ones((N,), dtype=x.dtype)])
    # deg = scatter_add(edge_weight, col)
    deg = jax.ops.segment_sum(ew2, col2, num_segments=N)
    deg_inv_sqrt = jnp.where(deg > 0, deg ** -0.5, 0.0)
    norm = deg_inv_sqrt[row2] * ew2 * deg_inv_sqrt[col2]
    # message: norm * x_j ; aggregate: scatter-add at col
    msg = norm[:, None] * jnp.take(x, row2, axis=0)
    out = jax.ops.segment_sum(msg, col2, num_segments=N)
    # update: + bias
    return out + b


def setup_inputs(seed: int = 0) -> dict:
    key = jax.random.key(seed)
    k1, k2, k3, k4 = jax.random.split(key, 4)
    x = jax.random.normal(k1, (N_NODES, D), dtype=jnp.float32)
    edge_index = jax.random.randint(k2, (2, N_EDGES), 0, N_NODES, dtype=jnp.int64 if jax.config.read('jax_enable_x64') else jnp.int32)
    stdv = np.sqrt(6.0 / (D + D))
    W1 = jax.random.uniform(k3, (D, D), dtype=jnp.float32, minval=-stdv, maxval=stdv)
    W2 = jax.random.uniform(k4, (D, D), dtype=jnp.float32, minval=-stdv, maxval=stdv)
    b1 = jnp.zeros((D,), dtype=jnp.float32)
    b2 = jnp.zeros((D,), dtype=jnp.float32)
    return {"x": x, "homo_edge_index": edge_index, "W1": W1, "b1": b1, "W2": W2, "b2": b2}


def reference(x, homo_edge_index, W1, b1, W2, b2):
    row = homo_edge_index[0]
    col = homo_edge_index[1]
    # layer 1 (conv_list[:-1]) + relu
    h = _gcn_layer(x, W1, b1, row, col)
    h = jax.nn.relu(h)
    # layer 2 (conv_list[-1]) + relu
    h = _gcn_layer(h, W2, b2, row, col)
    h = jax.nn.relu(h)
    return h

if __name__ == "__main__":
    import jax
    _d = setup_inputs()
    print(jax.jit(kernel)(*tuple(_d.values())))

</pallas_src>

<mosaic_0001>
#map = affine_map<(d0, d1) -> (0, 0)>
module attributes {stable_mosaic.version = 14 : i64} {
  func.func @_scat_kernel(%arg0: i32, %arg1: i32, %arg2: memref<2560x128xi32, #tpu.memory_space<hbm>>, %arg3: memref<2560x128xi32, #tpu.memory_space<hbm>>, %arg4: memref<10000x128xf32, #tpu.memory_space<hbm>>, %arg5: memref<10000x128xf32, #tpu.memory_space<hbm>>, %arg6: memref<10000x128xf32, #tpu.memory_space<hbm>>, %arg7: memref<40x128xi32, #tpu.memory_space<vmem>>, %arg8: memref<40x128xi32, #tpu.memory_space<vmem>>, %arg9: memref<128x128xf32, #tpu.memory_space<vmem>>, %arg10: memref<128x128xf32, #tpu.memory_space<vmem>>, %arg11: memref<10240x128xf32, #tpu.memory_space<vmem_shared>>, %arg12: memref<!tpu.dma_semaphore, #tpu.memory_space<semaphore_mem>>, %arg13: memref<!tpu.dma_semaphore, #tpu.memory_space<semaphore_mem>>, %arg14: memref<!tpu.dma_semaphore, #tpu.memory_space<semaphore_mem>>, %arg15: memref<!tpu.dma_semaphore, #tpu.memory_space<semaphore_mem>>, %arg16: memref<!tpu.dma_semaphore, #tpu.memory_space<semaphore_mem>>) attributes {dimension_semantics = [#tpu.dimension_semantics<core_parallel>, #tpu.dimension_semantics<subcore_parallel>], iteration_bounds = array<i64: 2, 16>, scalar_prefetch = 0 : i64, scratch_operands = 10 : i64, tpu.core_type = #tpu.core_type<sc_vector_subcore>, window_params = [{transform_indices = #map}, {transform_indices = #map}, {transform_indices = #map}, {transform_indices = #map}, {transform_indices = #map}]} {
    %lt3A = arith.constant 15 : i32
    %lt3A_0 = arith.cmpi slt, %arg1, %lt3A : i32
    %jit3A = arith.constant 8 : i32
    %jit3A_1 = arith.constant 5 : i32
    %select_n3A = arith.select %lt3A_0, %jit3A, %jit3A_1 : i32
    %scan3A = arith.constant 0 : i32
    %scan3A_2 = arith.constant 80 : i32
    %scan3A_3 = arith.addi %scan3A, %scan3A_2 : i32
    %scan3A_4 = arith.constant 1 : i32
    scf.for %scan3A_444 = %scan3A to %scan3A_3 step %scan3A_4  : i32 {
      %mul3A_445 = arith.constant 1 : i32
      %mul3A_446 = arith.muli %scan3A_444, %mul3A_445 : i32
      %add3A_447 = arith.constant 0 : i32
      %add3A_448 = arith.addi %add3A_447, %mul3A_446 : i32
      %broadcast_in_dim3A = arith.constant 0.000000e+00 : f32
      %broadcast_in_dim3A_449 = vector.broadcast %broadcast_in_dim3A : f32 to vector<16xf32>
      %swap3A = arith.index_cast %add3A_448 : i32 to index
      %swap3A_450 = arith.constant 0 : index
      %swap3A_451 = tpu.vector_load %arg9[%swap3A, %swap3A_450] {strides = array<i32>} : memref<128x128xf32, #tpu.memory_space<vmem>>, vector<1x16xf32>,
      %swap3A_452 = vector.shape_cast %swap3A_451 : vector<1x16xf32> to vector<16xf32>
      %swap3A_453 = vector.shape_cast %broadcast_in_dim3A_449 : vector<16xf32> to vector<1x16xf32>
      tpu.vector_store %arg9[%swap3A, %swap3A_450], %swap3A_453 {strides = array<i32>} : memref<128x128xf32, #tpu.memory_space<vmem>>, vector<1x16xf32>,
      %broadcast_in_dim3A_454 = arith.constant 0.000000e+00 : f32
      %broadcast_in_dim3A_455 = vector.broadcast %broadcast_in_dim3A_454 : f32 to vector<16xf32>
      %swap3A_456 = arith.index_cast %add3A_448 : i32 to index
      %swap3A_457 = arith.constant 16 : index
      %swap3A_458 = tpu.vector_load %arg9[%swap3A_456, %swap3A_457] {strides = array<i32>} : memref<128x128xf32, #tpu.memory_space<vmem>>, vector<1x16xf32>,
      %swap3A_459 = vector.shape_cast %swap3A_458 : vector<1x16xf32> to vector<16xf32>
      %swap3A_460 = vector.shape_cast %broadcast_in_dim3A_455 : vector<16xf32> to vector<1x16xf32>
      tpu.vector_store %arg9[%swap3A_456, %swap3A_457], %swap3A_460 {strides = array<i32>} : memref<128x128xf32, #tpu.memory_space<vmem>>, vector<1x16xf32>,
      %broadcast_in_dim3A_461 = arith.constant 0.000000e+00 : f32
      %broadcast_in_dim3A_462 = vector.broadcast %broadcast_in_dim3A_461 : f32 to vector<16xf32>
      %swap3A_463 = arith.index_cast %add3A_448 : i32 to index
      %swap3A_464 = arith.constant 32 : index
      %swap3A_465 = tpu.vector_load %arg9[%swap3A_463, %swap3A_464] {strides = array<i32>} : memref<128x128xf32, #tpu.memory_space<vmem>>, vector<1x16xf32>,
      %swap3A_466 = vector.shape_cast %swap3A_465 : vector<1x16xf32> to vector<16xf32>
      %swap3A_467 = vector.shape_cast %broadcast_in_dim3A_462 : vector<16xf32> to vector<1x16xf32>
      tpu.vector_store %arg9[%swap3A_463, %swap3A_464], %swap3A_467 {strides = array<i32>} : memref<128x128xf32, #tpu.memory_space<vmem>>, vector<1x16xf32>,
      %broadcast_in_dim3A_468 = arith.constant 0.000000e+00 : f32
      %broadcast_in_dim3A_469 = vector.broadcast %broadcast_in_dim3A_468 : f32 to vector<16xf32>
      %swap3A_470 = arith.index_cast %add3A_448 : i32 to index
      %swap3A_471 = arith.constant 48 : index
      %swap3A_472 = tpu.vector_load %arg9[%swap3A_470, %swap3A_471] {strides = array<i32>} : memref<128x128xf32, #tpu.memory_space<vmem>>, vector<1x16xf32>,
      %swap3A_473 = vector.shape_cast %swap3A_472 : vector<1x16xf32> to vector<16xf32>
      %swap3A_474 = vector.shape_cast %broadcast_in_dim3A_469 : vector<16xf32> to vector<1x16xf32>
      tpu.vector_store %arg9[%swap3A_470, %swap3A_471], %swap3A_474 {strides = array<i32>} : memref<128x128xf32, #tpu.memory_space<vmem>>, vector<1x16xf32>,
      %broadcast_in_dim3A_475 = arith.constant 0.000000e+00 : f32
      %broadcast_in_dim3A_476 = vector.broadcast %broadcast_in_dim3A_475 : f32 to vector<16xf32>
      %swap3A_477 = arith.index_cast %add3A_448 : i32 to index
      %swap3A_478 = arith.constant 64 : index
      %swap3A_479 = tpu.vector_load %arg9[%swap3A_477, %swap3A_478] {strides = array<i32>} : memref<128x128xf32, #tpu.memory_space<vmem>>, vector<1x16xf32>,
      %swap3A_480 = vector.shape_cast %swap3A_479 : vector<1x16xf32> to vector<16xf32>
      %swap3A_481 = vector.shape_cast %broadcast_in_dim3A_476 : vector<16xf32> to vector<1x16xf32>
      tpu.vector_store %arg9[%swap3A_477, %swap3A_478], %swap3A_481 {strides = array<i32>} : memref<128x128xf32, #tpu.memory_space<vmem>>, vector<1x16xf32>,
      %broadcast_in_dim3A_482 = arith.constant 0.000000e+00 : f32
      %broadcast_in_dim3A_483 = vector.broadcast %broadcast_in_dim3A_482 : f32 to vector<16xf32>
      %swap3A_484 = arith.index_cast %add3A_448 : i32 to index
      %swap3A_485 = arith.constant 80 : index
      %swap3A_486 = tpu.vector_load %arg9[%swap3A_484, %swap3A_485] {strides = array<i32>} : memref<128x128xf32, #tpu.memory_space<vmem>>, vector<1x16xf32>,
      %swap3A_487 = vector.shape_cast %swap3A_486 : vector<1x16xf32> to vector<16xf32>
      %swap3A_488 = vector.shape_cast %broadcast_in_dim3A_483 : vector<16xf32> to vector<1x16xf32>
      tpu.vector_store %arg9[%swap3A_484, %swap3A_485], %swap3A_488 {strides = array<i32>} : memref<128x128xf32, #tpu.memory_space<vmem>>, vector<1x16xf32>,
      %broadcast_in_dim3A_489 = arith.constant 0.000000e+00 : f32
      %broadcast_in_dim3A_490 = vector.broadcast %broadcast_in_dim3A_489 : f32 to vector<16xf32>
      %swap3A_491 = arith.index_cast %add3A_448 : i32 to index
      %swap3A_492 = arith.constant 96 : index
      %swap3A_493 = tpu.vector_load %arg9[%swap3A_491, %swap3A_492] {strides = array<i32>} : memref<128x128xf32, #tpu.memory_space<vmem>>, vector<1x16xf32>,
      %swap3A_494 = vector.shape_cast %swap3A_493 : vector<1x16xf32> to vector<16xf32>
      %swap3A_495 = vector.shape_cast %broadcast_in_dim3A_490 : vector<16xf32> to vector<1x16xf32>
      tpu.vector_store %arg9[%swap3A_491, %swap3A_492], %swap3A_495 {strides = array<i32>} : memref<128x128xf32, #tpu.memory_space<vmem>>, vector<1x16xf32>,
      %broadcast_in_dim3A_496 = arith.constant 0.000000e+00 : f32
      %broadcast_in_dim3A_497 = vector.broadcast %broadcast_in_dim3A_496 : f32 to vector<16xf32>
      %swap3A_498 = arith.index_cast %add3A_448 : i32 to index
      %swap3A_499 = arith.constant 112 : index
      %swap3A_500 = tpu.vector_load %arg9[%swap3A_498, %swap3A_499] {strides = array<i32>} : memref<128x128xf32, #tpu.memory_space<vmem>>, vector<1x16xf32>,
      %swap3A_501 = vector.shape_cast %swap3A_500 : vector<1x16xf32> to vector<16xf32>
      %swap3A_502 = vector.shape_cast %broadcast_in_dim3A_497 : vector<16xf32> to vector<1x16xf32>
      tpu.vector_store %arg9[%swap3A_498, %swap3A_499], %swap3A_502 {strides = array<i32>} : memref<128x128xf32, #tpu.memory_space<vmem>>, vector<1x16xf32>,
    }
    %scan3A_5 = arith.constant 80 : i32
    %mul3A = arith.constant 640 : i32
    %mul3A_6 = arith.muli %arg1, %mul3A : i32
    %add3A = arith.constant 0 : i32
    %add3A_7 = arith.addi %mul3A_6, %add3A : i32
    %dma_start3A = arith.constant 0 : i32
    %dma_start3A_8 = arith.constant 0 : i32
    %dma_start3A_9 = tpu.memref_slice %arg9[%dma_start3A, %dma_start3A_8] : memref<128x128xf32, #tpu.memory_space<vmem>> -> memref<80x128xf32, #tpu.memory_space<vmem>>
    %dma_start3A_10 = arith.constant 0 : i32
    %dma_start3A_11 = tpu.memref_slice %arg11[%add3A_7, %dma_start3A_10] : memref<10240x128xf32, #tpu.memory_space<vmem_shared>> -> memref<80x128xf32, #tpu.memory_space<vmem_shared>>
    %dma_start3A_12 = arith.constant 0 : i32
    %dma_start3A_13 = tpu.memref_slice %arg11[%add3A_7, %dma_start3A_12] : memref<10240x128xf32, #tpu.memory_space<vmem_shared>> -> memref<80x128xf32, #tpu.memory_space<vmem_shared>>
    %dma_start3A_14 = arith.constant 0 : i32
    %dma_start3A_15 = arith.constant 0 : i32
    %dma_start3A_16 = tpu.memref_slice %arg9[%dma_start3A_14, %dma_start3A_15] : memref<128x128xf32, #tpu.memory_space<vmem>> -> memref<80x128xf32, #tpu.memory_space<vmem>>
    tpu.enqueue_dma source(%dma_start3A_16 : memref<80x128xf32, #tpu.memory_space<vmem>>) target(%dma_start3A_13 : memref<80x128xf32, #tpu.memory_space<vmem_shared>>) target_semaphore(%arg12 : memref<!tpu.dma_semaphore, #tpu.memory_space<semaphore_mem>>)
    %mul3A_17 = arith.constant 640 : i32
    %mul3A_18 = arith.muli %arg1, %mul3A_17 : i32
    %add3A_19 = arith.constant 80 : i32
    %add3A_20 = arith.addi %mul3A_18, %add3A_19 : i32
    %dma_start3A_21 = arith.constant 0 : i32
    %dma_start3A_22 = arith.constant 0 : i32
    %dma_start3A_23 = tpu.memref_slice %arg9[%dma_start3A_21, %dma_start3A_22] : memref<128x128xf32, #tpu.memory_space<vmem>> -> memref<80x128xf32, #tpu.memory_space<vmem>>
    %dma_start3A_24 = arith.constant 0 : i32
    %dma_start3A_25 = tpu.memref_slice %arg11[%add3A_20, %dma_start3A_24] : memref<10240x128xf32, #tpu.memory_space<vmem_shared>> -> memref<80x128xf32, #tpu.memory_space<vmem_shared>>
    %dma_start3A_26 = arith.constant 0 : i32
    %dma_start3A_27 = tpu.memref_slice %arg11[%add3A_20, %dma_start3A_26] : memref<10240x128xf32, #tpu.memory_space<vmem_shared>> -> memref<80x128xf32, #tpu.memory_space<vmem_shared>>
    %dma_start3A_28 = arith.constant 0 : i32
    %dma_start3A_29 = arith.constant 0 : i32
    %dma_start3A_30 = tpu.memref_slice %arg9[%dma_start3A_28, %dma_start3A_29] : memref<128x128xf32, #tpu.memory_space<vmem>> -> memref<80x128xf32, #tpu.memory_space<vmem>>
    tpu.enqueue_dma source(%dma_start3A_30 : memref<80x128xf32, #tpu.memory_space<vmem>>) target(%dma_start3A_27 : memref<80x128xf32, #tpu.memory_space<vmem_shared>>) target_semaphore(%arg12 : memref<!tpu.dma_semaphore, #tpu.memory_space<semaphore_mem>>)
    %mul3A_31 = arith.constant 640 : i32
    %mul3A_32 = arith.muli %arg1, %mul3A_31 : i32
    %add3A_33 = arith.constant 160 : i32
    %add3A_34 = arith.addi %mul3A_32, %add3A_33 : i32
    %dma_start3A_35 = arith.constant 0 : i32
    %dma_start3A_36 = arith.constant 0 : i32
    %dma_start3A_37 = tpu.memref_slice %arg9[%dma_start3A_35, %dma_start3A_36] : memref<128x128xf32, #tpu.memory_space<vmem>> -> memref<80x128xf32, #tpu.memory_space<vmem>>
    %dma_start3A_38 = arith.constant 0 : i32
    %dma_start3A_39 = tpu.memref_slice %arg11[%add3A_34, %dma_start3A_38] : memref<10240x128xf32, #tpu.memory_space<vmem_shared>> -> memref<80x128xf32, #tpu.memory_space<vmem_shared>>
    %dma_start3A_40 = arith.constant 0 : i32
    %dma_start3A_41 = tpu.memref_slice %arg11[%add3A_34, %dma_start3A_40] : memref<10240x128xf32, #tpu.memory_space<vmem_shared>> -> memref<80x128xf32, #tpu.memory_space<vmem_shared>>
    %dma_start3A_42 = arith.constant 0 : i32
    %dma_start3A_43 = arith.constant 0 : i32
    %dma_start3A_44 = tpu.memref_slice %arg9[%dma_start3A_42, %dma_start3A_43] : memref<128x128xf32, #tpu.memory_space<vmem>> -> memref<80x128xf32, #tpu.memory_space<vmem>>
    tpu.enqueue_dma source(%dma_start3A_44 : memref<80x128xf32, #tpu.memory_space<vmem>>) target(%dma_start3A_41 : memref<80x128xf32, #tpu.memory_space<vmem_shared>>) target_semaphore(%arg12 : memref<!tpu.dma_semaphore, #tpu.memory_space<semaphore_mem>>)
    %mul3A_45 = arith.constant 640 : i32
    %mul3A_46 = arith.muli %arg1, %mul3A_45 : i32
    %add3A_47 = arith.constant 240 : i32
    %add3A_48 = arith.addi %mul3A_46, %add3A_47 : i32
    %dma_start3A_49 = arith.constant 0 : i32
    %dma_start3A_50 = arith.constant 0 : i32
    %dma_start3A_51 = tpu.memref_slice %arg9[%dma_start3A_49, %dma_start3A_50] : memref<128x128xf32, #tpu.memory_space<vmem>> -> memref<80x128xf32, #tpu.memory_space<vmem>>
    %dma_start3A_52 = arith.constant 0 : i32
    %dma_start3A_53 = tpu.memref_slice %arg11[%add3A_48, %dma_start3A_52] : memref<10240x128xf32, #tpu.memory_space<vmem_shared>> -> memref<80x128xf32, #tpu.memory_space<vmem_shared>>
    %dma_start3A_54 = arith.constant 0 : i32
    %dma_start3A_55 = tpu.memref_slice %arg11[%add3A_48, %dma_start3A_54] : memref<10240x128xf32, #tpu.memory_space<vmem_shared>> -> memref<80x128xf32, #tpu.memory_space<vmem_shared>>
    %dma_start3A_56 = arith.constant 0 : i32
    %dma_start3A_57 = arith.constant 0 : i32
    %dma_start3A_58 = tpu.memref_slice %arg9[%dma_start3A_56, %dma_start3A_57] : memref<128x128xf32, #tpu.memory_space<vmem>> -> memref<80x128xf32, #tpu.memory_space<vmem>>
    tpu.enqueue_dma source(%dma_start3A_58 : memref<80x128xf32, #tpu.memory_space<vmem>>) target(%dma_start3A_55 : memref<80x128xf32, #tpu.memory_space<vmem_shared>>) target_semaphore(%arg12 : memref<!tpu.dma_semaphore, #tpu.memory_space<semaphore_mem>>)
    %mul3A_59 = arith.constant 640 : i32
    %mul3A_60 = arith.muli %arg1, %mul3A_59 : i32
    %add3A_61 = arith.constant 320 : i32
    %add3A_62 = arith.addi %mul3A_60, %add3A_61 : i32
    %dma_start3A_63 = arith.constant 0 : i32
    %dma_start3A_64 = arith.constant 0 : i32
    %dma_start3A_65 = tpu.memref_slice %arg9[%dma_start3A_63, %dma_start3A_64] : memref<128x128xf32, #tpu.memory_space<vmem>> -> memref<80x128xf32, #tpu.memory_space<vmem>>
    %dma_start3A_66 = arith.constant 0 : i32
    %dma_start3A_67 = tpu.memref_slice %arg11[%add3A_62, %dma_start3A_66] : memref<10240x128xf32, #tpu.memory_space<vmem_shared>> -> memref<80x128xf32, #tpu.memory_space<vmem_shared>>
    %dma_start3A_68 = arith.constant 0 : i32
    %dma_start3A_69 = tpu.memref_slice %arg11[%add3A_62, %dma_start3A_68] : memref<10240x128xf32, #tpu.memory_space<vmem_shared>> -> memref<80x128xf32, #tpu.memory_space<vmem_shared>>
    %dma_start3A_70 = arith.constant 0 : i32
    %dma_start3A_71 = arith.constant 0 : i32
    %dma_start3A_72 = tpu.memref_slice %arg9[%dma_start3A_70, %dma_start3A_71] : memref<128x128xf32, #tpu.memory_space<vmem>> -> memref<80x128xf32, #tpu.memory_space<vmem>>
    tpu.enqueue_dma source(%dma_start3A_72 : memref<80x128xf32, #tpu.memory_space<vmem>>) target(%dma_start3A_69 : memref<80x128xf32, #tpu.memory_space<vmem_shared>>) target_semaphore(%arg12 : memref<!tpu.dma_semaphore, #tpu.memory_space<semaphore_mem>>)
    %mul3A_73 = arith.constant 640 : i32
    %mul3A_74 = arith.muli %arg1, %mul3A_73 : i32
    %add3A_75 = arith.constant 400 : i32
    %add3A_76 = arith.addi %mul3A_74, %add3A_75 : i32
    %dma_start3A_77 = arith.constant 0 : i32
    %dma_start3A_78 = arith.constant 0 : i32
    %dma_start3A_79 = tpu.memref_slice %arg9[%dma_start3A_77, %dma_start3A_78] : memref<128x128xf32, #tpu.memory_space<vmem>> -> memref<80x128xf32, #tpu.memory_space<vmem>>
    %dma_start3A_80 = arith.constant 0 : i32
    %dma_start3A_81 = tpu.memref_slice %arg11[%add3A_76, %dma_start3A_80] : memref<10240x128xf32, #tpu.memory_space<vmem_shared>> -> memref<80x128xf32, #tpu.memory_space<vmem_shared>>
    %dma_start3A_82 = arith.constant 0 : i32
    %dma_start3A_83 = tpu.memref_slice %arg11[%add3A_76, %dma_start3A_82] : memref<10240x128xf32, #tpu.memory_space<vmem_shared>> -> memref<80x128xf32, #tpu.memory_space<vmem_shared>>
    %dma_start3A_84 = arith.constant 0 : i32
    %dma_start3A_85 = arith.constant 0 : i32
    %dma_start3A_86 = tpu.memref_slice %arg9[%dma_start3A_84, %dma_start3A_85] : memref<128x128xf32, #tpu.memory_space<vmem>> -> memref<80x128xf32, #tpu.memory_space<vmem>>
    tpu.enqueue_dma source(%dma_start3A_86 : memref<80x128xf32, #tpu.memory_space<vmem>>) target(%dma_start3A_83 : memref<80x128xf32, #tpu.memory_space<vmem_shared>>) target_semaphore(%arg12 : memref<!tpu.dma_semaphore, #tpu.memory_space<semaphore_mem>>)
    %mul3A_87 = arith.constant 640 : i32
    %mul3A_88 = arith.muli %arg1, %mul3A_87 : i32
    %add3A_89 = arith.constant 480 : i32
    %add3A_90 = arith.addi %mul3A_88, %add3A_89 : i32
    %dma_start3A_91 = arith.constant 0 : i32
    %dma_start3A_92 = arith.constant 0 : i32
    %dma_start3A_93 = tpu.memref_slice %arg9[%dma_start3A_91, %dma_start3A_92] : memref<128x128xf32, #tpu.memory_space<vmem>> -> memref<80x128xf32, #tpu.memory_space<vmem>>
    %dma_start3A_94 = arith.constant 0 : i32
    %dma_start3A_95 = tpu.memref_slice %arg11[%add3A_90, %dma_start3A_94] : memref<10240x128xf32, #tpu.memory_space<vmem_shared>> -> memref<80x128xf32, #tpu.memory_space<vmem_shared>>
    %dma_start3A_96 = arith.constant 0 : i32
    %dma_start3A_97 = tpu.memref_slice %arg11[%add3A_90, %dma_start3A_96] : memref<10240x128xf32, #tpu.memory_space<vmem_shared>> -> memref<80x128xf32, #tpu.memory_space<vmem_shared>>
    %dma_start3A_98 = arith.constant 0 : i32
    %dma_start3A_99 = arith.constant 0 : i32
    %dma_start3A_100 = tpu.memref_slice %arg9[%dma_start3A_98, %dma_start3A_99] : memref<128x128xf32, #tpu.memory_space<vmem>> -> memref<80x128xf32, #tpu.memory_space<vmem>>
    tpu.enqueue_dma source(%dma_start3A_100 : memref<80x128xf32, #tpu.memory_space<vmem>>) target(%dma_start3A_97 : memref<80x128xf32, #tpu.memory_space<vmem_shared>>) target_semaphore(%arg12 : memref<!tpu.dma_semaphore, #tpu.memory_space<semaphore_mem>>)
    %mul3A_101 = arith.constant 640 : i32
    %mul3A_102 = arith.muli %arg1, %mul3A_101 : i32
    %add3A_103 = arith.constant 560 : i32
    %add3A_104 = arith.addi %mul3A_102, %add3A_103 : i32
    %dma_start3A_105 = arith.constant 0 : i32
    %dma_start3A_106 = arith.constant 0 : i32
    %dma_start3A_107 = tpu.memref_slice %arg9[%dma_start3A_105, %dma_start3A_106] : memref<128x128xf32, #tpu.memory_space<vmem>> -> memref<80x128xf32, #tpu.memory_space<vmem>>
    %dma_start3A_108 = arith.constant 0 : i32
    %dma_start3A_109 = tpu.memref_slice %arg11[%add3A_104, %dma_start3A_108] : memref<10240x128xf32, #tpu.memory_space<vmem_shared>> -> memref<80x128xf32, #tpu.memory_space<vmem_shared>>
    %dma_start3A_110 = arith.constant 0 : i32
    %dma_start3A_111 = tpu.memref_slice %arg11[%add3A_104, %dma_start3A_110] : memref<10240x128xf32, #tpu.memory_space<vmem_shared>> -> memref<80x128xf32, #tpu.memory_space<vmem_shared>>
    %dma_start3A_112 = arith.constant 0 : i32
    %dma_start3A_113 = arith.constant 0 : i32
    %dma_start3A_114 = tpu.memref_slice %arg9[%dma_start3A_112, %dma_start3A_113] : memref<128x128xf32, #tpu.memory_space<vmem>> -> memref<80x128xf32, #tpu.memory_space<vmem>>
    tpu.enqueue_dma source(%dma_start3A_114 : memref<80x128xf32, #tpu.memory_space<vmem>>) target(%dma_start3A_111 : memref<80x128xf32, #tpu.memory_space<vmem_shared>>) target_semaphore(%arg12 : memref<!tpu.dma_semaphore, #tpu.memory_space<semaphore_mem>>)
    %mul3A_115 = arith.constant 640 : i32
    %mul3A_116 = arith.muli %arg1, %mul3A_115 : i32
    %add3A_117 = arith.constant 0 : i32
    %add3A_118 = arith.addi %mul3A_116, %add3A_117 : i32
    %dma_wait3A = arith.constant 0 : i32
    %dma_wait3A_119 = arith.constant 0 : i32
    %dma_wait3A_120 = tpu.memref_slice %arg9[%dma_wait3A, %dma_wait3A_119] : memref<128x128xf32, #tpu.memory_space<vmem>> -> memref<80x128xf32, #tpu.memory_space<vmem>>
    %dma_wait3A_121 = arith.constant 0 : i32
    %dma_wait3A_122 = tpu.memref_slice %arg11[%add3A_118, %dma_wait3A_121] : memref<10240x128xf32, #tpu.memory_space<vmem_shared>> -> memref<80x128xf32, #tpu.memory_space<vmem_shared>>
    %dma_wait3A_123 = arith.constant 0 : i32
    %dma_wait3A_124 = tpu.memref_slice %arg11[%add3A_118, %dma_wait3A_123] : memref<10240x128xf32, #tpu.memory_space<vmem_shared>> -> memref<80x128xf32, #tpu.memory_space<vmem_shared>>
    %dma_wait3A_125 = arith.constant 0 : i32
    %dma_wait3A_126 = arith.constant 0 : i32
    %dma_wait3A_127 = tpu.memref_slice %arg9[%dma_wait3A_125, %dma_wait3A_126] : memref<128x128xf32, #tpu.memory_space<vmem>> -> memref<80x128xf32, #tpu.memory_space<vmem>>
    tpu.wait_dma2 semaphore(%arg12 : memref<!tpu.dma_semaphore, #tpu.memory_space<semaphore_mem>>) src(%dma_wait3A_127 : memref<80x128xf32, #tpu.memory_space<vmem>>) dst(%dma_wait3A_124 : memref<80x128xf32, #tpu.memory_space<vmem_shared>>)
    %mul3A_128 = arith.constant 640 : i32
    %mul3A_129 = arith.muli %arg1, %mul3A_128 : i32
    %add3A_130 = arith.constant 80 : i32
    %add3A_131 = arith.addi %mul3A_129, %add3A_130 : i32
    %dma_wait3A_132 = arith.constant 0 : i32
    %dma_wait3A_133 = arith.constant 0 : i32
    %dma_wait3A_134 = tpu.memref_slice %arg9[%dma_wait3A_132, %dma_wait3A_133] : memref<128x128xf32, #tpu.memory_space<vmem>> -> memref<80x128xf32, #tpu.memory_space<vmem>>
    %dma_wait3A_135 = arith.constant 0 : i32
    %dma_wait3A_136 = tpu.memref_slice %arg11[%add3A_131, %dma_wait3A_135] : memref<10240x128xf32, #tpu.memory_space<vmem_shared>> -> memref<80x128xf32, #tpu.memory_space<vmem_shared>>
    %dma_wait3A_137 = arith.constant 0 : i32
    %dma_wait3A_138 = tpu.memref_slice %arg11[%add3A_131, %dma_wait3A_137] : memref<10240x128xf32, #tpu.memory_space<vmem_shared>> -> memref<80x128xf32, #tpu.memory_space<vmem_shared>>
    %dma_wait3A_139 = arith.constant 0 : i32
    %dma_wait3A_140 = arith.constant 0 : i32
    %dma_wait3A_141 = tpu.memref_slice %arg9[%dma_wait3A_139, %dma_wait3A_140] : memref<128x128xf32, #tpu.memory_space<vmem>> -> memref<80x128xf32, #tpu.memory_space<vmem>>
    tpu.wait_dma2 semaphore(%arg12 : memref<!tpu.dma_semaphore, #tpu.memory_space<semaphore_mem>>) src(%dma_wait3A_141 : memref<80x128xf32, #tpu.memory_space<vmem>>) dst(%dma_wait3A_138 : memref<80x128xf32, #tpu.memory_space<vmem_shared>>)
    %mul3A_142 = arith.constant 640 : i32
    %mul3A_143 = arith.muli %arg1, %mul3A_142 : i32
    %add3A_144 = arith.constant 160 : i32
    %add3A_145 = arith.addi %mul3A_143, %add3A_144 : i32
    %dma_wait3A_146 = arith.constant 0 : i32
    %dma_wait3A_147 = arith.constant 0 : i32
    %dma_wait3A_148 = tpu.memref_slice %arg9[%dma_wait3A_146, %dma_wait3A_147] : memref<128x128xf32, #tpu.memory_space<vmem>> -> memref<80x128xf32, #tpu.memory_space<vmem>>
    %dma_wait3A_149 = arith.constant 0 : i32
    %dma_wait3A_150 = tpu.memref_slice %arg11[%add3A_145, %dma_wait3A_149] : memref<10240x128xf32, #tpu.memory_space<vmem_shared>> -> memref<80x128xf32, #tpu.memory_space<vmem_shared>>
    %dma_wait3A_151 = arith.constant 0 : i32
    %dma_wait3A_152 = tpu.memref_slice %arg11[%add3A_145, %dma_wait3A_151] : memref<10240x128xf32, #tpu.memory_space<vmem_shared>> -> memref<80x128xf32, #tpu.memory_space<vmem_shared>>
    %dma_wait3A_153 = arith.constant 0 : i32
    %dma_wait3A_154 = arith.constant 0 : i32
    %dma_wait3A_155 = tpu.memref_slice %arg9[%dma_wait3A_153, %dma_wait3A_154] : memref<128x128xf32, #tpu.memory_space<vmem>> -> memref<80x128xf32, #tpu.memory_space<vmem>>
    tpu.wait_dma2 semaphore(%arg12 : memref<!tpu.dma_semaphore, #tpu.memory_space<semaphore_mem>>) src(%dma_wait3A_155 : memref<80x128xf32, #tpu.memory_space<vmem>>) dst(%dma_wait3A_152 : memref<80x128xf32, #tpu.memory_space<vmem_shared>>)
    %mul3A_156 = arith.constant 640 : i32
    %mul3A_157 = arith.muli %arg1, %mul3A_156 : i32
    %add3A_158 = arith.constant 240 : i32
    %add3A_159 = arith.addi %mul3A_157, %add3A_158 : i32
    %dma_wait3A_160 = arith.constant 0 : i32
    %dma_wait3A_161 = arith.constant 0 : i32
    %dma_wait3A_162 = tpu.memref_slice %arg9[%dma_wait3A_160, %dma_wait3A_161] : memref<128x128xf32, #tpu.memory_space<vmem>> -> memref<80x128xf32, #tpu.memory_space<vmem>>
    %dma_wait3A_163 = arith.constant 0 : i32
    %dma_wait3A_164 = tpu.memref_slice %arg11[%add3A_159, %dma_wait3A_163] : memref<10240x128xf32, #tpu.memory_space<vmem_shared>> -> memref<80x128xf32, #tpu.memory_space<vmem_shared>>
    %dma_wait3A_165 = arith.constant 0 : i32
    %dma_wait3A_166 = tpu.memref_slice %arg11[%add3A_159, %dma_wait3A_165] : memref<10240x128xf32, #tpu.memory_space<vmem_shared>> -> memref<80x128xf32, #tpu.memory_space<vmem_shared>>
    %dma_wait3A_167 = arith.constant 0 : i32
    %dma_wait3A_168 = arith.constant 0 : i32
    %dma_wait3A_169 = tpu.memref_slice %arg9[%dma_wait3A_167, %dma_wait3A_168] : memref<128x128xf32, #tpu.memory_space<vmem>> -> memref<80x128xf32, #tpu.memory_space<vmem>>
    tpu.wait_dma2 semaphore(%arg12 : memref<!tpu.dma_semaphore, #tpu.memory_space<semaphore_mem>>) src(%dma_wait3A_169 : memref<80x128xf32, #tpu.memory_space<vmem>>) dst(%dma_wait3A_166 : memref<80x128xf32, #tpu.memory_space<vmem_shared>>)
    %mul3A_170 = arith.constant 640 : i32
    %mul3A_171 = arith.muli %arg1, %mul3A_170 : i32
    %add3A_172 = arith.constant 320 : i32
    %add3A_173 = arith.addi %mul3A_171, %add3A_172 : i32
    %dma_wait3A_174 = arith.constant 0 : i32
    %dma_wait3A_175 = arith.constant 0 : i32
    %dma_wait3A_176 = tpu.memref_slice %arg9[%dma_wait3A_174, %dma_wait3A_175] : memref<128x128xf32, #tpu.memory_space<vmem>> -> memref<80x128xf32, #tpu.memory_space<vmem>>
    %dma_wait3A_177 = arith.constant 0 : i32
    %dma_wait3A_178 = tpu.memref_slice %arg11[%add3A_173, %dma_wait3A_177] : memref<10240x128xf32, #tpu.memory_space<vmem_shared>> -> memref<80x128xf32, #tpu.memory_space<vmem_shared>>
    %dma_wait3A_179 = arith.constant 0 : i32
    %dma_wait3A_180 = tpu.memref_slice %arg11[%add3A_173, %dma_wait3A_179] : memref<10240x128xf32, #tpu.memory_space<vmem_shared>> -> memref<80x128xf32, #tpu.memory_space<vmem_shared>>
    %dma_wait3A_181 = arith.constant 0 : i32
    %dma_wait3A_182 = arith.constant 0 : i32
    %dma_wait3A_183 = tpu.memref_slice %arg9[%dma_wait3A_181, %dma_wait3A_182] : memref<128x128xf32, #tpu.memory_space<vmem>> -> memref<80x128xf32, #tpu.memory_space<vmem>>
    tpu.wait_dma2 semaphore(%arg12 : memref<!tpu.dma_semaphore, #tpu.memory_space<semaphore_mem>>) src(%dma_wait3A_183 : memref<80x128xf32, #tpu.memory_space<vmem>>) dst(%dma_wait3A_180 : memref<80x128xf32, #tpu.memory_space<vmem_shared>>)
    %mul3A_184 = arith.constant 640 : i32
    %mul3A_185 = arith.muli %arg1, %mul3A_184 : i32
    %add3A_186 = arith.constant 400 : i32
    %add3A_187 = arith.addi %mul3A_185, %add3A_186 : i32
    %dma_wait3A_188 = arith.constant 0 : i32
    %dma_wait3A_189 = arith.constant 0 : i32
    %dma_wait3A_190 = tpu.memref_slice %arg9[%dma_wait3A_188, %dma_wait3A_189] : memref<128x128xf32, #tpu.memory_space<vmem>> -> memref<80x128xf32, #tpu.memory_space<vmem>>
    %dma_wait3A_191 = arith.constant 0 : i32
    %dma_wait3A_192 = tpu.memref_slice %arg11[%add3A_187, %dma_wait3A_191] : memref<10240x128xf32, #tpu.memory_space<vmem_shared>> -> memref<80x128xf32, #tpu.memory_space<vmem_shared>>
    %dma_wait3A_193 = arith.constant 0 : i32
    %dma_wait3A_194 = tpu.memref_slice %arg11[%add3A_187, %dma_wait3A_193] : memref<10240x128xf32, #tpu.memory_space<vmem_shared>> -> memref<80x128xf32, #tpu.memory_space<vmem_shared>>
    %dma_wait3A_195 = arith.constant 0 : i32
    %dma_wait3A_196 = arith.constant 0 : i32
    %dma_wait3A_197 = tpu.memref_slice %arg9[%dma_wait3A_195, %dma_wait3A_196] : memref<128x128xf32, #tpu.memory_space<vmem>> -> memref<80x128xf32, #tpu.memory_space<vmem>>
    tpu.wait_dma2 semaphore(%arg12 : memref<!tpu.dma_semaphore, #tpu.memory_space<semaphore_mem>>) src(%dma_wait3A_197 : memref<80x128xf32, #tpu.memory_space<vmem>>) dst(%dma_wait3A_194 : memref<80x128xf32, #tpu.memory_space<vmem_shared>>)
    %mul3A_198 = arith.constant 640 : i32
    %mul3A_199 = arith.muli %arg1, %mul3A_198 : i32
    %add3A_200 = arith.constant 480 : i32
    %add3A_201 = arith.addi %mul3A_199, %add3A_200 : i32
    %dma_wait3A_202 = arith.constant 0 : i32
    %dma_wait3A_203 = arith.constant 0 : i32
    %dma_wait3A_204 = tpu.memref_slice %arg9[%dma_wait3A_202, %dma_wait3A_203] : memref<128x128xf32, #tpu.memory_space<vmem>> -> memref<80x128xf32, #tpu.memory_space<vmem>>
    %dma_wait3A_205 = arith.constant 0 : i32
    %dma_wait3A_206 = tpu.memref_slice %arg11[%add3A_201, %dma_wait3A_205] : memref<10240x128xf32, #tpu.memory_space<vmem_shared>> -> memref<80x128xf32, #tpu.memory_space<vmem_shared>>
    %dma_wait3A_207 = arith.constant 0 : i32
    %dma_wait3A_208 = tpu.memref_slice %arg11[%add3A_201, %dma_wait3A_207] : memref<10240x128xf32, #tpu.memory_space<vmem_shared>> -> memref<80x128xf32, #tpu.memory_space<vmem_shared>>
    %dma_wait3A_209 = arith.constant 0 : i32
    %dma_wait3A_210 = arith.constant 0 : i32
    %dma_wait3A_211 = tpu.memref_slice %arg9[%dma_wait3A_209, %dma_wait3A_210] : memref<128x128xf32, #tpu.memory_space<vmem>> -> memref<80x128xf32, #tpu.memory_space<vmem>>
    tpu.wait_dma2 semaphore(%arg12 : memref<!tpu.dma_semaphore, #tpu.memory_space<semaphore_mem>>) src(%dma_wait3A_211 : memref<80x128xf32, #tpu.memory_space<vmem>>) dst(%dma_wait3A_208 : memref<80x128xf32, #tpu.memory_space<vmem_shared>>)
    %mul3A_212 = arith.constant 640 : i32
    %mul3A_213 = arith.muli %arg1, %mul3A_212 : i32
    %add3A_214 = arith.constant 560 : i32
    %add3A_215 = arith.addi %mul3A_213, %add3A_214 : i32
    %dma_wait3A_216 = arith.constant 0 : i32
    %dma_wait3A_217 = arith.constant 0 : i32
    %dma_wait3A_218 = tpu.memref_slice %arg9[%dma_wait3A_216, %dma_wait3A_217] : memref<128x128xf32, #tpu.memory_space<vmem>> -> memref<80x128xf32, #tpu.memory_space<vmem>>
    %dma_wait3A_219 = arith.constant 0 : i32
    %dma_wait3A_220 = tpu.memref_slice %arg11[%add3A_215, %dma_wait3A_219] : memref<10240x128xf32, #tpu.memory_space<vmem_shared>> -> memref<80x128xf32, #tpu.memory_space<vmem_shared>>
    %dma_wait3A_221 = arith.constant 0 : i32
    %dma_wait3A_222 = tpu.memref_slice %arg11[%add3A_215, %dma_wait3A_221] : memref<10240x128xf32, #tpu.memory_space<vmem_shared>> -> memref<80x128xf32, #tpu.memory_space<vmem_shared>>
    %dma_wait3A_223 = arith.constant 0 : i32
    %dma_wait3A_224 = arith.constant 0 : i32
    %dma_wait3A_225 = tpu.memref_slice %arg9[%dma_wait3A_223, %dma_wait3A_224] : memref<128x128xf32, #tpu.memory_space<vmem>> -> memref<80x128xf32, #tpu.memory_space<vmem>>
    tpu.wait_dma2 semaphore(%arg12 : memref<!tpu.dma_semaphore, #tpu.memory_space<semaphore_mem>>) src(%dma_wait3A_225 : memref<80x128xf32, #tpu.memory_space<vmem>>) dst(%dma_wait3A_222 : memref<80x128xf32, #tpu.memory_space<vmem_shared>>)
    %barrier3A = arith.constant 0 : index
    tpu.barrier barrier_id(%barrier3A)
    %mul3A_226 = arith.constant 16 : i32
    %mul3A_227 = arith.muli %arg0, %mul3A_226 : i32
    %add3A_228 = arith.addi %mul3A_227, %arg1 : i32
    %mul3A_229 = arith.constant 80 : i32
    %mul3A_230 = arith.muli %add3A_228, %mul3A_229 : i32
    %add3A_231 = arith.constant 0 : i32
    %add3A_232 = arith.addi %mul3A_230, %add3A_231 : i32
    "tpu.region"() ({
      %run_scoped3A_444 = tpu.sem_alloc : memref<!tpu.dma_semaphore, #tpu.memory_space<semaphore_mem>>
      %dma_start3A_445 = arith.constant 0 : i32
      %dma_start3A_446 = tpu.memref_slice %arg2[%add3A_232, %dma_start3A_445] : memref<2560x128xi32, #tpu.memory_space<hbm>> -> memref<40x128xi32, #tpu.memory_space<hbm>>
      %dma_start3A_447 = arith.constant 0 : i32
      %dma_start3A_448 = tpu.memref_slice %arg2[%add3A_232, %dma_start3A_447] : memref<2560x128xi32, #tpu.memory_space<hbm>> -> memref<40x128xi32, #tpu.memory_space<hbm>>
      tpu.enqueue_dma source(%dma_start3A_448 : memref<40x128xi32, #tpu.memory_space<hbm>>) target(%arg7 : memref<40x128xi32, #tpu.memory_space<vmem>>) target_semaphore(%run_scoped3A_444 : memref<!tpu.dma_semaphore, #tpu.memory_space<semaphore_mem>>)
      %dma_wait3A_449 = arith.constant 0 : i32
      %dma_wait3A_450 = tpu.memref_slice %arg2[%add3A_232, %dma_wait3A_449] : memref<2560x128xi32, #tpu.memory_space<hbm>> -> memref<40x128xi32, #tpu.memory_space<hbm>>
      %dma_wait3A_451 = arith.constant 0 : i32
      %dma_wait3A_452 = tpu.memref_slice %arg2[%add3A_232, %dma_wait3A_451] : memref<2560x128xi32, #tpu.memory_space<hbm>> -> memref<40x128xi32, #tpu.memory_space<hbm>>
      tpu.wait_dma2 semaphore(%run_scoped3A_444 : memref<!tpu.dma_semaphore, #tpu.memory_space<semaphore_mem>>) src(%dma_wait3A_452 : memref<40x128xi32, #tpu.memory_space<hbm>>) dst(%arg7 : memref<40x128xi32, #tpu.memory_space<vmem>>)
      tpu.yield
    }) : () -> ()
    %mul3A_233 = arith.constant 16 : i32
    %mul3A_234 = arith.muli %arg0, %mul3A_233 : i32
    %add3A_235 = arith.addi %mul3A_234, %arg1 : i32
    %mul3A_236 = arith.constant 80 : i32
    %mul3A_237 = arith.muli %add3A_235, %mul3A_236 : i32
    %add3A_238 = arith.constant 0 : i32
    %add3A_239 = arith.addi %mul3A_237, %add3A_238 : i32
    "tpu.region"() ({
      %run_scoped3A_444 = tpu.sem_alloc : memref<!tpu.dma_semaphore, #tpu.memory_space<semaphore_mem>>
      %dma_start3A_445 = arith.constant 0 : i32
      %dma_start3A_446 = tpu.memref_slice %arg3[%add3A_239, %dma_start3A_445] : memref<2560x128xi32, #tpu.memory_space<hbm>> -> memref<40x128xi32, #tpu.memory_space<hbm>>
      %dma_start3A_447 = arith.constant 0 : i32
      %dma_start3A_448 = tpu.memref_slice %arg3[%add3A_239, %dma_start3A_447] : memref<2560x128xi32, #tpu.memory_space<hbm>> -> memref<40x128xi32, #tpu.memory_space<hbm>>
      tpu.enqueue_dma source(%dma_start3A_448 : memref<40x128xi32, #tpu.memory_space<hbm>>) target(%arg8 : memref<40x128xi32, #tpu.memory_space<vmem>>) target_semaphore(%run_scoped3A_444 : memref<!tpu.dma_semaphore, #tpu.memory_space<semaphore_mem>>)
      %dma_wait3A_449 = arith.constant 0 : i32
      %dma_wait3A_450 = tpu.memref_slice %arg3[%add3A_239, %dma_wait3A_449] : memref<2560x128xi32, #tpu.memory_space<hbm>> -> memref<40x128xi32, #tpu.memory_space<hbm>>
      %dma_wait3A_451 = arith.constant 0 : i32
      %dma_wait3A_452 = tpu.memref_slice %arg3[%add3A_239, %dma_wait3A_451] : memref<2560x128xi32, #tpu.memory_space<hbm>> -> memref<40x128xi32, #tpu.memory_space<hbm>>
      tpu.wait_dma2 semaphore(%run_scoped3A_444 : memref<!tpu.dma_semaphore, #tpu.memory_space<semaphore_mem>>) src(%dma_wait3A_452 : memref<40x128xi32, #tpu.memory_space<hbm>>) dst(%arg8 : memref<40x128xi32, #tpu.memory_space<vmem>>)
      tpu.yield
    }) : () -> ()
    %dma_start3A_240 = arith.constant 0 : i32
    %dma_start3A_241 = arith.constant 0 : i32
    %dma_start3A_242 = arith.constant 0 : i32
    %dma_start3A_243 = tpu.memref_slice %arg9[%dma_start3A_241, %dma_start3A_242] : memref<128x128xf32, #tpu.memory_space<vmem>> -> memref<64x128xf32, #tpu.memory_space<vmem>>
    %dma_start3A_244 = arith.constant 0 : i32
    %dma_start3A_245 = tpu.memref_slice %arg7[%dma_start3A_240, %dma_start3A_244] : memref<40x128xi32, #tpu.memory_space<vmem>> -> memref<1x64xi32, #tpu.memory_space<vmem>>
    %dma_start3A_246 = tpu.memref_squeeze %dma_start3A_245 : memref<1x64xi32, #tpu.memory_space<vmem>> -> memref<64xi32, #tpu.memory_space<vmem>>
    %dma_start3A_247 = arith.constant 0 : i32
    %dma_start3A_248 = arith.constant 0 : i32
    %dma_start3A_249 = tpu.memref_slice %arg4[%dma_start3A_247, %dma_start3A_248] : memref<10000x128xf32, #tpu.memory_space<hbm>> -> memref<10000x128xf32, #tpu.memory_space<hbm>>
    tpu.enqueue_indirect_dma source(%dma_start3A_249 : memref<10000x128xf32, #tpu.memory_space<hbm>>) target(%dma_start3A_243 : memref<64x128xf32, #tpu.memory_space<vmem>>) offsets(%dma_start3A_246 : memref<64xi32, #tpu.memory_space<vmem>>) semaphore(%arg13 : memref<!tpu.dma_semaphore, #tpu.memory_space<semaphore_mem>>)
    %dma_start3A_250 = arith.constant 0 : i32
    %dma_start3A_251 = arith.constant 64 : i32
    %dma_start3A_252 = arith.constant 0 : i32
    %dma_start3A_253 = tpu.memref_slice %arg9[%dma_start3A_251, %dma_start3A_252] : memref<128x128xf32, #tpu.memory_space<vmem>> -> memref<64x128xf32, #tpu.memory_space<vmem>>
    %dma_start3A_254 = arith.constant 64 : i32
    %dma_start3A_255 = tpu.memref_slice %arg7[%dma_start3A_250, %dma_start3A_254] : memref<40x128xi32, #tpu.memory_space<vmem>> -> memref<1x64xi32, #tpu.memory_space<vmem>>
    %dma_start3A_256 = tpu.memref_squeeze %dma_start3A_255 : memref<1x64xi32, #tpu.memory_space<vmem>> -> memref<64xi32, #tpu.memory_space<vmem>>
    %dma_start3A_257 = arith.constant 0 : i32
    %dma_start3A_258 = arith.constant 0 : i32
    %dma_start3A_259 = tpu.memref_slice %arg4[%dma_start3A_257, %dma_start3A_258] : memref<10000x128xf32, #tpu.memory_space<hbm>> -> memref<10000x128xf32, #tpu.memory_space<hbm>>
    tpu.enqueue_indirect_dma source(%dma_start3A_259 : memref<10000x128xf32, #tpu.memory_space<hbm>>) target(%dma_start3A_253 : memref<64x128xf32, #tpu.memory_space<vmem>>) offsets(%dma_start3A_256 : memref<64xi32, #tpu.memory_space<vmem>>) semaphore(%arg15 : memref<!tpu.dma_semaphore, #tpu.memory_space<semaphore_mem>>)
    %dma_start3A_260 = arith.constant 1 : i32
    %dma_start3A_261 = arith.constant 0 : i32
    %dma_start3A_262 = arith.constant 0 : i32
    %dma_start3A_263 = tpu.memref_slice %arg10[%dma_start3A_261, %dma_start3A_262] : memref<128x128xf32, #tpu.memory_space<vmem>> -> memref<64x128xf32, #tpu.memory_space<vmem>>
    %dma_start3A_264 = arith.constant 0 : i32
    %dma_start3A_265 = tpu.memref_slice %arg7[%dma_start3A_260, %dma_start3A_264] : memref<40x128xi32, #tpu.memory_space<vmem>> -> memref<1x64xi32, #tpu.memory_space<vmem>>
    %dma_start3A_266 = tpu.memref_squeeze %dma_start3A_265 : memref<1x64xi32, #tpu.memory_space<vmem>> -> memref<64xi32, #tpu.memory_space<vmem>>
    %dma_start3A_267 = arith.constant 0 : i32
    %dma_start3A_268 = arith.constant 0 : i32
    %dma_start3A_269 = tpu.memref_slice %arg4[%dma_start3A_267, %dma_start3A_268] : memref<10000x128xf32, #tpu.memory_space<hbm>> -> memref<10000x128xf32, #tpu.memory_space<hbm>>
    tpu.enqueue_indirect_dma source(%dma_start3A_269 : memref<10000x128xf32, #tpu.memory_space<hbm>>) target(%dma_start3A_263 : memref<64x128xf32, #tpu.memory_space<vmem>>) offsets(%dma_start3A_266 : memref<64xi32, #tpu.memory_space<vmem>>) semaphore(%arg14 : memref<!tpu.dma_semaphore, #tpu.memory_space<semaphore_mem>>)
    %dma_start3A_270 = arith.constant 1 : i32
    %dma_start3A_271 = arith.constant 64 : i32
    %dma_start3A_272 = arith.constant 0 : i32
    %dma_start3A_273 = tpu.memref_slice %arg10[%dma_start3A_271, %dma_start3A_272] : memref<128x128xf32, #tpu.memory_space<vmem>> -> memref<64x128xf32, #tpu.memory_space<vmem>>
    %dma_start3A_274 = arith.constant 64 : i32
    %dma_start3A_275 = tpu.memref_slice %arg7[%dma_start3A_270, %dma_start3A_274] : memref<40x128xi32, #tpu.memory_space<vmem>> -> memref<1x64xi32, #tpu.memory_space<vmem>>
    %dma_start3A_276 = tpu.memref_squeeze %dma_start3A_275 : memref<1x64xi32, #tpu.memory_space<vmem>> -> memref<64xi32, #tpu.memory_space<vmem>>
    %dma_start3A_277 = arith.constant 0 : i32
    %dma_start3A_278 = arith.constant 0 : i32
    %dma_start3A_279 = tpu.memref_slice %arg4[%dma_start3A_277, %dma_start3A_278] : memref<10000x128xf32, #tpu.memory_space<hbm>> -> memref<10000x128xf32, #tpu.memory_space<hbm>>
    tpu.enqueue_indirect_dma source(%dma_start3A_279 : memref<10000x128xf32, #tpu.memory_space<hbm>>) target(%dma_start3A_273 : memref<64x128xf32, #tpu.memory_space<vmem>>) offsets(%dma_start3A_276 : memref<64xi32, #tpu.memory_space<vmem>>) semaphore(%arg16 : memref<!tpu.dma_semaphore, #tpu.memory_space<semaphore_mem>>)
    %scan3A_280 = arith.constant 0 : i32
    %scan3A_281 = arith.constant 19 : i32
    %scan3A_282 = arith.addi %scan3A_280, %scan3A_281 : i32
    %scan3A_283 = arith.constant 1 : i32
    scf.for %scan3A_444 = %scan3A_280 to %scan3A_282 step %scan3A_283  : i32 {
      %mul3A_445 = arith.constant 1 : i32
      %mul3A_446 = arith.muli %scan3A_444, %mul3A_445 : i32
      %add3A_447 = arith.constant 0 : i32
      %add3A_448 = arith.addi %add3A_447, %mul3A_446 : i32
      %mul3A_449 = arith.constant 2 : i32
      %mul3A_450 = arith.muli %mul3A_449, %add3A_448 : i32
      %dma_wait3A_451 = arith.constant 0 : i32
      %dma_wait3A_452 = arith.constant 0 : i32
      %dma_wait3A_453 = tpu.memref_slice %arg9[%dma_wait3A_451, %dma_wait3A_452] : memref<128x128xf32, #tpu.memory_space<vmem>> -> memref<64x128xf32, #tpu.memory_space<vmem>>
      %dma_wait3A_454 = arith.constant 0 : i32
      %dma_wait3A_455 = tpu.memref_slice %arg7[%mul3A_450, %dma_wait3A_454] : memref<40x128xi32, #tpu.memory_space<vmem>> -> memref<1x64xi32, #tpu.memory_space<vmem>>
      %dma_wait3A_456 = tpu.memref_squeeze %dma_wait3A_455 : memref<1x64xi32, #tpu.memory_space<vmem>> -> memref<64xi32, #tpu.memory_space<vmem>>
      %dma_wait3A_457 = arith.constant 0 : i32
      %dma_wait3A_458 = arith.constant 0 : i32
      %dma_wait3A_459 = tpu.memref_slice %arg4[%dma_wait3A_457, %dma_wait3A_458] : memref<10000x128xf32, #tpu.memory_space<hbm>> -> memref<10000x128xf32, #tpu.memory_space<hbm>>
      tpu.wait_indirect_dma semaphore(%arg13 : memref<!tpu.dma_semaphore, #tpu.memory_space<semaphore_mem>>) src(%dma_wait3A_459 : memref<10000x128xf32, #tpu.memory_space<hbm>>) dst(%dma_wait3A_453 : memref<64x128xf32, #tpu.memory_space<vmem>>)
      %dma_wait3A_460 = arith.constant 64 : i32
      %dma_wait3A_461 = arith.constant 0 : i32
      %dma_wait3A_462 = tpu.memref_slice %arg9[%dma_wait3A_460, %dma_wait3A_461] : memref<128x128xf32, #tpu.memory_space<vmem>> -> memref<64x128xf32, #tpu.memory_space<vmem>>
      %dma_wait3A_463 = arith.constant 64 : i32
      %dma_wait3A_464 = tpu.memref_slice %arg7[%mul3A_450, %dma_wait3A_463] : memref<40x128xi32, #tpu.memory_space<vmem>> -> memref<1x64xi32, #tpu.memory_space<vmem>>
      %dma_wait3A_465 = tpu.memref_squeeze %dma_wait3A_464 : memref<1x64xi32, #tpu.memory_space<vmem>> -> memref<64xi32, #tpu.memory_space<vmem>>
      %dma_wait3A_466 = arith.constant 0 : i32
      %dma_wait3A_467 = arith.constant 0 : i32
      %dma_wait3A_468 = tpu.memref_slice %arg4[%dma_wait3A_466, %dma_wait3A_467] : memref<10000x128xf32, #tpu.memory_space<hbm>> -> memref<10000x128xf32, #tpu.memory_space<hbm>>
      tpu.wait_indirect_dma semaphore(%arg15 : memref<!tpu.dma_semaphore, #tpu.memory_space<semaphore_mem>>) src(%dma_wait3A_468 : memref<10000x128xf32, #tpu.memory_space<hbm>>) dst(%dma_wait3A_462 : memref<64x128xf32, #tpu.memory_space<vmem>>)
      "tpu.region"() ({
        %run_scoped3A_531 = tpu.sem_alloc : memref<!tpu.dma_semaphore, #tpu.memory_space<semaphore_mem>>
        %dma_start3A_532 = arith.constant 0 : i32
        %dma_start3A_533 = tpu.memref_slice %arg8[%mul3A_450, %dma_start3A_532] : memref<40x128xi32, #tpu.memory_space<vmem>> -> memref<1x128xi32, #tpu.memory_space<vmem>>
        %dma_start3A_534 = tpu.memref_squeeze %dma_start3A_533 : memref<1x128xi32, #tpu.memory_space<vmem>> -> memref<128xi32, #tpu.memory_space<vmem>>
        %dma_start3A_535 = arith.constant 0 : i32
        %dma_start3A_536 = arith.constant 0 : i32
        %dma_start3A_537 = tpu.memref_slice %arg11[%dma_start3A_535, %dma_start3A_536] : memref<10240x128xf32, #tpu.memory_space<vmem_shared>> -> memref<10240x128xf32, #tpu.memory_space<vmem_shared>>
        tpu.enqueue_indirect_dma source(%arg9 : memref<128x128xf32, #tpu.memory_space<vmem>>) target(%dma_start3A_537 : memref<10240x128xf32, #tpu.memory_space<vmem_shared>>) offsets(%dma_start3A_534 : memref<128xi32, #tpu.memory_space<vmem>>) semaphore(%run_scoped3A_531 : memref<!tpu.dma_semaphore, #tpu.memory_space<semaphore_mem>>) {add = true}
        %dma_wait3A_538 = arith.constant 0 : i32
        %dma_wait3A_539 = tpu.memref_slice %arg8[%mul3A_450, %dma_wait3A_538] : memref<40x128xi32, #tpu.memory_space<vmem>> -> memref<1x128xi32, #tpu.memory_space<vmem>>
        %dma_wait3A_540 = tpu.memref_squeeze %dma_wait3A_539 : memref<1x128xi32, #tpu.memory_space<vmem>> -> memref<128xi32, #tpu.memory_space<vmem>>
        %dma_wait3A_541 = arith.constant 0 : i32
        %dma_wait3A_542 = arith.constant 0 : i32
        %dma_wait3A_543 = tpu.memref_slice %arg11[%dma_wait3A_541, %dma_wait3A_542] : memref<10240x128xf32, #tpu.memory_space<vmem_shared>> -> memref<10240x128xf32, #tpu.memory_space<vmem_shared>>
        tpu.wait_indirect_dma semaphore(%run_scoped3A_531 : memref<!tpu.dma_semaphore, #tpu.memory_space<semaphore_mem>>) src(%arg9 : memref<128x128xf32, #tpu.memory_space<vmem>>) dst(%dma_wait3A_543 : memref<10240x128xf32, #tpu.memory_space<vmem_shared>>)
        tpu.yield
      }) : () -> ()
      %add3A_469 = arith.constant 2 : i32
      %add3A_470 = arith.addi %mul3A_450, %add3A_469 : i32
      %dma_start3A_471 = arith.constant 0 : i32
      %dma_start3A_472 = arith.constant 0 : i32
      %dma_start3A_473 = tpu.memref_slice %arg9[%dma_start3A_471, %dma_start3A_472] : memref<128x128xf32, #tpu.memory_space<vmem>> -> memref<64x128xf32, #tpu.memory_space<vmem>>
      %dma_start3A_474 = arith.constant 0 : i32
      %dma_start3A_475 = tpu.memref_slice %arg7[%add3A_470, %dma_start3A_474] : memref<40x128xi32, #tpu.memory_space<vmem>> -> memref<1x64xi32, #tpu.memory_space<vmem>>
      %dma_start3A_476 = tpu.memref_squeeze %dma_start3A_475 : memref<1x64xi32, #tpu.memory_space<vmem>> -> memref<64xi32, #tpu.memory_space<vmem>>
      %dma_start3A_477 = arith.constant 0 : i32
      %dma_start3A_478 = arith.constant 0 : i32
      %dma_start3A_479 = tpu.memref_slice %arg4[%dma_start3A_477, %dma_start3A_478] : memref<10000x128xf32, #tpu.memory_space<hbm>> -> memref<10000x128xf32, #tpu.memory_space<hbm>>
      tpu.enqueue_indirect_dma source(%dma_start3A_479 : memref<10000x128xf32, #tpu.memory_space<hbm>>) target(%dma_start3A_473 : memref<64x128xf32, #tpu.memory_space<vmem>>) offsets(%dma_start3A_476 : memref<64xi32, #tpu.memory_space<vmem>>) semaphore(%arg13 : memref<!tpu.dma_semaphore, #tpu.memory_space<semaphore_mem>>)
      %dma_start3A_480 = arith.constant 64 : i32
      %dma_start3A_481 = arith.constant 0 : i32
      %dma_start3A_482 = tpu.memref_slice %arg9[%dma_start3A_480, %dma_start3A_481] : memref<128x128xf32, #tpu.memory_space<vmem>> -> memref<64x128xf32, #tpu.memory_space<vmem>>
      %dma_start3A_483 = arith.constant 64 : i32
      %dma_start3A_484 = tpu.memref_slice %arg7[%add3A_470, %dma_start3A_483] : memref<40x128xi32, #tpu.memory_space<vmem>> -> memref<1x64xi32, #tpu.memory_space<vmem>>
      %dma_start3A_485 = tpu.memref_squeeze %dma_start3A_484 : memref<1x64xi32, #tpu.memory_space<vmem>> -> memref<64xi32, #tpu.memory_space<vmem>>
      %dma_start3A_486 = arith.constant 0 : i32
      %dma_start3A_487 = arith.constant 0 : i32
      %dma_start3A_488 = tpu.memref_slice %arg4[%dma_start3A_486, %dma_start3A_487] : memref<10000x128xf32, #tpu.memory_space<hbm>> -> memref<10000x128xf32, #tpu.memory_space<hbm>>
      tpu.enqueue_indirect_dma source(%dma_start3A_488 : memref<10000x128xf32, #tpu.memory_space<hbm>>) target(%dma_start3A_482 : memref<64x128xf32, #tpu.memory_space<vmem>>) offsets(%dma_start3A_485 : memref<64xi32, #tpu.memory_space<vmem>>) semaphore(%arg15 : memref<!tpu.dma_semaphore, #tpu.memory_space<semaphore_mem>>)
      %add3A_489 = arith.constant 1 : i32
      %add3A_490 = arith.addi %mul3A_450, %add3A_489 : i32
      %dma_wait3A_491 = arith.constant 0 : i32
      %dma_wait3A_492 = arith.constant 0 : i32
      %dma_wait3A_493 = tpu.memref_slice %arg10[%dma_wait3A_491, %dma_wait3A_492] : memref<128x128xf32, #tpu.memory_space<vmem>> -> memref<64x128xf32, #tpu.memory_space<vmem>>
      %dma_wait3A_494 = arith.constant 0 : i32
      %dma_wait3A_495 = tpu.memref_slice %arg7[%add3A_490, %dma_wait3A_494] : memref<40x128xi32, #tpu.memory_space<vmem>> -> memref<1x64xi32, #tpu.memory_space<vmem>>
      %dma_wait3A_496 = tpu.memref_squeeze %dma_wait3A_495 : memref<1x64xi32, #tpu.memory_space<vmem>> -> memref<64xi32, #tpu.memory_space<vmem>>
      %dma_wait3A_497 = arith.constant 0 : i32
      %dma_wait3A_498 = arith.constant 0 : i32
      %dma_wait3A_499 = tpu.memref_slice %arg4[%dma_wait3A_497, %dma_wait3A_498] : memref<10000x128xf32, #tpu.memory_space<hbm>> -> memref<10000x128xf32, #tpu.memory_space<hbm>>
      tpu.wait_indirect_dma semaphore(%arg14 : memref<!tpu.dma_semaphore, #tpu.memory_space<semaphore_mem>>) src(%dma_wait3A_499 : memref<10000x128xf32, #tpu.memory_space<hbm>>) dst(%dma_wait3A_493 : memref<64x128xf32, #tpu.memory_space<vmem>>)
      %dma_wait3A_500 = arith.constant 64 : i32
      %dma_wait3A_501 = arith.constant 0 : i32
      %dma_wait3A_502 = tpu.memref_slice %arg10[%dma_wait3A_500, %dma_wait3A_501] : memref<128x128xf32, #tpu.memory_space<vmem>> -> memref<64x128xf32, #tpu.memory_space<vmem>>
      %dma_wait3A_503 = arith.constant 64 : i32
      %dma_wait3A_504 = tpu.memref_slice %arg7[%add3A_490, %dma_wait3A_503] : memref<40x128xi32, #tpu.memory_space<vmem>> -> memref<1x64xi32, #tpu.memory_space<vmem>>
      %dma_wait3A_505 = tpu.memref_squeeze %dma_wait3A_504 : memref<1x64xi32, #tpu.memory_space<vmem>> -> memref<64xi32, #tpu.memory_space<vmem>>
      %dma_wait3A_506 = arith.constant 0 : i32
      %dma_wait3A_507 = arith.constant 0 : i32
      %dma_wait3A_508 = tpu.memref_slice %arg4[%dma_wait3A_506, %dma_wait3A_507] : memref<10000x128xf32, #tpu.memory_space<hbm>> -> memref<10000x128xf32, #tpu.memory_space<hbm>>
      tpu.wait_indirect_dma semaphore(%arg16 : memref<!tpu.dma_semaphore, #tpu.memory_space<semaphore_mem>>) src(%dma_wait3A_508 : memref<10000x128xf32, #tpu.memory_space<hbm>>) dst(%dma_wait3A_502 : memref<64x128xf32, #tpu.memory_space<vmem>>)
      %add3A_509 = arith.constant 1 : i32
      %add3A_510 = arith.addi %mul3A_450, %add3A_509 : i32
      "tpu.region"() ({
        %run_scoped3A_531 = tpu.sem_alloc : memref<!tpu.dma_semaphore, #tpu.memory_space<semaphore_mem>>
        %dma_start3A_532 = arith.constant 0 : i32
        %dma_start3A_533 = tpu.memref_slice %arg8[%add3A_510, %dma_start3A_532] : memref<40x128xi32, #tpu.memory_space<vmem>> -> memref<1x128xi32, #tpu.memory_space<vmem>>
        %dma_start3A_534 = tpu.memref_squeeze %dma_start3A_533 : memref<1x128xi32, #tpu.memory_space<vmem>> -> memref<128xi32, #tpu.memory_space<vmem>>
        %dma_start3A_535 = arith.constant 0 : i32
        %dma_start3A_536 = arith.constant 0 : i32
        %dma_start3A_537 = tpu.memref_slice %arg11[%dma_start3A_535, %dma_start3A_536] : memref<10240x128xf32, #tpu.memory_space<vmem_shared>> -> memref<10240x128xf32, #tpu.memory_space<vmem_shared>>
        tpu.enqueue_indirect_dma source(%arg10 : memref<128x128xf32, #tpu.memory_space<vmem>>) target(%dma_start3A_537 : memref<10240x128xf32, #tpu.memory_space<vmem_shared>>) offsets(%dma_start3A_534 : memref<128xi32, #tpu.memory_space<vmem>>) semaphore(%run_scoped3A_531 : memref<!tpu.dma_semaphore, #tpu.memory_space<semaphore_mem>>) {add = true}
        %dma_wait3A_538 = arith.constant 0 : i32
        %dma_wait3A_539 = tpu.memref_slice %arg8[%add3A_510, %dma_wait3A_538] : memref<40x128xi32, #tpu.memory_space<vmem>> -> memref<1x128xi32, #tpu.memory_space<vmem>>
        %dma_wait3A_540 = tpu.memref_squeeze %dma_wait3A_539 : memref<1x128xi32, #tpu.memory_space<vmem>> -> memref<128xi32, #tpu.memory_space<vmem>>
        %dma_wait3A_541 = arith.constant 0 : i32
        %dma_wait3A_542 = arith.constant 0 : i32
        %dma_wait3A_543 = tpu.memref_slice %arg11[%dma_wait3A_541, %dma_wait3A_542] : memref<10240x128xf32, #tpu.memory_space<vmem_shared>> -> memref<10240x128xf32, #tpu.memory_space<vmem_shared>>
        tpu.wait_indirect_dma semaphore(%run_scoped3A_531 : memref<!tpu.dma_semaphore, #tpu.memory_space<semaphore_mem>>) src(%arg10 : memref<128x128xf32, #tpu.memory_space<vmem>>) dst(%dma_wait3A_543 : memref<10240x128xf32, #tpu.memory_space<vmem_shared>>)
        tpu.yield
      }) : () -> ()
      %add3A_511 = arith.constant 3 : i32
      %add3A_512 = arith.addi %mul3A_450, %add3A_511 : i32
      %dma_start3A_513 = arith.constant 0 : i32
      %dma_start3A_514 = arith.constant 0 : i32
      %dma_start3A_515 = tpu.memref_slice %arg10[%dma_start3A_513, %dma_start3A_514] : memref<128x128xf32, #tpu.memory_space<vmem>> -> memref<64x128xf32, #tpu.memory_space<vmem>>
      %dma_start3A_516 = arith.constant 0 : i32
      %dma_start3A_517 = tpu.memref_slice %arg7[%add3A_512, %dma_start3A_516] : memref<40x128xi32, #tpu.memory_space<vmem>> -> memref<1x64xi32, #tpu.memory_space<vmem>>
      %dma_start3A_518 = tpu.memref_squeeze %dma_start3A_517 : memref<1x64xi32, #tpu.memory_space<vmem>> -> memref<64xi32, #tpu.memory_space<vmem>>
      %dma_start3A_519 = arith.constant 0 : i32
      %dma_start3A_520 = arith.constant 0 : i32
      %dma_start3A_521 = tpu.memref_slice %arg4[%dma_start3A_519, %dma_start3A_520] : memref<10000x128xf32, #tpu.memory_space<hbm>> -> memref<10000x128xf32, #tpu.memory_space<hbm>>
      tpu.enqueue_indirect_dma source(%dma_start3A_521 : memref<10000x128xf32, #tpu.memory_space<hbm>>) target(%dma_start3A_515 : memref<64x128xf32, #tpu.memory_space<vmem>>) offsets(%dma_start3A_518 : memref<64xi32, #tpu.memory_space<vmem>>) semaphore(%arg14 : memref<!tpu.dma_semaphore, #tpu.memory_space<semaphore_mem>>)
      %dma_start3A_522 = arith.constant 64 : i32
      %dma_start3A_523 = arith.constant 0 : i32
      %dma_start3A_524 = tpu.memref_slice %arg10[%dma_start3A_522, %dma_start3A_523] : memref<128x128xf32, #tpu.memory_space<vmem>> -> memref<64x128xf32, #tpu.memory_space<vmem>>
      %dma_start3A_525 = arith.constant 64 : i32
      %dma_start3A_526 = tpu.memref_slice %arg7[%add3A_512, %dma_start3A_525] : memref<40x128xi32, #tpu.memory_space<vmem>> -> memref<1x64xi32, #tpu.memory_space<vmem>>
      %dma_start3A_527 = tpu.memref_squeeze %dma_start3A_526 : memref<1x64xi32, #tpu.memory_space<vmem>> -> memref<64xi32, #tpu.memory_space<vmem>>
      %dma_start3A_528 = arith.constant 0 : i32
      %dma_start3A_529 = arith.constant 0 : i32
      %dma_start3A_530 = tpu.memref_slice %arg4[%dma_start3A_528, %dma_start3A_529] : memref<10000x128xf32, #tpu.memory_space<hbm>> -> memref<10000x128xf32, #tpu.memory_space<hbm>>
      tpu.enqueue_indirect_dma source(%dma_start3A_530 : memref<10000x128xf32, #tpu.memory_space<hbm>>) target(%dma_start3A_524 : memref<64x128xf32, #tpu.memory_space<vmem>>) offsets(%dma_start3A_527 : memref<64xi32, #tpu.memory_space<vmem>>) semaphore(%arg16 : memref<!tpu.dma_semaphore, #tpu.memory_space<semaphore_mem>>)
    }
    %scan3A_284 = arith.constant 19 : i32
    %dma_wait3A_285 = arith.constant 38 : i32
    %dma_wait3A_286 = arith.constant 0 : i32
    %dma_wait3A_287 = arith.constant 0 : i32
    %dma_wait3A_288 = tpu.memref_slice %arg9[%dma_wait3A_286, %dma_wait3A_287] : memref<128x128xf32, #tpu.memory_space<vmem>> -> memref<64x128xf32, #tpu.memory_space<vmem>>
    %dma_wait3A_289 = arith.constant 0 : i32
    %dma_wait3A_290 = tpu.memref_slice %arg7[%dma_wait3A_285, %dma_wait3A_289] : memref<40x128xi32, #tpu.memory_space<vmem>> -> memref<1x64xi32, #tpu.memory_space<vmem>>
    %dma_wait3A_291 = tpu.memref_squeeze %dma_wait3A_290 : memref<1x64xi32, #tpu.memory_space<vmem>> -> memref<64xi32, #tpu.memory_space<vmem>>
    %dma_wait3A_292 = arith.constant 0 : i32
    %dma_wait3A_293 = arith.constant 0 : i32
    %dma_wait3A_294 = tpu.memref_slice %arg4[%dma_wait3A_292, %dma_wait3A_293] : memref<10000x128xf32, #tpu.memory_space<hbm>> -> memref<10000x128xf32, #tpu.memory_space<hbm>>
    tpu.wait_indirect_dma semaphore(%arg13 : memref<!tpu.dma_semaphore, #tpu.memory_space<semaphore_mem>>) src(%dma_wait3A_294 : memref<10000x128xf32, #tpu.memory_space<hbm>>) dst(%dma_wait3A_288 : memref<64x128xf32, #tpu.memory_space<vmem>>)
    %dma_wait3A_295 = arith.constant 38 : i32
    %dma_wait3A_296 = arith.constant 64 : i32
    %dma_wait3A_297 = arith.constant 0 : i32
    %dma_wait3A_298 = tpu.memref_slice %arg9[%dma_wait3A_296, %dma_wait3A_297] : memref<128x128xf32, #tpu.memory_space<vmem>> -> memref<64x128xf32, #tpu.memory_space<vmem>>
    %dma_wait3A_299 = arith.constant 64 : i32
    %dma_wait3A_300 = tpu.memref_slice %arg7[%dma_wait3A_295, %dma_wait3A_299] : memref<40x128xi32, #tpu.memory_space<vmem>> -> memref<1x64xi32, #tpu.memory_space<vmem>>
    %dma_wait3A_301 = tpu.memref_squeeze %dma_wait3A_300 : memref<1x64xi32, #tpu.memory_space<vmem>> -> memref<64xi32, #tpu.memory_space<vmem>>
    %dma_wait3A_302 = arith.constant 0 : i32
    %dma_wait3A_303 = arith.constant 0 : i32
    %dma_wait3A_304 = tpu.memref_slice %arg4[%dma_wait3A_302, %dma_wait3A_303] : memref<10000x128xf32, #tpu.memory_space<hbm>> -> memref<10000x128xf32, #tpu.memory_space<hbm>>
    tpu.wait_indirect_dma semaphore(%arg15 : memref<!tpu.dma_semaphore, #tpu.memory_space<semaphore_mem>>) src(%dma_wait3A_304 : memref<10000x128xf32, #tpu.memory_space<hbm>>) dst(%dma_wait3A_298 : memref<64x128xf32, #tpu.memory_space<vmem>>)
    %run_scoped3A = arith.constant 38 : i32
    "tpu.region"() ({
      %run_scoped3A_444 = tpu.sem_alloc : memref<!tpu.dma_semaphore, #tpu.memory_space<semaphore_mem>>
      %dma_start3A_445 = arith.constant 0 : i32
      %dma_start3A_446 = tpu.memref_slice %arg8[%run_scoped3A, %dma_start3A_445] : memref<40x128xi32, #tpu.memory_space<vmem>> -> memref<1x128xi32, #tpu.memory_space<vmem>>
      %dma_start3A_447 = tpu.memref_squeeze %dma_start3A_446 : memref<1x128xi32, #tpu.memory_space<vmem>> -> memref<128xi32, #tpu.memory_space<vmem>>
      %dma_start3A_448 = arith.constant 0 : i32
      %dma_start3A_449 = arith.constant 0 : i32
      %dma_start3A_450 = tpu.memref_slice %arg11[%dma_start3A_448, %dma_start3A_449] : memref<10240x128xf32, #tpu.memory_space<vmem_shared>> -> memref<10240x128xf32, #tpu.memory_space<vmem_shared>>
      tpu.enqueue_indirect_dma source(%arg9 : memref<128x128xf32, #tpu.memory_space<vmem>>) target(%dma_start3A_450 : memref<10240x128xf32, #tpu.memory_space<vmem_shared>>) offsets(%dma_start3A_447 : memref<128xi32, #tpu.memory_space<vmem>>) semaphore(%run_scoped3A_444 : memref<!tpu.dma_semaphore, #tpu.memory_space<semaphore_mem>>) {add = true}
      %dma_wait3A_451 = arith.constant 0 : i32
      %dma_wait3A_452 = tpu.memref_slice %arg8[%run_scoped3A, %dma_wait3A_451] : memref<40x128xi32, #tpu.memory_space<vmem>> -> memref<1x128xi32, #tpu.memory_space<vmem>>
      %dma_wait3A_453 = tpu.memref_squeeze %dma_wait3A_452 : memref<1x128xi32, #tpu.memory_space<vmem>> -> memref<128xi32, #tpu.memory_space<vmem>>
      %dma_wait3A_454 = arith.constant 0 : i32
      %dma_wait3A_455 = arith.constant 0 : i32
      %dma_wait3A_456 = tpu.memref_slice %arg11[%dma_wait3A_454, %dma_wait3A_455] : memref<10240x128xf32, #tpu.memory_space<vmem_shared>> -> memref<10240x128xf32, #tpu.memory_space<vmem_shared>>
      tpu.wait_indirect_dma semaphore(%run_scoped3A_444 : memref<!tpu.dma_semaphore, #tpu.memory_space<semaphore_mem>>) src(%arg9 : memref<128x128xf32, #tpu.memory_space<vmem>>) dst(%dma_wait3A_456 : memref<10240x128xf32, #tpu.memory_space<vmem_shared>>)
      tpu.yield
    }) : () -> ()
    %dma_wait3A_305 = arith.constant 39 : i32
    %dma_wait3A_306 = arith.constant 0 : i32
    %dma_wait3A_307 = arith.constant 0 : i32
    %dma_wait3A_308 = tpu.memref_slice %arg10[%dma_wait3A_306, %dma_wait3A_307] : memref<128x128xf32, #tpu.memory_space<vmem>> -> memref<64x128xf32, #tpu.memory_space<vmem>>
    %dma_wait3A_309 = arith.constant 0 : i32
    %dma_wait3A_310 = tpu.memref_slice %arg7[%dma_wait3A_305, %dma_wait3A_309] : memref<40x128xi32, #tpu.memory_space<vmem>> -> memref<1x64xi32, #tpu.memory_space<vmem>>
    %dma_wait3A_311 = tpu.memref_squeeze %dma_wait3A_310 : memref<1x64xi32, #tpu.memory_space<vmem>> -> memref<64xi32, #tpu.memory_space<vmem>>
    %dma_wait3A_312 = arith.constant 0 : i32
    %dma_wait3A_313 = arith.constant 0 : i32
    %dma_wait3A_314 = tpu.memref_slice %arg4[%dma_wait3A_312, %dma_wait3A_313] : memref<10000x128xf32, #tpu.memory_space<hbm>> -> memref<10000x128xf32, #tpu.memory_space<hbm>>
    tpu.wait_indirect_dma semaphore(%arg14 : memref<!tpu.dma_semaphore, #tpu.memory_space<semaphore_mem>>) src(%dma_wait3A_314 : memref<10000x128xf32, #tpu.memory_space<hbm>>) dst(%dma_wait3A_308 : memref<64x128xf32, #tpu.memory_space<vmem>>)
    %dma_wait3A_315 = arith.constant 39 : i32
    %dma_wait3A_316 = arith.constant 64 : i32
    %dma_wait3A_317 = arith.constant 0 : i32
    %dma_wait3A_318 = tpu.memref_slice %arg10[%dma_wait3A_316, %dma_wait3A_317] : memref<128x128xf32, #tpu.memory_space<vmem>> -> memref<64x128xf32, #tpu.memory_space<vmem>>
    %dma_wait3A_319 = arith.constant 64 : i32
    %dma_wait3A_320 = tpu.memref_slice %arg7[%dma_wait3A_315, %dma_wait3A_319] : memref<40x128xi32, #tpu.memory_space<vmem>> -> memref<1x64xi32, #tpu.memory_space<vmem>>
    %dma_wait3A_321 = tpu.memref_squeeze %dma_wait3A_320 : memref<1x64xi32, #tpu.memory_space<vmem>> -> memref<64xi32, #tpu.memory_space<vmem>>
    %dma_wait3A_322 = arith.constant 0 : i32
    %dma_wait3A_323 = arith.constant 0 : i32
    %dma_wait3A_324 = tpu.memref_slice %arg4[%dma_wait3A_322, %dma_wait3A_323] : memref<10000x128xf32, #tpu.memory_space<hbm>> -> memref<10000x128xf32, #tpu.memory_space<hbm>>
    tpu.wait_indirect_dma semaphore(%arg16 : memref<!tpu.dma_semaphore, #tpu.memory_space<semaphore_mem>>) src(%dma_wait3A_324 : memref<10000x128xf32, #tpu.memory_space<hbm>>) dst(%dma_wait3A_318 : memref<64x128xf32, #tpu.memory_space<vmem>>)
    %run_scoped3A_325 = arith.constant 39 : i32
    "tpu.region"() ({
      %run_scoped3A_444 = tpu.sem_alloc : memref<!tpu.dma_semaphore, #tpu.memory_space<semaphore_mem>>
      %dma_start3A_445 = arith.constant 0 : i32
      %dma_start3A_446 = tpu.memref_slice %arg8[%run_scoped3A_325, %dma_start3A_445] : memref<40x128xi32, #tpu.memory_space<vmem>> -> memref<1x128xi32, #tpu.memory_space<vmem>>
      %dma_start3A_447 = tpu.memref_squeeze %dma_start3A_446 : memref<1x128xi32, #tpu.memory_space<vmem>> -> memref<128xi32, #tpu.memory_space<vmem>>
      %dma_start3A_448 = arith.constant 0 : i32
      %dma_start3A_449 = arith.constant 0 : i32
      %dma_start3A_450 = tpu.memref_slice %arg11[%dma_start3A_448, %dma_start3A_449] : memref<10240x128xf32, #tpu.memory_space<vmem_shared>> -> memref<10240x128xf32, #tpu.memory_space<vmem_shared>>
      tpu.enqueue_indirect_dma source(%arg10 : memref<128x128xf32, #tpu.memory_space<vmem>>) target(%dma_start3A_450 : memref<10240x128xf32, #tpu.memory_space<vmem_shared>>) offsets(%dma_start3A_447 : memref<128xi32, #tpu.memory_space<vmem>>) semaphore(%run_scoped3A_444 : memref<!tpu.dma_semaphore, #tpu.memory_space<semaphore_mem>>) {add = true}
      %dma_wait3A_451 = arith.constant 0 : i32
      %dma_wait3A_452 = tpu.memref_slice %arg8[%run_scoped3A_325, %dma_wait3A_451] : memref<40x128xi32, #tpu.memory_space<vmem>> -> memref<1x128xi32, #tpu.memory_space<vmem>>
      %dma_wait3A_453 = tpu.memref_squeeze %dma_wait3A_452 : memref<1x128xi32, #tpu.memory_space<vmem>> -> memref<128xi32, #tpu.memory_space<vmem>>
      %dma_wait3A_454 = arith.constant 0 : i32
      %dma_wait3A_455 = arith.constant 0 : i32
      %dma_wait3A_456 = tpu.memref_slice %arg11[%dma_wait3A_454, %dma_wait3A_455] : memref<10240x128xf32, #tpu.memory_space<vmem_shared>> -> memref<10240x128xf32, #tpu.memory_space<vmem_shared>>
      tpu.wait_indirect_dma semaphore(%run_scoped3A_444 : memref<!tpu.dma_semaphore, #tpu.memory_space<semaphore_mem>>) src(%arg10 : memref<128x128xf32, #tpu.memory_space<vmem>>) dst(%dma_wait3A_456 : memref<10240x128xf32, #tpu.memory_space<vmem_shared>>)
      tpu.yield
    }) : () -> ()
    %mul3A_326 = arith.constant 16 : i32
    %mul3A_327 = arith.muli %arg0, %mul3A_326 : i32
    %add3A_328 = arith.addi %mul3A_327, %arg1 : i32
    %mul3A_329 = arith.constant 80 : i32
    %mul3A_330 = arith.muli %add3A_328, %mul3A_329 : i32
    %add3A_331 = arith.constant 40 : i32
    %add3A_332 = arith.addi %mul3A_330, %add3A_331 : i32
    "tpu.region"() ({
      %run_scoped3A_444 = tpu.sem_alloc : memref<!tpu.dma_semaphore, #tpu.memory_space<semaphore_mem>>
      %dma_start3A_445 = arith.constant 0 : i32
      %dma_start3A_446 = tpu.memref_slice %arg2[%add3A_332, %dma_start3A_445] : memref<2560x128xi32, #tpu.memory_space<hbm>> -> memref<40x128xi32, #tpu.memory_space<hbm>>
      %dma_start3A_447 = arith.constant 0 : i32
      %dma_start3A_448 = tpu.memref_slice %arg2[%add3A_332, %dma_start3A_447] : memref<2560x128xi32, #tpu.memory_space<hbm>> -> memref<40x128xi32, #tpu.memory_space<hbm>>
      tpu.enqueue_dma source(%dma_start3A_448 : memref<40x128xi32, #tpu.memory_space<hbm>>) target(%arg7 : memref<40x128xi32, #tpu.memory_space<vmem>>) target_semaphore(%run_scoped3A_444 : memref<!tpu.dma_semaphore, #tpu.memory_space<semaphore_mem>>)
      %dma_wait3A_449 = arith.constant 0 : i32
      %dma_wait3A_450 = tpu.memref_slice %arg2[%add3A_332, %dma_wait3A_449] : memref<2560x128xi32, #tpu.memory_space<hbm>> -> memref<40x128xi32, #tpu.memory_space<hbm>>
      %dma_wait3A_451 = arith.constant 0 : i32
      %dma_wait3A_452 = tpu.memref_slice %arg2[%add3A_332, %dma_wait3A_451] : memref<2560x128xi32, #tpu.memory_space<hbm>> -> memref<40x128xi32, #tpu.memory_space<hbm>>
      tpu.wait_dma2 semaphore(%run_scoped3A_444 : memref<!tpu.dma_semaphore, #tpu.memory_space<semaphore_mem>>) src(%dma_wait3A_452 : memref<40x128xi32, #tpu.memory_space<hbm>>) dst(%arg7 : memref<40x128xi32, #tpu.memory_space<vmem>>)
      tpu.yield
    }) : () -> ()
    %mul3A_333 = arith.constant 16 : i32
    %mul3A_334 = arith.muli %arg0, %mul3A_333 : i32
    %add3A_335 = arith.addi %mul3A_334, %arg1 : i32
    %mul3A_336 = arith.constant 80 : i32
    %mul3A_337 = arith.muli %add3A_335, %mul3A_336 : i32
    %add3A_338 = arith.constant 40 : i32
    %add3A_339 = arith.addi %mul3A_337, %add3A_338 : i32
    "tpu.region"() ({
      %run_scoped3A_444 = tpu.sem_alloc : memref<!tpu.dma_semaphore, #tpu.memory_space<semaphore_mem>>
      %dma_start3A_445 = arith.constant 0 : i32
      %dma_start3A_446 = tpu.memref_slice %arg3[%add3A_339, %dma_start3A_445] : memref<2560x128xi32, #tpu.memory_space<hbm>> -> memref<40x128xi32, #tpu.memory_space<hbm>>
      %dma_start3A_447 = arith.constant 0 : i32
      %dma_start3A_448 = tpu.memref_slice %arg3[%add3A_339, %dma_start3A_447] : memref<2560x128xi32, #tpu.memory_space<hbm>> -> memref<40x128xi32, #tpu.memory_space<hbm>>
      tpu.enqueue_dma source(%dma_start3A_448 : memref<40x128xi32, #tpu.memory_space<hbm>>) target(%arg8 : memref<40x128xi32, #tpu.memory_space<vmem>>) target_semaphore(%run_scoped3A_444 : memref<!tpu.dma_semaphore, #tpu.memory_space<semaphore_mem>>)
      %dma_wait3A_449 = arith.constant 0 : i32
      %dma_wait3A_450 = tpu.memref_slice %arg3[%add3A_339, %dma_wait3A_449] : memref<2560x128xi32, #tpu.memory_space<hbm>> -> memref<40x128xi32, #tpu.memory_space<hbm>>
      %dma_wait3A_451 = arith.constant 0 : i32
      %dma_wait3A_452 = tpu.memref_slice %arg3[%add3A_339, %dma_wait3A_451] : memref<2560x128xi32, #tpu.memory_space<hbm>> -> memref<40x128xi32, #tpu.memory_space<hbm>>
      tpu.wait_dma2 semaphore(%run_scoped3A_444 : memref<!tpu.dma_semaphore, #tpu.memory_space<semaphore_mem>>) src(%dma_wait3A_452 : memref<40x128xi32, #tpu.memory_space<hbm>>) dst(%arg8 : memref<40x128xi32, #tpu.memory_space<vmem>>)
      tpu.yield
    }) : () -> ()
    %dma_start3A_340 = arith.constant 0 : i32
    %dma_start3A_341 = arith.constant 0 : i32
    %dma_start3A_342 = arith.constant 0 : i32
    %dma_start3A_343 = tpu.memref_slice %arg9[%dma_start3A_341, %dma_start3A_342] : memref<128x128xf32, #tpu.memory_space<vmem>> -> memref<64x128xf32, #tpu.memory_space<vmem>>
    %dma_start3A_344 = arith.constant 0 : i32
    %dma_start3A_345 = tpu.memref_slice %arg7[%dma_start3A_340, %dma_start3A_344] : memref<40x128xi32, #tpu.memory_space<vmem>> -> memref<1x64xi32, #tpu.memory_space<vmem>>
    %dma_start3A_346 = tpu.memref_squeeze %dma_start3A_345 : memref<1x64xi32, #tpu.memory_space<vmem>> -> memref<64xi32, #tpu.memory_space<vmem>>
    %dma_start3A_347 = arith.constant 0 : i32
    %dma_start3A_348 = arith.constant 0 : i32
    %dma_start3A_349 = tpu.memref_slice %arg4[%dma_start3A_347, %dma_start3A_348] : memref<10000x128xf32, #tpu.memory_space<hbm>> -> memref<10000x128xf32, #tpu.memory_space<hbm>>
    tpu.enqueue_indirect_dma source(%dma_start3A_349 : memref<10000x128xf32, #tpu.memory_space<hbm>>) target(%dma_start3A_343 : memref<64x128xf32, #tpu.memory_space<vmem>>) offsets(%dma_start3A_346 : memref<64xi32, #tpu.memory_space<vmem>>) semaphore(%arg13 : memref<!tpu.dma_semaphore, #tpu.memory_space<semaphore_mem>>)
    %dma_start3A_350 = arith.constant 0 : i32
    %dma_start3A_351 = arith.constant 64 : i32
    %dma_start3A_352 = arith.constant 0 : i32
    %dma_start3A_353 = tpu.memref_slice %arg9[%dma_start3A_351, %dma_start3A_352] : memref<128x128xf32, #tpu.memory_space<vmem>> -> memref<64x128xf32, #tpu.memory_space<vmem>>
    %dma_start3A_354 = arith.constant 64 : i32
    %dma_start3A_355 = tpu.memref_slice %arg7[%dma_start3A_350, %dma_start3A_354] : memref<40x128xi32, #tpu.memory_space<vmem>> -> memref<1x64xi32, #tpu.memory_space<vmem>>
    %dma_start3A_356 = tpu.memref_squeeze %dma_start3A_355 : memref<1x64xi32, #tpu.memory_space<vmem>> -> memref<64xi32, #tpu.memory_space<vmem>>
    %dma_start3A_357 = arith.constant 0 : i32
    %dma_start3A_358 = arith.constant 0 : i32
    %dma_start3A_359 = tpu.memref_slice %arg4[%dma_start3A_357, %dma_start3A_358] : memref<10000x128xf32, #tpu.memory_space<hbm>> -> memref<10000x128xf32, #tpu.memory_space<hbm>>
    tpu.enqueue_indirect_dma source(%dma_start3A_359 : memref<10000x128xf32, #tpu.memory_space<hbm>>) target(%dma_start3A_353 : memref<64x128xf32, #tpu.memory_space<vmem>>) offsets(%dma_start3A_356 : memref<64xi32, #tpu.memory_space<vmem>>) semaphore(%arg15 : memref<!tpu.dma_semaphore, #tpu.memory_space<semaphore_mem>>)
    %dma_start3A_360 = arith.constant 1 : i32
    %dma_start3A_361 = arith.constant 0 : i32
    %dma_start3A_362 = arith.constant 0 : i32
    %dma_start3A_363 = tpu.memref_slice %arg10[%dma_start3A_361, %dma_start3A_362] : memref<128x128xf32, #tpu.memory_space<vmem>> -> memref<64x128xf32, #tpu.memory_space<vmem>>
    %dma_start3A_364 = arith.constant 0 : i32
    %dma_start3A_365 = tpu.memref_slice %arg7[%dma_start3A_360, %dma_start3A_364] : memref<40x128xi32, #tpu.memory_space<vmem>> -> memref<1x64xi32, #tpu.memory_space<vmem>>
    %dma_start3A_366 = tpu.memref_squeeze %dma_start3A_365 : memref<1x64xi32, #tpu.memory_space<vmem>> -> memref<64xi32, #tpu.memory_space<vmem>>
    %dma_start3A_367 = arith.constant 0 : i32
    %dma_start3A_368 = arith.constant 0 : i32
    %dma_start3A_369 = tpu.memref_slice %arg4[%dma_start3A_367, %dma_start3A_368] : memref<10000x128xf32, #tpu.memory_space<hbm>> -> memref<10000x128xf32, #tpu.memory_space<hbm>>
    tpu.enqueue_indirect_dma source(%dma_start3A_369 : memref<10000x128xf32, #tpu.memory_space<hbm>>) target(%dma_start3A_363 : memref<64x128xf32, #tpu.memory_space<vmem>>) offsets(%dma_start3A_366 : memref<64xi32, #tpu.memory_space<vmem>>) semaphore(%arg14 : memref<!tpu.dma_semaphore, #tpu.memory_space<semaphore_mem>>)
    %dma_start3A_370 = arith.constant 1 : i32
    %dma_start3A_371 = arith.constant 64 : i32
    %dma_start3A_372 = arith.constant 0 : i32
    %dma_start3A_373 = tpu.memref_slice %arg10[%dma_start3A_371, %dma_start3A_372] : memref<128x128xf32, #tpu.memory_space<vmem>> -> memref<64x128xf32, #tpu.memory_space<vmem>>
    %dma_start3A_374 = arith.constant 64 : i32
    %dma_start3A_375 = tpu.memref_slice %arg7[%dma_start3A_370, %dma_start3A_374] : memref<40x128xi32, #tpu.memory_space<vmem>> -> memref<1x64xi32, #tpu.memory_space<vmem>>
    %dma_start3A_376 = tpu.memref_squeeze %dma_start3A_375 : memref<1x64xi32, #tpu.memory_space<vmem>> -> memref<64xi32, #tpu.memory_space<vmem>>
    %dma_start3A_377 = arith.constant 0 : i32
    %dma_start3A_378 = arith.constant 0 : i32
    %dma_start3A_379 = tpu.memref_slice %arg4[%dma_start3A_377, %dma_start3A_378] : memref<10000x128xf32, #tpu.memory_space<hbm>> -> memref<10000x128xf32, #tpu.memory_space<hbm>>
    tpu.enqueue_indirect_dma source(%dma_start3A_379 : memref<10000x128xf32, #tpu.memory_space<hbm>>) target(%dma_start3A_373 : memref<64x128xf32, #tpu.memory_space<vmem>>) offsets(%dma_start3A_376 : memref<64xi32, #tpu.memory_space<vmem>>) semaphore(%arg16 : memref<!tpu.dma_semaphore, #tpu.memory_space<semaphore_mem>>)
    %scan3A_380 = arith.constant 0 : i32
    %scan3A_381 = arith.constant 19 : i32
    %scan3A_382 = arith.addi %scan3A_380, %scan3A_381 : i32
    %scan3A_383 = arith.constant 1 : i32
    scf.for %scan3A_444 = %scan3A_380 to %scan3A_382 step %scan3A_383  : i32 {
      %mul3A_445 = arith.constant 1 : i32
      %mul3A_446 = arith.muli %scan3A_444, %mul3A_445 : i32
      %add3A_447 = arith.constant 0 : i32
      %add3A_448 = arith.addi %add3A_447, %mul3A_446 : i32
      %mul3A_449 = arith.constant 2 : i32
      %mul3A_450 = arith.muli %mul3A_449, %add3A_448 : i32
      %dma_wait3A_451 = arith.constant 0 : i32
      %dma_wait3A_452 = arith.constant 0 : i32
      %dma_wait3A_453 = tpu.memref_slice %arg9[%dma_wait3A_451, %dma_wait3A_452] : memref<128x128xf32, #tpu.memory_space<vmem>> -> memref<64x128xf32, #tpu.memory_space<vmem>>
      %dma_wait3A_454 = arith.constant 0 : i32
      %dma_wait3A_455 = tpu.memref_slice %arg7[%mul3A_450, %dma_wait3A_454] : memref<40x128xi32, #tpu.memory_space<vmem>> -> memref<1x64xi32, #tpu.memory_space<vmem>>
      %dma_wait3A_456 = tpu.memref_squeeze %dma_wait3A_455 : memref<1x64xi32, #tpu.memory_space<vmem>> -> memref<64xi32, #tpu.memory_space<vmem>>
      %dma_wait3A_457 = arith.constant 0 : i32
      %dma_wait3A_458 = arith.constant 0 : i32
      %dma_wait3A_459 = tpu.memref_slice %arg4[%dma_wait3A_457, %dma_wait3A_458] : memref<10000x128xf32, #tpu.memory_space<hbm>> -> memref<10000x128xf32, #tpu.memory_space<hbm>>
      tpu.wait_indirect_dma semaphore(%arg13 : memref<!tpu.dma_semaphore, #tpu.memory_space<semaphore_mem>>) src(%dma_wait3A_459 : memref<10000x128xf32, #tpu.memory_space<hbm>>) dst(%dma_wait3A_453 : memref<64x128xf32, #tpu.memory_space<vmem>>)
      %dma_wait3A_460 = arith.constant 64 : i32
      %dma_wait3A_461 = arith.constant 0 : i32
      %dma_wait3A_462 = tpu.memref_slice %arg9[%dma_wait3A_460, %dma_wait3A_461] : memref<128x128xf32, #tpu.memory_space<vmem>> -> memref<64x128xf32, #tpu.memory_space<vmem>>
      %dma_wait3A_463 = arith.constant 64 : i32
      %dma_wait3A_464 = tpu.memref_slice %arg7[%mul3A_450, %dma_wait3A_463] : memref<40x128xi32, #tpu.memory_space<vmem>> -> memref<1x64xi32, #tpu.memory_space<vmem>>
      %dma_wait3A_465 = tpu.memref_squeeze %dma_wait3A_464 : memref<1x64xi32, #tpu.memory_space<vmem>> -> memref<64xi32, #tpu.memory_space<vmem>>
      %dma_wait3A_466 = arith.constant 0 : i32
      %dma_wait3A_467 = arith.constant 0 : i32
      %dma_wait3A_468 = tpu.memref_slice %arg4[%dma_wait3A_466, %dma_wait3A_467] : memref<10000x128xf32, #tpu.memory_space<hbm>> -> memref<10000x128xf32, #tpu.memory_space<hbm>>
      tpu.wait_indirect_dma semaphore(%arg15 : memref<!tpu.dma_semaphore, #tpu.memory_space<semaphore_mem>>) src(%dma_wait3A_468 : memref<10000x128xf32, #tpu.memory_space<hbm>>) dst(%dma_wait3A_462 : memref<64x128xf32, #tpu.memory_space<vmem>>)
      "tpu.region"() ({
        %run_scoped3A_531 = tpu.sem_alloc : memref<!tpu.dma_semaphore, #tpu.memory_space<semaphore_mem>>
        %dma_start3A_532 = arith.constant 0 : i32
        %dma_start3A_533 = tpu.memref_slice %arg8[%mul3A_450, %dma_start3A_532] : memref<40x128xi32, #tpu.memory_space<vmem>> -> memref<1x128xi32, #tpu.memory_space<vmem>>
        %dma_start3A_534 = tpu.memref_squeeze %dma_start3A_533 : memref<1x128xi32, #tpu.memory_space<vmem>> -> memref<128xi32, #tpu.memory_space<vmem>>
        %dma_start3A_535 = arith.constant 0 : i32
        %dma_start3A_536 = arith.constant 0 : i32
        %dma_start3A_537 = tpu.memref_slice %arg11[%dma_start3A_535, %dma_start3A_536] : memref<10240x128xf32, #tpu.memory_space<vmem_shared>> -> memref<10240x128xf32, #tpu.memory_space<vmem_shared>>
        tpu.enqueue_indirect_dma source(%arg9 : memref<128x128xf32, #tpu.memory_space<vmem>>) target(%dma_start3A_537 : memref<10240x128xf32, #tpu.memory_space<vmem_shared>>) offsets(%dma_start3A_534 : memref<128xi32, #tpu.memory_space<vmem>>) semaphore(%run_scoped3A_531 : memref<!tpu.dma_semaphore, #tpu.memory_space<semaphore_mem>>) {add = true}
        %dma_wait3A_538 = arith.constant 0 : i32
        %dma_wait3A_539 = tpu.memref_slice %arg8[%mul3A_450, %dma_wait3A_538] : memref<40x128xi32, #tpu.memory_space<vmem>> -> memref<1x128xi32, #tpu.memory_space<vmem>>
        %dma_wait3A_540 = tpu.memref_squeeze %dma_wait3A_539 : memref<1x128xi32, #tpu.memory_space<vmem>> -> memref<128xi32, #tpu.memory_space<vmem>>
        %dma_wait3A_541 = arith.constant 0 : i32
        %dma_wait3A_542 = arith.constant 0 : i32
        %dma_wait3A_543 = tpu.memref_slice %arg11[%dma_wait3A_541, %dma_wait3A_542] : memref<10240x128xf32, #tpu.memory_space<vmem_shared>> -> memref<10240x128xf32, #tpu.memory_space<vmem_shared>>
        tpu.wait_indirect_dma semaphore(%run_scoped3A_531 : memref<!tpu.dma_semaphore, #tpu.memory_space<semaphore_mem>>) src(%arg9 : memref<128x128xf32, #tpu.memory_space<vmem>>) dst(%dma_wait3A_543 : memref<10240x128xf32, #tpu.memory_space<vmem_shared>>)
        tpu.yield
      }) : () -> ()
      %add3A_469 = arith.constant 2 : i32
      %add3A_470 = arith.addi %mul3A_450, %add3A_469 : i32
      %dma_start3A_471 = arith.constant 0 : i32
      %dma_start3A_472 = arith.constant 0 : i32
      %dma_start3A_473 = tpu.memref_slice %arg9[%dma_start3A_471, %dma_start3A_472] : memref<128x128xf32, #tpu.memory_space<vmem>> -> memref<64x128xf32, #tpu.memory_space<vmem>>
      %dma_start3A_474 = arith.constant 0 : i32
      %dma_start3A_475 = tpu.memref_slice %arg7[%add3A_470, %dma_start3A_474] : memref<40x128xi32, #tpu.memory_space<vmem>> -> memref<1x64xi32, #tpu.memory_space<vmem>>
      %dma_start3A_476 = tpu.memref_squeeze %dma_start3A_475 : memref<1x64xi32, #tpu.memory_space<vmem>> -> memref<64xi32, #tpu.memory_space<vmem>>
      %dma_start3A_477 = arith.constant 0 : i32
      %dma_start3A_478 = arith.constant 0 : i32
      %dma_start3A_479 = tpu.memref_slice %arg4[%dma_start3A_477, %dma_start3A_478] : memref<10000x128xf32, #tpu.memory_space<hbm>> -> memref<10000x128xf32, #tpu.memory_space<hbm>>
      tpu.enqueue_indirect_dma source(%dma_start3A_479 : memref<10000x128xf32, #tpu.memory_space<hbm>>) target(%dma_start3A_473 : memref<64x128xf32, #tpu.memory_space<vmem>>) offsets(%dma_start3A_476 : memref<64xi32, #tpu.memory_space<vmem>>) semaphore(%arg13 : memref<!tpu.dma_semaphore, #tpu.memory_space<semaphore_mem>>)
      %dma_start3A_480 = arith.constant 64 : i32
      %dma_start3A_481 = arith.constant 0 : i32
      %dma_start3A_482 = tpu.memref_slice %arg9[%dma_start3A_480, %dma_start3A_481] : memref<128x128xf32, #tpu.memory_space<vmem>> -> memref<64x128xf32, #tpu.memory_space<vmem>>
      %dma_start3A_483 = arith.constant 64 : i32
      %dma_start3A_484 = tpu.memref_slice %arg7[%add3A_470, %dma_start3A_483] : memref<40x128xi32, #tpu.memory_space<vmem>> -> memref<1x64xi32, #tpu.memory_space<vmem>>
      %dma_start3A_485 = tpu.memref_squeeze %dma_start3A_484 : memref<1x64xi32, #tpu.memory_space<vmem>> -> memref<64xi32, #tpu.memory_space<vmem>>
      %dma_start3A_486 = arith.constant 0 : i32
      %dma_start3A_487 = arith.constant 0 : i32
      %dma_start3A_488 = tpu.memref_slice %arg4[%dma_start3A_486, %dma_start3A_487] : memref<10000x128xf32, #tpu.memory_space<hbm>> -> memref<10000x128xf32, #tpu.memory_space<hbm>>
      tpu.enqueue_indirect_dma source(%dma_start3A_488 : memref<10000x128xf32, #tpu.memory_space<hbm>>) target(%dma_start3A_482 : memref<64x128xf32, #tpu.memory_space<vmem>>) offsets(%dma_start3A_485 : memref<64xi32, #tpu.memory_space<vmem>>) semaphore(%arg15 : memref<!tpu.dma_semaphore, #tpu.memory_space<semaphore_mem>>)
      %add3A_489 = arith.constant 1 : i32
      %add3A_490 = arith.addi %mul3A_450, %add3A_489 : i32
      %dma_wait3A_491 = arith.constant 0 : i32
      %dma_wait3A_492 = arith.constant 0 : i32
      %dma_wait3A_493 = tpu.memref_slice %arg10[%dma_wait3A_491, %dma_wait3A_492] : memref<128x128xf32, #tpu.memory_space<vmem>> -> memref<64x128xf32, #tpu.memory_space<vmem>>
      %dma_wait3A_494 = arith.constant 0 : i32
      %dma_wait3A_495 = tpu.memref_slice %arg7[%add3A_490, %dma_wait3A_494] : memref<40x128xi32, #tpu.memory_space<vmem>> -> memref<1x64xi32, #tpu.memory_space<vmem>>
      %dma_wait3A_496 = tpu.memref_squeeze %dma_wait3A_495 : memref<1x64xi32, #tpu.memory_space<vmem>> -> memref<64xi32, #tpu.memory_space<vmem>>
      %dma_wait3A_497 = arith.constant 0 : i32
      %dma_wait3A_498 = arith.constant 0 : i32
      %dma_wait3A_499 = tpu.memref_slice %arg4[%dma_wait3A_497, %dma_wait3A_498] : memref<10000x128xf32, #tpu.memory_space<hbm>> -> memref<10000x128xf32, #tpu.memory_space<hbm>>
      tpu.wait_indirect_dma semaphore(%arg14 : memref<!tpu.dma_semaphore, #tpu.memory_space<semaphore_mem>>) src(%dma_wait3A_499 : memref<10000x128xf32, #tpu.memory_space<hbm>>) dst(%dma_wait3A_493 : memref<64x128xf32, #tpu.memory_space<vmem>>)
      %dma_wait3A_500 = arith.constant 64 : i32
      %dma_wait3A_501 = arith.constant 0 : i32
      %dma_wait3A_502 = tpu.memref_slice %arg10[%dma_wait3A_500, %dma_wait3A_501] : memref<128x128xf32, #tpu.memory_space<vmem>> -> memref<64x128xf32, #tpu.memory_space<vmem>>
      %dma_wait3A_503 = arith.constant 64 : i32
      %dma_wait3A_504 = tpu.memref_slice %arg7[%add3A_490, %dma_wait3A_503] : memref<40x128xi32, #tpu.memory_space<vmem>> -> memref<1x64xi32, #tpu.memory_space<vmem>>
      %dma_wait3A_505 = tpu.memref_squeeze %dma_wait3A_504 : memref<1x64xi32, #tpu.memory_space<vmem>> -> memref<64xi32, #tpu.memory_space<vmem>>
      %dma_wait3A_506 = arith.constant 0 : i32
      %dma_wait3A_507 = arith.constant 0 : i32
      %dma_wait3A_508 = tpu.memref_slice %arg4[%dma_wait3A_506, %dma_wait3A_507] : memref<10000x128xf32, #tpu.memory_space<hbm>> -> memref<10000x128xf32, #tpu.memory_space<hbm>>
      tpu.wait_indirect_dma semaphore(%arg16 : memref<!tpu.dma_semaphore, #tpu.memory_space<semaphore_mem>>) src(%dma_wait3A_508 : memref<10000x128xf32, #tpu.memory_space<hbm>>) dst(%dma_wait3A_502 : memref<64x128xf32, #tpu.memory_space<vmem>>)
      %add3A_509 = arith.constant 1 : i32
      %add3A_510 = arith.addi %mul3A_450, %add3A_509 : i32
      "tpu.region"() ({
        %run_scoped3A_531 = tpu.sem_alloc : memref<!tpu.dma_semaphore, #tpu.memory_space<semaphore_mem>>
        %dma_start3A_532 = arith.constant 0 : i32
        %dma_start3A_533 = tpu.memref_slice %arg8[%add3A_510, %dma_start3A_532] : memref<40x128xi32, #tpu.memory_space<vmem>> -> memref<1x128xi32, #tpu.memory_space<vmem>>
        %dma_start3A_534 = tpu.memref_squeeze %dma_start3A_533 : memref<1x128xi32, #tpu.memory_space<vmem>> -> memref<128xi32, #tpu.memory_space<vmem>>
        %dma_start3A_535 = arith.constant 0 : i32
        %dma_start3A_536 = arith.constant 0 : i32
        %dma_start3A_537 = tpu.memref_slice %arg11[%dma_start3A_535, %dma_start3A_536] : memref<10240x128xf32, #tpu.memory_space<vmem_shared>> -> memref<10240x128xf32, #tpu.memory_space<vmem_shared>>
        tpu.enqueue_indirect_dma source(%arg10 : memref<128x128xf32, #tpu.memory_space<vmem>>) target(%dma_start3A_537 : memref<10240x128xf32, #tpu.memory_space<vmem_shared>>) offsets(%dma_start3A_534 : memref<128xi32, #tpu.memory_space<vmem>>) semaphore(%run_scoped3A_531 : memref<!tpu.dma_semaphore, #tpu.memory_space<semaphore_mem>>) {add = true}
        %dma_wait3A_538 = arith.constant 0 : i32
        %dma_wait3A_539 = tpu.memref_slice %arg8[%add3A_510, %dma_wait3A_538] : memref<40x128xi32, #tpu.memory_space<vmem>> -> memref<1x128xi32, #tpu.memory_space<vmem>>
        %dma_wait3A_540 = tpu.memref_squeeze %dma_wait3A_539 : memref<1x128xi32, #tpu.memory_space<vmem>> -> memref<128xi32, #tpu.memory_space<vmem>>
        %dma_wait3A_541 = arith.constant 0 : i32
        %dma_wait3A_542 = arith.constant 0 : i32
        %dma_wait3A_543 = tpu.memref_slice %arg11[%dma_wait3A_541, %dma_wait3A_542] : memref<10240x128xf32, #tpu.memory_space<vmem_shared>> -> memref<10240x128xf32, #tpu.memory_space<vmem_shared>>
        tpu.wait_indirect_dma semaphore(%run_scoped3A_531 : memref<!tpu.dma_semaphore, #tpu.memory_space<semaphore_mem>>) src(%arg10 : memref<128x128xf32, #tpu.memory_space<vmem>>) dst(%dma_wait3A_543 : memref<10240x128xf32, #tpu.memory_space<vmem_shared>>)
        tpu.yield
      }) : () -> ()
      %add3A_511 = arith.constant 3 : i32
      %add3A_512 = arith.addi %mul3A_450, %add3A_511 : i32
      %dma_start3A_513 = arith.constant 0 : i32
      %dma_start3A_514 = arith.constant 0 : i32
      %dma_start3A_515 = tpu.memref_slice %arg10[%dma_start3A_513, %dma_start3A_514] : memref<128x128xf32, #tpu.memory_space<vmem>> -> memref<64x128xf32, #tpu.memory_space<vmem>>
      %dma_start3A_516 = arith.constant 0 : i32
      %dma_start3A_517 = tpu.memref_slice %arg7[%add3A_512, %dma_start3A_516] : memref<40x128xi32, #tpu.memory_space<vmem>> -> memref<1x64xi32, #tpu.memory_space<vmem>>
      %dma_start3A_518 = tpu.memref_squeeze %dma_start3A_517 : memref<1x64xi32, #tpu.memory_space<vmem>> -> memref<64xi32, #tpu.memory_space<vmem>>
      %dma_start3A_519 = arith.constant 0 : i32
      %dma_start3A_520 = arith.constant 0 : i32
      %dma_start3A_521 = tpu.memref_slice %arg4[%dma_start3A_519, %dma_start3A_520] : memref<10000x128xf32, #tpu.memory_space<hbm>> -> memref<10000x128xf32, #tpu.memory_space<hbm>>
      tpu.enqueue_indirect_dma source(%dma_start3A_521 : memref<10000x128xf32, #tpu.memory_space<hbm>>) target(%dma_start3A_515 : memref<64x128xf32, #tpu.memory_space<vmem>>) offsets(%dma_start3A_518 : memref<64xi32, #tpu.memory_space<vmem>>) semaphore(%arg14 : memref<!tpu.dma_semaphore, #tpu.memory_space<semaphore_mem>>)
      %dma_start3A_522 = arith.constant 64 : i32
      %dma_start3A_523 = arith.constant 0 : i32
      %dma_start3A_524 = tpu.memref_slice %arg10[%dma_start3A_522, %dma_start3A_523] : memref<128x128xf32, #tpu.memory_space<vmem>> -> memref<64x128xf32, #tpu.memory_space<vmem>>
      %dma_start3A_525 = arith.constant 64 : i32
      %dma_start3A_526 = tpu.memref_slice %arg7[%add3A_512, %dma_start3A_525] : memref<40x128xi32, #tpu.memory_space<vmem>> -> memref<1x64xi32, #tpu.memory_space<vmem>>
      %dma_start3A_527 = tpu.memref_squeeze %dma_start3A_526 : memref<1x64xi32, #tpu.memory_space<vmem>> -> memref<64xi32, #tpu.memory_space<vmem>>
      %dma_start3A_528 = arith.constant 0 : i32
      %dma_start3A_529 = arith.constant 0 : i32
      %dma_start3A_530 = tpu.memref_slice %arg4[%dma_start3A_528, %dma_start3A_529] : memref<10000x128xf32, #tpu.memory_space<hbm>> -> memref<10000x128xf32, #tpu.memory_space<hbm>>
      tpu.enqueue_indirect_dma source(%dma_start3A_530 : memref<10000x128xf32, #tpu.memory_space<hbm>>) target(%dma_start3A_524 : memref<64x128xf32, #tpu.memory_space<vmem>>) offsets(%dma_start3A_527 : memref<64xi32, #tpu.memory_space<vmem>>) semaphore(%arg16 : memref<!tpu.dma_semaphore, #tpu.memory_space<semaphore_mem>>)
    }
    %scan3A_384 = arith.constant 19 : i32
    %dma_wait3A_385 = arith.constant 38 : i32
    %dma_wait3A_386 = arith.constant 0 : i32
    %dma_wait3A_387 = arith.constant 0 : i32
    %dma_wait3A_388 = tpu.memref_slice %arg9[%dma_wait3A_386, %dma_wait3A_387] : memref<128x128xf32, #tpu.memory_space<vmem>> -> memref<64x128xf32, #tpu.memory_space<vmem>>
    %dma_wait3A_389 = arith.constant 0 : i32
    %dma_wait3A_390 = tpu.memref_slice %arg7[%dma_wait3A_385, %dma_wait3A_389] : memref<40x128xi32, #tpu.memory_space<vmem>> -> memref<1x64xi32, #tpu.memory_space<vmem>>
    %dma_wait3A_391 = tpu.memref_squeeze %dma_wait3A_390 : memref<1x64xi32, #tpu.memory_space<vmem>> -> memref<64xi32, #tpu.memory_space<vmem>>
    %dma_wait3A_392 = arith.constant 0 : i32
    %dma_wait3A_393 = arith.constant 0 : i32
    %dma_wait3A_394 = tpu.memref_slice %arg4[%dma_wait3A_392, %dma_wait3A_393] : memref<10000x128xf32, #tpu.memory_space<hbm>> -> memref<10000x128xf32, #tpu.memory_space<hbm>>
    tpu.wait_indirect_dma semaphore(%arg13 : memref<!tpu.dma_semaphore, #tpu.memory_space<semaphore_mem>>) src(%dma_wait3A_394 : memref<10000x128xf32, #tpu.memory_space<hbm>>) dst(%dma_wait3A_388 : memref<64x128xf32, #tpu.memory_space<vmem>>)
    %dma_wait3A_395 = arith.constant 38 : i32
    %dma_wait3A_396 = arith.constant 64 : i32
    %dma_wait3A_397 = arith.constant 0 : i32
    %dma_wait3A_398 = tpu.memref_slice %arg9[%dma_wait3A_396, %dma_wait3A_397] : memref<128x128xf32, #tpu.memory_space<vmem>> -> memref<64x128xf32, #tpu.memory_space<vmem>>
    %dma_wait3A_399 = arith.constant 64 : i32
    %dma_wait3A_400 = tpu.memref_slice %arg7[%dma_wait3A_395, %dma_wait3A_399] : memref<40x128xi32, #tpu.memory_space<vmem>> -> memref<1x64xi32, #tpu.memory_space<vmem>>
    %dma_wait3A_401 = tpu.memref_squeeze %dma_wait3A_400 : memref<1x64xi32, #tpu.memory_space<vmem>> -> memref<64xi32, #tpu.memory_space<vmem>>
    %dma_wait3A_402 = arith.constant 0 : i32
    %dma_wait3A_403 = arith.constant 0 : i32
    %dma_wait3A_404 = tpu.memref_slice %arg4[%dma_wait3A_402, %dma_wait3A_403] : memref<10000x128xf32, #tpu.memory_space<hbm>> -> memref<10000x128xf32, #tpu.memory_space<hbm>>
    tpu.wait_indirect_dma semaphore(%arg15 : memref<!tpu.dma_semaphore, #tpu.memory_space<semaphore_mem>>) src(%dma_wait3A_404 : memref<10000x128xf32, #tpu.memory_space<hbm>>) dst(%dma_wait3A_398 : memref<64x128xf32, #tpu.memory_space<vmem>>)
    %run_scoped3A_405 = arith.constant 38 : i32
    "tpu.region"() ({
      %run_scoped3A_444 = tpu.sem_alloc : memref<!tpu.dma_semaphore, #tpu.memory_space<semaphore_mem>>
      %dma_start3A_445 = arith.constant 0 : i32
      %dma_start3A_446 = tpu.memref_slice %arg8[%run_scoped3A_405, %dma_start3A_445] : memref<40x128xi32, #tpu.memory_space<vmem>> -> memref<1x128xi32, #tpu.memory_space<vmem>>
      %dma_start3A_447 = tpu.memref_squeeze %dma_start3A_446 : memref<1x128xi32, #tpu.memory_space<vmem>> -> memref<128xi32, #tpu.memory_space<vmem>>
      %dma_start3A_448 = arith.constant 0 : i32
      %dma_start3A_449 = arith.constant 0 : i32
      %dma_start3A_450 = tpu.memref_slice %arg11[%dma_start3A_448, %dma_start3A_449] : memref<10240x128xf32, #tpu.memory_space<vmem_shared>> -> memref<10240x128xf32, #tpu.memory_space<vmem_shared>>
      tpu.enqueue_indirect_dma source(%arg9 : memref<128x128xf32, #tpu.memory_space<vmem>>) target(%dma_start3A_450 : memref<10240x128xf32, #tpu.memory_space<vmem_shared>>) offsets(%dma_start3A_447 : memref<128xi32, #tpu.memory_space<vmem>>) semaphore(%run_scoped3A_444 : memref<!tpu.dma_semaphore, #tpu.memory_space<semaphore_mem>>) {add = true}
      %dma_wait3A_451 = arith.constant 0 : i32
      %dma_wait3A_452 = tpu.memref_slice %arg8[%run_scoped3A_405, %dma_wait3A_451] : memref<40x128xi32, #tpu.memory_space<vmem>> -> memref<1x128xi32, #tpu.memory_space<vmem>>
      %dma_wait3A_453 = tpu.memref_squeeze %dma_wait3A_452 : memref<1x128xi32, #tpu.memory_space<vmem>> -> memref<128xi32, #tpu.memory_space<vmem>>
      %dma_wait3A_454 = arith.constant 0 : i32
      %dma_wait3A_455 = arith.constant 0 : i32
      %dma_wait3A_456 = tpu.memref_slice %arg11[%dma_wait3A_454, %dma_wait3A_455] : memref<10240x128xf32, #tpu.memory_space<vmem_shared>> -> memref<10240x128xf32, #tpu.memory_space<vmem_shared>>
      tpu.wait_indirect_dma semaphore(%run_scoped3A_444 : memref<!tpu.dma_semaphore, #tpu.memory_space<semaphore_mem>>) src(%arg9 : memref<128x128xf32, #tpu.memory_space<vmem>>) dst(%dma_wait3A_456 : memref<10240x128xf32, #tpu.memory_space<vmem_shared>>)
      tpu.yield
    }) : () -> ()
    %dma_wait3A_406 = arith.constant 39 : i32
    %dma_wait3A_407 = arith.constant 0 : i32
    %dma_wait3A_408 = arith.constant 0 : i32
    %dma_wait3A_409 = tpu.memref_slice %arg10[%dma_wait3A_407, %dma_wait3A_408] : memref<128x128xf32, #tpu.memory_space<vmem>> -> memref<64x128xf32, #tpu.memory_space<vmem>>
    %dma_wait3A_410 = arith.constant 0 : i32
    %dma_wait3A_411 = tpu.memref_slice %arg7[%dma_wait3A_406, %dma_wait3A_410] : memref<40x128xi32, #tpu.memory_space<vmem>> -> memref<1x64xi32, #tpu.memory_space<vmem>>
    %dma_wait3A_412 = tpu.memref_squeeze %dma_wait3A_411 : memref<1x64xi32, #tpu.memory_space<vmem>> -> memref<64xi32, #tpu.memory_space<vmem>>
    %dma_wait3A_413 = arith.constant 0 : i32
    %dma_wait3A_414 = arith.constant 0 : i32
    %dma_wait3A_415 = tpu.memref_slice %arg4[%dma_wait3A_413, %dma_wait3A_414] : memref<10000x128xf32, #tpu.memory_space<hbm>> -> memref<10000x128xf32, #tpu.memory_space<hbm>>
    tpu.wait_indirect_dma semaphore(%arg14 : memref<!tpu.dma_semaphore, #tpu.memory_space<semaphore_mem>>) src(%dma_wait3A_415 : memref<10000x128xf32, #tpu.memory_space<hbm>>) dst(%dma_wait3A_409 : memref<64x128xf32, #tpu.memory_space<vmem>>)
    %dma_wait3A_416 = arith.constant 39 : i32
    %dma_wait3A_417 = arith.constant 64 : i32
    %dma_wait3A_418 = arith.constant 0 : i32
    %dma_wait3A_419 = tpu.memref_slice %arg10[%dma_wait3A_417, %dma_wait3A_418] : memref<128x128xf32, #tpu.memory_space<vmem>> -> memref<64x128xf32, #tpu.memory_space<vmem>>
    %dma_wait3A_420 = arith.constant 64 : i32
    %dma_wait3A_421 = tpu.memref_slice %arg7[%dma_wait3A_416, %dma_wait3A_420] : memref<40x128xi32, #tpu.memory_space<vmem>> -> memref<1x64xi32, #tpu.memory_space<vmem>>
    %dma_wait3A_422 = tpu.memref_squeeze %dma_wait3A_421 : memref<1x64xi32, #tpu.memory_space<vmem>> -> memref<64xi32, #tpu.memory_space<vmem>>
    %dma_wait3A_423 = arith.constant 0 : i32
    %dma_wait3A_424 = arith.constant 0 : i32
    %dma_wait3A_425 = tpu.memref_slice %arg4[%dma_wait3A_423, %dma_wait3A_424] : memref<10000x128xf32, #tpu.memory_space<hbm>> -> memref<10000x128xf32, #tpu.memory_space<hbm>>
    tpu.wait_indirect_dma semaphore(%arg16 : memref<!tpu.dma_semaphore, #tpu.memory_space<semaphore_mem>>) src(%dma_wait3A_425 : memref<10000x128xf32, #tpu.memory_space<hbm>>) dst(%dma_wait3A_419 : memref<64x128xf32, #tpu.memory_space<vmem>>)
    %run_scoped3A_426 = arith.constant 39 : i32
    "tpu.region"() ({
      %run_scoped3A_444 = tpu.sem_alloc : memref<!tpu.dma_semaphore, #tpu.memory_space<semaphore_mem>>
      %dma_start3A_445 = arith.constant 0 : i32
      %dma_start3A_446 = tpu.memref_slice %arg8[%run_scoped3A_426, %dma_start3A_445] : memref<40x128xi32, #tpu.memory_space<vmem>> -> memref<1x128xi32, #tpu.memory_space<vmem>>
      %dma_start3A_447 = tpu.memref_squeeze %dma_start3A_446 : memref<1x128xi32, #tpu.memory_space<vmem>> -> memref<128xi32, #tpu.memory_space<vmem>>
      %dma_start3A_448 = arith.constant 0 : i32
      %dma_start3A_449 = arith.constant 0 : i32
      %dma_start3A_450 = tpu.memref_slice %arg11[%dma_start3A_448, %dma_start3A_449] : memref<10240x128xf32, #tpu.memory_space<vmem_shared>> -> memref<10240x128xf32, #tpu.memory_space<vmem_shared>>
      tpu.enqueue_indirect_dma source(%arg10 : memref<128x128xf32, #tpu.memory_space<vmem>>) target(%dma_start3A_450 : memref<10240x128xf32, #tpu.memory_space<vmem_shared>>) offsets(%dma_start3A_447 : memref<128xi32, #tpu.memory_space<vmem>>) semaphore(%run_scoped3A_444 : memref<!tpu.dma_semaphore, #tpu.memory_space<semaphore_mem>>) {add = true}
      %dma_wait3A_451 = arith.constant 0 : i32
      %dma_wait3A_452 = tpu.memref_slice %arg8[%run_scoped3A_426, %dma_wait3A_451] : memref<40x128xi32, #tpu.memory_space<vmem>> -> memref<1x128xi32, #tpu.memory_space<vmem>>
      %dma_wait3A_453 = tpu.memref_squeeze %dma_wait3A_452 : memref<1x128xi32, #tpu.memory_space<vmem>> -> memref<128xi32, #tpu.memory_space<vmem>>
      %dma_wait3A_454 = arith.constant 0 : i32
      %dma_wait3A_455 = arith.constant 0 : i32
      %dma_wait3A_456 = tpu.memref_slice %arg11[%dma_wait3A_454, %dma_wait3A_455] : memref<10240x128xf32, #tpu.memory_space<vmem_shared>> -> memref<10240x128xf32, #tpu.memory_space<vmem_shared>>
      tpu.wait_indirect_dma semaphore(%run_scoped3A_444 : memref<!tpu.dma_semaphore, #tpu.memory_space<semaphore_mem>>) src(%arg10 : memref<128x128xf32, #tpu.memory_space<vmem>>) dst(%dma_wait3A_456 : memref<10240x128xf32, #tpu.memory_space<vmem_shared>>)
      tpu.yield
    }) : () -> ()
    %barrier3A_427 = arith.constant 0 : index
    tpu.barrier barrier_id(%barrier3A_427)
    %sub3A = arith.constant 0 : i32
    %sub3A_428 = arith.subi %select_n3A, %sub3A : i32
    %sub3A_429 = arith.constant 1 : i32
    %sub3A_430 = arith.constant 1 : i32
    %sub3A_431 = arith.subi %sub3A_429, %sub3A_430 : i32
    %add3A_432 = arith.addi %sub3A_428, %sub3A_431 : i32
    %div3A = arith.constant 1 : i32
    %div3A_433 = arith.divsi %add3A_432, %div3A : i32
    %while3A = arith.constant 1 : i32
    %while3A_434 = arith.constant 0 : i32
    %while3A_435 = arith.constant 0 : i32
    %while3A_436 = arith.subi %div3A_433, %while3A_435 : i32
    %while3A_437 = arith.addi %while3A_435, %while3A_436 : i32
    %while3A_438 = arith.constant 1 : i32
    %while3A_439 = arith.divsi %while3A_436, %while3A_438 : i32
    %while3A_440 = arith.muli %while3A_439, %while3A_438 : i32
    %while3A_441 = arith.addi %while3A_435, %while3A_440 : i32
    %while3A_442 = arith.constant 1 : i32
    scf.for %while3A_444 = %while3A_435 to %while3A_441 step %while3A_442  : i32 {
      %mul3A_445 = arith.muli %while3A_444, %while3A : i32
      %add3A_446 = arith.addi %while3A_434, %mul3A_445 : i32
      %mul3A_447 = arith.constant 640 : i32
      %mul3A_448 = arith.muli %arg1, %mul3A_447 : i32
      %mul3A_449 = arith.constant 80 : i32
      %mul3A_450 = arith.muli %add3A_446, %mul3A_449 : i32
      %add3A_451 = arith.addi %mul3A_448, %mul3A_450 : i32
      "tpu.region"() ({
        %run_scoped3A_459 = tpu.sem_alloc : memref<!tpu.dma_semaphore, #tpu.memory_space<semaphore_mem>>
        %dma_start3A_460 = arith.constant 0 : i32
        %dma_start3A_461 = arith.constant 0 : i32
        %dma_start3A_462 = tpu.memref_slice %arg9[%dma_start3A_460, %dma_start3A_461] : memref<128x128xf32, #tpu.memory_space<vmem>> -> memref<80x128xf32, #tpu.memory_space<vmem>>
        %dma_start3A_463 = arith.constant 0 : i32
        %dma_start3A_464 = tpu.memref_slice %arg11[%add3A_451, %dma_start3A_463] : memref<10240x128xf32, #tpu.memory_space<vmem_shared>> -> memref<80x128xf32, #tpu.memory_space<vmem_shared>>
        %dma_start3A_465 = arith.constant 0 : i32
        %dma_start3A_466 = arith.constant 0 : i32
        %dma_start3A_467 = tpu.memref_slice %arg9[%dma_start3A_465, %dma_start3A_466] : memref<128x128xf32, #tpu.memory_space<vmem>> -> memref<80x128xf32, #tpu.memory_space<vmem>>
        %dma_start3A_468 = arith.constant 0 : i32
        %dma_start3A_469 = tpu.memref_slice %arg11[%add3A_451, %dma_start3A_468] : memref<10240x128xf32, #tpu.memory_space<vmem_shared>> -> memref<80x128xf32, #tpu.memory_space<vmem_shared>>
        tpu.enqueue_dma source(%dma_start3A_469 : memref<80x128xf32, #tpu.memory_space<vmem_shared>>) target(%dma_start3A_467 : memref<80x128xf32, #tpu.memory_space<vmem>>) target_semaphore(%run_scoped3A_459 : memref<!tpu.dma_semaphore, #tpu.memory_space<semaphore_mem>>)
        %dma_wait3A_470 = arith.constant 0 : i32
        %dma_wait3A_471 = arith.constant 0 : i32
        %dma_wait3A_472 = tpu.memref_slice %arg9[%dma_wait3A_470, %dma_wait3A_471] : memref<128x128xf32, #tpu.memory_space<vmem>> -> memref<80x128xf32, #tpu.memory_space<vmem>>
        %dma_wait3A_473 = arith.constant 0 : i32
        %dma_wait3A_474 = tpu.memref_slice %arg11[%add3A_451, %dma_wait3A_473] : memref<10240x128xf32, #tpu.memory_space<vmem_shared>> -> memref<80x128xf32, #tpu.memory_space<vmem_shared>>
        %dma_wait3A_475 = arith.constant 0 : i32
        %dma_wait3A_476 = arith.constant 0 : i32
        %dma_wait3A_477 = tpu.memref_slice %arg9[%dma_wait3A_475, %dma_wait3A_476] : memref<128x128xf32, #tpu.memory_space<vmem>> -> memref<80x128xf32, #tpu.memory_space<vmem>>
        %dma_wait3A_478 = arith.constant 0 : i32
        %dma_wait3A_479 = tpu.memref_slice %arg11[%add3A_451, %dma_wait3A_478] : memref<10240x128xf32, #tpu.memory_space<vmem_shared>> -> memref<80x128xf32, #tpu.memory_space<vmem_shared>>
        tpu.wait_dma2 semaphore(%run_scoped3A_459 : memref<!tpu.dma_semaphore, #tpu.memory_space<semaphore_mem>>) src(%dma_wait3A_479 : memref<80x128xf32, #tpu.memory_space<vmem_shared>>) dst(%dma_wait3A_477 : memref<80x128xf32, #tpu.memory_space<vmem>>)
        tpu.yield
      }) : () -> ()
      %eq3A = arith.constant 0 : i32
      %eq3A_452 = arith.cmpi eq, %arg0, %eq3A : i32
      %convert_element_type3A = arith.extui %eq3A_452 : i1 to i32
      %cond3A = arith.constant 0 : i32
      %cond3A_453 = arith.cmpi ne, %convert_element_type3A, %cond3A : i32
      scf.if %cond3A_453 {
        %mul3A_459 = arith.constant 640 : i32
        %mul3A_460 = arith.muli %arg1, %mul3A_459 : i32
        %mul3A_461 = arith.constant 80 : i32
        %mul3A_462 = arith.muli %add3A_446, %mul3A_461 : i32
        %add3A_463 = arith.addi %mul3A_460, %mul3A_462 : i32
        "tpu.region"() ({
          %run_scoped3A_464 = tpu.sem_alloc : memref<!tpu.dma_semaphore, #tpu.memory_space<semaphore_mem>>
          %dma_start3A_465 = arith.constant 0 : i32
          %dma_start3A_466 = arith.constant 0 : i32
          %dma_start3A_467 = tpu.memref_slice %arg9[%dma_start3A_465, %dma_start3A_466] : memref<128x128xf32, #tpu.memory_space<vmem>> -> memref<80x128xf32, #tpu.memory_space<vmem>>
          %dma_start3A_468 = arith.constant 0 : i32
          %dma_start3A_469 = tpu.memref_slice %arg5[%add3A_463, %dma_start3A_468] : memref<10000x128xf32, #tpu.memory_space<hbm>> -> memref<80x128xf32, #tpu.memory_space<hbm>>
          %dma_start3A_470 = arith.constant 0 : i32
          %dma_start3A_471 = tpu.memref_slice %arg5[%add3A_463, %dma_start3A_470] : memref<10000x128xf32, #tpu.memory_space<hbm>> -> memref<80x128xf32, #tpu.memory_space<hbm>>
          %dma_start3A_472 = arith.constant 0 : i32
          %dma_start3A_473 = arith.constant 0 : i32
          %dma_start3A_474 = tpu.memref_slice %arg9[%dma_start3A_472, %dma_start3A_473] : memref<128x128xf32, #tpu.memory_space<vmem>> -> memref<80x128xf32, #tpu.memory_space<vmem>>
          tpu.enqueue_dma source(%dma_start3A_474 : memref<80x128xf32, #tpu.memory_space<vmem>>) target(%dma_start3A_471 : memref<80x128xf32, #tpu.memory_space<hbm>>) target_semaphore(%run_scoped3A_464 : memref<!tpu.dma_semaphore, #tpu.memory_space<semaphore_mem>>)
          %dma_wait3A_475 = arith.constant 0 : i32
          %dma_wait3A_476 = arith.constant 0 : i32
          %dma_wait3A_477 = tpu.memref_slice %arg9[%dma_wait3A_475, %dma_wait3A_476] : memref<128x128xf32, #tpu.memory_space<vmem>> -> memref<80x128xf32, #tpu.memory_space<vmem>>
          %dma_wait3A_478 = arith.constant 0 : i32
          %dma_wait3A_479 = tpu.memref_slice %arg5[%add3A_463, %dma_wait3A_478] : memref<10000x128xf32, #tpu.memory_space<hbm>> -> memref<80x128xf32, #tpu.memory_space<hbm>>
          %dma_wait3A_480 = arith.constant 0 : i32
          %dma_wait3A_481 = tpu.memref_slice %arg5[%add3A_463, %dma_wait3A_480] : memref<10000x128xf32, #tpu.memory_space<hbm>> -> memref<80x128xf32, #tpu.memory_space<hbm>>
          %dma_wait3A_482 = arith.constant 0 : i32
          %dma_wait3A_483 = arith.constant 0 : i32
          %dma_wait3A_484 = tpu.memref_slice %arg9[%dma_wait3A_482, %dma_wait3A_483] : memref<128x128xf32, #tpu.memory_space<vmem>> -> memref<80x128xf32, #tpu.memory_space<vmem>>
          tpu.wait_dma2 semaphore(%run_scoped3A_464 : memref<!tpu.dma_semaphore, #tpu.memory_space<semaphore_mem>>) src(%dma_wait3A_484 : memref<80x128xf32, #tpu.memory_space<vmem>>) dst(%dma_wait3A_481 : memref<80x128xf32, #tpu.memory_space<hbm>>)
          tpu.yield
        }) : () -> ()
      } else {
      }
      %eq3A_454 = arith.constant 1 : i32
      %eq3A_455 = arith.cmpi eq, %arg0, %eq3A_454 : i32
      %convert_element_type3A_456 = arith.extui %eq3A_455 : i1 to i32
      %cond3A_457 = arith.constant 0 : i32
      %cond3A_458 = arith.cmpi ne, %convert_element_type3A_456, %cond3A_457 : i32
      scf.if %cond3A_458 {
        %mul3A_459 = arith.constant 640 : i32
        %mul3A_460 = arith.muli %arg1, %mul3A_459 : i32
        %mul3A_461 = arith.constant 80 : i32
        %mul3A_462 = arith.muli %add3A_446, %mul3A_461 : i32
        %add3A_463 = arith.addi %mul3A_460, %mul3A_462 : i32
        "tpu.region"() ({
          %run_scoped3A_464 = tpu.sem_alloc : memref<!tpu.dma_semaphore, #tpu.memory_space<semaphore_mem>>
          %dma_start3A_465 = arith.constant 0 : i32
          %dma_start3A_466 = arith.constant 0 : i32
          %dma_start3A_467 = tpu.memref_slice %arg9[%dma_start3A_465, %dma_start3A_466] : memref<128x128xf32, #tpu.memory_space<vmem>> -> memref<80x128xf32, #tpu.memory_space<vmem>>
          %dma_start3A_468 = arith.constant 0 : i32
          %dma_start3A_469 = tpu.memref_slice %arg6[%add3A_463, %dma_start3A_468] : memref<10000x128xf32, #tpu.memory_space<hbm>> -> memref<80x128xf32, #tpu.memory_space<hbm>>
          %dma_start3A_470 = arith.constant 0 : i32
          %dma_start3A_471 = tpu.memref_slice %arg6[%add3A_463, %dma_start3A_470] : memref<10000x128xf32, #tpu.memory_space<hbm>> -> memref<80x128xf32, #tpu.memory_space<hbm>>
          %dma_start3A_472 = arith.constant 0 : i32
          %dma_start3A_473 = arith.constant 0 : i32
          %dma_start3A_474 = tpu.memref_slice %arg9[%dma_start3A_472, %dma_start3A_473] : memref<128x128xf32, #tpu.memory_space<vmem>> -> memref<80x128xf32, #tpu.memory_space<vmem>>
          tpu.enqueue_dma source(%dma_start3A_474 : memref<80x128xf32, #tpu.memory_space<vmem>>) target(%dma_start3A_471 : memref<80x128xf32, #tpu.memory_space<hbm>>) target_semaphore(%run_scoped3A_464 : memref<!tpu.dma_semaphore, #tpu.memory_space<semaphore_mem>>)
          %dma_wait3A_475 = arith.constant 0 : i32
          %dma_wait3A_476 = arith.constant 0 : i32
          %dma_wait3A_477 = tpu.memref_slice %arg9[%dma_wait3A_475, %dma_wait3A_476] : memref<128x128xf32, #tpu.memory_space<vmem>> -> memref<80x128xf32, #tpu.memory_space<vmem>>
          %dma_wait3A_478 = arith.constant 0 : i32
          %dma_wait3A_479 = tpu.memref_slice %arg6[%add3A_463, %dma_wait3A_478] : memref<10000x128xf32, #tpu.memory_space<hbm>> -> memref<80x128xf32, #tpu.memory_space<hbm>>
          %dma_wait3A_480 = arith.constant 0 : i32
          %dma_wait3A_481 = tpu.memref_slice %arg6[%add3A_463, %dma_wait3A_480] : memref<10000x128xf32, #tpu.memory_space<hbm>> -> memref<80x128xf32, #tpu.memory_space<hbm>>
          %dma_wait3A_482 = arith.constant 0 : i32
          %dma_wait3A_483 = arith.constant 0 : i32
          %dma_wait3A_484 = tpu.memref_slice %arg9[%dma_wait3A_482, %dma_wait3A_483] : memref<128x128xf32, #tpu.memory_space<vmem>> -> memref<80x128xf32, #tpu.memory_space<vmem>>
          tpu.wait_dma2 semaphore(%run_scoped3A_464 : memref<!tpu.dma_semaphore, #tpu.memory_space<semaphore_mem>>) src(%dma_wait3A_484 : memref<80x128xf32, #tpu.memory_space<vmem>>) dst(%dma_wait3A_481 : memref<80x128xf32, #tpu.memory_space<hbm>>)
          tpu.yield
        }) : () -> ()
      } else {
      }
    }
    %while3A_443 = arith.constant 1 : i32
    scf.for %while3A_444 = %while3A_441 to %while3A_437 step %while3A_443  : i32 {
      %mul3A_445 = arith.muli %while3A_444, %while3A : i32
      %add3A_446 = arith.addi %while3A_434, %mul3A_445 : i32
      %mul3A_447 = arith.constant 640 : i32
      %mul3A_448 = arith.muli %arg1, %mul3A_447 : i32
      %mul3A_449 = arith.constant 80 : i32
      %mul3A_450 = arith.muli %add3A_446, %mul3A_449 : i32
      %add3A_451 = arith.addi %mul3A_448, %mul3A_450 : i32
      "tpu.region"() ({
        %run_scoped3A_459 = tpu.sem_alloc : memref<!tpu.dma_semaphore, #tpu.memory_space<semaphore_mem>>
        %dma_start3A_460 = arith.constant 0 : i32
        %dma_start3A_461 = arith.constant 0 : i32
        %dma_start3A_462 = tpu.memref_slice %arg9[%dma_start3A_460, %dma_start3A_461] : memref<128x128xf32, #tpu.memory_space<vmem>> -> memref<80x128xf32, #tpu.memory_space<vmem>>
        %dma_start3A_463 = arith.constant 0 : i32
        %dma_start3A_464 = tpu.memref_slice %arg11[%add3A_451, %dma_start3A_463] : memref<10240x128xf32, #tpu.memory_space<vmem_shared>> -> memref<80x128xf32, #tpu.memory_space<vmem_shared>>
        %dma_start3A_465 = arith.constant 0 : i32
        %dma_start3A_466 = arith.constant 0 : i32
        %dma_start3A_467 = tpu.memref_slice %arg9[%dma_start3A_465, %dma_start3A_466] : memref<128x128xf32, #tpu.memory_space<vmem>> -> memref<80x128xf32, #tpu.memory_space<vmem>>
        %dma_start3A_468 = arith.constant 0 : i32
        %dma_start3A_469 = tpu.memref_slice %arg11[%add3A_451, %dma_start3A_468] : memref<10240x128xf32, #tpu.memory_space<vmem_shared>> -> memref<80x128xf32, #tpu.memory_space<vmem_shared>>
        tpu.enqueue_dma source(%dma_start3A_469 : memref<80x128xf32, #tpu.memory_space<vmem_shared>>) target(%dma_start3A_467 : memref<80x128xf32, #tpu.memory_space<vmem>>) target_semaphore(%run_scoped3A_459 : memref<!tpu.dma_semaphore, #tpu.memory_space<semaphore_mem>>)
        %dma_wait3A_470 = arith.constant 0 : i32
        %dma_wait3A_471 = arith.constant 0 : i32
        %dma_wait3A_472 = tpu.memref_slice %arg9[%dma_wait3A_470, %dma_wait3A_471] : memref<128x128xf32, #tpu.memory_space<vmem>> -> memref<80x128xf32, #tpu.memory_space<vmem>>
        %dma_wait3A_473 = arith.constant 0 : i32
        %dma_wait3A_474 = tpu.memref_slice %arg11[%add3A_451, %dma_wait3A_473] : memref<10240x128xf32, #tpu.memory_space<vmem_shared>> -> memref<80x128xf32, #tpu.memory_space<vmem_shared>>
        %dma_wait3A_475 = arith.constant 0 : i32
        %dma_wait3A_476 = arith.constant 0 : i32
        %dma_wait3A_477 = tpu.memref_slice %arg9[%dma_wait3A_475, %dma_wait3A_476] : memref<128x128xf32, #tpu.memory_space<vmem>> -> memref<80x128xf32, #tpu.memory_space<vmem>>
        %dma_wait3A_478 = arith.constant 0 : i32
        %dma_wait3A_479 = tpu.memref_slice %arg11[%add3A_451, %dma_wait3A_478] : memref<10240x128xf32, #tpu.memory_space<vmem_shared>> -> memref<80x128xf32, #tpu.memory_space<vmem_shared>>
        tpu.wait_dma2 semaphore(%run_scoped3A_459 : memref<!tpu.dma_semaphore, #tpu.memory_space<semaphore_mem>>) src(%dma_wait3A_479 : memref<80x128xf32, #tpu.memory_space<vmem_shared>>) dst(%dma_wait3A_477 : memref<80x128xf32, #tpu.memory_space<vmem>>)
        tpu.yield
      }) : () -> ()
      %eq3A = arith.constant 0 : i32
      %eq3A_452 = arith.cmpi eq, %arg0, %eq3A : i32
      %convert_element_type3A = arith.extui %eq3A_452 : i1 to i32
      %cond3A = arith.constant 0 : i32
      %cond3A_453 = arith.cmpi ne, %convert_element_type3A, %cond3A : i32
      scf.if %cond3A_453 {
        %mul3A_459 = arith.constant 640 : i32
        %mul3A_460 = arith.muli %arg1, %mul3A_459 : i32
        %mul3A_461 = arith.constant 80 : i32
        %mul3A_462 = arith.muli %add3A_446, %mul3A_461 : i32
        %add3A_463 = arith.addi %mul3A_460, %mul3A_462 : i32
        "tpu.region"() ({
          %run_scoped3A_464 = tpu.sem_alloc : memref<!tpu.dma_semaphore, #tpu.memory_space<semaphore_mem>>
          %dma_start3A_465 = arith.constant 0 : i32
          %dma_start3A_466 = arith.constant 0 : i32
          %dma_start3A_467 = tpu.memref_slice %arg9[%dma_start3A_465, %dma_start3A_466] : memref<128x128xf32, #tpu.memory_space<vmem>> -> memref<80x128xf32, #tpu.memory_space<vmem>>
          %dma_start3A_468 = arith.constant 0 : i32
          %dma_start3A_469 = tpu.memref_slice %arg5[%add3A_463, %dma_start3A_468] : memref<10000x128xf32, #tpu.memory_space<hbm>> -> memref<80x128xf32, #tpu.memory_space<hbm>>
          %dma_start3A_470 = arith.constant 0 : i32
          %dma_start3A_471 = tpu.memref_slice %arg5[%add3A_463, %dma_start3A_470] : memref<10000x128xf32, #tpu.memory_space<hbm>> -> memref<80x128xf32, #tpu.memory_space<hbm>>
          %dma_start3A_472 = arith.constant 0 : i32
          %dma_start3A_473 = arith.constant 0 : i32
          %dma_start3A_474 = tpu.memref_slice %arg9[%dma_start3A_472, %dma_start3A_473] : memref<128x128xf32, #tpu.memory_space<vmem>> -> memref<80x128xf32, #tpu.memory_space<vmem>>
          tpu.enqueue_dma source(%dma_start3A_474 : memref<80x128xf32, #tpu.memory_space<vmem>>) target(%dma_start3A_471 : memref<80x128xf32, #tpu.memory_space<hbm>>) target_semaphore(%run_scoped3A_464 : memref<!tpu.dma_semaphore, #tpu.memory_space<semaphore_mem>>)
          %dma_wait3A_475 = arith.constant 0 : i32
          %dma_wait3A_476 = arith.constant 0 : i32
          %dma_wait3A_477 = tpu.memref_slice %arg9[%dma_wait3A_475, %dma_wait3A_476] : memref<128x128xf32, #tpu.memory_space<vmem>> -> memref<80x128xf32, #tpu.memory_space<vmem>>
          %dma_wait3A_478 = arith.constant 0 : i32
          %dma_wait3A_479 = tpu.memref_slice %arg5[%add3A_463, %dma_wait3A_478] : memref<10000x128xf32, #tpu.memory_space<hbm>> -> memref<80x128xf32, #tpu.memory_space<hbm>>
          %dma_wait3A_480 = arith.constant 0 : i32
          %dma_wait3A_481 = tpu.memref_slice %arg5[%add3A_463, %dma_wait3A_480] : memref<10000x128xf32, #tpu.memory_space<hbm>> -> memref<80x128xf32, #tpu.memory_space<hbm>>
          %dma_wait3A_482 = arith.constant 0 : i32
          %dma_wait3A_483 = arith.constant 0 : i32
          %dma_wait3A_484 = tpu.memref_slice %arg9[%dma_wait3A_482, %dma_wait3A_483] : memref<128x128xf32, #tpu.memory_space<vmem>> -> memref<80x128xf32, #tpu.memory_space<vmem>>
          tpu.wait_dma2 semaphore(%run_scoped3A_464 : memref<!tpu.dma_semaphore, #tpu.memory_space<semaphore_mem>>) src(%dma_wait3A_484 : memref<80x128xf32, #tpu.memory_space<vmem>>) dst(%dma_wait3A_481 : memref<80x128xf32, #tpu.memory_space<hbm>>)
          tpu.yield
        }) : () -> ()
      } else {
      }
      %eq3A_454 = arith.constant 1 : i32
      %eq3A_455 = arith.cmpi eq, %arg0, %eq3A_454 : i32
      %convert_element_type3A_456 = arith.extui %eq3A_455 : i1 to i32
      %cond3A_457 = arith.constant 0 : i32
      %cond3A_458 = arith.cmpi ne, %convert_element_type3A_456, %cond3A_457 : i32
      scf.if %cond3A_458 {
        %mul3A_459 = arith.constant 640 : i32
        %mul3A_460 = arith.muli %arg1, %mul3A_459 : i32
        %mul3A_461 = arith.constant 80 : i32
        %mul3A_462 = arith.muli %add3A_446, %mul3A_461 : i32
        %add3A_463 = arith.addi %mul3A_460, %mul3A_462 : i32
        "tpu.region"() ({
          %run_scoped3A_464 = tpu.sem_alloc : memref<!tpu.dma_semaphore, #tpu.memory_space<semaphore_mem>>
          %dma_start3A_465 = arith.constant 0 : i32
          %dma_start3A_466 = arith.constant 0 : i32
          %dma_start3A_467 = tpu.memref_slice %arg9[%dma_start3A_465, %dma_start3A_466] : memref<128x128xf32, #tpu.memory_space<vmem>> -> memref<80x128xf32, #tpu.memory_space<vmem>>
          %dma_start3A_468 = arith.constant 0 : i32
          %dma_start3A_469 = tpu.memref_slice %arg6[%add3A_463, %dma_start3A_468] : memref<10000x128xf32, #tpu.memory_space<hbm>> -> memref<80x128xf32, #tpu.memory_space<hbm>>
          %dma_start3A_470 = arith.constant 0 : i32
          %dma_start3A_471 = tpu.memref_slice %arg6[%add3A_463, %dma_start3A_470] : memref<10000x128xf32, #tpu.memory_space<hbm>> -> memref<80x128xf32, #tpu.memory_space<hbm>>
          %dma_start3A_472 = arith.constant 0 : i32
          %dma_start3A_473 = arith.constant 0 : i32
          %dma_start3A_474 = tpu.memref_slice %arg9[%dma_start3A_472, %dma_start3A_473] : memref<128x128xf32, #tpu.memory_space<vmem>> -> memref<80x128xf32, #tpu.memory_space<vmem>>
          tpu.enqueue_dma source(%dma_start3A_474 : memref<80x128xf32, #tpu.memory_space<vmem>>) target(%dma_start3A_471 : memref<80x128xf32, #tpu.memory_space<hbm>>) target_semaphore(%run_scoped3A_464 : memref<!tpu.dma_semaphore, #tpu.memory_space<semaphore_mem>>)
          %dma_wait3A_475 = arith.constant 0 : i32
          %dma_wait3A_476 = arith.constant 0 : i32
          %dma_wait3A_477 = tpu.memref_slice %arg9[%dma_wait3A_475, %dma_wait3A_476] : memref<128x128xf32, #tpu.memory_space<vmem>> -> memref<80x128xf32, #tpu.memory_space<vmem>>
          %dma_wait3A_478 = arith.constant 0 : i32
          %dma_wait3A_479 = tpu.memref_slice %arg6[%add3A_463, %dma_wait3A_478] : memref<10000x128xf32, #tpu.memory_space<hbm>> -> memref<80x128xf32, #tpu.memory_space<hbm>>
          %dma_wait3A_480 = arith.constant 0 : i32
          %dma_wait3A_481 = tpu.memref_slice %arg6[%add3A_463, %dma_wait3A_480] : memref<10000x128xf32, #tpu.memory_space<hbm>> -> memref<80x128xf32, #tpu.memory_space<hbm>>
          %dma_wait3A_482 = arith.constant 0 : i32
          %dma_wait3A_483 = arith.constant 0 : i32
          %dma_wait3A_484 = tpu.memref_slice %arg9[%dma_wait3A_482, %dma_wait3A_483] : memref<128x128xf32, #tpu.memory_space<vmem>> -> memref<80x128xf32, #tpu.memory_space<vmem>>
          tpu.wait_dma2 semaphore(%run_scoped3A_464 : memref<!tpu.dma_semaphore, #tpu.memory_space<semaphore_mem>>) src(%dma_wait3A_484 : memref<80x128xf32, #tpu.memory_space<vmem>>) dst(%dma_wait3A_481 : memref<80x128xf32, #tpu.memory_space<hbm>>)
          tpu.yield
        }) : () -> ()
      } else {
      }
    }
    return
  }
}

#map = affine_map<(d0, d1) -> (0, 0)>
#map1 = affine_map<(d0, d1) -> (0)>
module attributes {stable_mosaic.version = 14 : i64} {
  func.func @_deg_kernel(%arg0: i32, %arg1: i32, %arg2: memref<2560x128xi32, #tpu.memory_space<hbm>>, %arg3: memref<10000xf32, #tpu.memory_space<hbm>>, %arg4: memref<10000xf32, #tpu.memory_space<hbm>>, %arg5: memref<80x128xi32, #tpu.memory_space<vmem>>, %arg6: memref<640xf32, #tpu.memory_space<vmem>>, %arg7: memref<128xf32, #tpu.memory_space<vmem>>, %arg8: memref<10240xf32, #tpu.memory_space<vmem_shared>>) attributes {dimension_semantics = [#tpu.dimension_semantics<core_parallel>, #tpu.dimension_semantics<subcore_parallel>], iteration_bounds = array<i64: 2, 16>, scalar_prefetch = 0 : i64, scratch_operands = 4 : i64, tpu.core_type = #tpu.core_type<sc_vector_subcore>, window_params = [{transform_indices = #map}, {transform_indices = #map1}, {transform_indices = #map1}]} {
    %scan3A = arith.constant 0 : i32
    %scan3A_0 = arith.constant 40 : i32
    %scan3A_1 = arith.addi %scan3A, %scan3A_0 : i32
    %scan3A_2 = arith.constant 1 : i32
    scf.for %scan3A_67 = %scan3A to %scan3A_1 step %scan3A_2  : i32 {
      %mul3A_68 = arith.constant 1 : i32
      %mul3A_69 = arith.muli %scan3A_67, %mul3A_68 : i32
      %add3A_70 = arith.constant 0 : i32
      %add3A_71 = arith.addi %add3A_70, %mul3A_69 : i32
      %broadcast_in_dim3A_72 = arith.constant 0.000000e+00 : f32
      %broadcast_in_dim3A_73 = vector.broadcast %broadcast_in_dim3A_72 : f32 to vector<16xf32>
      %mul3A_74 = arith.constant 16 : i32
      %mul3A_75 = arith.muli %add3A_71, %mul3A_74 : i32
      %swap3A_76 = arith.index_cast %mul3A_75 : i32 to index
      %swap3A_77 = tpu.vector_load %arg6[%swap3A_76] {strides = array<i32>} : memref<640xf32, #tpu.memory_space<vmem>>, vector<16xf32>,
      %swap3A_78 = vector.shape_cast %swap3A_77 : vector<16xf32> to vector<16xf32>
      %swap3A_79 = vector.shape_cast %broadcast_in_dim3A_73 : vector<16xf32> to vector<16xf32>
      tpu.vector_store %arg6[%swap3A_76], %swap3A_79 {strides = array<i32>} : memref<640xf32, #tpu.memory_space<vmem>>, vector<16xf32>,
    }
    %scan3A_3 = arith.constant 40 : i32
    %broadcast_in_dim3A = arith.constant 1.000000e+00 : f32
    %broadcast_in_dim3A_4 = vector.broadcast %broadcast_in_dim3A : f32 to vector<16xf32>
    %swap3A = arith.constant 0 : index
    %swap3A_5 = tpu.vector_load %arg7[%swap3A] {strides = array<i32>} : memref<128xf32, #tpu.memory_space<vmem>>, vector<16xf32>,
    %swap3A_6 = vector.shape_cast %swap3A_5 : vector<16xf32> to vector<16xf32>
    %swap3A_7 = vector.shape_cast %broadcast_in_dim3A_4 : vector<16xf32> to vector<16xf32>
    tpu.vector_store %arg7[%swap3A], %swap3A_7 {strides = array<i32>} : memref<128xf32, #tpu.memory_space<vmem>>, vector<16xf32>,
    %broadcast_in_dim3A_8 = arith.constant 1.000000e+00 : f32
    %broadcast_in_dim3A_9 = vector.broadcast %broadcast_in_dim3A_8 : f32 to vector<16xf32>
    %swap3A_10 = arith.constant 16 : index
    %swap3A_11 = tpu.vector_load %arg7[%swap3A_10] {strides = array<i32>} : memref<128xf32, #tpu.memory_space<vmem>>, vector<16xf32>,
    %swap3A_12 = vector.shape_cast %swap3A_11 : vector<16xf32> to vector<16xf32>
    %swap3A_13 = vector.shape_cast %broadcast_in_dim3A_9 : vector<16xf32> to vector<16xf32>
    tpu.vector_store %arg7[%swap3A_10], %swap3A_13 {strides = array<i32>} : memref<128xf32, #tpu.memory_space<vmem>>, vector<16xf32>,
    %broadcast_in_dim3A_14 = arith.constant 1.000000e+00 : f32
    %broadcast_in_dim3A_15 = vector.broadcast %broadcast_in_dim3A_14 : f32 to vector<16xf32>
    %swap3A_16 = arith.constant 32 : index
    %swap3A_17 = tpu.vector_load %arg7[%swap3A_16] {strides = array<i32>} : memref<128xf32, #tpu.memory_space<vmem>>, vector<16xf32>,
    %swap3A_18 = vector.shape_cast %swap3A_17 : vector<16xf32> to vector<16xf32>
    %swap3A_19 = vector.shape_cast %broadcast_in_dim3A_15 : vector<16xf32> to vector<16xf32>
    tpu.vector_store %arg7[%swap3A_16], %swap3A_19 {strides = array<i32>} : memref<128xf32, #tpu.memory_space<vmem>>, vector<16xf32>,
    %broadcast_in_dim3A_20 = arith.constant 1.000000e+00 : f32
    %broadcast_in_dim3A_21 = vector.broadcast %broadcast_in_dim3A_20 : f32 to vector<16xf32>
    %swap3A_22 = arith.constant 48 : index
    %swap3A_23 = tpu.vector_load %arg7[%swap3A_22] {strides = array<i32>} : memref<128xf32, #tpu.memory_space<vmem>>, vector<16xf32>,
    %swap3A_24 = vector.shape_cast %swap3A_23 : vector<16xf32> to vector<16xf32>
    %swap3A_25 = vector.shape_cast %broadcast_in_dim3A_21 : vector<16xf32> to vector<16xf32>
    tpu.vector_store %arg7[%swap3A_22], %swap3A_25 {strides = array<i32>} : memref<128xf32, #tpu.memory_space<vmem>>, vector<16xf32>,
    %broadcast_in_dim3A_26 = arith.constant 1.000000e+00 : f32
    %broadcast_in_dim3A_27 = vector.broadcast %broadcast_in_dim3A_26 : f32 to vector<16xf32>
    %swap3A_28 = arith.constant 64 : index
    %swap3A_29 = tpu.vector_load %arg7[%swap3A_28] {strides = array<i32>} : memref<128xf32, #tpu.memory_space<vmem>>, vector<16xf32>,
    %swap3A_30 = vector.shape_cast %swap3A_29 : vector<16xf32> to vector<16xf32>
    %swap3A_31 = vector.shape_cast %broadcast_in_dim3A_27 : vector<16xf32> to vector<16xf32>
    tpu.vector_store %arg7[%swap3A_28], %swap3A_31 {strides = array<i32>} : memref<128xf32, #tpu.memory_space<vmem>>, vector<16xf32>,
    %broadcast_in_dim3A_32 = arith.constant 1.000000e+00 : f32
    %broadcast_in_dim3A_33 = vector.broadcast %broadcast_in_dim3A_32 : f32 to vector<16xf32>
    %swap3A_34 = arith.constant 80 : index
    %swap3A_35 = tpu.vector_load %arg7[%swap3A_34] {strides = array<i32>} : memref<128xf32, #tpu.memory_space<vmem>>, vector<16xf32>,
    %swap3A_36 = vector.shape_cast %swap3A_35 : vector<16xf32> to vector<16xf32>
    %swap3A_37 = vector.shape_cast %broadcast_in_dim3A_33 : vector<16xf32> to vector<16xf32>
    tpu.vector_store %arg7[%swap3A_34], %swap3A_37 {strides = array<i32>} : memref<128xf32, #tpu.memory_space<vmem>>, vector<16xf32>,
    %broadcast_in_dim3A_38 = arith.constant 1.000000e+00 : f32
    %broadcast_in_dim3A_39 = vector.broadcast %broadcast_in_dim3A_38 : f32 to vector<16xf32>
    %swap3A_40 = arith.constant 96 : index
    %swap3A_41 = tpu.vector_load %arg7[%swap3A_40] {strides = array<i32>} : memref<128xf32, #tpu.memory_space<vmem>>, vector<16xf32>,
    %swap3A_42 = vector.shape_cast %swap3A_41 : vector<16xf32> to vector<16xf32>
    %swap3A_43 = vector.shape_cast %broadcast_in_dim3A_39 : vector<16xf32> to vector<16xf32>
    tpu.vector_store %arg7[%swap3A_40], %swap3A_43 {strides = array<i32>} : memref<128xf32, #tpu.memory_space<vmem>>, vector<16xf32>,
    %broadcast_in_dim3A_44 = arith.constant 1.000000e+00 : f32
    %broadcast_in_dim3A_45 = vector.broadcast %broadcast_in_dim3A_44 : f32 to vector<16xf32>
    %swap3A_46 = arith.constant 112 : index
    %swap3A_47 = tpu.vector_load %arg7[%swap3A_46] {strides = array<i32>} : memref<128xf32, #tpu.memory_space<vmem>>, vector<16xf32>,
    %swap3A_48 = vector.shape_cast %swap3A_47 : vector<16xf32> to vector<16xf32>
    %swap3A_49 = vector.shape_cast %broadcast_in_dim3A_45 : vector<16xf32> to vector<16xf32>
    tpu.vector_store %arg7[%swap3A_46], %swap3A_49 {strides = array<i32>} : memref<128xf32, #tpu.memory_space<vmem>>, vector<16xf32>,
    %mul3A = arith.constant 640 : i32
    %mul3A_50 = arith.muli %arg1, %mul3A : i32
    "tpu.region"() ({
      %run_scoped3A = tpu.sem_alloc : memref<!tpu.dma_semaphore, #tpu.memory_space<semaphore_mem>>
      %dma_start3A = tpu.memref_slice %arg8[%mul3A_50] : memref<10240xf32, #tpu.memory_space<vmem_shared>> -> memref<640xf32, #tpu.memory_space<vmem_shared>>
      %dma_start3A_67 = tpu.memref_slice %arg8[%mul3A_50] : memref<10240xf32, #tpu.memory_space<vmem_shared>> -> memref<640xf32, #tpu.memory_space<vmem_shared>>
      tpu.enqueue_dma source(%arg6 : memref<640xf32, #tpu.memory_space<vmem>>) target(%dma_start3A_67 : memref<640xf32, #tpu.memory_space<vmem_shared>>) target_semaphore(%run_scoped3A : memref<!tpu.dma_semaphore, #tpu.memory_space<semaphore_mem>>)
      %dma_wait3A = tpu.memref_slice %arg8[%mul3A_50] : memref<10240xf32, #tpu.memory_space<vmem_shared>> -> memref<640xf32, #tpu.memory_space<vmem_shared>>
      %dma_wait3A_68 = tpu.memref_slice %arg8[%mul3A_50] : memref<10240xf32, #tpu.memory_space<vmem_shared>> -> memref<640xf32, #tpu.memory_space<vmem_shared>>
      tpu.wait_dma2 semaphore(%run_scoped3A : memref<!tpu.dma_semaphore, #tpu.memory_space<semaphore_mem>>) src(%arg6 : memref<640xf32, #tpu.memory_space<vmem>>) dst(%dma_wait3A_68 : memref<640xf32, #tpu.memory_space<vmem_shared>>)
      tpu.yield
    }) : () -> ()
    %mul3A_51 = arith.constant 16 : i32
    %mul3A_52 = arith.muli %arg0, %mul3A_51 : i32
    %add3A = arith.addi %mul3A_52, %arg1 : i32
    %mul3A_53 = arith.constant 80 : i32
    %mul3A_54 = arith.muli %add3A, %mul3A_53 : i32
    "tpu.region"() ({
      %run_scoped3A = tpu.sem_alloc : memref<!tpu.dma_semaphore, #tpu.memory_space<semaphore_mem>>
      %dma_start3A = arith.constant 0 : i32
      %dma_start3A_67 = tpu.memref_slice %arg2[%mul3A_54, %dma_start3A] : memref<2560x128xi32, #tpu.memory_space<hbm>> -> memref<80x128xi32, #tpu.memory_space<hbm>>
      %dma_start3A_68 = arith.constant 0 : i32
      %dma_start3A_69 = tpu.memref_slice %arg2[%mul3A_54, %dma_start3A_68] : memref<2560x128xi32, #tpu.memory_space<hbm>> -> memref<80x128xi32, #tpu.memory_space<hbm>>
      tpu.enqueue_dma source(%dma_start3A_69 : memref<80x128xi32, #tpu.memory_space<hbm>>) target(%arg5 : memref<80x128xi32, #tpu.memory_space<vmem>>) target_semaphore(%run_scoped3A : memref<!tpu.dma_semaphore, #tpu.memory_space<semaphore_mem>>)
      %dma_wait3A = arith.constant 0 : i32
      %dma_wait3A_70 = tpu.memref_slice %arg2[%mul3A_54, %dma_wait3A] : memref<2560x128xi32, #tpu.memory_space<hbm>> -> memref<80x128xi32, #tpu.memory_space<hbm>>
      %dma_wait3A_71 = arith.constant 0 : i32
      %dma_wait3A_72 = tpu.memref_slice %arg2[%mul3A_54, %dma_wait3A_71] : memref<2560x128xi32, #tpu.memory_space<hbm>> -> memref<80x128xi32, #tpu.memory_space<hbm>>
      tpu.wait_dma2 semaphore(%run_scoped3A : memref<!tpu.dma_semaphore, #tpu.memory_space<semaphore_mem>>) src(%dma_wait3A_72 : memref<80x128xi32, #tpu.memory_space<hbm>>) dst(%arg5 : memref<80x128xi32, #tpu.memory_space<vmem>>)
      tpu.yield
    }) : () -> ()
    %barrier3A = arith.constant 0 : index
    tpu.barrier barrier_id(%barrier3A)
    %scan3A_55 = arith.constant 0 : i32
    %scan3A_56 = arith.constant 80 : i32
    %scan3A_57 = arith.addi %scan3A_55, %scan3A_56 : i32
    %scan3A_58 = arith.constant 1 : i32
    scf.for %scan3A_67 = %scan3A_55 to %scan3A_57 step %scan3A_58  : i32 {
      %mul3A_68 = arith.constant 1 : i32
      %mul3A_69 = arith.muli %scan3A_67, %mul3A_68 : i32
      %add3A_70 = arith.constant 0 : i32
      %add3A_71 = arith.addi %add3A_70, %mul3A_69 : i32
      "tpu.region"() ({
        %run_scoped3A = tpu.sem_alloc : memref<!tpu.dma_semaphore, #tpu.memory_space<semaphore_mem>>
        %dma_start3A = arith.constant 0 : i32
        %dma_start3A_72 = tpu.memref_slice %arg5[%add3A_71, %dma_start3A] : memref<80x128xi32, #tpu.memory_space<vmem>> -> memref<1x128xi32, #tpu.memory_space<vmem>>
        %dma_start3A_73 = tpu.memref_squeeze %dma_start3A_72 : memref<1x128xi32, #tpu.memory_space<vmem>> -> memref<128xi32, #tpu.memory_space<vmem>>
        %dma_start3A_74 = arith.constant 0 : i32
        %dma_start3A_75 = tpu.memref_slice %arg8[%dma_start3A_74] : memref<10240xf32, #tpu.memory_space<vmem_shared>> -> memref<10240xf32, #tpu.memory_space<vmem_shared>>
        tpu.enqueue_indirect_dma source(%arg7 : memref<128xf32, #tpu.memory_space<vmem>>) target(%dma_start3A_75 : memref<10240xf32, #tpu.memory_space<vmem_shared>>) offsets(%dma_start3A_73 : memref<128xi32, #tpu.memory_space<vmem>>) semaphore(%run_scoped3A : memref<!tpu.dma_semaphore, #tpu.memory_space<semaphore_mem>>) {add = true}
        %dma_wait3A = arith.constant 0 : i32
        %dma_wait3A_76 = tpu.memref_slice %arg5[%add3A_71, %dma_wait3A] : memref<80x128xi32, #tpu.memory_space<vmem>> -> memref<1x128xi32, #tpu.memory_space<vmem>>
        %dma_wait3A_77 = tpu.memref_squeeze %dma_wait3A_76 : memref<1x128xi32, #tpu.memory_space<vmem>> -> memref<128xi32, #tpu.memory_space<vmem>>
        %dma_wait3A_78 = arith.constant 0 : i32
        %dma_wait3A_79 = tpu.memref_slice %arg8[%dma_wait3A_78] : memref<10240xf32, #tpu.memory_space<vmem_shared>> -> memref<10240xf32, #tpu.memory_space<vmem_shared>>
        tpu.wait_indirect_dma semaphore(%run_scoped3A : memref<!tpu.dma_semaphore, #tpu.memory_space<semaphore_mem>>) src(%arg7 : memref<128xf32, #tpu.memory_space<vmem>>) dst(%dma_wait3A_79 : memref<10240xf32, #tpu.memory_space<vmem_shared>>)
        tpu.yield
      }) : () -> ()
    }
    %scan3A_59 = arith.constant 80 : i32
    %barrier3A_60 = arith.constant 0 : index
    tpu.barrier barrier_id(%barrier3A_60)
    %lt3A = arith.constant 15 : i32
    %lt3A_61 = arith.cmpi slt, %arg1, %lt3A : i32
    %convert_element_type3A = arith.extui %lt3A_61 : i1 to i32
    %cond3A = arith.constant 0 : i32
    %cond3A_62 = arith.cmpi ne, %convert_element_type3A, %cond3A : i32
    scf.if %cond3A_62 {
      %mul3A_67 = arith.constant 640 : i32
      %mul3A_68 = arith.muli %arg1, %mul3A_67 : i32
      "tpu.region"() ({
        %run_scoped3A = tpu.sem_alloc : memref<!tpu.dma_semaphore, #tpu.memory_space<semaphore_mem>>
        %dma_start3A = tpu.memref_slice %arg8[%mul3A_68] : memref<10240xf32, #tpu.memory_space<vmem_shared>> -> memref<640xf32, #tpu.memory_space<vmem_shared>>
        %dma_start3A_79 = tpu.memref_slice %arg8[%mul3A_68] : memref<10240xf32, #tpu.memory_space<vmem_shared>> -> memref<640xf32, #tpu.memory_space<vmem_shared>>
        tpu.enqueue_dma source(%dma_start3A_79 : memref<640xf32, #tpu.memory_space<vmem_shared>>) target(%arg6 : memref<640xf32, #tpu.memory_space<vmem>>) target_semaphore(%run_scoped3A : memref<!tpu.dma_semaphore, #tpu.memory_space<semaphore_mem>>)
        %dma_wait3A = tpu.memref_slice %arg8[%mul3A_68] : memref<10240xf32, #tpu.memory_space<vmem_shared>> -> memref<640xf32, #tpu.memory_space<vmem_shared>>
        %dma_wait3A_80 = tpu.memref_slice %arg8[%mul3A_68] : memref<10240xf32, #tpu.memory_space<vmem_shared>> -> memref<640xf32, #tpu.memory_space<vmem_shared>>
        tpu.wait_dma2 semaphore(%run_scoped3A : memref<!tpu.dma_semaphore, #tpu.memory_space<semaphore_mem>>) src(%dma_wait3A_80 : memref<640xf32, #tpu.memory_space<vmem_shared>>) dst(%arg6 : memref<640xf32, #tpu.memory_space<vmem>>)
        tpu.yield
      }) : () -> ()
      %eq3A_69 = arith.constant 0 : i32
      %eq3A_70 = arith.cmpi eq, %arg0, %eq3A_69 : i32
      %convert_element_type3A_71 = arith.extui %eq3A_70 : i1 to i32
      %cond3A_72 = arith.constant 0 : i32
      %cond3A_73 = arith.cmpi ne, %convert_element_type3A_71, %cond3A_72 : i32
      scf.if %cond3A_73 {
        %mul3A_79 = arith.constant 640 : i32
        %mul3A_80 = arith.muli %arg1, %mul3A_79 : i32
        "tpu.region"() ({
          %run_scoped3A = tpu.sem_alloc : memref<!tpu.dma_semaphore, #tpu.memory_space<semaphore_mem>>
          %dma_start3A = tpu.memref_slice %arg3[%mul3A_80] : memref<10000xf32, #tpu.memory_space<hbm>> -> memref<640xf32, #tpu.memory_space<hbm>>
          %dma_start3A_81 = tpu.memref_slice %arg3[%mul3A_80] : memref<10000xf32, #tpu.memory_space<hbm>> -> memref<640xf32, #tpu.memory_space<hbm>>
          tpu.enqueue_dma source(%arg6 : memref<640xf32, #tpu.memory_space<vmem>>) target(%dma_start3A_81 : memref<640xf32, #tpu.memory_space<hbm>>) target_semaphore(%run_scoped3A : memref<!tpu.dma_semaphore, #tpu.memory_space<semaphore_mem>>)
          %dma_wait3A = tpu.memref_slice %arg3[%mul3A_80] : memref<10000xf32, #tpu.memory_space<hbm>> -> memref<640xf32, #tpu.memory_space<hbm>>
          %dma_wait3A_82 = tpu.memref_slice %arg3[%mul3A_80] : memref<10000xf32, #tpu.memory_space<hbm>> -> memref<640xf32, #tpu.memory_space<hbm>>
          tpu.wait_dma2 semaphore(%run_scoped3A : memref<!tpu.dma_semaphore, #tpu.memory_space<semaphore_mem>>) src(%arg6 : memref<640xf32, #tpu.memory_space<vmem>>) dst(%dma_wait3A_82 : memref<640xf32, #tpu.memory_space<hbm>>)
          tpu.yield
        }) : () -> ()
      } else {
      }
      %eq3A_74 = arith.constant 1 : i32
      %eq3A_75 = arith.cmpi eq, %arg0, %eq3A_74 : i32
      %convert_element_type3A_76 = arith.extui %eq3A_75 : i1 to i32
      %cond3A_77 = arith.constant 0 : i32
      %cond3A_78 = arith.cmpi ne, %convert_element_type3A_76, %cond3A_77 : i32
      scf.if %cond3A_78 {
        %mul3A_79 = arith.constant 640 : i32
        %mul3A_80 = arith.muli %arg1, %mul3A_79 : i32
        "tpu.region"() ({
          %run_scoped3A = tpu.sem_alloc : memref<!tpu.dma_semaphore, #tpu.memory_space<semaphore_mem>>
          %dma_start3A = tpu.memref_slice %arg4[%mul3A_80] : memref<10000xf32, #tpu.memory_space<hbm>> -> memref<640xf32, #tpu.memory_space<hbm>>
          %dma_start3A_81 = tpu.memref_slice %arg4[%mul3A_80] : memref<10000xf32, #tpu.memory_space<hbm>> -> memref<640xf32, #tpu.memory_space<hbm>>
          tpu.enqueue_dma source(%arg6 : memref<640xf32, #tpu.memory_space<vmem>>) target(%dma_start3A_81 : memref<640xf32, #tpu.memory_space<hbm>>) target_semaphore(%run_scoped3A : memref<!tpu.dma_semaphore, #tpu.memory_space<semaphore_mem>>)
          %dma_wait3A = tpu.memref_slice %arg4[%mul3A_80] : memref<10000xf32, #tpu.memory_space<hbm>> -> memref<640xf32, #tpu.memory_space<hbm>>
          %dma_wait3A_82 = tpu.memref_slice %arg4[%mul3A_80] : memref<10000xf32, #tpu.memory_space<hbm>> -> memref<640xf32, #tpu.memory_space<hbm>>
          tpu.wait_dma2 semaphore(%run_scoped3A : memref<!tpu.dma_semaphore, #tpu.memory_space<semaphore_mem>>) src(%arg6 : memref<640xf32, #tpu.memory_space<vmem>>) dst(%dma_wait3A_82 : memref<640xf32, #tpu.memory_space<hbm>>)
          tpu.yield
        }) : () -> ()
      } else {
      }
    } else {
    }
    %eq3A = arith.constant 15 : i32
    %eq3A_63 = arith.cmpi eq, %arg1, %eq3A : i32
    %convert_element_type3A_64 = arith.extui %eq3A_63 : i1 to i32
    %cond3A_65 = arith.constant 0 : i32
    %cond3A_66 = arith.cmpi ne, %convert_element_type3A_64, %cond3A_65 : i32
    scf.if %cond3A_66 {
      "tpu.region"() ({
        %run_scoped3A = tpu.sem_alloc : memref<!tpu.dma_semaphore, #tpu.memory_space<semaphore_mem>>
        %dma_start3A = arith.constant 0 : i32
        %dma_start3A_77 = tpu.memref_slice %arg6[%dma_start3A] : memref<640xf32, #tpu.memory_space<vmem>> -> memref<400xf32, #tpu.memory_space<vmem>>
        %dma_start3A_78 = arith.constant 9600 : i32
        %dma_start3A_79 = tpu.memref_slice %arg8[%dma_start3A_78] : memref<10240xf32, #tpu.memory_space<vmem_shared>> -> memref<400xf32, #tpu.memory_space<vmem_shared>>
        %dma_start3A_80 = arith.constant 0 : i32
        %dma_start3A_81 = tpu.memref_slice %arg6[%dma_start3A_80] : memref<640xf32, #tpu.memory_space<vmem>> -> memref<400xf32, #tpu.memory_space<vmem>>
        %dma_start3A_82 = arith.constant 9600 : i32
        %dma_start3A_83 = tpu.memref_slice %arg8[%dma_start3A_82] : memref<10240xf32, #tpu.memory_space<vmem_shared>> -> memref<400xf32, #tpu.memory_space<vmem_shared>>
        tpu.enqueue_dma source(%dma_start3A_83 : memref<400xf32, #tpu.memory_space<vmem_shared>>) target(%dma_start3A_81 : memref<400xf32, #tpu.memory_space<vmem>>) target_semaphore(%run_scoped3A : memref<!tpu.dma_semaphore, #tpu.memory_space<semaphore_mem>>)
        %dma_wait3A = arith.constant 0 : i32
        %dma_wait3A_84 = tpu.memref_slice %arg6[%dma_wait3A] : memref<640xf32, #tpu.memory_space<vmem>> -> memref<400xf32, #tpu.memory_space<vmem>>
        %dma_wait3A_85 = arith.constant 9600 : i32
        %dma_wait3A_86 = tpu.memref_slice %arg8[%dma_wait3A_85] : memref<10240xf32, #tpu.memory_space<vmem_shared>> -> memref<400xf32, #tpu.memory_space<vmem_shared>>
        %dma_wait3A_87 = arith.constant 0 : i32
        %dma_wait3A_88 = tpu.memref_slice %arg6[%dma_wait3A_87] : memref<640xf32, #tpu.memory_space<vmem>> -> memref<400xf32, #tpu.memory_space<vmem>>
        %dma_wait3A_89 = arith.constant 9600 : i32
        %dma_wait3A_90 = tpu.memref_slice %arg8[%dma_wait3A_89] : memref<10240xf32, #tpu.memory_space<vmem_shared>> -> memref<400xf32, #tpu.memory_space<vmem_shared>>
        tpu.wait_dma2 semaphore(%run_scoped3A : memref<!tpu.dma_semaphore, #tpu.memory_space<semaphore_mem>>) src(%dma_wait3A_90 : memref<400xf32, #tpu.memory_space<vmem_shared>>) dst(%dma_wait3A_88 : memref<400xf32, #tpu.memory_space<vmem>>)
        tpu.yield
      }) : () -> ()
      %eq3A_67 = arith.constant 0 : i32
      %eq3A_68 = arith.cmpi eq, %arg0, %eq3A_67 : i32
      %convert_element_type3A_69 = arith.extui %eq3A_68 : i1 to i32
      %cond3A_70 = arith.constant 0 : i32
      %cond3A_71 = arith.cmpi ne, %convert_element_type3A_69, %cond3A_70 : i32
      scf.if %cond3A_71 {
        "tpu.region"() ({
          %run_scoped3A = tpu.sem_alloc : memref<!tpu.dma_semaphore, #tpu.memory_space<semaphore_mem>>
          %dma_start3A = arith.constant 0 : i32
          %dma_start3A_77 = tpu.memref_slice %arg6[%dma_start3A] : memref<640xf32, #tpu.memory_space<vmem>> -> memref<400xf32, #tpu.memory_space<vmem>>
          %dma_start3A_78 = arith.constant 9600 : i32
          %dma_start3A_79 = tpu.memref_slice %arg3[%dma_start3A_78] : memref<10000xf32, #tpu.memory_space<hbm>> -> memref<400xf32, #tpu.memory_space<hbm>>
          %dma_start3A_80 = arith.constant 9600 : i32
          %dma_start3A_81 = tpu.memref_slice %arg3[%dma_start3A_80] : memref<10000xf32, #tpu.memory_space<hbm>> -> memref<400xf32, #tpu.memory_space<hbm>>
          %dma_start3A_82 = arith.constant 0 : i32
          %dma_start3A_83 = tpu.memref_slice %arg6[%dma_start3A_82] : memref<640xf32, #tpu.memory_space<vmem>> -> memref<400xf32, #tpu.memory_space<vmem>>
          tpu.enqueue_dma source(%dma_start3A_83 : memref<400xf32, #tpu.memory_space<vmem>>) target(%dma_start3A_81 : memref<400xf32, #tpu.memory_space<hbm>>) target_semaphore(%run_scoped3A : memref<!tpu.dma_semaphore, #tpu.memory_space<semaphore_mem>>)
          %dma_wait3A = arith.constant 0 : i32
          %dma_wait3A_84 = tpu.memref_slice %arg6[%dma_wait3A] : memref<640xf32, #tpu.memory_space<vmem>> -> memref<400xf32, #tpu.memory_space<vmem>>
          %dma_wait3A_85 = arith.constant 9600 : i32
          %dma_wait3A_86 = tpu.memref_slice %arg3[%dma_wait3A_85] : memref<10000xf32, #tpu.memory_space<hbm>> -> memref<400xf32, #tpu.memory_space<hbm>>
          %dma_wait3A_87 = arith.constant 9600 : i32
          %dma_wait3A_88 = tpu.memref_slice %arg3[%dma_wait3A_87] : memref<10000xf32, #tpu.memory_space<hbm>> -> memref<400xf32, #tpu.memory_space<hbm>>
          %dma_wait3A_89 = arith.constant 0 : i32
          %dma_wait3A_90 = tpu.memref_slice %arg6[%dma_wait3A_89] : memref<640xf32, #tpu.memory_space<vmem>> -> memref<400xf32, #tpu.memory_space<vmem>>
          tpu.wait_dma2 semaphore(%run_scoped3A : memref<!tpu.dma_semaphore, #tpu.memory_space<semaphore_mem>>) src(%dma_wait3A_90 : memref<400xf32, #tpu.memory_space<vmem>>) dst(%dma_wait3A_88 : memref<400xf32, #tpu.memory_space<hbm>>)
          tpu.yield
        }) : () -> ()
      } else {
      }
      %eq3A_72 = arith.constant 1 : i32
      %eq3A_73 = arith.cmpi eq, %arg0, %eq3A_72 : i32
      %convert_element_type3A_74 = arith.extui %eq3A_73 : i1 to i32
      %cond3A_75 = arith.constant 0 : i32
      %cond3A_76 = arith.cmpi ne, %convert_element_type3A_74, %cond3A_75 : i32
      scf.if %cond3A_76 {
        "tpu.region"() ({
          %run_scoped3A = tpu.sem_alloc : memref<!tpu.dma_semaphore, #tpu.memory_space<semaphore_mem>>
          %dma_start3A = arith.constant 0 : i32
          %dma_start3A_77 = tpu.memref_slice %arg6[%dma_start3A] : memref<640xf32, #tpu.memory_space<vmem>> -> memref<400xf32, #tpu.memory_space<vmem>>
          %dma_start3A_78 = arith.constant 9600 : i32
          %dma_start3A_79 = tpu.memref_slice %arg4[%dma_start3A_78] : memref<10000xf32, #tpu.memory_space<hbm>> -> memref<400xf32, #tpu.memory_space<hbm>>
          %dma_start3A_80 = arith.constant 9600 : i32
          %dma_start3A_81 = tpu.memref_slice %arg4[%dma_start3A_80] : memref<10000xf32, #tpu.memory_space<hbm>> -> memref<400xf32, #tpu.memory_space<hbm>>
          %dma_start3A_82 = arith.constant 0 : i32
          %dma_start3A_83 = tpu.memref_slice %arg6[%dma_start3A_82] : memref<640xf32, #tpu.memory_space<vmem>> -> memref<400xf32, #tpu.memory_space<vmem>>
          tpu.enqueue_dma source(%dma_start3A_83 : memref<400xf32, #tpu.memory_space<vmem>>) target(%dma_start3A_81 : memref<400xf32, #tpu.memory_space<hbm>>) target_semaphore(%run_scoped3A : memref<!tpu.dma_semaphore, #tpu.memory_space<semaphore_mem>>)
          %dma_wait3A = arith.constant 0 : i32
          %dma_wait3A_84 = tpu.memref_slice %arg6[%dma_wait3A] : memref<640xf32, #tpu.memory_space<vmem>> -> memref<400xf32, #tpu.memory_space<vmem>>
          %dma_wait3A_85 = arith.constant 9600 : i32
          %dma_wait3A_86 = tpu.memref_slice %arg4[%dma_wait3A_85] : memref<10000xf32, #tpu.memory_space<hbm>> -> memref<400xf32, #tpu.memory_space<hbm>>
          %dma_wait3A_87 = arith.constant 9600 : i32
          %dma_wait3A_88 = tpu.memref_slice %arg4[%dma_wait3A_87] : memref<10000xf32, #tpu.memory_space<hbm>> -> memref<400xf32, #tpu.memory_space<hbm>>
          %dma_wait3A_89 = arith.constant 0 : i32
          %dma_wait3A_90 = tpu.memref_slice %arg6[%dma_wait3A_89] : memref<640xf32, #tpu.memory_space<vmem>> -> memref<400xf32, #tpu.memory_space<vmem>>
          tpu.wait_dma2 semaphore(%run_scoped3A : memref<!tpu.dma_semaphore, #tpu.memory_space<semaphore_mem>>) src(%dma_wait3A_90 : memref<400xf32, #tpu.memory_space<vmem>>) dst(%dma_wait3A_88 : memref<400xf32, #tpu.memory_space<hbm>>)
          tpu.yield
        }) : () -> ()
      } else {
      }
    } else {
    }
    return
  }
}

#map = affine_map<(d0, d1) -> (0, 0)>
module attributes {stable_mosaic.version = 14 : i64} {
  func.func @_scat_kernel(%arg0: i32, %arg1: i32, %arg2: memref<2560x128xi32, #tpu.memory_space<hbm>>, %arg3: memref<2560x128xi32, #tpu.memory_space<hbm>>, %arg4: memref<10000x128xf32, #tpu.memory_space<hbm>>, %arg5: memref<10000x128xf32, #tpu.memory_space<hbm>>, %arg6: memref<10000x128xf32, #tpu.memory_space<hbm>>, %arg7: memref<40x128xi32, #tpu.memory_space<vmem>>, %arg8: memref<40x128xi32, #tpu.memory_space<vmem>>, %arg9: memref<128x128xf32, #tpu.memory_space<vmem>>, %arg10: memref<128x128xf32, #tpu.memory_space<vmem>>, %arg11: memref<10240x128xf32, #tpu.memory_space<vmem_shared>>, %arg12: memref<!tpu.dma_semaphore, #tpu.memory_space<semaphore_mem>>, %arg13: memref<!tpu.dma_semaphore, #tpu.memory_space<semaphore_mem>>, %arg14: memref<!tpu.dma_semaphore, #tpu.memory_space<semaphore_mem>>, %arg15: memref<!tpu.dma_semaphore, #tpu.memory_space<semaphore_mem>>, %arg16: memref<!tpu.dma_semaphore, #tpu.memory_space<semaphore_mem>>) attributes {dimension_semantics = [#tpu.dimension_semantics<core_parallel>, #tpu.dimension_semantics<subcore_parallel>], iteration_bounds = array<i64: 2, 16>, scalar_prefetch = 0 : i64, scratch_operands = 10 : i64, tpu.core_type = #tpu.core_type<sc_vector_subcore>, window_params = [{transform_indices = #map}, {transform_indices = #map}, {transform_indices = #map}, {transform_indices = #map}, {transform_indices = #map}]} {
    %lt3A = arith.constant 15 : i32
    %lt3A_0 = arith.cmpi slt, %arg1, %lt3A : i32
    %jit3A = arith.constant 8 : i32
    %jit3A_1 = arith.constant 5 : i32
    %select_n3A = arith.select %lt3A_0, %jit3A, %jit3A_1 : i32
    %scan3A = arith.constant 0 : i32
    %scan3A_2 = arith.constant 80 : i32
    %scan3A_3 = arith.addi %scan3A, %scan3A_2 : i32
    %scan3A_4 = arith.constant 1 : i32
    scf.for %scan3A_444 = %scan3A to %scan3A_3 step %scan3A_4  : i32 {
      %mul3A_445 = arith.constant 1 : i32
      %mul3A_446 = arith.muli %scan3A_444, %mul3A_445 : i32
      %add3A_447 = arith.constant 0 : i32
      %add3A_448 = arith.addi %add3A_447, %mul3A_446 : i32
      %broadcast_in_dim3A = arith.constant 0.000000e+00 : f32
      %broadcast_in_dim3A_449 = vector.broadcast %broadcast_in_dim3A : f32 to vector<16xf32>
      %swap3A = arith.index_cast %add3A_448 : i32 to index
      %swap3A_450 = arith.constant 0 : index
      %swap3A_451 = tpu.vector_load %arg9[%swap3A, %swap3A_450] {strides = array<i32>} : memref<128x128xf32, #tpu.memory_space<vmem>>, vector<1x16xf32>,
      %swap3A_452 = vector.shape_cast %swap3A_451 : vector<1x16xf32> to vector<16xf32>
      %swap3A_453 = vector.shape_cast %broadcast_in_dim3A_449 : vector<16xf32> to vector<1x16xf32>
      tpu.vector_store %arg9[%swap3A, %swap3A_450], %swap3A_453 {strides = array<i32>} : memref<128x128xf32, #tpu.memory_space<vmem>>, vector<1x16xf32>,
      %broadcast_in_dim3A_454 = arith.constant 0.000000e+00 : f32
      %broadcast_in_dim3A_455 = vector.broadcast %broadcast_in_dim3A_454 : f32 to vector<16xf32>
      %swap3A_456 = arith.index_cast %add3A_448 : i32 to index
      %swap3A_457 = arith.constant 16 : index
      %swap3A_458 = tpu.vector_load %arg9[%swap3A_456, %swap3A_457] {strides = array<i32>} : memref<128x128xf32, #tpu.memory_space<vmem>>, vector<1x16xf32>,
      %swap3A_459 = vector.shape_cast %swap3A_458 : vector<1x16xf32> to vector<16xf32>
      %swap3A_460 = vector.shape_cast %broadcast_in_dim3A_455 : vector<16xf32> to vector<1x16xf32>
      tpu.vector_store %arg9[%swap3A_456, %swap3A_457], %swap3A_460 {strides = array<i32>} : memref<128x128xf32, #tpu.memory_space<vmem>>, vector<1x16xf32>,
      %broadcast_in_dim3A_461 = arith.constant 0.000000e+00 : f32
      %broadcast_in_dim3A_462 = vector.broadcast %broadcast_in_dim3A_461 : f32 to vector<16xf32>
      %swap3A_463 = arith.index_cast %add3A_448 : i32 to index
      %swap3A_464 = arith.constant 32 : index
      %swap3A_465 = tpu.vector_load %arg9[%swap3A_463, %swap3A_464] {strides = array<i32>} : memref<128x128xf32, #tpu.memory_space<vmem>>, vector<1x16xf32>,
      %swap3A_466 = vector.shape_cast %swap3A_465 : vector<1x16xf32> to vector<16xf32>
      %swap3A_467 = vector.shape_cast %broadcast_in_dim3A_462 : vector<16xf32> to vector<1x16xf32>
      tpu.vector_store %arg9[%swap3A_463, %swap3A_464], %swap3A_467 {strides = array<i32>} : memref<128x128xf32, #tpu.memory_space<vmem>>, vector<1x16xf32>,
      %broadcast_in_dim3A_468 = arith.constant 0.000000e+00 : f32
      %broadcast_in_dim3A_469 = vector.broadcast %broadcast_in_dim3A_468 : f32 to vector<16xf32>
      %swap3A_470 = arith.index_cast %add3A_448 : i32 to index
      %swap3A_471 = arith.constant 48 : index
      %swap3A_472 = tpu.vector_load %arg9[%swap3A_470, %swap3A_471] {strides = array<i32>} : memref<128x128xf32, #tpu.memory_space<vmem>>, vector<1x16xf32>,
      %swap3A_473 = vector.shape_cast %swap3A_472 : vector<1x16xf32> to vector<16xf32>
      %swap3A_474 = vector.shape_cast %broadcast_in_dim3A_469 : vector<16xf32> to vector<1x16xf32>
      tpu.vector_store %arg9[%swap3A_470, %swap3A_471], %swap3A_474 {strides = array<i32>} : memref<128x128xf32, #tpu.memory_space<vmem>>, vector<1x16xf32>,
      %broadcast_in_dim3A_475 = arith.constant 0.000000e+00 : f32
      %broadcast_in_dim3A_476 = vector.broadcast %broadcast_in_dim3A_475 : f32 to vector<16xf32>
      %swap3A_477 = arith.index_cast %add3A_448 : i32 to index
      %swap3A_478 = arith.constant 64 : index
      %swap3A_479 = tpu.vector_load %arg9[%swap3A_477, %swap3A_478] {strides = array<i32>} : memref<128x128xf32, #tpu.memory_space<vmem>>, vector<1x16xf32>,
      %swap3A_480 = vector.shape_cast %swap3A_479 : vector<1x16xf32> to vector<16xf32>
      %swap3A_481 = vector.shape_cast %broadcast_in_dim3A_476 : vector<16xf32> to vector<1x16xf32>
      tpu.vector_store %arg9[%swap3A_477, %swap3A_478], %swap3A_481 {strides = array<i32>} : memref<128x128xf32, #tpu.memory_space<vmem>>, vector<1x16xf32>,
      %broadcast_in_dim3A_482 = arith.constant 0.000000e+00 : f32
      %broadcast_in_dim3A_483 = vector.broadcast %broadcast_in_dim3A_482 : f32 to vector<16xf32>
      %swap3A_484 = arith.index_cast %add3A_448 : i32 to index
      %swap3A_485 = arith.constant 80 : index
      %swap3A_486 = tpu.vector_load %arg9[%swap3A_484, %swap3A_485] {strides = array<i32>} : memref<128x128xf32, #tpu.memory_space<vmem>>, vector<1x16xf32>,
      %swap3A_487 = vector.shape_cast %swap3A_486 : vector<1x16xf32> to vector<16xf32>
      %swap3A_488 = vector.shape_cast %broadcast_in_dim3A_483 : vector<16xf32> to vector<1x16xf32>
      tpu.vector_store %arg9[%swap3A_484, %swap3A_485], %swap3A_488 {strides = array<i32>} : memref<128x128xf32, #tpu.memory_space<vmem>>, vector<1x16xf32>,
      %broadcast_in_dim3A_489 = arith.constant 0.000000e+00 : f32
      %broadcast_in_dim3A_490 = vector.broadcast %broadcast_in_dim3A_489 : f32 to vector<16xf32>
      %swap3A_491 = arith.index_cast %add3A_448 : i32 to index
      %swap3A_492 = arith.constant 96 : index
      %swap3A_493 = tpu.vector_load %arg9[%swap3A_491, %swap3A_492] {strides = array<i32>} : memref<128x128xf32, #tpu.memory_space<vmem>>, vector<1x16xf32>,
      %swap3A_494 = vector.shape_cast %swap3A_493 : vector<1x16xf32> to vector<16xf32>
      %swap3A_495 = vector.shape_cast %broadcast_in_dim3A_490 : vector<16xf32> to vector<1x16xf32>
      tpu.vector_store %arg9[%swap3A_491, %swap3A_492], %swap3A_495 {strides = array<i32>} : memref<128x128xf32, #tpu.memory_space<vmem>>, vector<1x16xf32>,
      %broadcast_in_dim3A_496 = arith.constant 0.000000e+00 : f32
      %broadcast_in_dim3A_497 = vector.broadcast %broadcast_in_dim3A_496 : f32 to vector<16xf32>
      %swap3A_498 = arith.index_cast %add3A_448 : i32 to index
      %swap3A_499 = arith.constant 112 : index
      %swap3A_500 = tpu.vector_load %arg9[%swap3A_498, %swap3A_499] {strides = array<i32>} : memref<128x128xf32, #tpu.memory_space<vmem>>, vector<1x16xf32>,
      %swap3A_501 = vector.shape_cast %swap3A_500 : vector<1x16xf32> to vector<16xf32>
      %swap3A_502 = vector.shape_cast %broadcast_in_dim3A_497 : vector<16xf32> to vector<1x16xf32>
      tpu.vector_store %arg9[%swap3A_498, %swap3A_499], %swap3A_502 {strides = array<i32>} : memref<128x128xf32, #tpu.memory_space<vmem>>, vector<1x16xf32>,
    }
    %scan3A_5 = arith.constant 80 : i32
    %mul3A = arith.constant 640 : i32
    %mul3A_6 = arith.muli %arg1, %mul3A : i32
    %add3A = arith.constant 0 : i32
    %add3A_7 = arith.addi %mul3A_6, %add3A : i32
    %dma_start3A = arith.constant 0 : i32
    %dma_start3A_8 = arith.constant 0 : i32
    %dma_start3A_9 = tpu.memref_slice %arg9[%dma_start3A, %dma_start3A_8] : memref<128x128xf32, #tpu.memory_space<vmem>> -> memref<80x128xf32, #tpu.memory_space<vmem>>
    %dma_start3A_10 = arith.constant 0 : i32
    %dma_start3A_11 = tpu.memref_slice %arg11[%add3A_7, %dma_start3A_10] : memref<10240x128xf32, #tpu.memory_space<vmem_shared>> -> memref<80x128xf32, #tpu.memory_space<vmem_shared>>
    %dma_start3A_12 = arith.constant 0 : i32
    %dma_start3A_13 = tpu.memref_slice %arg11[%add3A_7, %dma_start3A_12] : memref<10240x128xf32, #tpu.memory_space<vmem_shared>> -> memref<80x128xf32, #tpu.memory_space<vmem_shared>>
    %dma_start3A_14 = arith.constant 0 : i32
    %dma_start3A_15 = arith.constant 0 : i32
    %dma_start3A_16 = tpu.memref_slice %arg9[%dma_start3A_14, %dma_start3A_15] : memref<128x128xf32, #tpu.memory_space<vmem>> -> memref<80x128xf32, #tpu.memory_space<vmem>>
    tpu.enqueue_dma source(%dma_start3A_16 : memref<80x128xf32, #tpu.memory_space<vmem>>) target(%dma_start3A_13 : memref<80x128xf32, #tpu.memory_space<vmem_shared>>) target_semaphore(%arg12 : memref<!tpu.dma_semaphore, #tpu.memory_space<semaphore_mem>>)
    %mul3A_17 = arith.constant 640 : i32
    %mul3A_18 = arith.muli %arg1, %mul3A_17 : i32
    %add3A_19 = arith.constant 80 : i32
    %add3A_20 = arith.addi %mul3A_18, %add3A_19 : i32
    %dma_start3A_21 = arith.constant 0 : i32
    %dma_start3A_22 = arith.constant 0 : i32
    %dma_start3A_23 = tpu.memref_slice %arg9[%dma_start3A_21, %dma_start3A_22] : memref<128x128xf32, #tpu.memory_space<vmem>> -> memref<80x128xf32, #tpu.memory_space<vmem>>
    %dma_start3A_24 = arith.constant 0 : i32
    %dma_start3A_25 = tpu.memref_slice %arg11[%add3A_20, %dma_start3A_24] : memref<10240x128xf32, #tpu.memory_space<vmem_shared>> -> memref<80x128xf32, #tpu.memory_space<vmem_shared>>
    %dma_start3A_26 = arith.constant 0 : i32
    %dma_start3A_27 = tpu.memref_slice %arg11[%add3A_20, %dma_start3A_26] : memref<10240x128xf32, #tpu.memory_space<vmem_shared>> -> memref<80x128xf32, #tpu.memory_space<vmem_shared>>
    %dma_start3A_28 = arith.constant 0 : i32
    %dma_start3A_29 = arith.constant 0 : i32
    %dma_start3A_30 = tpu.memref_slice %arg9[%dma_start3A_28, %dma_start3A_29] : memref<128x128xf32, #tpu.memory_space<vmem>> -> memref<80x128xf32, #tpu.memory_space<vmem>>
    tpu.enqueue_dma source(%dma_start3A_30 : memref<80x128xf32, #tpu.memory_space<vmem>>) target(%dma_start3A_27 : memref<80x128xf32, #tpu.memory_space<vmem_shared>>) target_semaphore(%arg12 : memref<!tpu.dma_semaphore, #tpu.memory_space<semaphore_mem>>)
    %mul3A_31 = arith.constant 640 : i32
    %mul3A_32 = arith.muli %arg1, %mul3A_31 : i32
    %add3A_33 = arith.constant 160 : i32
    %add3A_34 = arith.addi %mul3A_32, %add3A_33 : i32
    %dma_start3A_35 = arith.constant 0 : i32
    %dma_start3A_36 = arith.constant 0 : i32
    %dma_start3A_37 = tpu.memref_slice %arg9[%dma_start3A_35, %dma_start3A_36] : memref<128x128xf32, #tpu.memory_space<vmem>> -> memref<80x128xf32, #tpu.memory_space<vmem>>
    %dma_start3A_38 = arith.constant 0 : i32
    %dma_start3A_39 = tpu.memref_slice %arg11[%add3A_34, %dma_start3A_38] : memref<10240x128xf32, #tpu.memory_space<vmem_shared>> -> memref<80x128xf32, #tpu.memory_space<vmem_shared>>
    %dma_start3A_40 = arith.constant 0 : i32
    %dma_start3A_41 = tpu.memref_slice %arg11[%add3A_34, %dma_start3A_40] : memref<10240x128xf32, #tpu.memory_space<vmem_shared>> -> memref<80x128xf32, #tpu.memory_space<vmem_shared>>
    %dma_start3A_42 = arith.constant 0 : i32
    %dma_start3A_43 = arith.constant 0 : i32
    %dma_start3A_44 = tpu.memref_slice %arg9[%dma_start3A_42, %dma_start3A_43] : memref<128x128xf32, #tpu.memory_space<vmem>> -> memref<80x128xf32, #tpu.memory_space<vmem>>
    tpu.enqueue_dma source(%dma_start3A_44 : memref<80x128xf32, #tpu.memory_space<vmem>>) target(%dma_start3A_41 : memref<80x128xf32, #tpu.memory_space<vmem_shared>>) target_semaphore(%arg12 : memref<!tpu.dma_semaphore, #tpu.memory_space<semaphore_mem>>)
    %mul3A_45 = arith.constant 640 : i32
    %mul3A_46 = arith.muli %arg1, %mul3A_45 : i32
    %add3A_47 = arith.constant 240 : i32
    %add3A_48 = arith.addi %mul3A_46, %add3A_47 : i32
    %dma_start3A_49 = arith.constant 0 : i32
    %dma_start3A_50 = arith.constant 0 : i32
    %dma_start3A_51 = tpu.memref_slice %arg9[%dma_start3A_49, %dma_start3A_50] : memref<128x128xf32, #tpu.memory_space<vmem>> -> memref<80x128xf32, #tpu.memory_space<vmem>>
    %dma_start3A_52 = arith.constant 0 : i32
    %dma_start3A_53 = tpu.memref_slice %arg11[%add3A_48, %dma_start3A_52] : memref<10240x128xf32, #tpu.memory_space<vmem_shared>> -> memref<80x128xf32, #tpu.memory_space<vmem_shared>>
    %dma_start3A_54 = arith.constant 0 : i32
    %dma_start3A_55 = tpu.memref_slice %arg11[%add3A_48, %dma_start3A_54] : memref<10240x128xf32, #tpu.memory_space<vmem_shared>> -> memref<80x128xf32, #tpu.memory_space<vmem_shared>>
    %dma_start3A_56 = arith.constant 0 : i32
    %dma_start3A_57 = arith.constant 0 : i32
    %dma_start3A_58 = tpu.memref_slice %arg9[%dma_start3A_56, %dma_start3A_57] : memref<128x128xf32, #tpu.memory_space<vmem>> -> memref<80x128xf32, #tpu.memory_space<vmem>>
    tpu.enqueue_dma source(%dma_start3A_58 : memref<80x128xf32, #tpu.memory_space<vmem>>) target(%dma_start3A_55 : memref<80x128xf32, #tpu.memory_space<vmem_shared>>) target_semaphore(%arg12 : memref<!tpu.dma_semaphore, #tpu.memory_space<semaphore_mem>>)
    %mul3A_59 = arith.constant 640 : i32
    %mul3A_60 = arith.muli %arg1, %mul3A_59 : i32
    %add3A_61 = arith.constant 320 : i32
    %add3A_62 = arith.addi %mul3A_60, %add3A_61 : i32
    %dma_start3A_63 = arith.constant 0 : i32
    %dma_start3A_64 = arith.constant 0 : i32
    %dma_start3A_65 = tpu.memref_slice %arg9[%dma_start3A_63, %dma_start3A_64] : memref<128x128xf32, #tpu.memory_space<vmem>> -> memref<80x128xf32, #tpu.memory_space<vmem>>
    %dma_start3A_66 = arith.constant 0 : i32
    %dma_start3A_67 = tpu.memref_slice %arg11[%add3A_62, %dma_start3A_66] : memref<10240x128xf32, #tpu.memory_space<vmem_shared>> -> memref<80x128xf32, #tpu.memory_space<vmem_shared>>
    %dma_start3A_68 = arith.constant 0 : i32
    %dma_start3A_69 = tpu.memref_slice %arg11[%add3A_62, %dma_start3A_68] : memref<10240x128xf32, #tpu.memory_space<vmem_shared>> -> memref<80x128xf32, #tpu.memory_space<vmem_shared>>
    %dma_start3A_70 = arith.constant 0 : i32
    %dma_start3A_71 = arith.constant 0 : i32
    %dma_start3A_72 = tpu.memref_slice %arg9[%dma_start3A_70, %dma_start3A_71] : memref<128x128xf32, #tpu.memory_space<vmem>> -> memref<80x128xf32, #tpu.memory_space<vmem>>
    tpu.enqueue_dma source(%dma_start3A_72 : memref<80x128xf32, #tpu.memory_space<vmem>>) target(%dma_start3A_69 : memref<80x128xf32, #tpu.memory_space<vmem_shared>>) target_semaphore(%arg12 : memref<!tpu.dma_semaphore, #tpu.memory_space<semaphore_mem>>)
    %mul3A_73 = arith.constant 640 : i32
    %mul3A_74 = arith.muli %arg1, %mul3A_73 : i32
    %add3A_75 = arith.constant 400 : i32
    %add3A_76 = arith.addi %mul3A_74, %add3A_75 : i32
    %dma_start3A_77 = arith.constant 0 : i32
    %dma_start3A_78 = arith.constant 0 : i32
    %dma_start3A_79 = tpu.memref_slice %arg9[%dma_start3A_77, %dma_start3A_78] : memref<128x128xf32, #tpu.memory_space<vmem>> -> memref<80x128xf32, #tpu.memory_space<vmem>>
    %dma_start3A_80 = arith.constant 0 : i32
    %dma_start3A_81 = tpu.memref_slice %arg11[%add3A_76, %dma_start3A_80] : memref<10240x128xf32, #tpu.memory_space<vmem_shared>> -> memref<80x128xf32, #tpu.memory_space<vmem_shared>>
    %dma_start3A_82 = arith.constant 0 : i32
    %dma_start3A_83 = tpu.memref_slice %arg11[%add3A_76, %dma_start3A_82] : memref<10240x128xf32, #tpu.memory_space<vmem_shared>> -> memref<80x128xf32, #tpu.memory_space<vmem_shared>>
    %dma_start3A_84 = arith.constant 0 : i32
    %dma_start3A_85 = arith.constant 0 : i32
    %dma_start3A_86 = tpu.memref_slice %arg9[%dma_start3A_84, %dma_start3A_85] : memref<128x128xf32, #tpu.memory_space<vmem>> -> memref<80x128xf32, #tpu.memory_space<vmem>>
    tpu.enqueue_dma source(%dma_start3A_86 : memref<80x128xf32, #tpu.memory_space<vmem>>) target(%dma_start3A_83 : memref<80x128xf32, #tpu.memory_space<vmem_shared>>) target_semaphore(%arg12 : memref<!tpu.dma_semaphore, #tpu.memory_space<semaphore_mem>>)
    %mul3A_87 = arith.constant 640 : i32
    %mul3A_88 = arith.muli %arg1, %mul3A_87 : i32
    %add3A_89 = arith.constant 480 : i32
    %add3A_90 = arith.addi %mul3A_88, %add3A_89 : i32
    %dma_start3A_91 = arith.constant 0 : i32
    %dma_start3A_92 = arith.constant 0 : i32
    %dma_start3A_93 = tpu.memref_slice %arg9[%dma_start3A_91, %dma_start3A_92] : memref<128x128xf32, #tpu.memory_space<vmem>> -> memref<80x128xf32, #tpu.memory_space<vmem>>
    %dma_start3A_94 = arith.constant 0 : i32
    %dma_start3A_95 = tpu.memref_slice %arg11[%add3A_90, %dma_start3A_94] : memref<10240x128xf32, #tpu.memory_space<vmem_shared>> -> memref<80x128xf32, #tpu.memory_space<vmem_shared>>
    %dma_start3A_96 = arith.constant 0 : i32
    %dma_start3A_97 = tpu.memref_slice %arg11[%add3A_90, %dma_start3A_96] : memref<10240x128xf32, #tpu.memory_space<vmem_shared>> -> memref<80x128xf32, #tpu.memory_space<vmem_shared>>
    %dma_start3A_98 = arith.constant 0 : i32
    %dma_start3A_99 = arith.constant 0 : i32
    %dma_start3A_100 = tpu.memref_slice %arg9[%dma_start3A_98, %dma_start3A_99] : memref<128x128xf32, #tpu.memory_space<vmem>> -> memref<80x128xf32, #tpu.memory_space<vmem>>
    tpu.enqueue_dma source(%dma_start3A_100 : memref<80x128xf32, #tpu.memory_space<vmem>>) target(%dma_start3A_97 : memref<80x128xf32, #tpu.memory_space<vmem_shared>>) target_semaphore(%arg12 : memref<!tpu.dma_semaphore, #tpu.memory_space<semaphore_mem>>)
    %mul3A_101 = arith.constant 640 : i32
    %mul3A_102 = arith.muli %arg1, %mul3A_101 : i32
    %add3A_103 = arith.constant 560 : i32
    %add3A_104 = arith.addi %mul3A_102, %add3A_103 : i32
    %dma_start3A_105 = arith.constant 0 : i32
    %dma_start3A_106 = arith.constant 0 : i32
    %dma_start3A_107 = tpu.memref_slice %arg9[%dma_start3A_105, %dma_start3A_106] : memref<128x128xf32, #tpu.memory_space<vmem>> -> memref<80x128xf32, #tpu.memory_space<vmem>>
    %dma_start3A_108 = arith.constant 0 : i32
    %dma_start3A_109 = tpu.memref_slice %arg11[%add3A_104, %dma_start3A_108] : memref<10240x128xf32, #tpu.memory_space<vmem_shared>> -> memref<80x128xf32, #tpu.memory_space<vmem_shared>>
    %dma_start3A_110 = arith.constant 0 : i32
    %dma_start3A_111 = tpu.memref_slice %arg11[%add3A_104, %dma_start3A_110] : memref<10240x128xf32, #tpu.memory_space<vmem_shared>> -> memref<80x128xf32, #tpu.memory_space<vmem_shared>>
    %dma_start3A_112 = arith.constant 0 : i32
    %dma_start3A_113 = arith.constant 0 : i32
    %dma_start3A_114 = tpu.memref_slice %arg9[%dma_start3A_112, %dma_start3A_113] : memref<128x128xf32, #tpu.memory_space<vmem>> -> memref<80x128xf32, #tpu.memory_space<vmem>>
    tpu.enqueue_dma source(%dma_start3A_114 : memref<80x128xf32, #tpu.memory_space<vmem>>) target(%dma_start3A_111 : memref<80x128xf32, #tpu.memory_space<vmem_shared>>) target_semaphore(%arg12 : memref<!tpu.dma_semaphore, #tpu.memory_space<semaphore_mem>>)
    %mul3A_115 = arith.constant 640 : i32
    %mul3A_116 = arith.muli %arg1, %mul3A_115 : i32
    %add3A_117 = arith.constant 0 : i32
    %add3A_118 = arith.addi %mul3A_116, %add3A_117 : i32
    %dma_wait3A = arith.constant 0 : i32
    %dma_wait3A_119 = arith.constant 0 : i32
    %dma_wait3A_120 = tpu.memref_slice %arg9[%dma_wait3A, %dma_wait3A_119] : memref<128x128xf32, #tpu.memory_space<vmem>> -> memref<80x128xf32, #tpu.memory_space<vmem>>
    %dma_wait3A_121 = arith.constant 0 : i32
    %dma_wait3A_122 = tpu.memref_slice %arg11[%add3A_118, %dma_wait3A_121] : memref<10240x128xf32, #tpu.memory_space<vmem_shared>> -> memref<80x128xf32, #tpu.memory_space<vmem_shared>>
    %dma_wait3A_123 = arith.constant 0 : i32
    %dma_wait3A_124 = tpu.memref_slice %arg11[%add3A_118, %dma_wait3A_123] : memref<10240x128xf32, #tpu.memory_space<vmem_shared>> -> memref<80x128xf32, #tpu.memory_space<vmem_shared>>
    %dma_wait3A_125 = arith.constant 0 : i32
    %dma_wait3A_126 = arith.constant 0 : i32
    %dma_wait3A_127 = tpu.memref_slice %arg9[%dma_wait3A_125, %dma_wait3A_126] : memref<128x128xf32, #tpu.memory_space<vmem>> -> memref<80x128xf32, #tpu.memory_space<vmem>>
    tpu.wait_dma2 semaphore(%arg12 : memref<!tpu.dma_semaphore, #tpu.memory_space<semaphore_mem>>) src(%dma_wait3A_127 : memref<80x128xf32, #tpu.memory_space<vmem>>) dst(%dma_wait3A_124 : memref<80x128xf32, #tpu.memory_space<vmem_shared>>)
    %mul3A_128 = arith.constant 640 : i32
    %mul3A_129 = arith.muli %arg1, %mul3A_128 : i32
    %add3A_130 = arith.constant 80 : i32
    %add3A_131 = arith.addi %mul3A_129, %add3A_130 : i32
    %dma_wait3A_132 = arith.constant 0 : i32
    %dma_wait3A_133 = arith.constant 0 : i32
    %dma_wait3A_134 = tpu.memref_slice %arg9[%dma_wait3A_132, %dma_wait3A_133] : memref<128x128xf32, #tpu.memory_space<vmem>> -> memref<80x128xf32, #tpu.memory_space<vmem>>
    %dma_wait3A_135 = arith.constant 0 : i32
    %dma_wait3A_136 = tpu.memref_slice %arg11[%add3A_131, %dma_wait3A_135] : memref<10240x128xf32, #tpu.memory_space<vmem_shared>> -> memref<80x128xf32, #tpu.memory_space<vmem_shared>>
    %dma_wait3A_137 = arith.constant 0 : i32
    %dma_wait3A_138 = tpu.memref_slice %arg11[%add3A_131, %dma_wait3A_137] : memref<10240x128xf32, #tpu.memory_space<vmem_shared>> -> memref<80x128xf32, #tpu.memory_space<vmem_shared>>
    %dma_wait3A_139 = arith.constant 0 : i32
    %dma_wait3A_140 = arith.constant 0 : i32
    %dma_wait3A_141 = tpu.memref_slice %arg9[%dma_wait3A_139, %dma_wait3A_140] : memref<128x128xf32, #tpu.memory_space<vmem>> -> memref<80x128xf32, #tpu.memory_space<vmem>>
    tpu.wait_dma2 semaphore(%arg12 : memref<!tpu.dma_semaphore, #tpu.memory_space<semaphore_mem>>) src(%dma_wait3A_141 : memref<80x128xf32, #tpu.memory_space<vmem>>) dst(%dma_wait3A_138 : memref<80x128xf32, #tpu.memory_space<vmem_shared>>)
    %mul3A_142 = arith.constant 640 : i32
    %mul3A_143 = arith.muli %arg1, %mul3A_142 : i32
    %add3A_144 = arith.constant 160 : i32
    %add3A_145 = arith.addi %mul3A_143, %add3A_144 : i32
    %dma_wait3A_146 = arith.constant 0 : i32
    %dma_wait3A_147 = arith.constant 0 : i32
    %dma_wait3A_148 = tpu.memref_slice %arg9[%dma_wait3A_146, %dma_wait3A_147] : memref<128x128xf32, #tpu.memory_space<vmem>> -> memref<80x128xf32, #tpu.memory_space<vmem>>
    %dma_wait3A_149 = arith.constant 0 : i32
    %dma_wait3A_150 = tpu.memref_slice %arg11[%add3A_145, %dma_wait3A_149] : memref<10240x128xf32, #tpu.memory_space<vmem_shared>> -> memref<80x128xf32, #tpu.memory_space<vmem_shared>>
    %dma_wait3A_151 = arith.constant 0 : i32
    %dma_wait3A_152 = tpu.memref_slice %arg11[%add3A_145, %dma_wait3A_151] : memref<10240x128xf32, #tpu.memory_space<vmem_shared>> -> memref<80x128xf32, #tpu.memory_space<vmem_shared>>
    %dma_wait3A_153 = arith.constant 0 : i32
    %dma_wait3A_154 = arith.constant 0 : i32
    %dma_wait3A_155 = tpu.memref_slice %arg9[%dma_wait3A_153, %dma_wait3A_154] : memref<128x128xf32, #tpu.memory_space<vmem>> -> memref<80x128xf32, #tpu.memory_space<vmem>>
    tpu.wait_dma2 semaphore(%arg12 : memref<!tpu.dma_semaphore, #tpu.memory_space<semaphore_mem>>) src(%dma_wait3A_155 : memref<80x128xf32, #tpu.memory_space<vmem>>) dst(%dma_wait3A_152 : memref<80x128xf32, #tpu.memory_space<vmem_shared>>)
    %mul3A_156 = arith.constant 640 : i32
    %mul3A_157 = arith.muli %arg1, %mul3A_156 : i32
    %add3A_158 = arith.constant 240 : i32
    %add3A_159 = arith.addi %mul3A_157, %add3A_158 : i32
    %dma_wait3A_160 = arith.constant 0 : i32
    %dma_wait3A_161 = arith.constant 0 : i32
    %dma_wait3A_162 = tpu.memref_slice %arg9[%dma_wait3A_160, %dma_wait3A_161] : memref<128x128xf32, #tpu.memory_space<vmem>> -> memref<80x128xf32, #tpu.memory_space<vmem>>
    %dma_wait3A_163 = arith.constant 0 : i32
    %dma_wait3A_164 = tpu.memref_slice %arg11[%add3A_159, %dma_wait3A_163] : memref<10240x128xf32, #tpu.memory_space<vmem_shared>> -> memref<80x128xf32, #tpu.memory_space<vmem_shared>>
    %dma_wait3A_165 = arith.constant 0 : i32
    %dma_wait3A_166 = tpu.memref_slice %arg11[%add3A_159, %dma_wait3A_165] : memref<10240x128xf32, #tpu.memory_space<vmem_shared>> -> memref<80x128xf32, #tpu.memory_space<vmem_shared>>
    %dma_wait3A_167 = arith.constant 0 : i32
    %dma_wait3A_168 = arith.constant 0 : i32
    %dma_wait3A_169 = tpu.memref_slice %arg9[%dma_wait3A_167, %dma_wait3A_168] : memref<128x128xf32, #tpu.memory_space<vmem>> -> memref<80x128xf32, #tpu.memory_space<vmem>>
    tpu.wait_dma2 semaphore(%arg12 : memref<!tpu.dma_semaphore, #tpu.memory_space<semaphore_mem>>) src(%dma_wait3A_169 : memref<80x128xf32, #tpu.memory_space<vmem>>) dst(%dma_wait3A_166 : memref<80x128xf32, #tpu.memory_space<vmem_shared>>)
    %mul3A_170 = arith.constant 640 : i32
    %mul3A_171 = arith.muli %arg1, %mul3A_170 : i32
    %add3A_172 = arith.constant 320 : i32
    %add3A_173 = arith.addi %mul3A_171, %add3A_172 : i32
    %dma_wait3A_174 = arith.constant 0 : i32
    %dma_wait3A_175 = arith.constant 0 : i32
    %dma_wait3A_176 = tpu.memref_slice %arg9[%dma_wait3A_174, %dma_wait3A_175] : memref<128x128xf32, #tpu.memory_space<vmem>> -> memref<80x128xf32, #tpu.memory_space<vmem>>
    %dma_wait3A_177 = arith.constant 0 : i32
    %dma_wait3A_178 = tpu.memref_slice %arg11[%add3A_173, %dma_wait3A_177] : memref<10240x128xf32, #tpu.memory_space<vmem_shared>> -> memref<80x128xf32, #tpu.memory_space<vmem_shared>>
    %dma_wait3A_179 = arith.constant 0 : i32
    %dma_wait3A_180 = tpu.memref_slice %arg11[%add3A_173, %dma_wait3A_179] : memref<10240x128xf32, #tpu.memory_space<vmem_shared>> -> memref<80x128xf32, #tpu.memory_space<vmem_shared>>
    %dma_wait3A_181 = arith.constant 0 : i32
    %dma_wait3A_182 = arith.constant 0 : i32
    %dma_wait3A_183 = tpu.memref_slice %arg9[%dma_wait3A_181, %dma_wait3A_182] : memref<128x128xf32, #tpu.memory_space<vmem>> -> memref<80x128xf32, #tpu.memory_space<vmem>>
    tpu.wait_dma2 semaphore(%arg12 : memref<!tpu.dma_semaphore, #tpu.memory_space<semaphore_mem>>) src(%dma_wait3A_183 : memref<80x128xf32, #tpu.memory_space<vmem>>) dst(%dma_wait3A_180 : memref<80x128xf32, #tpu.memory_space<vmem_shared>>)
    %mul3A_184 = arith.constant 640 : i32
    %mul3A_185 = arith.muli %arg1, %mul3A_184 : i32
    %add3A_186 = arith.constant 400 : i32
    %add3A_187 = arith.addi %mul3A_185, %add3A_186 : i32
    %dma_wait3A_188 = arith.constant 0 : i32
    %dma_wait3A_189 = arith.constant 0 : i32
    %dma_wait3A_190 = tpu.memref_slice %arg9[%dma_wait3A_188, %dma_wait3A_189] : memref<128x128xf32, #tpu.memory_space<vmem>> -> memref<80x128xf32, #tpu.memory_space<vmem>>
    %dma_wait3A_191 = arith.constant 0 : i32
    %dma_wait3A_192 = tpu.memref_slice %arg11[%add3A_187, %dma_wait3A_191] : memref<10240x128xf32, #tpu.memory_space<vmem_shared>> -> memref<80x128xf32, #tpu.memory_space<vmem_shared>>
    %dma_wait3A_193 = arith.constant 0 : i32
    %dma_wait3A_194 = tpu.memref_slice %arg11[%add3A_187, %dma_wait3A_193] : memref<10240x128xf32, #tpu.memory_space<vmem_shared>> -> memref<80x128xf32, #tpu.memory_space<vmem_shared>>
    %dma_wait3A_195 = arith.constant 0 : i32
    %dma_wait3A_196 = arith.constant 0 : i32
    %dma_wait3A_197 = tpu.memref_slice %arg9[%dma_wait3A_195, %dma_wait3A_196] : memref<128x128xf32, #tpu.memory_space<vmem>> -> memref<80x128xf32, #tpu.memory_space<vmem>>
    tpu.wait_dma2 semaphore(%arg12 : memref<!tpu.dma_semaphore, #tpu.memory_space<semaphore_mem>>) src(%dma_wait3A_197 : memref<80x128xf32, #tpu.memory_space<vmem>>) dst(%dma_wait3A_194 : memref<80x128xf32, #tpu.memory_space<vmem_shared>>)
    %mul3A_198 = arith.constant 640 : i32
    %mul3A_199 = arith.muli %arg1, %mul3A_198 : i32
    %add3A_200 = arith.constant 480 : i32
    %add3A_201 = arith.addi %mul3A_199, %add3A_200 : i32
    %dma_wait3A_202 = arith.constant 0 : i32
    %dma_wait3A_203 = arith.constant 0 : i32
    %dma_wait3A_204 = tpu.memref_slice %arg9[%dma_wait3A_202, %dma_wait3A_203] : memref<128x128xf32, #tpu.memory_space<vmem>> -> memref<80x128xf32, #tpu.memory_space<vmem>>
    %dma_wait3A_205 = arith.constant 0 : i32
    %dma_wait3A_206 = tpu.memref_slice %arg11[%add3A_201, %dma_wait3A_205] : memref<10240x128xf32, #tpu.memory_space<vmem_shared>> -> memref<80x128xf32, #tpu.memory_space<vmem_shared>>
    %dma_wait3A_207 = arith.constant 0 : i32
    %dma_wait3A_208 = tpu.memref_slice %arg11[%add3A_201, %dma_wait3A_207] : memref<10240x128xf32, #tpu.memory_space<vmem_shared>> -> memref<80x128xf32, #tpu.memory_space<vmem_shared>>
    %dma_wait3A_209 = arith.constant 0 : i32
    %dma_wait3A_210 = arith.constant 0 : i32
    %dma_wait3A_211 = tpu.memref_slice %arg9[%dma_wait3A_209, %dma_wait3A_210] : memref<128x128xf32, #tpu.memory_space<vmem>> -> memref<80x128xf32, #tpu.memory_space<vmem>>
    tpu.wait_dma2 semaphore(%arg12 : memref<!tpu.dma_semaphore, #tpu.memory_space<semaphore_mem>>) src(%dma_wait3A_211 : memref<80x128xf32, #tpu.memory_space<vmem>>) dst(%dma_wait3A_208 : memref<80x128xf32, #tpu.memory_space<vmem_shared>>)
    %mul3A_212 = arith.constant 640 : i32
    %mul3A_213 = arith.muli %arg1, %mul3A_212 : i32
    %add3A_214 = arith.constant 560 : i32
    %add3A_215 = arith.addi %mul3A_213, %add3A_214 : i32
    %dma_wait3A_216 = arith.constant 0 : i32
    %dma_wait3A_217 = arith.constant 0 : i32
    %dma_wait3A_218 = tpu.memref_slice %arg9[%dma_wait3A_216, %dma_wait3A_217] : memref<128x128xf32, #tpu.memory_space<vmem>> -> memref<80x128xf32, #tpu.memory_space<vmem>>
    %dma_wait3A_219 = arith.constant 0 : i32
    %dma_wait3A_220 = tpu.memref_slice %arg11[%add3A_215, %dma_wait3A_219] : memref<10240x128xf32, #tpu.memory_space<vmem_shared>> -> memref<80x128xf32, #tpu.memory_space<vmem_shared>>
    %dma_wait3A_221 = arith.constant 0 : i32
    %dma_wait3A_222 = tpu.memref_slice %arg11[%add3A_215, %dma_wait3A_221] : memref<10240x128xf32, #tpu.memory_space<vmem_shared>> -> memref<80x128xf32, #tpu.memory_space<vmem_shared>>
    %dma_wait3A_223 = arith.constant 0 : i32
    %dma_wait3A_224 = arith.constant 0 : i32
    %dma_wait3A_225 = tpu.memref_slice %arg9[%dma_wait3A_223, %dma_wait3A_224] : memref<128x128xf32, #tpu.memory_space<vmem>> -> memref<80x128xf32, #tpu.memory_space<vmem>>
    tpu.wait_dma2 semaphore(%arg12 : memref<!tpu.dma_semaphore, #tpu.memory_space<semaphore_mem>>) src(%dma_wait3A_225 : memref<80x128xf32, #tpu.memory_space<vmem>>) dst(%dma_wait3A_222 : memref<80x128xf32, #tpu.memory_space<vmem_shared>>)
    %barrier3A = arith.constant 0 : index
    tpu.barrier barrier_id(%barrier3A)
    %mul3A_226 = arith.constant 16 : i32
    %mul3A_227 = arith.muli %arg0, %mul3A_226 : i32
    %add3A_228 = arith.addi %mul3A_227, %arg1 : i32
    %mul3A_229 = arith.constant 80 : i32
    %mul3A_230 = arith.muli %add3A_228, %mul3A_229 : i32
    %add3A_231 = arith.constant 0 : i32
    %add3A_232 = arith.addi %mul3A_230, %add3A_231 : i32
    "tpu.region"() ({
      %run_scoped3A_444 = tpu.sem_alloc : memref<!tpu.dma_semaphore, #tpu.memory_space<semaphore_mem>>
      %dma_start3A_445 = arith.constant 0 : i32
      %dma_start3A_446 = tpu.memref_slice %arg2[%add3A_232, %dma_start3A_445] : memref<2560x128xi32, #tpu.memory_space<hbm>> -> memref<40x128xi32, #tpu.memory_space<hbm>>
      %dma_start3A_447 = arith.constant 0 : i32
      %dma_start3A_448 = tpu.memref_slice %arg2[%add3A_232, %dma_start3A_447] : memref<2560x128xi32, #tpu.memory_space<hbm>> -> memref<40x128xi32, #tpu.memory_space<hbm>>
      tpu.enqueue_dma source(%dma_start3A_448 : memref<40x128xi32, #tpu.memory_space<hbm>>) target(%arg7 : memref<40x128xi32, #tpu.memory_space<vmem>>) target_semaphore(%run_scoped3A_444 : memref<!tpu.dma_semaphore, #tpu.memory_space<semaphore_mem>>)
      %dma_wait3A_449 = arith.constant 0 : i32
      %dma_wait3A_450 = tpu.memref_slice %arg2[%add3A_232, %dma_wait3A_449] : memref<2560x128xi32, #tpu.memory_space<hbm>> -> memref<40x128xi32, #tpu.memory_space<hbm>>
      %dma_wait3A_451 = arith.constant 0 : i32
      %dma_wait3A_452 = tpu.memref_slice %arg2[%add3A_232, %dma_wait3A_451] : memref<2560x128xi32, #tpu.memory_space<hbm>> -> memref<40x128xi32, #tpu.memory_space<hbm>>
      tpu.wait_dma2 semaphore(%run_scoped3A_444 : memref<!tpu.dma_semaphore, #tpu.memory_space<semaphore_mem>>) src(%dma_wait3A_452 : memref<40x128xi32, #tpu.memory_space<hbm>>) dst(%arg7 : memref<40x128xi32, #tpu.memory_space<vmem>>)
      tpu.yield
    }) : () -> ()
    %mul3A_233 = arith.constant 16 : i32
    %mul3A_234 = arith.muli %arg0, %mul3A_233 : i32
    %add3A_235 = arith.addi %mul3A_234, %arg1 : i32
    %mul3A_236 = arith.constant 80 : i32
    %mul3A_237 = arith.muli %add3A_235, %mul3A_236 : i32
    %add3A_238 = arith.constant 0 : i32
    %add3A_239 = arith.addi %mul3A_237, %add3A_238 : i32
    "tpu.region"() ({
      %run_scoped3A_444 = tpu.sem_alloc : memref<!tpu.dma_semaphore, #tpu.memory_space<semaphore_mem>>
      %dma_start3A_445 = arith.constant 0 : i32
      %dma_start3A_446 = tpu.memref_slice %arg3[%add3A_239, %dma_start3A_445] : memref<2560x128xi32, #tpu.memory_space<hbm>> -> memref<40x128xi32, #tpu.memory_space<hbm>>
      %dma_start3A_447 = arith.constant 0 : i32
      %dma_start3A_448 = tpu.memref_slice %arg3[%add3A_239, %dma_start3A_447] : memref<2560x128xi32, #tpu.memory_space<hbm>> -> memref<40x128xi32, #tpu.memory_space<hbm>>
      tpu.enqueue_dma source(%dma_start3A_448 : memref<40x128xi32, #tpu.memory_space<hbm>>) target(%arg8 : memref<40x128xi32, #tpu.memory_space<vmem>>) target_semaphore(%run_scoped3A_444 : memref<!tpu.dma_semaphore, #tpu.memory_space<semaphore_mem>>)
      %dma_wait3A_449 = arith.constant 0 : i32
      %dma_wait3A_450 = tpu.memref_slice %arg3[%add3A_239, %dma_wait3A_449] : memref<2560x128xi32, #tpu.memory_space<hbm>> -> memref<40x128xi32, #tpu.memory_space<hbm>>
      %dma_wait3A_451 = arith.constant 0 : i32
      %dma_wait3A_452 = tpu.memref_slice %arg3[%add3A_239, %dma_wait3A_451] : memref<2560x128xi32, #tpu.memory_space<hbm>> -> memref<40x128xi32, #tpu.memory_space<hbm>>
      tpu.wait_dma2 semaphore(%run_scoped3A_444 : memref<!tpu.dma_semaphore, #tpu.memory_space<semaphore_mem>>) src(%dma_wait3A_452 : memref<40x128xi32, #tpu.memory_space<hbm>>) dst(%arg8 : memref<40x128xi32, #tpu.memory_space<vmem>>)
      tpu.yield
    }) : () -> ()
    %dma_start3A_240 = arith.constant 0 : i32
    %dma_start3A_241 = arith.constant 0 : i32
    %dma_start3A_242 = arith.constant 0 : i32
    %dma_start3A_243 = tpu.memref_slice %arg9[%dma_start3A_241, %dma_start3A_242] : memref<128x128xf32, #tpu.memory_space<vmem>> -> memref<64x128xf32, #tpu.memory_space<vmem>>
    %dma_start3A_244 = arith.constant 0 : i32
    %dma_start3A_245 = tpu.memref_slice %arg7[%dma_start3A_240, %dma_start3A_244] : memref<40x128xi32, #tpu.memory_space<vmem>> -> memref<1x64xi32, #tpu.memory_space<vmem>>
    %dma_start3A_246 = tpu.memref_squeeze %dma_start3A_245 : memref<1x64xi32, #tpu.memory_space<vmem>> -> memref<64xi32, #tpu.memory_space<vmem>>
    %dma_start3A_247 = arith.constant 0 : i32
    %dma_start3A_248 = arith.constant 0 : i32
    %dma_start3A_249 = tpu.memref_slice %arg4[%dma_start3A_247, %dma_start3A_248] : memref<10000x128xf32, #tpu.memory_space<hbm>> -> memref<10000x128xf32, #tpu.memory_space<hbm>>
    tpu.enqueue_indirect_dma source(%dma_start3A_249 : memref<10000x128xf32, #tpu.memory_space<hbm>>) target(%dma_start3A_243 : memref<64x128xf32, #tpu.memory_space<vmem>>) offsets(%dma_start3A_246 : memref<64xi32, #tpu.memory_space<vmem>>) semaphore(%arg13 : memref<!tpu.dma_semaphore, #tpu.memory_space<semaphore_mem>>)
    %dma_start3A_250 = arith.constant 0 : i32
    %dma_start3A_251 = arith.constant 64 : i32
    %dma_start3A_252 = arith.constant 0 : i32
    %dma_start3A_253 = tpu.memref_slice %arg9[%dma_start3A_251, %dma_start3A_252] : memref<128x128xf32, #tpu.memory_space<vmem>> -> memref<64x128xf32, #tpu.memory_space<vmem>>
    %dma_start3A_254 = arith.constant 64 : i32
    %dma_start3A_255 = tpu.memref_slice %arg7[%dma_start3A_250, %dma_start3A_254] : memref<40x128xi32, #tpu.memory_space<vmem>> -> memref<1x64xi32, #tpu.memory_space<vmem>>
    %dma_start3A_256 = tpu.memref_squeeze %dma_start3A_255 : memref<1x64xi32, #tpu.memory_space<vmem>> -> memref<64xi32, #tpu.memory_space<vmem>>
    %dma_start3A_257 = arith.constant 0 : i32
    %dma_start3A_258 = arith.constant 0 : i32
    %dma_start3A_259 = tpu.memref_slice %arg4[%dma_start3A_257, %dma_start3A_258] : memref<10000x128xf32, #tpu.memory_space<hbm>> -> memref<10000x128xf32, #tpu.memory_space<hbm>>
    tpu.enqueue_indirect_dma source(%dma_start3A_259 : memref<10000x128xf32, #tpu.memory_space<hbm>>) target(%dma_start3A_253 : memref<64x128xf32, #tpu.memory_space<vmem>>) offsets(%dma_start3A_256 : memref<64xi32, #tpu.memory_space<vmem>>) semaphore(%arg15 : memref<!tpu.dma_semaphore, #tpu.memory_space<semaphore_mem>>)
    %dma_start3A_260 = arith.constant 1 : i32
    %dma_start3A_261 = arith.constant 0 : i32
    %dma_start3A_262 = arith.constant 0 : i32
    %dma_start3A_263 = tpu.memref_slice %arg10[%dma_start3A_261, %dma_start3A_262] : memref<128x128xf32, #tpu.memory_space<vmem>> -> memref<64x128xf32, #tpu.memory_space<vmem>>
    %dma_start3A_264 = arith.constant 0 : i32
    %dma_start3A_265 = tpu.memref_slice %arg7[%dma_start3A_260, %dma_start3A_264] : memref<40x128xi32, #tpu.memory_space<vmem>> -> memref<1x64xi32, #tpu.memory_space<vmem>>
    %dma_start3A_266 = tpu.memref_squeeze %dma_start3A_265 : memref<1x64xi32, #tpu.memory_space<vmem>> -> memref<64xi32, #tpu.memory_space<vmem>>
    %dma_start3A_267 = arith.constant 0 : i32
    %dma_start3A_268 = arith.constant 0 : i32
    %dma_start3A_269 = tpu.memref_slice %arg4[%dma_start3A_267, %dma_start3A_268] : memref<10000x128xf32, #tpu.memory_space<hbm>> -> memref<10000x128xf32, #tpu.memory_space<hbm>>
    tpu.enqueue_indirect_dma source(%dma_start3A_269 : memref<10000x128xf32, #tpu.memory_space<hbm>>) target(%dma_start3A_263 : memref<64x128xf32, #tpu.memory_space<vmem>>) offsets(%dma_start3A_266 : memref<64xi32, #tpu.memory_space<vmem>>) semaphore(%arg14 : memref<!tpu.dma_semaphore, #tpu.memory_space<semaphore_mem>>)
    %dma_start3A_270 = arith.constant 1 : i32
    %dma_start3A_271 = arith.constant 64 : i32
    %dma_start3A_272 = arith.constant 0 : i32
    %dma_start3A_273 = tpu.memref_slice %arg10[%dma_start3A_271, %dma_start3A_272] : memref<128x128xf32, #tpu.memory_space<vmem>> -> memref<64x128xf32, #tpu.memory_space<vmem>>
    %dma_start3A_274 = arith.constant 64 : i32
    %dma_start3A_275 = tpu.memref_slice %arg7[%dma_start3A_270, %dma_start3A_274] : memref<40x128xi32, #tpu.memory_space<vmem>> -> memref<1x64xi32, #tpu.memory_space<vmem>>
    %dma_start3A_276 = tpu.memref_squeeze %dma_start3A_275 : memref<1x64xi32, #tpu.memory_space<vmem>> -> memref<64xi32, #tpu.memory_space<vmem>>
    %dma_start3A_277 = arith.constant 0 : i32
    %dma_start3A_278 = arith.constant 0 : i32
    %dma_start3A_279 = tpu.memref_slice %arg4[%dma_start3A_277, %dma_start3A_278] : memref<10000x128xf32, #tpu.memory_space<hbm>> -> memref<10000x128xf32, #tpu.memory_space<hbm>>
    tpu.enqueue_indirect_dma source(%dma_start3A_279 : memref<10000x128xf32, #tpu.memory_space<hbm>>) target(%dma_start3A_273 : memref<64x128xf32, #tpu.memory_space<vmem>>) offsets(%dma_start3A_276 : memref<64xi32, #tpu.memory_space<vmem>>) semaphore(%arg16 : memref<!tpu.dma_semaphore, #tpu.memory_space<semaphore_mem>>)
    %scan3A_280 = arith.constant 0 : i32
    %scan3A_281 = arith.constant 19 : i32
    %scan3A_282 = arith.addi %scan3A_280, %scan3A_281 : i32
    %scan3A_283 = arith.constant 1 : i32
    scf.for %scan3A_444 = %scan3A_280 to %scan3A_282 step %scan3A_283  : i32 {
      %mul3A_445 = arith.constant 1 : i32
      %mul3A_446 = arith.muli %scan3A_444, %mul3A_445 : i32
      %add3A_447 = arith.constant 0 : i32
      %add3A_448 = arith.addi %add3A_447, %mul3A_446 : i32
      %mul3A_449 = arith.constant 2 : i32
      %mul3A_450 = arith.muli %mul3A_449, %add3A_448 : i32
      %dma_wait3A_451 = arith.constant 0 : i32
      %dma_wait3A_452 = arith.constant 0 : i32
      %dma_wait3A_453 = tpu.memref_slice %arg9[%dma_wait3A_451, %dma_wait3A_452] : memref<128x128xf32, #tpu.memory_space<vmem>> -> memref<64x128xf32, #tpu.memory_space<vmem>>
      %dma_wait3A_454 = arith.constant 0 : i32
      %dma_wait3A_455 = tpu.memref_slice %arg7[%mul3A_450, %dma_wait3A_454] : memref<40x128xi32, #tpu.memory_space<vmem>> -> memref<1x64xi32, #tpu.memory_space<vmem>>
      %dma_wait3A_456 = tpu.memref_squeeze %dma_wait3A_455 : memref<1x64xi32, #tpu.memory_space<vmem>> -> memref<64xi32, #tpu.memory_space<vmem>>
      %dma_wait3A_457 = arith.constant 0 : i32
      %dma_wait3A_458 = arith.constant 0 : i32
      %dma_wait3A_459 = tpu.memref_slice %arg4[%dma_wait3A_457, %dma_wait3A_458] : memref<10000x128xf32, #tpu.memory_space<hbm>> -> memref<10000x128xf32, #tpu.memory_space<hbm>>
      tpu.wait_indirect_dma semaphore(%arg13 : memref<!tpu.dma_semaphore, #tpu.memory_space<semaphore_mem>>) src(%dma_wait3A_459 : memref<10000x128xf32, #tpu.memory_space<hbm>>) dst(%dma_wait3A_453 : memref<64x128xf32, #tpu.memory_space<vmem>>)
      %dma_wait3A_460 = arith.constant 64 : i32
      %dma_wait3A_461 = arith.constant 0 : i32
      %dma_wait3A_462 = tpu.memref_slice %arg9[%dma_wait3A_460, %dma_wait3A_461] : memref<128x128xf32, #tpu.memory_space<vmem>> -> memref<64x128xf32, #tpu.memory_space<vmem>>
      %dma_wait3A_463 = arith.constant 64 : i32
      %dma_wait3A_464 = tpu.memref_slice %arg7[%mul3A_450, %dma_wait3A_463] : memref<40x128xi32, #tpu.memory_space<vmem>> -> memref<1x64xi32, #tpu.memory_space<vmem>>
      %dma_wait3A_465 = tpu.memref_squeeze %dma_wait3A_464 : memref<1x64xi32, #tpu.memory_space<vmem>> -> memref<64xi32, #tpu.memory_space<vmem>>
      %dma_wait3A_466 = arith.constant 0 : i32
      %dma_wait3A_467 = arith.constant 0 : i32
      %dma_wait3A_468 = tpu.memref_slice %arg4[%dma_wait3A_466, %dma_wait3A_467] : memref<10000x128xf32, #tpu.memory_space<hbm>> -> memref<10000x128xf32, #tpu.memory_space<hbm>>
      tpu.wait_indirect_dma semaphore(%arg15 : memref<!tpu.dma_semaphore, #tpu.memory_space<semaphore_mem>>) src(%dma_wait3A_468 : memref<10000x128xf32, #tpu.memory_space<hbm>>) dst(%dma_wait3A_462 : memref<64x128xf32, #tpu.memory_space<vmem>>)
      "tpu.region"() ({
        %run_scoped3A_531 = tpu.sem_alloc : memref<!tpu.dma_semaphore, #tpu.memory_space<semaphore_mem>>
        %dma_start3A_532 = arith.constant 0 : i32
        %dma_start3A_533 = tpu.memref_slice %arg8[%mul3A_450, %dma_start3A_532] : memref<40x128xi32, #tpu.memory_space<vmem>> -> memref<1x128xi32, #tpu.memory_space<vmem>>
        %dma_start3A_534 = tpu.memref_squeeze %dma_start3A_533 : memref<1x128xi32, #tpu.memory_space<vmem>> -> memref<128xi32, #tpu.memory_space<vmem>>
        %dma_start3A_535 = arith.constant 0 : i32
        %dma_start3A_536 = arith.constant 0 : i32
        %dma_start3A_537 = tpu.memref_slice %arg11[%dma_start3A_535, %dma_start3A_536] : memref<10240x128xf32, #tpu.memory_space<vmem_shared>> -> memref<10240x128xf32, #tpu.memory_space<vmem_shared>>
        tpu.enqueue_indirect_dma source(%arg9 : memref<128x128xf32, #tpu.memory_space<vmem>>) target(%dma_start3A_537 : memref<10240x128xf32, #tpu.memory_space<vmem_shared>>) offsets(%dma_start3A_534 : memref<128xi32, #tpu.memory_space<vmem>>) semaphore(%run_scoped3A_531 : memref<!tpu.dma_semaphore, #tpu.memory_space<semaphore_mem>>) {add = true}
        %dma_wait3A_538 = arith.constant 0 : i32
        %dma_wait3A_539 = tpu.memref_slice %arg8[%mul3A_450, %dma_wait3A_538] : memref<40x128xi32, #tpu.memory_space<vmem>> -> memref<1x128xi32, #tpu.memory_space<vmem>>
        %dma_wait3A_540 = tpu.memref_squeeze %dma_wait3A_539 : memref<1x128xi32, #tpu.memory_space<vmem>> -> memref<128xi32, #tpu.memory_space<vmem>>
        %dma_wait3A_541 = arith.constant 0 : i32
        %dma_wait3A_542 = arith.constant 0 : i32
        %dma_wait3A_543 = tpu.memref_slice %arg11[%dma_wait3A_541, %dma_wait3A_542] : memref<10240x128xf32, #tpu.memory_space<vmem_shared>> -> memref<10240x128xf32, #tpu.memory_space<vmem_shared>>
        tpu.wait_indirect_dma semaphore(%run_scoped3A_531 : memref<!tpu.dma_semaphore, #tpu.memory_space<semaphore_mem>>) src(%arg9 : memref<128x128xf32, #tpu.memory_space<vmem>>) dst(%dma_wait3A_543 : memref<10240x128xf32, #tpu.memory_space<vmem_shared>>)
        tpu.yield
      }) : () -> ()
      %add3A_469 = arith.constant 2 : i32
      %add3A_470 = arith.addi %mul3A_450, %add3A_469 : i32
      %dma_start3A_471 = arith.constant 0 : i32
      %dma_start3A_472 = arith.constant 0 : i32
      %dma_start3A_473 = tpu.memref_slice %arg9[%dma_start3A_471, %dma_start3A_472] : memref<128x128xf32, #tpu.memory_space<vmem>> -> memref<64x128xf32, #tpu.memory_space<vmem>>
      %dma_start3A_474 = arith.constant 0 : i32
      %dma_start3A_475 = tpu.memref_slice %arg7[%add3A_470, %dma_start3A_474] : memref<40x128xi32, #tpu.memory_space<vmem>> -> memref<1x64xi32, #tpu.memory_space<vmem>>
      %dma_start3A_476 = tpu.memref_squeeze %dma_start3A_475 : memref<1x64xi32, #tpu.memory_space<vmem>> -> memref<64xi32, #tpu.memory_space<vmem>>
      %dma_start3A_477 = arith.constant 0 : i32
      %dma_start3A_478 = arith.constant 0 : i32
      %dma_start3A_479 = tpu.memref_slice %arg4[%dma_start3A_477, %dma_start3A_478] : memref<10000x128xf32, #tpu.memory_space<hbm>> -> memref<10000x128xf32, #tpu.memory_space<hbm>>
      tpu.enqueue_indirect_dma source(%dma_start3A_479 : memref<10000x128xf32, #tpu.memory_space<hbm>>) target(%dma_start3A_473 : memref<64x128xf32, #tpu.memory_space<vmem>>) offsets(%dma_start3A_476 : memref<64xi32, #tpu.memory_space<vmem>>) semaphore(%arg13 : memref<!tpu.dma_semaphore, #tpu.memory_space<semaphore_mem>>)
      %dma_start3A_480 = arith.constant 64 : i32
      %dma_start3A_481 = arith.constant 0 : i32
      %dma_start3A_482 = tpu.memref_slice %arg9[%dma_start3A_480, %dma_start3A_481] : memref<128x128xf32, #tpu.memory_space<vmem>> -> memref<64x128xf32, #tpu.memory_space<vmem>>
      %dma_start3A_483 = arith.constant 64 : i32
      %dma_start3A_484 = tpu.memref_slice %arg7[%add3A_470, %dma_start3A_483] : memref<40x128xi32, #tpu.memory_space<vmem>> -> memref<1x64xi32, #tpu.memory_space<vmem>>
      %dma_start3A_485 = tpu.memref_squeeze %dma_start3A_484 : memref<1x64xi32, #tpu.memory_space<vmem>> -> memref<64xi32, #tpu.memory_space<vmem>>
      %dma_start3A_486 = arith.constant 0 : i32
      %dma_start3A_487 = arith.constant 0 : i32
      %dma_start3A_488 = tpu.memref_slice %arg4[%dma_start3A_486, %dma_start3A_487] : memref<10000x128xf32, #tpu.memory_space<hbm>> -> memref<10000x128xf32, #tpu.memory_space<hbm>>
      tpu.enqueue_indirect_dma source(%dma_start3A_488 : memref<10000x128xf32, #tpu.memory_space<hbm>>) target(%dma_start3A_482 : memref<64x128xf32, #tpu.memory_space<vmem>>) offsets(%dma_start3A_485 : memref<64xi32, #tpu.memory_space<vmem>>) semaphore(%arg15 : memref<!tpu.dma_semaphore, #tpu.memory_space<semaphore_mem>>)
      %add3A_489 = arith.constant 1 : i32
      %add3A_490 = arith.addi %mul3A_450, %add3A_489 : i32
      %dma_wait3A_491 = arith.constant 0 : i32
      %dma_wait3A_492 = arith.constant 0 : i32
      %dma_wait3A_493 = tpu.memref_slice %arg10[%dma_wait3A_491, %dma_wait3A_492] : memref<128x128xf32, #tpu.memory_space<vmem>> -> memref<64x128xf32, #tpu.memory_space<vmem>>
      %dma_wait3A_494 = arith.constant 0 : i32
      %dma_wait3A_495 = tpu.memref_slice %arg7[%add3A_490, %dma_wait3A_494] : memref<40x128xi32, #tpu.memory_space<vmem>> -> memref<1x64xi32, #tpu.memory_space<vmem>>
      %dma_wait3A_496 = tpu.memref_squeeze %dma_wait3A_495 : memref<1x64xi32, #tpu.memory_space<vmem>> -> memref<64xi32, #tpu.memory_space<vmem>>
      %dma_wait3A_497 = arith.constant 0 : i32
      %dma_wait3A_498 = arith.constant 0 : i32
      %dma_wait3A_499 = tpu.memref_slice %arg4[%dma_wait3A_497, %dma_wait3A_498] : memref<10000x128xf32, #tpu.memory_space<hbm>> -> memref<10000x128xf32, #tpu.memory_space<hbm>>
      tpu.wait_indirect_dma semaphore(%arg14 : memref<!tpu.dma_semaphore, #tpu.memory_space<semaphore_mem>>) src(%dma_wait3A_499 : memref<10000x128xf32, #tpu.memory_space<hbm>>) dst(%dma_wait3A_493 : memref<64x128xf32, #tpu.memory_space<vmem>>)
      %dma_wait3A_500 = arith.constant 64 : i32
      %dma_wait3A_501 = arith.constant 0 : i32
      %dma_wait3A_502 = tpu.memref_slice %arg10[%dma_wait3A_500, %dma_wait3A_501] : memref<128x128xf32, #tpu.memory_space<vmem>> -> memref<64x128xf32, #tpu.memory_space<vmem>>
      %dma_wait3A_503 = arith.constant 64 : i32
      %dma_wait3A_504 = tpu.memref_slice %arg7[%add3A_490, %dma_wait3A_503] : memref<40x128xi32, #tpu.memory_space<vmem>> -> memref<1x64xi32, #tpu.memory_space<vmem>>
      %dma_wait3A_505 = tpu.memref_squeeze %dma_wait3A_504 : memref<1x64xi32, #tpu.memory_space<vmem>> -> memref<64xi32, #tpu.memory_space<vmem>>
      %dma_wait3A_506 = arith.constant 0 : i32
      %dma_wait3A_507 = arith.constant 0 : i32
      %dma_wait3A_508 = tpu.memref_slice %arg4[%dma_wait3A_506, %dma_wait3A_507] : memref<10000x128xf32, #tpu.memory_space<hbm>> -> memref<10000x128xf32, #tpu.memory_space<hbm>>
      tpu.wait_indirect_dma semaphore(%arg16 : memref<!tpu.dma_semaphore, #tpu.memory_space<semaphore_mem>>) src(%dma_wait3A_508 : memref<10000x128xf32, #tpu.memory_space<hbm>>) dst(%dma_wait3A_502 : memref<64x128xf32, #tpu.memory_space<vmem>>)
      %add3A_509 = arith.constant 1 : i32
      %add3A_510 = arith.addi %mul3A_450, %add3A_509 : i32
      "tpu.region"() ({
        %run_scoped3A_531 = tpu.sem_alloc : memref<!tpu.dma_semaphore, #tpu.memory_space<semaphore_mem>>
        %dma_start3A_532 = arith.constant 0 : i32
        %dma_start3A_533 = tpu.memref_slice %arg8[%add3A_510, %dma_start3A_532] : memref<40x128xi32, #tpu.memory_space<vmem>> -> memref<1x128xi32, #tpu.memory_space<vmem>>
        %dma_start3A_534 = tpu.memref_squeeze %dma_start3A_533 : memref<1x128xi32, #tpu.memory_space<vmem>> -> memref<128xi32, #tpu.memory_space<vmem>>
        %dma_start3A_535 = arith.constant 0 : i32
        %dma_start3A_536 = arith.constant 0 : i32
        %dma_start3A_537 = tpu.memref_slice %arg11[%dma_start3A_535, %dma_start3A_536] : memref<10240x128xf32, #tpu.memory_space<vmem_shared>> -> memref<10240x128xf32, #tpu.memory_space<vmem_shared>>
        tpu.enqueue_indirect_dma source(%arg10 : memref<128x128xf32, #tpu.memory_space<vmem>>) target(%dma_start3A_537 : memref<10240x128xf32, #tpu.memory_space<vmem_shared>>) offsets(%dma_start3A_534 : memref<128xi32, #tpu.memory_space<vmem>>) semaphore(%run_scoped3A_531 : memref<!tpu.dma_semaphore, #tpu.memory_space<semaphore_mem>>) {add = true}
        %dma_wait3A_538 = arith.constant 0 : i32
        %dma_wait3A_539 = tpu.memref_slice %arg8[%add3A_510, %dma_wait3A_538] : memref<40x128xi32, #tpu.memory_space<vmem>> -> memref<1x128xi32, #tpu.memory_space<vmem>>
        %dma_wait3A_540 = tpu.memref_squeeze %dma_wait3A_539 : memref<1x128xi32, #tpu.memory_space<vmem>> -> memref<128xi32, #tpu.memory_space<vmem>>
        %dma_wait3A_541 = arith.constant 0 : i32
        %dma_wait3A_542 = arith.constant 0 : i32
        %dma_wait3A_543 = tpu.memref_slice %arg11[%dma_wait3A_541, %dma_wait3A_542] : memref<10240x128xf32, #tpu.memory_space<vmem_shared>> -> memref<10240x128xf32, #tpu.memory_space<vmem_shared>>
        tpu.wait_indirect_dma semaphore(%run_scoped3A_531 : memref<!tpu.dma_semaphore, #tpu.memory_space<semaphore_mem>>) src(%arg10 : memref<128x128xf32, #tpu.memory_space<vmem>>) dst(%dma_wait3A_543 : memref<10240x128xf32, #tpu.memory_space<vmem_shared>>)
        tpu.yield
      }) : () -> ()
      %add3A_511 = arith.constant 3 : i32
      %add3A_512 = arith.addi %mul3A_450, %add3A_511 : i32
      %dma_start3A_513 = arith.constant 0 : i32
      %dma_start3A_514 = arith.constant 0 : i32
      %dma_start3A_515 = tpu.memref_slice %arg10[%dma_start3A_513, %dma_start3A_514] : memref<128x128xf32, #tpu.memory_space<vmem>> -> memref<64x128xf32, #tpu.memory_space<vmem>>
      %dma_start3A_516 = arith.constant 0 : i32
      %dma_start3A_517 = tpu.memref_slice %arg7[%add3A_512, %dma_start3A_516] : memref<40x128xi32, #tpu.memory_space<vmem>> -> memref<1x64xi32, #tpu.memory_space<vmem>>
      %dma_start3A_518 = tpu.memref_squeeze %dma_start3A_517 : memref<1x64xi32, #tpu.memory_space<vmem>> -> memref<64xi32, #tpu.memory_space<vmem>>
      %dma_start3A_519 = arith.constant 0 : i32
      %dma_start3A_520 = arith.constant 0 : i32
      %dma_start3A_521 = tpu.memref_slice %arg4[%dma_start3A_519, %dma_start3A_520] : memref<10000x128xf32, #tpu.memory_space<hbm>> -> memref<10000x128xf32, #tpu.memory_space<hbm>>
      tpu.enqueue_indirect_dma source(%dma_start3A_521 : memref<10000x128xf32, #tpu.memory_space<hbm>>) target(%dma_start3A_515 : memref<64x128xf32, #tpu.memory_space<vmem>>) offsets(%dma_start3A_518 : memref<64xi32, #tpu.memory_space<vmem>>) semaphore(%arg14 : memref<!tpu.dma_semaphore, #tpu.memory_space<semaphore_mem>>)
      %dma_start3A_522 = arith.constant 64 : i32
      %dma_start3A_523 = arith.constant 0 : i32
      %dma_start3A_524 = tpu.memref_slice %arg10[%dma_start3A_522, %dma_start3A_523] : memref<128x128xf32, #tpu.memory_space<vmem>> -> memref<64x128xf32, #tpu.memory_space<vmem>>
      %dma_start3A_525 = arith.constant 64 : i32
      %dma_start3A_526 = tpu.memref_slice %arg7[%add3A_512, %dma_start3A_525] : memref<40x128xi32, #tpu.memory_space<vmem>> -> memref<1x64xi32, #tpu.memory_space<vmem>>
      %dma_start3A_527 = tpu.memref_squeeze %dma_start3A_526 : memref<1x64xi32, #tpu.memory_space<vmem>> -> memref<64xi32, #tpu.memory_space<vmem>>
      %dma_start3A_528 = arith.constant 0 : i32
      %dma_start3A_529 = arith.constant 0 : i32
      %dma_start3A_530 = tpu.memref_slice %arg4[%dma_start3A_528, %dma_start3A_529] : memref<10000x128xf32, #tpu.memory_space<hbm>> -> memref<10000x128xf32, #tpu.memory_space<hbm>>
      tpu.enqueue_indirect_dma source(%dma_start3A_530 : memref<10000x128xf32, #tpu.memory_space<hbm>>) target(%dma_start3A_524 : memref<64x128xf32, #tpu.memory_space<vmem>>) offsets(%dma_start3A_527 : memref<64xi32, #tpu.memory_space<vmem>>) semaphore(%arg16 : memref<!tpu.dma_semaphore, #tpu.memory_space<semaphore_mem>>)
    }
    %scan3A_284 = arith.constant 19 : i32
    %dma_wait3A_285 = arith.constant 38 : i32
    %dma_wait3A_286 = arith.constant 0 : i32
    %dma_wait3A_287 = arith.constant 0 : i32
    %dma_wait3A_288 = tpu.memref_slice %arg9[%dma_wait3A_286, %dma_wait3A_287] : memref<128x128xf32, #tpu.memory_space<vmem>> -> memref<64x128xf32, #tpu.memory_space<vmem>>
    %dma_wait3A_289 = arith.constant 0 : i32
    %dma_wait3A_290 = tpu.memref_slice %arg7[%dma_wait3A_285, %dma_wait3A_289] : memref<40x128xi32, #tpu.memory_space<vmem>> -> memref<1x64xi32, #tpu.memory_space<vmem>>
    %dma_wait3A_291 = tpu.memref_squeeze %dma_wait3A_290 : memref<1x64xi32, #tpu.memory_space<vmem>> -> memref<64xi32, #tpu.memory_space<vmem>>
    %dma_wait3A_292 = arith.constant 0 : i32
    %dma_wait3A_293 = arith.constant 0 : i32
    %dma_wait3A_294 = tpu.memref_slice %arg4[%dma_wait3A_292, %dma_wait3A_293] : memref<10000x128xf32, #tpu.memory_space<hbm>> -> memref<10000x128xf32, #tpu.memory_space<hbm>>
    tpu.wait_indirect_dma semaphore(%arg13 : memref<!tpu.dma_semaphore, #tpu.memory_space<semaphore_mem>>) src(%dma_wait3A_294 : memref<10000x128xf32, #tpu.memory_space<hbm>>) dst(%dma_wait3A_288 : memref<64x128xf32, #tpu.memory_space<vmem>>)
    %dma_wait3A_295 = arith.constant 38 : i32
    %dma_wait3A_296 = arith.constant 64 : i32
    %dma_wait3A_297 = arith.constant 0 : i32
    %dma_wait3A_298 = tpu.memref_slice %arg9[%dma_wait3A_296, %dma_wait3A_297] : memref<128x128xf32, #tpu.memory_space<vmem>> -> memref<64x128xf32, #tpu.memory_space<vmem>>
    %dma_wait3A_299 = arith.constant 64 : i32
    %dma_wait3A_300 = tpu.memref_slice %arg7[%dma_wait3A_295, %dma_wait3A_299] : memref<40x128xi32, #tpu.memory_space<vmem>> -> memref<1x64xi32, #tpu.memory_space<vmem>>
    %dma_wait3A_301 = tpu.memref_squeeze %dma_wait3A_300 : memref<1x64xi32, #tpu.memory_space<vmem>> -> memref<64xi32, #tpu.memory_space<vmem>>
    %dma_wait3A_302 = arith.constant 0 : i32
    %dma_wait3A_303 = arith.constant 0 : i32
    %dma_wait3A_304 = tpu.memref_slice %arg4[%dma_wait3A_302, %dma_wait3A_303] : memref<10000x128xf32, #tpu.memory_space<hbm>> -> memref<10000x128xf32, #tpu.memory_space<hbm>>
    tpu.wait_indirect_dma semaphore(%arg15 : memref<!tpu.dma_semaphore, #tpu.memory_space<semaphore_mem>>) src(%dma_wait3A_304 : memref<10000x128xf32, #tpu.memory_space<hbm>>) dst(%dma_wait3A_298 : memref<64x128xf32, #tpu.memory_space<vmem>>)
    %run_scoped3A = arith.constant 38 : i32
    "tpu.region"() ({
      %run_scoped3A_444 = tpu.sem_alloc : memref<!tpu.dma_semaphore, #tpu.memory_space<semaphore_mem>>
      %dma_start3A_445 = arith.constant 0 : i32
      %dma_start3A_446 = tpu.memref_slice %arg8[%run_scoped3A, %dma_start3A_445] : memref<40x128xi32, #tpu.memory_space<vmem>> -> memref<1x128xi32, #tpu.memory_space<vmem>>
      %dma_start3A_447 = tpu.memref_squeeze %dma_start3A_446 : memref<1x128xi32, #tpu.memory_space<vmem>> -> memref<128xi32, #tpu.memory_space<vmem>>
      %dma_start3A_448 = arith.constant 0 : i32
      %dma_start3A_449 = arith.constant 0 : i32
      %dma_start3A_450 = tpu.memref_slice %arg11[%dma_start3A_448, %dma_start3A_449] : memref<10240x128xf32, #tpu.memory_space<vmem_shared>> -> memref<10240x128xf32, #tpu.memory_space<vmem_shared>>
      tpu.enqueue_indirect_dma source(%arg9 : memref<128x128xf32, #tpu.memory_space<vmem>>) target(%dma_start3A_450 : memref<10240x128xf32, #tpu.memory_space<vmem_shared>>) offsets(%dma_start3A_447 : memref<128xi32, #tpu.memory_space<vmem>>) semaphore(%run_scoped3A_444 : memref<!tpu.dma_semaphore, #tpu.memory_space<semaphore_mem>>) {add = true}
      %dma_wait3A_451 = arith.constant 0 : i32
      %dma_wait3A_452 = tpu.memref_slice %arg8[%run_scoped3A, %dma_wait3A_451] : memref<40x128xi32, #tpu.memory_space<vmem>> -> memref<1x128xi32, #tpu.memory_space<vmem>>
      %dma_wait3A_453 = tpu.memref_squeeze %dma_wait3A_452 : memref<1x128xi32, #tpu.memory_space<vmem>> -> memref<128xi32, #tpu.memory_space<vmem>>
      %dma_wait3A_454 = arith.constant 0 : i32
      %dma_wait3A_455 = arith.constant 0 : i32
      %dma_wait3A_456 = tpu.memref_slice %arg11[%dma_wait3A_454, %dma_wait3A_455] : memref<10240x128xf32, #tpu.memory_space<vmem_shared>> -> memref<10240x128xf32, #tpu.memory_space<vmem_shared>>
      tpu.wait_indirect_dma semaphore(%run_scoped3A_444 : memref<!tpu.dma_semaphore, #tpu.memory_space<semaphore_mem>>) src(%arg9 : memref<128x128xf32, #tpu.memory_space<vmem>>) dst(%dma_wait3A_456 : memref<10240x128xf32, #tpu.memory_space<vmem_shared>>)
      tpu.yield
    }) : () -> ()
    %dma_wait3A_305 = arith.constant 39 : i32
    %dma_wait3A_306 = arith.constant 0 : i32
    %dma_wait3A_307 = arith.constant 0 : i32
    %dma_wait3A_308 = tpu.memref_slice %arg10[%dma_wait3A_306, %dma_wait3A_307] : memref<128x128xf32, #tpu.memory_space<vmem>> -> memref<64x128xf32, #tpu.memory_space<vmem>>
    %dma_wait3A_309 = arith.constant 0 : i32
    %dma_wait3A_310 = tpu.memref_slice %arg7[%dma_wait3A_305, %dma_wait3A_309] : memref<40x128xi32, #tpu.memory_space<vmem>> -> memref<1x64xi32, #tpu.memory_space<vmem>>
    %dma_wait3A_311 = tpu.memref_squeeze %dma_wait3A_310 : memref<1x64xi32, #tpu.memory_space<vmem>> -> memref<64xi32, #tpu.memory_space<vmem>>
    %dma_wait3A_312 = arith.constant 0 : i32
    %dma_wait3A_313 = arith.constant 0 : i32
    %dma_wait3A_314 = tpu.memref_slice %arg4[%dma_wait3A_312, %dma_wait3A_313] : memref<10000x128xf32, #tpu.memory_space<hbm>> -> memref<10000x128xf32, #tpu.memory_space<hbm>>
    tpu.wait_indirect_dma semaphore(%arg14 : memref<!tpu.dma_semaphore, #tpu.memory_space<semaphore_mem>>) src(%dma_wait3A_314 : memref<10000x128xf32, #tpu.memory_space<hbm>>) dst(%dma_wait3A_308 : memref<64x128xf32, #tpu.memory_space<vmem>>)
    %dma_wait3A_315 = arith.constant 39 : i32
    %dma_wait3A_316 = arith.constant 64 : i32
    %dma_wait3A_317 = arith.constant 0 : i32
    %dma_wait3A_318 = tpu.memref_slice %arg10[%dma_wait3A_316, %dma_wait3A_317] : memref<128x128xf32, #tpu.memory_space<vmem>> -> memref<64x128xf32, #tpu.memory_space<vmem>>
    %dma_wait3A_319 = arith.constant 64 : i32
    %dma_wait3A_320 = tpu.memref_slice %arg7[%dma_wait3A_315, %dma_wait3A_319] : memref<40x128xi32, #tpu.memory_space<vmem>> -> memref<1x64xi32, #tpu.memory_space<vmem>>
    %dma_wait3A_321 = tpu.memref_squeeze %dma_wait3A_320 : memref<1x64xi32, #tpu.memory_space<vmem>> -> memref<64xi32, #tpu.memory_space<vmem>>
    %dma_wait3A_322 = arith.constant 0 : i32
    %dma_wait3A_323 = arith.constant 0 : i32
    %dma_wait3A_324 = tpu.memref_slice %arg4[%dma_wait3A_322, %dma_wait3A_323] : memref<10000x128xf32, #tpu.memory_space<hbm>> -> memref<10000x128xf32, #tpu.memory_space<hbm>>
    tpu.wait_indirect_dma semaphore(%arg16 : memref<!tpu.dma_semaphore, #tpu.memory_space<semaphore_mem>>) src(%dma_wait3A_324 : memref<10000x128xf32, #tpu.memory_space<hbm>>) dst(%dma_wait3A_318 : memref<64x128xf32, #tpu.memory_space<vmem>>)
    %run_scoped3A_325 = arith.constant 39 : i32
    "tpu.region"() ({
      %run_scoped3A_444 = tpu.sem_alloc : memref<!tpu.dma_semaphore, #tpu.memory_space<semaphore_mem>>
      %dma_start3A_445 = arith.constant 0 : i32
      %dma_start3A_446 = tpu.memref_slice %arg8[%run_scoped3A_325, %dma_start3A_445] : memref<40x128xi32, #tpu.memory_space<vmem>> -> memref<1x128xi32, #tpu.memory_space<vmem>>
      %dma_start3A_447 = tpu.memref_squeeze %dma_start3A_446 : memref<1x128xi32, #tpu.memory_space<vmem>> -> memref<128xi32, #tpu.memory_space<vmem>>
      %dma_start3A_448 = arith.constant 0 : i32
      %dma_start3A_449 = arith.constant 0 : i32
      %dma_start3A_450 = tpu.memref_slice %arg11[%dma_start3A_448, %dma_start3A_449] : memref<10240x128xf32, #tpu.memory_space<vmem_shared>> -> memref<10240x128xf32, #tpu.memory_space<vmem_shared>>
      tpu.enqueue_indirect_dma source(%arg10 : memref<128x128xf32, #tpu.memory_space<vmem>>) target(%dma_start3A_450 : memref<10240x128xf32, #tpu.memory_space<vmem_shared>>) offsets(%dma_start3A_447 : memref<128xi32, #tpu.memory_space<vmem>>) semaphore(%run_scoped3A_444 : memref<!tpu.dma_semaphore, #tpu.memory_space<semaphore_mem>>) {add = true}
      %dma_wait3A_451 = arith.constant 0 : i32
      %dma_wait3A_452 = tpu.memref_slice %arg8[%run_scoped3A_325, %dma_wait3A_451] : memref<40x128xi32, #tpu.memory_space<vmem>> -> memref<1x128xi32, #tpu.memory_space<vmem>>
      %dma_wait3A_453 = tpu.memref_squeeze %dma_wait3A_452 : memref<1x128xi32, #tpu.memory_space<vmem>> -> memref<128xi32, #tpu.memory_space<vmem>>
      %dma_wait3A_454 = arith.constant 0 : i32
      %dma_wait3A_455 = arith.constant 0 : i32
      %dma_wait3A_456 = tpu.memref_slice %arg11[%dma_wait3A_454, %dma_wait3A_455] : memref<10240x128xf32, #tpu.memory_space<vmem_shared>> -> memref<10240x128xf32, #tpu.memory_space<vmem_shared>>
      tpu.wait_indirect_dma semaphore(%run_scoped3A_444 : memref<!tpu.dma_semaphore, #tpu.memory_space<semaphore_mem>>) src(%arg10 : memref<128x128xf32, #tpu.memory_space<vmem>>) dst(%dma_wait3A_456 : memref<10240x128xf32, #tpu.memory_space<vmem_shared>>)
      tpu.yield
    }) : () -> ()
    %mul3A_326 = arith.constant 16 : i32
    %mul3A_327 = arith.muli %arg0, %mul3A_326 : i32
    %add3A_328 = arith.addi %mul3A_327, %arg1 : i32
    %mul3A_329 = arith.constant 80 : i32
    %mul3A_330 = arith.muli %add3A_328, %mul3A_329 : i32
    %add3A_331 = arith.constant 40 : i32
    %add3A_332 = arith.addi %mul3A_330, %add3A_331 : i32
    "tpu.region"() ({
      %run_scoped3A_444 = tpu.sem_alloc : memref<!tpu.dma_semaphore, #tpu.memory_space<semaphore_mem>>
      %dma_start3A_445 = arith.constant 0 : i32
      %dma_start3A_446 = tpu.memref_slice %arg2[%add3A_332, %dma_start3A_445] : memref<2560x128xi32, #tpu.memory_space<hbm>> -> memref<40x128xi32, #tpu.memory_space<hbm>>
      %dma_start3A_447 = arith.constant 0 : i32
      %dma_start3A_448 = tpu.memref_slice %arg2[%add3A_332, %dma_start3A_447] : memref<2560x128xi32, #tpu.memory_space<hbm>> -> memref<40x128xi32, #tpu.memory_space<hbm>>
      tpu.enqueue_dma source(%dma_start3A_448 : memref<40x128xi32, #tpu.memory_space<hbm>>) target(%arg7 : memref<40x128xi32, #tpu.memory_space<vmem>>) target_semaphore(%run_scoped3A_444 : memref<!tpu.dma_semaphore, #tpu.memory_space<semaphore_mem>>)
      %dma_wait3A_449 = arith.constant 0 : i32
      %dma_wait3A_450 = tpu.memref_slice %arg2[%add3A_332, %dma_wait3A_449] : memref<2560x128xi32, #tpu.memory_space<hbm>> -> memref<40x128xi32, #tpu.memory_space<hbm>>
      %dma_wait3A_451 = arith.constant 0 : i32
      %dma_wait3A_452 = tpu.memref_slice %arg2[%add3A_332, %dma_wait3A_451] : memref<2560x128xi32, #tpu.memory_space<hbm>> -> memref<40x128xi32, #tpu.memory_space<hbm>>
      tpu.wait_dma2 semaphore(%run_scoped3A_444 : memref<!tpu.dma_semaphore, #tpu.memory_space<semaphore_mem>>) src(%dma_wait3A_452 : memref<40x128xi32, #tpu.memory_space<hbm>>) dst(%arg7 : memref<40x128xi32, #tpu.memory_space<vmem>>)
      tpu.yield
    }) : () -> ()
    %mul3A_333 = arith.constant 16 : i32
    %mul3A_334 = arith.muli %arg0, %mul3A_333 : i32
    %add3A_335 = arith.addi %mul3A_334, %arg1 : i32
    %mul3A_336 = arith.constant 80 : i32
    %mul3A_337 = arith.muli %add3A_335, %mul3A_336 : i32
    %add3A_338 = arith.constant 40 : i32
    %add3A_339 = arith.addi %mul3A_337, %add3A_338 : i32
    "tpu.region"() ({
      %run_scoped3A_444 = tpu.sem_alloc : memref<!tpu.dma_semaphore, #tpu.memory_space<semaphore_mem>>
      %dma_start3A_445 = arith.constant 0 : i32
      %dma_start3A_446 = tpu.memref_slice %arg3[%add3A_339, %dma_start3A_445] : memref<2560x128xi32, #tpu.memory_space<hbm>> -> memref<40x128xi32, #tpu.memory_space<hbm>>
      %dma_start3A_447 = arith.constant 0 : i32
      %dma_start3A_448 = tpu.memref_slice %arg3[%add3A_339, %dma_start3A_447] : memref<2560x128xi32, #tpu.memory_space<hbm>> -> memref<40x128xi32, #tpu.memory_space<hbm>>
      tpu.enqueue_dma source(%dma_start3A_448 : memref<40x128xi32, #tpu.memory_space<hbm>>) target(%arg8 : memref<40x128xi32, #tpu.memory_space<vmem>>) target_semaphore(%run_scoped3A_444 : memref<!tpu.dma_semaphore, #tpu.memory_space<semaphore_mem>>)
      %dma_wait3A_449 = arith.constant 0 : i32
      %dma_wait3A_450 = tpu.memref_slice %arg3[%add3A_339, %dma_wait3A_449] : memref<2560x128xi32, #tpu.memory_space<hbm>> -> memref<40x128xi32, #tpu.memory_space<hbm>>
      %dma_wait3A_451 = arith.constant 0 : i32
      %dma_wait3A_452 = tpu.memref_slice %arg3[%add3A_339, %dma_wait3A_451] : memref<2560x128xi32, #tpu.memory_space<hbm>> -> memref<40x128xi32, #tpu.memory_space<hbm>>
      tpu.wait_dma2 semaphore(%run_scoped3A_444 : memref<!tpu.dma_semaphore, #tpu.memory_space<semaphore_mem>>) src(%dma_wait3A_452 : memref<40x128xi32, #tpu.memory_space<hbm>>) dst(%arg8 : memref<40x128xi32, #tpu.memory_space<vmem>>)
      tpu.yield
    }) : () -> ()
    %dma_start3A_340 = arith.constant 0 : i32
    %dma_start3A_341 = arith.constant 0 : i32
    %dma_start3A_342 = arith.constant 0 : i32
    %dma_start3A_343 = tpu.memref_slice %arg9[%dma_start3A_341, %dma_start3A_342] : memref<128x128xf32, #tpu.memory_space<vmem>> -> memref<64x128xf32, #tpu.memory_space<vmem>>
    %dma_start3A_344 = arith.constant 0 : i32
    %dma_start3A_345 = tpu.memref_slice %arg7[%dma_start3A_340, %dma_start3A_344] : memref<40x128xi32, #tpu.memory_space<vmem>> -> memref<1x64xi32, #tpu.memory_space<vmem>>
    %dma_start3A_346 = tpu.memref_squeeze %dma_start3A_345 : memref<1x64xi32, #tpu.memory_space<vmem>> -> memref<64xi32, #tpu.memory_space<vmem>>
    %dma_start3A_347 = arith.constant 0 : i32
    %dma_start3A_348 = arith.constant 0 : i32
    %dma_start3A_349 = tpu.memref_slice %arg4[%dma_start3A_347, %dma_start3A_348] : memref<10000x128xf32, #tpu.memory_space<hbm>> -> memref<10000x128xf32, #tpu.memory_space<hbm>>
    tpu.enqueue_indirect_dma source(%dma_start3A_349 : memref<10000x128xf32, #tpu.memory_space<hbm>>) target(%dma_start3A_343 : memref<64x128xf32, #tpu.memory_space<vmem>>) offsets(%dma_start3A_346 : memref<64xi32, #tpu.memory_space<vmem>>) semaphore(%arg13 : memref<!tpu.dma_semaphore, #tpu.memory_space<semaphore_mem>>)
    %dma_start3A_350 = arith.constant 0 : i32
    %dma_start3A_351 = arith.constant 64 : i32
    %dma_start3A_352 = arith.constant 0 : i32
    %dma_start3A_353 = tpu.memref_slice %arg9[%dma_start3A_351, %dma_start3A_352] : memref<128x128xf32, #tpu.memory_space<vmem>> -> memref<64x128xf32, #tpu.memory_space<vmem>>
    %dma_start3A_354 = arith.constant 64 : i32
    %dma_start3A_355 = tpu.memref_slice %arg7[%dma_start3A_350, %dma_start3A_354] : memref<40x128xi32, #tpu.memory_space<vmem>> -> memref<1x64xi32, #tpu.memory_space<vmem>>
    %dma_start3A_356 = tpu.memref_squeeze %dma_start3A_355 : memref<1x64xi32, #tpu.memory_space<vmem>> -> memref<64xi32, #tpu.memory_space<vmem>>
    %dma_start3A_357 = arith.constant 0 : i32
    %dma_start3A_358 = arith.constant 0 : i32
    %dma_start3A_359 = tpu.memref_slice %arg4[%dma_start3A_357, %dma_start3A_358] : memref<10000x128xf32, #tpu.memory_space<hbm>> -> memref<10000x128xf32, #tpu.memory_space<hbm>>
    tpu.enqueue_indirect_dma source(%dma_start3A_359 : memref<10000x128xf32, #tpu.memory_space<hbm>>) target(%dma_start3A_353 : memref<64x128xf32, #tpu.memory_space<vmem>>) offsets(%dma_start3A_356 : memref<64xi32, #tpu.memory_space<vmem>>) semaphore(%arg15 : memref<!tpu.dma_semaphore, #tpu.memory_space<semaphore_mem>>)
    %dma_start3A_360 = arith.constant 1 : i32
    %dma_start3A_361 = arith.constant 0 : i32
    %dma_start3A_362 = arith.constant 0 : i32
    %dma_start3A_363 = tpu.memref_slice %arg10[%dma_start3A_361, %dma_start3A_362] : memref<128x128xf32, #tpu.memory_space<vmem>> -> memref<64x128xf32, #tpu.memory_space<vmem>>
    %dma_start3A_364 = arith.constant 0 : i32
    %dma_start3A_365 = tpu.memref_slice %arg7[%dma_start3A_360, %dma_start3A_364] : memref<40x128xi32, #tpu.memory_space<vmem>> -> memref<1x64xi32, #tpu.memory_space<vmem>>
    %dma_start3A_366 = tpu.memref_squeeze %dma_start3A_365 : memref<1x64xi32, #tpu.memory_space<vmem>> -> memref<64xi32, #tpu.memory_space<vmem>>
    %dma_start3A_367 = arith.constant 0 : i32
    %dma_start3A_368 = arith.constant 0 : i32
    %dma_start3A_369 = tpu.memref_slice %arg4[%dma_start3A_367, %dma_start3A_368] : memref<10000x128xf32, #tpu.memory_space<hbm>> -> memref<10000x128xf32, #tpu.memory_space<hbm>>
    tpu.enqueue_indirect_dma source(%dma_start3A_369 : memref<10000x128xf32, #tpu.memory_space<hbm>>) target(%dma_start3A_363 : memref<64x128xf32, #tpu.memory_space<vmem>>) offsets(%dma_start3A_366 : memref<64xi32, #tpu.memory_space<vmem>>) semaphore(%arg14 : memref<!tpu.dma_semaphore, #tpu.memory_space<semaphore_mem>>)
    %dma_start3A_370 = arith.constant 1 : i32
    %dma_start3A_371 = arith.constant 64 : i32
    %dma_start3A_372 = arith.constant 0 : i32
    %dma_start3A_373 = tpu.memref_slice %arg10[%dma_start3A_371, %dma_start3A_372] : memref<128x128xf32, #tpu.memory_space<vmem>> -> memref<64x128xf32, #tpu.memory_space<vmem>>
    %dma_start3A_374 = arith.constant 64 : i32
    %dma_start3A_375 = tpu.memref_slice %arg7[%dma_start3A_370, %dma_start3A_374] : memref<40x128xi32, #tpu.memory_space<vmem>> -> memref<1x64xi32, #tpu.memory_space<vmem>>
    %dma_start3A_376 = tpu.memref_squeeze %dma_start3A_375 : memref<1x64xi32, #tpu.memory_space<vmem>> -> memref<64xi32, #tpu.memory_space<vmem>>
    %dma_start3A_377 = arith.constant 0 : i32
    %dma_start3A_378 = arith.constant 0 : i32
    %dma_start3A_379 = tpu.memref_slice %arg4[%dma_start3A_377, %dma_start3A_378] : memref<10000x128xf32, #tpu.memory_space<hbm>> -> memref<10000x128xf32, #tpu.memory_space<hbm>>
    tpu.enqueue_indirect_dma source(%dma_start3A_379 : memref<10000x128xf32, #tpu.memory_space<hbm>>) target(%dma_start3A_373 : memref<64x128xf32, #tpu.memory_space<vmem>>) offsets(%dma_start3A_376 : memref<64xi32, #tpu.memory_space<vmem>>) semaphore(%arg16 : memref<!tpu.dma_semaphore, #tpu.memory_space<semaphore_mem>>)
    %scan3A_380 = arith.constant 0 : i32
    %scan3A_381 = arith.constant 19 : i32
    %scan3A_382 = arith.addi %scan3A_380, %scan3A_381 : i32
    %scan3A_383 = arith.constant 1 : i32
    scf.for %scan3A_444 = %scan3A_380 to %scan3A_382 step %scan3A_383  : i32 {
      %mul3A_445 = arith.constant 1 : i32
      %mul3A_446 = arith.muli %scan3A_444, %mul3A_445 : i32
      %add3A_447 = arith.constant 0 : i32
      %add3A_448 = arith.addi %add3A_447, %mul3A_446 : i32
      %mul3A_449 = arith.constant 2 : i32
      %mul3A_450 = arith.muli %mul3A_449, %add3A_448 : i32
      %dma_wait3A_451 = arith.constant 0 : i32
      %dma_wait3A_452 = arith.constant 0 : i32
      %dma_wait3A_453 = tpu.memref_slice %arg9[%dma_wait3A_451, %dma_wait3A_452] : memref<128x128xf32, #tpu.memory_space<vmem>> -> memref<64x128xf32, #tpu.memory_space<vmem>>
      %dma_wait3A_454 = arith.constant 0 : i32
      %dma_wait3A_455 = tpu.memref_slice %arg7[%mul3A_450, %dma_wait3A_454] : memref<40x128xi32, #tpu.memory_space<vmem>> -> memref<1x64xi32, #tpu.memory_space<vmem>>
      %dma_wait3A_456 = tpu.memref_squeeze %dma_wait3A_455 : memref<1x64xi32, #tpu.memory_space<vmem>> -> memref<64xi32, #tpu.memory_space<vmem>>
      %dma_wait3A_457 = arith.constant 0 : i32
      %dma_wait3A_458 = arith.constant 0 : i32
      %dma_wait3A_459 = tpu.memref_slice %arg4[%dma_wait3A_457, %dma_wait3A_458] : memref<10000x128xf32, #tpu.memory_space<hbm>> -> memref<10000x128xf32, #tpu.memory_space<hbm>>
      tpu.wait_indirect_dma semaphore(%arg13 : memref<!tpu.dma_semaphore, #tpu.memory_space<semaphore_mem>>) src(%dma_wait3A_459 : memref<10000x128xf32, #tpu.memory_space<hbm>>) dst(%dma_wait3A_453 : memref<64x128xf32, #tpu.memory_space<vmem>>)
      %dma_wait3A_460 = arith.constant 64 : i32
      %dma_wait3A_461 = arith.constant 0 : i32
      %dma_wait3A_462 = tpu.memref_slice %arg9[%dma_wait3A_460, %dma_wait3A_461] : memref<128x128xf32, #tpu.memory_space<vmem>> -> memref<64x128xf32, #tpu.memory_space<vmem>>
      %dma_wait3A_463 = arith.constant 64 : i32
      %dma_wait3A_464 = tpu.memref_slice %arg7[%mul3A_450, %dma_wait3A_463] : memref<40x128xi32, #tpu.memory_space<vmem>> -> memref<1x64xi32, #tpu.memory_space<vmem>>
      %dma_wait3A_465 = tpu.memref_squeeze %dma_wait3A_464 : memref<1x64xi32, #tpu.memory_space<vmem>> -> memref<64xi32, #tpu.memory_space<vmem>>
      %dma_wait3A_466 = arith.constant 0 : i32
      %dma_wait3A_467 = arith.constant 0 : i32
      %dma_wait3A_468 = tpu.memref_slice %arg4[%dma_wait3A_466, %dma_wait3A_467] : memref<10000x128xf32, #tpu.memory_space<hbm>> -> memref<10000x128xf32, #tpu.memory_space<hbm>>
      tpu.wait_indirect_dma semaphore(%arg15 : memref<!tpu.dma_semaphore, #tpu.memory_space<semaphore_mem>>) src(%dma_wait3A_468 : memref<10000x128xf32, #tpu.memory_space<hbm>>) dst(%dma_wait3A_462 : memref<64x128xf32, #tpu.memory_space<vmem>>)
      "tpu.region"() ({
        %run_scoped3A_531 = tpu.sem_alloc : memref<!tpu.dma_semaphore, #tpu.memory_space<semaphore_mem>>
        %dma_start3A_532 = arith.constant 0 : i32
        %dma_start3A_533 = tpu.memref_slice %arg8[%mul3A_450, %dma_start3A_532] : memref<40x128xi32, #tpu.memory_space<vmem>> -> memref<1x128xi32, #tpu.memory_space<vmem>>
        %dma_start3A_534 = tpu.memref_squeeze %dma_start3A_533 : memref<1x128xi32, #tpu.memory_space<vmem>> -> memref<128xi32, #tpu.memory_space<vmem>>
        %dma_start3A_535 = arith.constant 0 : i32
        %dma_start3A_536 = arith.constant 0 : i32
        %dma_start3A_537 = tpu.memref_slice %arg11[%dma_start3A_535, %dma_start3A_536] : memref<10240x128xf32, #tpu.memory_space<vmem_shared>> -> memref<10240x128xf32, #tpu.memory_space<vmem_shared>>
        tpu.enqueue_indirect_dma source(%arg9 : memref<128x128xf32, #tpu.memory_space<vmem>>) target(%dma_start3A_537 : memref<10240x128xf32, #tpu.memory_space<vmem_shared>>) offsets(%dma_start3A_534 : memref<128xi32, #tpu.memory_space<vmem>>) semaphore(%run_scoped3A_531 : memref<!tpu.dma_semaphore, #tpu.memory_space<semaphore_mem>>) {add = true}
        %dma_wait3A_538 = arith.constant 0 : i32
        %dma_wait3A_539 = tpu.memref_slice %arg8[%mul3A_450, %dma_wait3A_538] : memref<40x128xi32, #tpu.memory_space<vmem>> -> memref<1x128xi32, #tpu.memory_space<vmem>>
        %dma_wait3A_540 = tpu.memref_squeeze %dma_wait3A_539 : memref<1x128xi32, #tpu.memory_space<vmem>> -> memref<128xi32, #tpu.memory_space<vmem>>
        %dma_wait3A_541 = arith.constant 0 : i32
        %dma_wait3A_542 = arith.constant 0 : i32
        %dma_wait3A_543 = tpu.memref_slice %arg11[%dma_wait3A_541, %dma_wait3A_542] : memref<10240x128xf32, #tpu.memory_space<vmem_shared>> -> memref<10240x128xf32, #tpu.memory_space<vmem_shared>>
        tpu.wait_indirect_dma semaphore(%run_scoped3A_531 : memref<!tpu.dma_semaphore, #tpu.memory_space<semaphore_mem>>) src(%arg9 : memref<128x128xf32, #tpu.memory_space<vmem>>) dst(%dma_wait3A_543 : memref<10240x128xf32, #tpu.memory_space<vmem_shared>>)
        tpu.yield
      }) : () -> ()
      %add3A_469 = arith.constant 2 : i32
      %add3A_470 = arith.addi %mul3A_450, %add3A_469 : i32
      %dma_start3A_471 = arith.constant 0 : i32
      %dma_start3A_472 = arith.constant 0 : i32
      %dma_start3A_473 = tpu.memref_slice %arg9[%dma_start3A_471, %dma_start3A_472] : memref<128x128xf32, #tpu.memory_space<vmem>> -> memref<64x128xf32, #tpu.memory_space<vmem>>
      %dma_start3A_474 = arith.constant 0 : i32
      %dma_start3A_475 = tpu.memref_slice %arg7[%add3A_470, %dma_start3A_474] : memref<40x128xi32, #tpu.memory_space<vmem>> -> memref<1x64xi32, #tpu.memory_space<vmem>>
      %dma_start3A_476 = tpu.memref_squeeze %dma_start3A_475 : memref<1x64xi32, #tpu.memory_space<vmem>> -> memref<64xi32, #tpu.memory_space<vmem>>
      %dma_start3A_477 = arith.constant 0 : i32
      %dma_start3A_478 = arith.constant 0 : i32
      %dma_start3A_479 = tpu.memref_slice %arg4[%dma_start3A_477, %dma_start3A_478] : memref<10000x128xf32, #tpu.memory_space<hbm>> -> memref<10000x128xf32, #tpu.memory_space<hbm>>
      tpu.enqueue_indirect_dma source(%dma_start3A_479 : memref<10000x128xf32, #tpu.memory_space<hbm>>) target(%dma_start3A_473 : memref<64x128xf32, #tpu.memory_space<vmem>>) offsets(%dma_start3A_476 : memref<64xi32, #tpu.memory_space<vmem>>) semaphore(%arg13 : memref<!tpu.dma_semaphore, #tpu.memory_space<semaphore_mem>>)
      %dma_start3A_480 = arith.constant 64 : i32
      %dma_start3A_481 = arith.constant 0 : i32
      %dma_start3A_482 = tpu.memref_slice %arg9[%dma_start3A_480, %dma_start3A_481] : memref<128x128xf32, #tpu.memory_space<vmem>> -> memref<64x128xf32, #tpu.memory_space<vmem>>
      %dma_start3A_483 = arith.constant 64 : i32
      %dma_start3A_484 = tpu.memref_slice %arg7[%add3A_470, %dma_start3A_483] : memref<40x128xi32, #tpu.memory_space<vmem>> -> memref<1x64xi32, #tpu.memory_space<vmem>>
      %dma_start3A_485 = tpu.memref_squeeze %dma_start3A_484 : memref<1x64xi32, #tpu.memory_space<vmem>> -> memref<64xi32, #tpu.memory_space<vmem>>
      %dma_start3A_486 = arith.constant 0 : i32
      %dma_start3A_487 = arith.constant 0 : i32
      %dma_start3A_488 = tpu.memref_slice %arg4[%dma_start3A_486, %dma_start3A_487] : memref<10000x128xf32, #tpu.memory_space<hbm>> -> memref<10000x128xf32, #tpu.memory_space<hbm>>
      tpu.enqueue_indirect_dma source(%dma_start3A_488 : memref<10000x128xf32, #tpu.memory_space<hbm>>) target(%dma_start3A_482 : memref<64x128xf32, #tpu.memory_space<vmem>>) offsets(%dma_start3A_485 : memref<64xi32, #tpu.memory_space<vmem>>) semaphore(%arg15 : memref<!tpu.dma_semaphore, #tpu.memory_space<semaphore_mem>>)
      %add3A_489 = arith.constant 1 : i32
      %add3A_490 = arith.addi %mul3A_450, %add3A_489 : i32
      %dma_wait3A_491 = arith.constant 0 : i32
      %dma_wait3A_492 = arith.constant 0 : i32
      %dma_wait3A_493 = tpu.memref_slice %arg10[%dma_wait3A_491, %dma_wait3A_492] : memref<128x128xf32, #tpu.memory_space<vmem>> -> memref<64x128xf32, #tpu.memory_space<vmem>>
      %dma_wait3A_494 = arith.constant 0 : i32
      %dma_wait3A_495 = tpu.memref_slice %arg7[%add3A_490, %dma_wait3A_494] : memref<40x128xi32, #tpu.memory_space<vmem>> -> memref<1x64xi32, #tpu.memory_space<vmem>>
      %dma_wait3A_496 = tpu.memref_squeeze %dma_wait3A_495 : memref<1x64xi32, #tpu.memory_space<vmem>> -> memref<64xi32, #tpu.memory_space<vmem>>
      %dma_wait3A_497 = arith.constant 0 : i32
      %dma_wait3A_498 = arith.constant 0 : i32
      %dma_wait3A_499 = tpu.memref_slice %arg4[%dma_wait3A_497, %dma_wait3A_498] : memref<10000x128xf32, #tpu.memory_space<hbm>> -> memref<10000x128xf32, #tpu.memory_space<hbm>>
      tpu.wait_indirect_dma semaphore(%arg14 : memref<!tpu.dma_semaphore, #tpu.memory_space<semaphore_mem>>) src(%dma_wait3A_499 : memref<10000x128xf32, #tpu.memory_space<hbm>>) dst(%dma_wait3A_493 : memref<64x128xf32, #tpu.memory_space<vmem>>)
      %dma_wait3A_500 = arith.constant 64 : i32
      %dma_wait3A_501 = arith.constant 0 : i32
      %dma_wait3A_502 = tpu.memref_slice %arg10[%dma_wait3A_500, %dma_wait3A_501] : memref<128x128xf32, #tpu.memory_space<vmem>> -> memref<64x128xf32, #tpu.memory_space<vmem>>
      %dma_wait3A_503 = arith.constant 64 : i32
      %dma_wait3A_504 = tpu.memref_slice %arg7[%add3A_490, %dma_wait3A_503] : memref<40x128xi32, #tpu.memory_space<vmem>> -> memref<1x64xi32, #tpu.memory_space<vmem>>
      %dma_wait3A_505 = tpu.memref_squeeze %dma_wait3A_504 : memref<1x64xi32, #tpu.memory_space<vmem>> -> memref<64xi32, #tpu.memory_space<vmem>>
      %dma_wait3A_506 = arith.constant 0 : i32
      %dma_wait3A_507 = arith.constant 0 : i32
      %dma_wait3A_508 = tpu.memref_slice %arg4[%dma_wait3A_506, %dma_wait3A_507] : memref<10000x128xf32, #tpu.memory_space<hbm>> -> memref<10000x128xf32, #tpu.memory_space<hbm>>
      tpu.wait_indirect_dma semaphore(%arg16 : memref<!tpu.dma_semaphore, #tpu.memory_space<semaphore_mem>>) src(%dma_wait3A_508 : memref<10000x128xf32, #tpu.memory_space<hbm>>) dst(%dma_wait3A_502 : memref<64x128xf32, #tpu.memory_space<vmem>>)
      %add3A_509 = arith.constant 1 : i32
      %add3A_510 = arith.addi %mul3A_450, %add3A_509 : i32
      "tpu.region"() ({
        %run_scoped3A_531 = tpu.sem_alloc : memref<!tpu.dma_semaphore, #tpu.memory_space<semaphore_mem>>
        %dma_start3A_532 = arith.constant 0 : i32
        %dma_start3A_533 = tpu.memref_slice %arg8[%add3A_510, %dma_start3A_532] : memref<40x128xi32, #tpu.memory_space<vmem>> -> memref<1x128xi32, #tpu.memory_space<vmem>>
        %dma_start3A_534 = tpu.memref_squeeze %dma_start3A_533 : memref<1x128xi32, #tpu.memory_space<vmem>> -> memref<128xi32, #tpu.memory_space<vmem>>
        %dma_start3A_535 = arith.constant 0 : i32
        %dma_start3A_536 = arith.constant 0 : i32
        %dma_start3A_537 = tpu.memref_slice %arg11[%dma_start3A_535, %dma_start3A_536] : memref<10240x128xf32, #tpu.memory_space<vmem_shared>> -> memref<10240x128xf32, #tpu.memory_space<vmem_shared>>
        tpu.enqueue_indirect_dma source(%arg10 : memref<128x128xf32, #tpu.memory_space<vmem>>) target(%dma_start3A_537 : memref<10240x128xf32, #tpu.memory_space<vmem_shared>>) offsets(%dma_start3A_534 : memref<128xi32, #tpu.memory_space<vmem>>) semaphore(%run_scoped3A_531 : memref<!tpu.dma_semaphore, #tpu.memory_space<semaphore_mem>>) {add = true}
        %dma_wait3A_538 = arith.constant 0 : i32
        %dma_wait3A_539 = tpu.memref_slice %arg8[%add3A_510, %dma_wait3A_538] : memref<40x128xi32, #tpu.memory_space<vmem>> -> memref<1x128xi32, #tpu.memory_space<vmem>>
        %dma_wait3A_540 = tpu.memref_squeeze %dma_wait3A_539 : memref<1x128xi32, #tpu.memory_space<vmem>> -> memref<128xi32, #tpu.memory_space<vmem>>
        %dma_wait3A_541 = arith.constant 0 : i32
        %dma_wait3A_542 = arith.constant 0 : i32
        %dma_wait3A_543 = tpu.memref_slice %arg11[%dma_wait3A_541, %dma_wait3A_542] : memref<10240x128xf32, #tpu.memory_space<vmem_shared>> -> memref<10240x128xf32, #tpu.memory_space<vmem_shared>>
        tpu.wait_indirect_dma semaphore(%run_scoped3A_531 : memref<!tpu.dma_semaphore, #tpu.memory_space<semaphore_mem>>) src(%arg10 : memref<128x128xf32, #tpu.memory_space<vmem>>) dst(%dma_wait3A_543 : memref<10240x128xf32, #tpu.memory_space<vmem_shared>>)
        tpu.yield
      }) : () -> ()
      %add3A_511 = arith.constant 3 : i32
      %add3A_512 = arith.addi %mul3A_450, %add3A_511 : i32
      %dma_start3A_513 = arith.constant 0 : i32
      %dma_start3A_514 = arith.constant 0 : i32
      %dma_start3A_515 = tpu.memref_slice %arg10[%dma_start3A_513, %dma_start3A_514] : memref<128x128xf32, #tpu.memory_space<vmem>> -> memref<64x128xf32, #tpu.memory_space<vmem>>
      %dma_start3A_516 = arith.constant 0 : i32
      %dma_start3A_517 = tpu.memref_slice %arg7[%add3A_512, %dma_start3A_516] : memref<40x128xi32, #tpu.memory_space<vmem>> -> memref<1x64xi32, #tpu.memory_space<vmem>>
      %dma_start3A_518 = tpu.memref_squeeze %dma_start3A_517 : memref<1x64xi32, #tpu.memory_space<vmem>> -> memref<64xi32, #tpu.memory_space<vmem>>
      %dma_start3A_519 = arith.constant 0 : i32
      %dma_start3A_520 = arith.constant 0 : i32
      %dma_start3A_521 = tpu.memref_slice %arg4[%dma_start3A_519, %dma_start3A_520] : memref<10000x128xf32, #tpu.memory_space<hbm>> -> memref<10000x128xf32, #tpu.memory_space<hbm>>
      tpu.enqueue_indirect_dma source(%dma_start3A_521 : memref<10000x128xf32, #tpu.memory_space<hbm>>) target(%dma_start3A_515 : memref<64x128xf32, #tpu.memory_space<vmem>>) offsets(%dma_start3A_518 : memref<64xi32, #tpu.memory_space<vmem>>) semaphore(%arg14 : memref<!tpu.dma_semaphore, #tpu.memory_space<semaphore_mem>>)
      %dma_start3A_522 = arith.constant 64 : i32
      %dma_start3A_523 = arith.constant 0 : i32
      %dma_start3A_524 = tpu.memref_slice %arg10[%dma_start3A_522, %dma_start3A_523] : memref<128x128xf32, #tpu.memory_space<vmem>> -> memref<64x128xf32, #tpu.memory_space<vmem>>
      %dma_start3A_525 = arith.constant 64 : i32
      %dma_start3A_526 = tpu.memref_slice %arg7[%add3A_512, %dma_start3A_525] : memref<40x128xi32, #tpu.memory_space<vmem>> -> memref<1x64xi32, #tpu.memory_space<vmem>>
      %dma_start3A_527 = tpu.memref_squeeze %dma_start3A_526 : memref<1x64xi32, #tpu.memory_space<vmem>> -> memref<64xi32, #tpu.memory_space<vmem>>
      %dma_start3A_528 = arith.constant 0 : i32
      %dma_start3A_529 = arith.constant 0 : i32
      %dma_start3A_530 = tpu.memref_slice %arg4[%dma_start3A_528, %dma_start3A_529] : memref<10000x128xf32, #tpu.memory_space<hbm>> -> memref<10000x128xf32, #tpu.memory_space<hbm>>
      tpu.enqueue_indirect_dma source(%dma_start3A_530 : memref<10000x128xf32, #tpu.memory_space<hbm>>) target(%dma_start3A_524 : memref<64x128xf32, #tpu.memory_space<vmem>>) offsets(%dma_start3A_527 : memref<64xi32, #tpu.memory_space<vmem>>) semaphore(%arg16 : memref<!tpu.dma_semaphore, #tpu.memory_space<semaphore_mem>>)
    }
    %scan3A_384 = arith.constant 19 : i32
    %dma_wait3A_385 = arith.constant 38 : i32
    %dma_wait3A_386 = arith.constant 0 : i32
    %dma_wait3A_387 = arith.constant 0 : i32
    %dma_wait3A_388 = tpu.memref_slice %arg9[%dma_wait3A_386, %dma_wait3A_387] : memref<128x128xf32, #tpu.memory_space<vmem>> -> memref<64x128xf32, #tpu.memory_space<vmem>>
    %dma_wait3A_389 = arith.constant 0 : i32
    %dma_wait3A_390 = tpu.memref_slice %arg7[%dma_wait3A_385, %dma_wait3A_389] : memref<40x128xi32, #tpu.memory_space<vmem>> -> memref<1x64xi32, #tpu.memory_space<vmem>>
    %dma_wait3A_391 = tpu.memref_squeeze %dma_wait3A_390 : memref<1x64xi32, #tpu.memory_space<vmem>> -> memref<64xi32, #tpu.memory_space<vmem>>
    %dma_wait3A_392 = arith.constant 0 : i32
    %dma_wait3A_393 = arith.constant 0 : i32
    %dma_wait3A_394 = tpu.memref_slice %arg4[%dma_wait3A_392, %dma_wait3A_393] : memref<10000x128xf32, #tpu.memory_space<hbm>> -> memref<10000x128xf32, #tpu.memory_space<hbm>>
    tpu.wait_indirect_dma semaphore(%arg13 : memref<!tpu.dma_semaphore, #tpu.memory_space<semaphore_mem>>) src(%dma_wait3A_394 : memref<10000x128xf32, #tpu.memory_space<hbm>>) dst(%dma_wait3A_388 : memref<64x128xf32, #tpu.memory_space<vmem>>)
    %dma_wait3A_395 = arith.constant 38 : i32
    %dma_wait3A_396 = arith.constant 64 : i32
    %dma_wait3A_397 = arith.constant 0 : i32
    %dma_wait3A_398 = tpu.memref_slice %arg9[%dma_wait3A_396, %dma_wait3A_397] : memref<128x128xf32, #tpu.memory_space<vmem>> -> memref<64x128xf32, #tpu.memory_space<vmem>>
    %dma_wait3A_399 = arith.constant 64 : i32
    %dma_wait3A_400 = tpu.memref_slice %arg7[%dma_wait3A_395, %dma_wait3A_399] : memref<40x128xi32, #tpu.memory_space<vmem>> -> memref<1x64xi32, #tpu.memory_space<vmem>>
    %dma_wait3A_401 = tpu.memref_squeeze %dma_wait3A_400 : memref<1x64xi32, #tpu.memory_space<vmem>> -> memref<64xi32, #tpu.memory_space<vmem>>
    %dma_wait3A_402 = arith.constant 0 : i32
    %dma_wait3A_403 = arith.constant 0 : i32
    %dma_wait3A_404 = tpu.memref_slice %arg4[%dma_wait3A_402, %dma_wait3A_403] : memref<10000x128xf32, #tpu.memory_space<hbm>> -> memref<10000x128xf32, #tpu.memory_space<hbm>>
    tpu.wait_indirect_dma semaphore(%arg15 : memref<!tpu.dma_semaphore, #tpu.memory_space<semaphore_mem>>) src(%dma_wait3A_404 : memref<10000x128xf32, #tpu.memory_space<hbm>>) dst(%dma_wait3A_398 : memref<64x128xf32, #tpu.memory_space<vmem>>)
    %run_scoped3A_405 = arith.constant 38 : i32
    "tpu.region"() ({
      %run_scoped3A_444 = tpu.sem_alloc : memref<!tpu.dma_semaphore, #tpu.memory_space<semaphore_mem>>
      %dma_start3A_445 = arith.constant 0 : i32
      %dma_start3A_446 = tpu.memref_slice %arg8[%run_scoped3A_405, %dma_start3A_445] : memref<40x128xi32, #tpu.memory_space<vmem>> -> memref<1x128xi32, #tpu.memory_space<vmem>>
      %dma_start3A_447 = tpu.memref_squeeze %dma_start3A_446 : memref<1x128xi32, #tpu.memory_space<vmem>> -> memref<128xi32, #tpu.memory_space<vmem>>
      %dma_start3A_448 = arith.constant 0 : i32
      %dma_start3A_449 = arith.constant 0 : i32
      %dma_start3A_450 = tpu.memref_slice %arg11[%dma_start3A_448, %dma_start3A_449] : memref<10240x128xf32, #tpu.memory_space<vmem_shared>> -> memref<10240x128xf32, #tpu.memory_space<vmem_shared>>
      tpu.enqueue_indirect_dma source(%arg9 : memref<128x128xf32, #tpu.memory_space<vmem>>) target(%dma_start3A_450 : memref<10240x128xf32, #tpu.memory_space<vmem_shared>>) offsets(%dma_start3A_447 : memref<128xi32, #tpu.memory_space<vmem>>) semaphore(%run_scoped3A_444 : memref<!tpu.dma_semaphore, #tpu.memory_space<semaphore_mem>>) {add = true}
      %dma_wait3A_451 = arith.constant 0 : i32
      %dma_wait3A_452 = tpu.memref_slice %arg8[%run_scoped3A_405, %dma_wait3A_451] : memref<40x128xi32, #tpu.memory_space<vmem>> -> memref<1x128xi32, #tpu.memory_space<vmem>>
      %dma_wait3A_453 = tpu.memref_squeeze %dma_wait3A_452 : memref<1x128xi32, #tpu.memory_space<vmem>> -> memref<128xi32, #tpu.memory_space<vmem>>
      %dma_wait3A_454 = arith.constant 0 : i32
      %dma_wait3A_455 = arith.constant 0 : i32
      %dma_wait3A_456 = tpu.memref_slice %arg11[%dma_wait3A_454, %dma_wait3A_455] : memref<10240x128xf32, #tpu.memory_space<vmem_shared>> -> memref<10240x128xf32, #tpu.memory_space<vmem_shared>>
      tpu.wait_indirect_dma semaphore(%run_scoped3A_444 : memref<!tpu.dma_semaphore, #tpu.memory_space<semaphore_mem>>) src(%arg9 : memref<128x128xf32, #tpu.memory_space<vmem>>) dst(%dma_wait3A_456 : memref<10240x128xf32, #tpu.memory_space<vmem_shared>>)
      tpu.yield
    }) : () -> ()
    %dma_wait3A_406 = arith.constant 39 : i32
    %dma_wait3A_407 = arith.constant 0 : i32
    %dma_wait3A_408 = arith.constant 0 : i32
    %dma_wait3A_409 = tpu.memref_slice %arg10[%dma_wait3A_407, %dma_wait3A_408] : memref<128x128xf32, #tpu.memory_space<vmem>> -> memref<64x128xf32, #tpu.memory_space<vmem>>
    %dma_wait3A_410 = arith.constant 0 : i32
    %dma_wait3A_411 = tpu.memref_slice %arg7[%dma_wait3A_406, %dma_wait3A_410] : memref<40x128xi32, #tpu.memory_space<vmem>> -> memref<1x64xi32, #tpu.memory_space<vmem>>
    %dma_wait3A_412 = tpu.memref_squeeze %dma_wait3A_411 : memref<1x64xi32, #tpu.memory_space<vmem>> -> memref<64xi32, #tpu.memory_space<vmem>>
    %dma_wait3A_413 = arith.constant 0 : i32
    %dma_wait3A_414 = arith.constant 0 : i32
    %dma_wait3A_415 = tpu.memref_slice %arg4[%dma_wait3A_413, %dma_wait3A_414] : memref<10000x128xf32, #tpu.memory_space<hbm>> -> memref<10000x128xf32, #tpu.memory_space<hbm>>
    tpu.wait_indirect_dma semaphore(%arg14 : memref<!tpu.dma_semaphore, #tpu.memory_space<semaphore_mem>>) src(%dma_wait3A_415 : memref<10000x128xf32, #tpu.memory_space<hbm>>) dst(%dma_wait3A_409 : memref<64x128xf32, #tpu.memory_space<vmem>>)
    %dma_wait3A_416 = arith.constant 39 : i32
    %dma_wait3A_417 = arith.constant 64 : i32
    %dma_wait3A_418 = arith.constant 0 : i32
    %dma_wait3A_419 = tpu.memref_slice %arg10[%dma_wait3A_417, %dma_wait3A_418] : memref<128x128xf32, #tpu.memory_space<vmem>> -> memref<64x128xf32, #tpu.memory_space<vmem>>
    %dma_wait3A_420 = arith.constant 64 : i32
    %dma_wait3A_421 = tpu.memref_slice %arg7[%dma_wait3A_416, %dma_wait3A_420] : memref<40x128xi32, #tpu.memory_space<vmem>> -> memref<1x64xi32, #tpu.memory_space<vmem>>
    %dma_wait3A_422 = tpu.memref_squeeze %dma_wait3A_421 : memref<1x64xi32, #tpu.memory_space<vmem>> -> memref<64xi32, #tpu.memory_space<vmem>>
    %dma_wait3A_423 = arith.constant 0 : i32
    %dma_wait3A_424 = arith.constant 0 : i32
    %dma_wait3A_425 = tpu.memref_slice %arg4[%dma_wait3A_423, %dma_wait3A_424] : memref<10000x128xf32, #tpu.memory_space<hbm>> -> memref<10000x128xf32, #tpu.memory_space<hbm>>
    tpu.wait_indirect_dma semaphore(%arg16 : memref<!tpu.dma_semaphore, #tpu.memory_space<semaphore_mem>>) src(%dma_wait3A_425 : memref<10000x128xf32, #tpu.memory_space<hbm>>) dst(%dma_wait3A_419 : memref<64x128xf32, #tpu.memory_space<vmem>>)
    %run_scoped3A_426 = arith.constant 39 : i32
    "tpu.region"() ({
      %run_scoped3A_444 = tpu.sem_alloc : memref<!tpu.dma_semaphore, #tpu.memory_space<semaphore_mem>>
      %dma_start3A_445 = arith.constant 0 : i32
      %dma_start3A_446 = tpu.memref_slice %arg8[%run_scoped3A_426, %dma_start3A_445] : memref<40x128xi32, #tpu.memory_space<vmem>> -> memref<1x128xi32, #tpu.memory_space<vmem>>
      %dma_start3A_447 = tpu.memref_squeeze %dma_start3A_446 : memref<1x128xi32, #tpu.memory_space<vmem>> -> memref<128xi32, #tpu.memory_space<vmem>>
      %dma_start3A_448 = arith.constant 0 : i32
      %dma_start3A_449 = arith.constant 0 : i32
      %dma_start3A_450 = tpu.memref_slice %arg11[%dma_start3A_448, %dma_start3A_449] : memref<10240x128xf32, #tpu.memory_space<vmem_shared>> -> memref<10240x128xf32, #tpu.memory_space<vmem_shared>>
      tpu.enqueue_indirect_dma source(%arg10 : memref<128x128xf32, #tpu.memory_space<vmem>>) target(%dma_start3A_450 : memref<10240x128xf32, #tpu.memory_space<vmem_shared>>) offsets(%dma_start3A_447 : memref<128xi32, #tpu.memory_space<vmem>>) semaphore(%run_scoped3A_444 : memref<!tpu.dma_semaphore, #tpu.memory_space<semaphore_mem>>) {add = true}
      %dma_wait3A_451 = arith.constant 0 : i32
      %dma_wait3A_452 = tpu.memref_slice %arg8[%run_scoped3A_426, %dma_wait3A_451] : memref<40x128xi32, #tpu.memory_space<vmem>> -> memref<1x128xi32, #tpu.memory_space<vmem>>
      %dma_wait3A_453 = tpu.memref_squeeze %dma_wait3A_452 : memref<1x128xi32, #tpu.memory_space<vmem>> -> memref<128xi32, #tpu.memory_space<vmem>>
      %dma_wait3A_454 = arith.constant 0 : i32
      %dma_wait3A_455 = arith.constant 0 : i32
      %dma_wait3A_456 = tpu.memref_slice %arg11[%dma_wait3A_454, %dma_wait3A_455] : memref<10240x128xf32, #tpu.memory_space<vmem_shared>> -> memref<10240x128xf32, #tpu.memory_space<vmem_shared>>
      tpu.wait_indirect_dma semaphore(%run_scoped3A_444 : memref<!tpu.dma_semaphore, #tpu.memory_space<semaphore_mem>>) src(%arg10 : memref<128x128xf32, #tpu.memory_space<vmem>>) dst(%dma_wait3A_456 : memref<10240x128xf32, #tpu.memory_space<vmem_shared>>)
      tpu.yield
    }) : () -> ()
    %barrier3A_427 = arith.constant 0 : index
    tpu.barrier barrier_id(%barrier3A_427)
    %sub3A = arith.constant 0 : i32
    %sub3A_428 = arith.subi %select_n3A, %sub3A : i32
    %sub3A_429 = arith.constant 1 : i32
    %sub3A_430 = arith.constant 1 : i32
    %sub3A_431 = arith.subi %sub3A_429, %sub3A_430 : i32
    %add3A_432 = arith.addi %sub3A_428, %sub3A_431 : i32
    %div3A = arith.constant 1 : i32
    %div3A_433 = arith.divsi %add3A_432, %div3A : i32
    %while3A = arith.constant 1 : i32
    %while3A_434 = arith.constant 0 : i32
    %while3A_435 = arith.constant 0 : i32
    %while3A_436 = arith.subi %div3A_433, %while3A_435 : i32
    %while3A_437 = arith.addi %while3A_435, %while3A_436 : i32
    %while3A_438 = arith.constant 1 : i32
    %while3A_439 = arith.divsi %while3A_436, %while3A_438 : i32
    %while3A_440 = arith.muli %while3A_439, %while3A_438 : i32
    %while3A_441 = arith.addi %while3A_435, %while3A_440 : i32
    %while3A_442 = arith.constant 1 : i32
    scf.for %while3A_444 = %while3A_435 to %while3A_441 step %while3A_442  : i32 {
      %mul3A_445 = arith.muli %while3A_444, %while3A : i32
      %add3A_446 = arith.addi %while3A_434, %mul3A_445 : i32
      %mul3A_447 = arith.constant 640 : i32
      %mul3A_448 = arith.muli %arg1, %mul3A_447 : i32
      %mul3A_449 = arith.constant 80 : i32
      %mul3A_450 = arith.muli %add3A_446, %mul3A_449 : i32
      %add3A_451 = arith.addi %mul3A_448, %mul3A_450 : i32
      "tpu.region"() ({
        %run_scoped3A_459 = tpu.sem_alloc : memref<!tpu.dma_semaphore, #tpu.memory_space<semaphore_mem>>
        %dma_start3A_460 = arith.constant 0 : i32
        %dma_start3A_461 = arith.constant 0 : i32
        %dma_start3A_462 = tpu.memref_slice %arg9[%dma_start3A_460, %dma_start3A_461] : memref<128x128xf32, #tpu.memory_space<vmem>> -> memref<80x128xf32, #tpu.memory_space<vmem>>
        %dma_start3A_463 = arith.constant 0 : i32
        %dma_start3A_464 = tpu.memref_slice %arg11[%add3A_451, %dma_start3A_463] : memref<10240x128xf32, #tpu.memory_space<vmem_shared>> -> memref<80x128xf32, #tpu.memory_space<vmem_shared>>
        %dma_start3A_465 = arith.constant 0 : i32
        %dma_start3A_466 = arith.constant 0 : i32
        %dma_start3A_467 = tpu.memref_slice %arg9[%dma_start3A_465, %dma_start3A_466] : memref<128x128xf32, #tpu.memory_space<vmem>> -> memref<80x128xf32, #tpu.memory_space<vmem>>
        %dma_start3A_468 = arith.constant 0 : i32
        %dma_start3A_469 = tpu.memref_slice %arg11[%add3A_451, %dma_start3A_468] : memref<10240x128xf32, #tpu.memory_space<vmem_shared>> -> memref<80x128xf32, #tpu.memory_space<vmem_shared>>
        tpu.enqueue_dma source(%dma_start3A_469 : memref<80x128xf32, #tpu.memory_space<vmem_shared>>) target(%dma_start3A_467 : memref<80x128xf32, #tpu.memory_space<vmem>>) target_semaphore(%run_scoped3A_459 : memref<!tpu.dma_semaphore, #tpu.memory_space<semaphore_mem>>)
        %dma_wait3A_470 = arith.constant 0 : i32
        %dma_wait3A_471 = arith.constant 0 : i32
        %dma_wait3A_472 = tpu.memref_slice %arg9[%dma_wait3A_470, %dma_wait3A_471] : memref<128x128xf32, #tpu.memory_space<vmem>> -> memref<80x128xf32, #tpu.memory_space<vmem>>
        %dma_wait3A_473 = arith.constant 0 : i32
        %dma_wait3A_474 = tpu.memref_slice %arg11[%add3A_451, %dma_wait3A_473] : memref<10240x128xf32, #tpu.memory_space<vmem_shared>> -> memref<80x128xf32, #tpu.memory_space<vmem_shared>>
        %dma_wait3A_475 = arith.constant 0 : i32
        %dma_wait3A_476 = arith.constant 0 : i32
        %dma_wait3A_477 = tpu.memref_slice %arg9[%dma_wait3A_475, %dma_wait3A_476] : memref<128x128xf32, #tpu.memory_space<vmem>> -> memref<80x128xf32, #tpu.memory_space<vmem>>
        %dma_wait3A_478 = arith.constant 0 : i32
        %dma_wait3A_479 = tpu.memref_slice %arg11[%add3A_451, %dma_wait3A_478] : memref<10240x128xf32, #tpu.memory_space<vmem_shared>> -> memref<80x128xf32, #tpu.memory_space<vmem_shared>>
        tpu.wait_dma2 semaphore(%run_scoped3A_459 : memref<!tpu.dma_semaphore, #tpu.memory_space<semaphore_mem>>) src(%dma_wait3A_479 : memref<80x128xf32, #tpu.memory_space<vmem_shared>>) dst(%dma_wait3A_477 : memref<80x128xf32, #tpu.memory_space<vmem>>)
        tpu.yield
      }) : () -> ()
      %eq3A = arith.constant 0 : i32
      %eq3A_452 = arith.cmpi eq, %arg0, %eq3A : i32
      %convert_element_type3A = arith.extui %eq3A_452 : i1 to i32
      %cond3A = arith.constant 0 : i32
      %cond3A_453 = arith.cmpi ne, %convert_element_type3A, %cond3A : i32
      scf.if %cond3A_453 {
        %mul3A_459 = arith.constant 640 : i32
        %mul3A_460 = arith.muli %arg1, %mul3A_459 : i32
        %mul3A_461 = arith.constant 80 : i32
        %mul3A_462 = arith.muli %add3A_446, %mul3A_461 : i32
        %add3A_463 = arith.addi %mul3A_460, %mul3A_462 : i32
        "tpu.region"() ({
          %run_scoped3A_464 = tpu.sem_alloc : memref<!tpu.dma_semaphore, #tpu.memory_space<semaphore_mem>>
          %dma_start3A_465 = arith.constant 0 : i32
          %dma_start3A_466 = arith.constant 0 : i32
          %dma_start3A_467 = tpu.memref_slice %arg9[%dma_start3A_465, %dma_start3A_466] : memref<128x128xf32, #tpu.memory_space<vmem>> -> memref<80x128xf32, #tpu.memory_space<vmem>>
          %dma_start3A_468 = arith.constant 0 : i32
          %dma_start3A_469 = tpu.memref_slice %arg5[%add3A_463, %dma_start3A_468] : memref<10000x128xf32, #tpu.memory_space<hbm>> -> memref<80x128xf32, #tpu.memory_space<hbm>>
          %dma_start3A_470 = arith.constant 0 : i32
          %dma_start3A_471 = tpu.memref_slice %arg5[%add3A_463, %dma_start3A_470] : memref<10000x128xf32, #tpu.memory_space<hbm>> -> memref<80x128xf32, #tpu.memory_space<hbm>>
          %dma_start3A_472 = arith.constant 0 : i32
          %dma_start3A_473 = arith.constant 0 : i32
          %dma_start3A_474 = tpu.memref_slice %arg9[%dma_start3A_472, %dma_start3A_473] : memref<128x128xf32, #tpu.memory_space<vmem>> -> memref<80x128xf32, #tpu.memory_space<vmem>>
          tpu.enqueue_dma source(%dma_start3A_474 : memref<80x128xf32, #tpu.memory_space<vmem>>) target(%dma_start3A_471 : memref<80x128xf32, #tpu.memory_space<hbm>>) target_semaphore(%run_scoped3A_464 : memref<!tpu.dma_semaphore, #tpu.memory_space<semaphore_mem>>)
          %dma_wait3A_475 = arith.constant 0 : i32
          %dma_wait3A_476 = arith.constant 0 : i32
          %dma_wait3A_477 = tpu.memref_slice %arg9[%dma_wait3A_475, %dma_wait3A_476] : memref<128x128xf32, #tpu.memory_space<vmem>> -> memref<80x128xf32, #tpu.memory_space<vmem>>
          %dma_wait3A_478 = arith.constant 0 : i32
          %dma_wait3A_479 = tpu.memref_slice %arg5[%add3A_463, %dma_wait3A_478] : memref<10000x128xf32, #tpu.memory_space<hbm>> -> memref<80x128xf32, #tpu.memory_space<hbm>>
          %dma_wait3A_480 = arith.constant 0 : i32
          %dma_wait3A_481 = tpu.memref_slice %arg5[%add3A_463, %dma_wait3A_480] : memref<10000x128xf32, #tpu.memory_space<hbm>> -> memref<80x128xf32, #tpu.memory_space<hbm>>
          %dma_wait3A_482 = arith.constant 0 : i32
          %dma_wait3A_483 = arith.constant 0 : i32
          %dma_wait3A_484 = tpu.memref_slice %arg9[%dma_wait3A_482, %dma_wait3A_483] : memref<128x128xf32, #tpu.memory_space<vmem>> -> memref<80x128xf32, #tpu.memory_space<vmem>>
          tpu.wait_dma2 semaphore(%run_scoped3A_464 : memref<!tpu.dma_semaphore, #tpu.memory_space<semaphore_mem>>) src(%dma_wait3A_484 : memref<80x128xf32, #tpu.memory_space<vmem>>) dst(%dma_wait3A_481 : memref<80x128xf32, #tpu.memory_space<hbm>>)
          tpu.yield
        }) : () -> ()
      } else {
      }
      %eq3A_454 = arith.constant 1 : i32
      %eq3A_455 = arith.cmpi eq, %arg0, %eq3A_454 : i32
      %convert_element_type3A_456 = arith.extui %eq3A_455 : i1 to i32
      %cond3A_457 = arith.constant 0 : i32
      %cond3A_458 = arith.cmpi ne, %convert_element_type3A_456, %cond3A_457 : i32
      scf.if %cond3A_458 {
        %mul3A_459 = arith.constant 640 : i32
        %mul3A_460 = arith.muli %arg1, %mul3A_459 : i32
        %mul3A_461 = arith.constant 80 : i32
        %mul3A_462 = arith.muli %add3A_446, %mul3A_461 : i32
        %add3A_463 = arith.addi %mul3A_460, %mul3A_462 : i32
        "tpu.region"() ({
          %run_scoped3A_464 = tpu.sem_alloc : memref<!tpu.dma_semaphore, #tpu.memory_space<semaphore_mem>>
          %dma_start3A_465 = arith.constant 0 : i32
          %dma_start3A_466 = arith.constant 0 : i32
          %dma_start3A_467 = tpu.memref_slice %arg9[%dma_start3A_465, %dma_start3A_466] : memref<128x128xf32, #tpu.memory_space<vmem>> -> memref<80x128xf32, #tpu.memory_space<vmem>>
          %dma_start3A_468 = arith.constant 0 : i32
          %dma_start3A_469 = tpu.memref_slice %arg6[%add3A_463, %dma_start3A_468] : memref<10000x128xf32, #tpu.memory_space<hbm>> -> memref<80x128xf32, #tpu.memory_space<hbm>>
          %dma_start3A_470 = arith.constant 0 : i32
          %dma_start3A_471 = tpu.memref_slice %arg6[%add3A_463, %dma_start3A_470] : memref<10000x128xf32, #tpu.memory_space<hbm>> -> memref<80x128xf32, #tpu.memory_space<hbm>>
          %dma_start3A_472 = arith.constant 0 : i32
          %dma_start3A_473 = arith.constant 0 : i32
          %dma_start3A_474 = tpu.memref_slice %arg9[%dma_start3A_472, %dma_start3A_473] : memref<128x128xf32, #tpu.memory_space<vmem>> -> memref<80x128xf32, #tpu.memory_space<vmem>>
          tpu.enqueue_dma source(%dma_start3A_474 : memref<80x128xf32, #tpu.memory_space<vmem>>) target(%dma_start3A_471 : memref<80x128xf32, #tpu.memory_space<hbm>>) target_semaphore(%run_scoped3A_464 : memref<!tpu.dma_semaphore, #tpu.memory_space<semaphore_mem>>)
          %dma_wait3A_475 = arith.constant 0 : i32
          %dma_wait3A_476 = arith.constant 0 : i32
          %dma_wait3A_477 = tpu.memref_slice %arg9[%dma_wait3A_475, %dma_wait3A_476] : memref<128x128xf32, #tpu.memory_space<vmem>> -> memref<80x128xf32, #tpu.memory_space<vmem>>
          %dma_wait3A_478 = arith.constant 0 : i32
          %dma_wait3A_479 = tpu.memref_slice %arg6[%add3A_463, %dma_wait3A_478] : memref<10000x128xf32, #tpu.memory_space<hbm>> -> memref<80x128xf32, #tpu.memory_space<hbm>>
          %dma_wait3A_480 = arith.constant 0 : i32
          %dma_wait3A_481 = tpu.memref_slice %arg6[%add3A_463, %dma_wait3A_480] : memref<10000x128xf32, #tpu.memory_space<hbm>> -> memref<80x128xf32, #tpu.memory_space<hbm>>
          %dma_wait3A_482 = arith.constant 0 : i32
          %dma_wait3A_483 = arith.constant 0 : i32
          %dma_wait3A_484 = tpu.memref_slice %arg9[%dma_wait3A_482, %dma_wait3A_483] : memref<128x128xf32, #tpu.memory_space<vmem>> -> memref<80x128xf32, #tpu.memory_space<vmem>>
          tpu.wait_dma2 semaphore(%run_scoped3A_464 : memref<!tpu.dma_semaphore, #tpu.memory_space<semaphore_mem>>) src(%dma_wait3A_484 : memref<80x128xf32, #tpu.memory_space<vmem>>) dst(%dma_wait3A_481 : memref<80x128xf32, #tpu.memory_space<hbm>>)
          tpu.yield
        }) : () -> ()
      } else {
      }
    }
    %while3A_443 = arith.constant 1 : i32
    scf.for %while3A_444 = %while3A_441 to %while3A_437 step %while3A_443  : i32 {
      %mul3A_445 = arith.muli %while3A_444, %while3A : i32
      %add3A_446 = arith.addi %while3A_434, %mul3A_445 : i32
      %mul3A_447 = arith.constant 640 : i32
      %mul3A_448 = arith.muli %arg1, %mul3A_447 : i32
      %mul3A_449 = arith.constant 80 : i32
      %mul3A_450 = arith.muli %add3A_446, %mul3A_449 : i32
      %add3A_451 = arith.addi %mul3A_448, %mul3A_450 : i32
      "tpu.region"() ({
        %run_scoped3A_459 = tpu.sem_alloc : memref<!tpu.dma_semaphore, #tpu.memory_space<semaphore_mem>>
        %dma_start3A_460 = arith.constant 0 : i32
        %dma_start3A_461 = arith.constant 0 : i32
        %dma_start3A_462 = tpu.memref_slice %arg9[%dma_start3A_460, %dma_start3A_461] : memref<128x128xf32, #tpu.memory_space<vmem>> -> memref<80x128xf32, #tpu.memory_space<vmem>>
        %dma_start3A_463 = arith.constant 0 : i32
        %dma_start3A_464 = tpu.memref_slice %arg11[%add3A_451, %dma_start3A_463] : memref<10240x128xf32, #tpu.memory_space<vmem_shared>> -> memref<80x128xf32, #tpu.memory_space<vmem_shared>>
        %dma_start3A_465 = arith.constant 0 : i32
        %dma_start3A_466 = arith.constant 0 : i32
        %dma_start3A_467 = tpu.memref_slice %arg9[%dma_start3A_465, %dma_start3A_466] : memref<128x128xf32, #tpu.memory_space<vmem>> -> memref<80x128xf32, #tpu.memory_space<vmem>>
        %dma_start3A_468 = arith.constant 0 : i32
        %dma_start3A_469 = tpu.memref_slice %arg11[%add3A_451, %dma_start3A_468] : memref<10240x128xf32, #tpu.memory_space<vmem_shared>> -> memref<80x128xf32, #tpu.memory_space<vmem_shared>>
        tpu.enqueue_dma source(%dma_start3A_469 : memref<80x128xf32, #tpu.memory_space<vmem_shared>>) target(%dma_start3A_467 : memref<80x128xf32, #tpu.memory_space<vmem>>) target_semaphore(%run_scoped3A_459 : memref<!tpu.dma_semaphore, #tpu.memory_space<semaphore_mem>>)
        %dma_wait3A_470 = arith.constant 0 : i32
        %dma_wait3A_471 = arith.constant 0 : i32
        %dma_wait3A_472 = tpu.memref_slice %arg9[%dma_wait3A_470, %dma_wait3A_471] : memref<128x128xf32, #tpu.memory_space<vmem>> -> memref<80x128xf32, #tpu.memory_space<vmem>>
        %dma_wait3A_473 = arith.constant 0 : i32
        %dma_wait3A_474 = tpu.memref_slice %arg11[%add3A_451, %dma_wait3A_473] : memref<10240x128xf32, #tpu.memory_space<vmem_shared>> -> memref<80x128xf32, #tpu.memory_space<vmem_shared>>
        %dma_wait3A_475 = arith.constant 0 : i32
        %dma_wait3A_476 = arith.constant 0 : i32
        %dma_wait3A_477 = tpu.memref_slice %arg9[%dma_wait3A_475, %dma_wait3A_476] : memref<128x128xf32, #tpu.memory_space<vmem>> -> memref<80x128xf32, #tpu.memory_space<vmem>>
        %dma_wait3A_478 = arith.constant 0 : i32
        %dma_wait3A_479 = tpu.memref_slice %arg11[%add3A_451, %dma_wait3A_478] : memref<10240x128xf32, #tpu.memory_space<vmem_shared>> -> memref<80x128xf32, #tpu.memory_space<vmem_shared>>
        tpu.wait_dma2 semaphore(%run_scoped3A_459 : memref<!tpu.dma_semaphore, #tpu.memory_space<semaphore_mem>>) src(%dma_wait3A_479 : memref<80x128xf32, #tpu.memory_space<vmem_shared>>) dst(%dma_wait3A_477 : memref<80x128xf32, #tpu.memory_space<vmem>>)
        tpu.yield
      }) : () -> ()
      %eq3A = arith.constant 0 : i32
      %eq3A_452 = arith.cmpi eq, %arg0, %eq3A : i32
      %convert_element_type3A = arith.extui %eq3A_452 : i1 to i32
      %cond3A = arith.constant 0 : i32
      %cond3A_453 = arith.cmpi ne, %convert_element_type3A, %cond3A : i32
      scf.if %cond3A_453 {
        %mul3A_459 = arith.constant 640 : i32
        %mul3A_460 = arith.muli %arg1, %mul3A_459 : i32
        %mul3A_461 = arith.constant 80 : i32
        %mul3A_462 = arith.muli %add3A_446, %mul3A_461 : i32
        %add3A_463 = arith.addi %mul3A_460, %mul3A_462 : i32
        "tpu.region"() ({
          %run_scoped3A_464 = tpu.sem_alloc : memref<!tpu.dma_semaphore, #tpu.memory_space<semaphore_mem>>
          %dma_start3A_465 = arith.constant 0 : i32
          %dma_start3A_466 = arith.constant 0 : i32
          %dma_start3A_467 = tpu.memref_slice %arg9[%dma_start3A_465, %dma_start3A_466] : memref<128x128xf32, #tpu.memory_space<vmem>> -> memref<80x128xf32, #tpu.memory_space<vmem>>
          %dma_start3A_468 = arith.constant 0 : i32
          %dma_start3A_469 = tpu.memref_slice %arg5[%add3A_463, %dma_start3A_468] : memref<10000x128xf32, #tpu.memory_space<hbm>> -> memref<80x128xf32, #tpu.memory_space<hbm>>
          %dma_start3A_470 = arith.constant 0 : i32
          %dma_start3A_471 = tpu.memref_slice %arg5[%add3A_463, %dma_start3A_470] : memref<10000x128xf32, #tpu.memory_space<hbm>> -> memref<80x128xf32, #tpu.memory_space<hbm>>
          %dma_start3A_472 = arith.constant 0 : i32
          %dma_start3A_473 = arith.constant 0 : i32
          %dma_start3A_474 = tpu.memref_slice %arg9[%dma_start3A_472, %dma_start3A_473] : memref<128x128xf32, #tpu.memory_space<vmem>> -> memref<80x128xf32, #tpu.memory_space<vmem>>
          tpu.enqueue_dma source(%dma_start3A_474 : memref<80x128xf32, #tpu.memory_space<vmem>>) target(%dma_start3A_471 : memref<80x128xf32, #tpu.memory_space<hbm>>) target_semaphore(%run_scoped3A_464 : memref<!tpu.dma_semaphore, #tpu.memory_space<semaphore_mem>>)
          %dma_wait3A_475 = arith.constant 0 : i32
          %dma_wait3A_476 = arith.constant 0 : i32
          %dma_wait3A_477 = tpu.memref_slice %arg9[%dma_wait3A_475, %dma_wait3A_476] : memref<128x128xf32, #tpu.memory_space<vmem>> -> memref<80x128xf32, #tpu.memory_space<vmem>>
          %dma_wait3A_478 = arith.constant 0 : i32
          %dma_wait3A_479 = tpu.memref_slice %arg5[%add3A_463, %dma_wait3A_478] : memref<10000x128xf32, #tpu.memory_space<hbm>> -> memref<80x128xf32, #tpu.memory_space<hbm>>
          %dma_wait3A_480 = arith.constant 0 : i32
          %dma_wait3A_481 = tpu.memref_slice %arg5[%add3A_463, %dma_wait3A_480] : memref<10000x128xf32, #tpu.memory_space<hbm>> -> memref<80x128xf32, #tpu.memory_space<hbm>>
          %dma_wait3A_482 = arith.constant 0 : i32
          %dma_wait3A_483 = arith.constant 0 : i32
          %dma_wait3A_484 = tpu.memref_slice %arg9[%dma_wait3A_482, %dma_wait3A_483] : memref<128x128xf32, #tpu.memory_space<vmem>> -> memref<80x128xf32, #tpu.memory_space<vmem>>
          tpu.wait_dma2 semaphore(%run_scoped3A_464 : memref<!tpu.dma_semaphore, #tpu.memory_space<semaphore_mem>>) src(%dma_wait3A_484 : memref<80x128xf32, #tpu.memory_space<vmem>>) dst(%dma_wait3A_481 : memref<80x128xf32, #tpu.memory_space<hbm>>)
          tpu.yield
        }) : () -> ()
      } else {
      }
      %eq3A_454 = arith.constant 1 : i32
      %eq3A_455 = arith.cmpi eq, %arg0, %eq3A_454 : i32
      %convert_element_type3A_456 = arith.extui %eq3A_455 : i1 to i32
      %cond3A_457 = arith.constant 0 : i32
      %cond3A_458 = arith.cmpi ne, %convert_element_type3A_456, %cond3A_457 : i32
      scf.if %cond3A_458 {
        %mul3A_459 = arith.constant 640 : i32
        %mul3A_460 = arith.muli %arg1, %mul3A_459 : i32
        %mul3A_461 = arith.constant 80 : i32
        %mul3A_462 = arith.muli %add3A_446, %mul3A_461 : i32
        %add3A_463 = arith.addi %mul3A_460, %mul3A_462 : i32
        "tpu.region"() ({
          %run_scoped3A_464 = tpu.sem_alloc : memref<!tpu.dma_semaphore, #tpu.memory_space<semaphore_mem>>
          %dma_start3A_465 = arith.constant 0 : i32
          %dma_start3A_466 = arith.constant 0 : i32
          %dma_start3A_467 = tpu.memref_slice %arg9[%dma_start3A_465, %dma_start3A_466] : memref<128x128xf32, #tpu.memory_space<vmem>> -> memref<80x128xf32, #tpu.memory_space<vmem>>
          %dma_start3A_468 = arith.constant 0 : i32
          %dma_start3A_469 = tpu.memref_slice %arg6[%add3A_463, %dma_start3A_468] : memref<10000x128xf32, #tpu.memory_space<hbm>> -> memref<80x128xf32, #tpu.memory_space<hbm>>
          %dma_start3A_470 = arith.constant 0 : i32
          %dma_start3A_471 = tpu.memref_slice %arg6[%add3A_463, %dma_start3A_470] : memref<10000x128xf32, #tpu.memory_space<hbm>> -> memref<80x128xf32, #tpu.memory_space<hbm>>
          %dma_start3A_472 = arith.constant 0 : i32
          %dma_start3A_473 = arith.constant 0 : i32
          %dma_start3A_474 = tpu.memref_slice %arg9[%dma_start3A_472, %dma_start3A_473] : memref<128x128xf32, #tpu.memory_space<vmem>> -> memref<80x128xf32, #tpu.memory_space<vmem>>
          tpu.enqueue_dma source(%dma_start3A_474 : memref<80x128xf32, #tpu.memory_space<vmem>>) target(%dma_start3A_471 : memref<80x128xf32, #tpu.memory_space<hbm>>) target_semaphore(%run_scoped3A_464 : memref<!tpu.dma_semaphore, #tpu.memory_space<semaphore_mem>>)
          %dma_wait3A_475 = arith.constant 0 : i32
          %dma_wait3A_476 = arith.constant 0 : i32
          %dma_wait3A_477 = tpu.memref_slice %arg9[%dma_wait3A_475, %dma_wait3A_476] : memref<128x128xf32, #tpu.memory_space<vmem>> -> memref<80x128xf32, #tpu.memory_space<vmem>>
          %dma_wait3A_478 = arith.constant 0 : i32
          %dma_wait3A_479 = tpu.memref_slice %arg6[%add3A_463, %dma_wait3A_478] : memref<10000x128xf32, #tpu.memory_space<hbm>> -> memref<80x128xf32, #tpu.memory_space<hbm>>
          %dma_wait3A_480 = arith.constant 0 : i32
          %dma_wait3A_481 = tpu.memref_slice %arg6[%add3A_463, %dma_wait3A_480] : memref<10000x128xf32, #tpu.memory_space<hbm>> -> memref<80x128xf32, #tpu.memory_space<hbm>>
          %dma_wait3A_482 = arith.constant 0 : i32
          %dma_wait3A_483 = arith.constant 0 : i32
          %dma_wait3A_484 = tpu.memref_slice %arg9[%dma_wait3A_482, %dma_wait3A_483] : memref<128x128xf32, #tpu.memory_space<vmem>> -> memref<80x128xf32, #tpu.memory_space<vmem>>
          tpu.wait_dma2 semaphore(%run_scoped3A_464 : memref<!tpu.dma_semaphore, #tpu.memory_space<semaphore_mem>>) src(%dma_wait3A_484 : memref<80x128xf32, #tpu.memory_space<vmem>>) dst(%dma_wait3A_481 : memref<80x128xf32, #tpu.memory_space<hbm>>)
          tpu.yield
        }) : () -> ()
      } else {
      }
    }
    return
  }
}

module attributes {stable_mosaic.version = 14 : i64} {
  func.func @_mm_scale_body(%arg0: memref<10000x128xf32, #tpu.memory_space<vmem>>, %arg1: memref<128x128xf32, #tpu.memory_space<vmem>>, %arg2: memref<10000x1xf32, #tpu.memory_space<vmem>>, %arg3: memref<10000x128xf32, #tpu.memory_space<vmem>>) attributes {dimension_semantics = [], scalar_prefetch = 0 : i64, scratch_operands = 0 : i64, tpu.core_type = #tpu.core_type<tc>} {
    %get3A = arith.constant 0 : index
    %get3A_0 = arith.constant 0 : index
    %get3A_1 = vector.load %arg2[%get3A, %get3A_0] : memref<10000x1xf32, #tpu.memory_space<vmem>>, vector<10000x1xf32>
    %rsqrt3A = math.rsqrt %get3A_1 : vector<10000x1xf32>
    %get3A_2 = arith.constant 0 : index
    %get3A_3 = arith.constant 0 : index
    %get3A_4 = vector.load %arg0[%get3A_2, %get3A_3] : memref<10000x128xf32, #tpu.memory_space<vmem>>, vector<10000x128xf32>
    %get3A_5 = arith.constant 0 : index
    %get3A_6 = arith.constant 0 : index
    %get3A_7 = vector.load %arg1[%get3A_5, %get3A_6] : memref<128x128xf32, #tpu.memory_space<vmem>>, vector<128x128xf32>
    %dot_general3A = arith.constant dense<0.000000e+00> : vector<10000x128xf32>
    %dot_general3A_8 = tpu.matmul %get3A_4, %get3A_7, %dot_general3A {dimension_numbers = #tpu.dot_dimension_numbers<[1], [0], [0], [1], [0, 0, 1, 1], [], []>, transpose_lhs_hint = false} : vector<10000x128xf32>, vector<128x128xf32>, vector<10000x128xf32> -> vector<10000x128xf32>
    %mul3A = vector.broadcast %rsqrt3A : vector<10000x1xf32> to vector<10000x128xf32>
    %mul3A_9 = arith.mulf %mul3A, %dot_general3A_8 : vector<10000x128xf32>
    %swap3A = arith.constant 0 : index
    %swap3A_10 = arith.constant 0 : index
    %swap3A_11 = vector.load %arg3[%swap3A, %swap3A_10] : memref<10000x128xf32, #tpu.memory_space<vmem>>, vector<10000x128xf32>
    tpu.vector_store %arg3[%swap3A, %swap3A_10], %mul3A_9 {strides = array<i32>} : memref<10000x128xf32, #tpu.memory_space<vmem>>, vector<10000x128xf32>,
    return
  }
}

module attributes {stable_mosaic.version = 14 : i64} {
  func.func @_mid_body(%arg0: memref<10000x128xf32, #tpu.memory_space<vmem>>, %arg1: memref<10000x128xf32, #tpu.memory_space<vmem>>, %arg2: memref<10000x128xf32, #tpu.memory_space<vmem>>, %arg3: memref<10000x1xf32, #tpu.memory_space<vmem>>, %arg4: memref<1x128xf32, #tpu.memory_space<vmem>>, %arg5: memref<128x128xf32, #tpu.memory_space<vmem>>, %arg6: memref<10000x128xf32, #tpu.memory_space<vmem>>) attributes {dimension_semantics = [], scalar_prefetch = 0 : i64, scratch_operands = 0 : i64, tpu.core_type = #tpu.core_type<tc>} {
    %get3A = arith.constant 0 : index
    %get3A_0 = arith.constant 0 : index
    %get3A_1 = vector.load %arg3[%get3A, %get3A_0] : memref<10000x1xf32, #tpu.memory_space<vmem>>, vector<10000x1xf32>
    %rsqrt3A = math.rsqrt %get3A_1 : vector<10000x1xf32>
    %get3A_2 = arith.constant 0 : index
    %get3A_3 = arith.constant 0 : index
    %get3A_4 = vector.load %arg0[%get3A_2, %get3A_3] : memref<10000x128xf32, #tpu.memory_space<vmem>>, vector<10000x128xf32>
    %get3A_5 = arith.constant 0 : index
    %get3A_6 = arith.constant 0 : index
    %get3A_7 = vector.load %arg1[%get3A_5, %get3A_6] : memref<10000x128xf32, #tpu.memory_space<vmem>>, vector<10000x128xf32>
    %add3A = arith.addf %get3A_4, %get3A_7 : vector<10000x128xf32>
    %get3A_8 = arith.constant 0 : index
    %get3A_9 = arith.constant 0 : index
    %get3A_10 = vector.load %arg2[%get3A_8, %get3A_9] : memref<10000x128xf32, #tpu.memory_space<vmem>>, vector<10000x128xf32>
    %add3A_11 = arith.addf %add3A, %get3A_10 : vector<10000x128xf32>
    %mul3A = vector.broadcast %rsqrt3A : vector<10000x1xf32> to vector<10000x128xf32>
    %mul3A_12 = arith.mulf %mul3A, %add3A_11 : vector<10000x128xf32>
    %get3A_13 = arith.constant 0 : index
    %get3A_14 = arith.constant 0 : index
    %get3A_15 = vector.load %arg4[%get3A_13, %get3A_14] : memref<1x128xf32, #tpu.memory_space<vmem>>, vector<1x128xf32>
    %add3A_16 = vector.broadcast %get3A_15 : vector<1x128xf32> to vector<10000x128xf32>
    %add3A_17 = arith.addf %mul3A_12, %add3A_16 : vector<10000x128xf32>
    %max3A = arith.constant 0.000000e+00 : f32
    %max3A_18 = vector.broadcast %max3A : f32 to vector<10000x128xf32>
    %max3A_19 = arith.maximumf %add3A_17, %max3A_18 : vector<10000x128xf32>
    %get3A_20 = arith.constant 0 : index
    %get3A_21 = arith.constant 0 : index
    %get3A_22 = vector.load %arg5[%get3A_20, %get3A_21] : memref<128x128xf32, #tpu.memory_space<vmem>>, vector<128x128xf32>
    %dot_general3A = arith.constant dense<0.000000e+00> : vector<10000x128xf32>
    %dot_general3A_23 = tpu.matmul %max3A_19, %get3A_22, %dot_general3A {dimension_numbers = #tpu.dot_dimension_numbers<[1], [0], [0], [1], [0, 0, 1, 1], [], []>, transpose_lhs_hint = false} : vector<10000x128xf32>, vector<128x128xf32>, vector<10000x128xf32> -> vector<10000x128xf32>
    %mul3A_24 = vector.broadcast %rsqrt3A : vector<10000x1xf32> to vector<10000x128xf32>
    %mul3A_25 = arith.mulf %mul3A_24, %dot_general3A_23 : vector<10000x128xf32>
    %swap3A = arith.constant 0 : index
    %swap3A_26 = arith.constant 0 : index
    %swap3A_27 = vector.load %arg6[%swap3A, %swap3A_26] : memref<10000x128xf32, #tpu.memory_space<vmem>>, vector<10000x128xf32>
    tpu.vector_store %arg6[%swap3A, %swap3A_26], %mul3A_25 {strides = array<i32>} : memref<10000x128xf32, #tpu.memory_space<vmem>>, vector<10000x128xf32>,
    return
  }
}

module attributes {stable_mosaic.version = 14 : i64} {
  func.func @_fin_body(%arg0: memref<10000x128xf32, #tpu.memory_space<vmem>>, %arg1: memref<10000x128xf32, #tpu.memory_space<vmem>>, %arg2: memref<10000x128xf32, #tpu.memory_space<vmem>>, %arg3: memref<10000x1xf32, #tpu.memory_space<vmem>>, %arg4: memref<1x128xf32, #tpu.memory_space<vmem>>, %arg5: memref<10000x128xf32, #tpu.memory_space<vmem>>) attributes {dimension_semantics = [], scalar_prefetch = 0 : i64, scratch_operands = 0 : i64, tpu.core_type = #tpu.core_type<tc>} {
    %get3A = arith.constant 0 : index
    %get3A_0 = arith.constant 0 : index
    %get3A_1 = vector.load %arg3[%get3A, %get3A_0] : memref<10000x1xf32, #tpu.memory_space<vmem>>, vector<10000x1xf32>
    %rsqrt3A = math.rsqrt %get3A_1 : vector<10000x1xf32>
    %get3A_2 = arith.constant 0 : index
    %get3A_3 = arith.constant 0 : index
    %get3A_4 = vector.load %arg0[%get3A_2, %get3A_3] : memref<10000x128xf32, #tpu.memory_space<vmem>>, vector<10000x128xf32>
    %get3A_5 = arith.constant 0 : index
    %get3A_6 = arith.constant 0 : index
    %get3A_7 = vector.load %arg1[%get3A_5, %get3A_6] : memref<10000x128xf32, #tpu.memory_space<vmem>>, vector<10000x128xf32>
    %add3A = arith.addf %get3A_4, %get3A_7 : vector<10000x128xf32>
    %get3A_8 = arith.constant 0 : index
    %get3A_9 = arith.constant 0 : index
    %get3A_10 = vector.load %arg2[%get3A_8, %get3A_9] : memref<10000x128xf32, #tpu.memory_space<vmem>>, vector<10000x128xf32>
    %add3A_11 = arith.addf %add3A, %get3A_10 : vector<10000x128xf32>
    %mul3A = vector.broadcast %rsqrt3A : vector<10000x1xf32> to vector<10000x128xf32>
    %mul3A_12 = arith.mulf %mul3A, %add3A_11 : vector<10000x128xf32>
    %get3A_13 = arith.constant 0 : index
    %get3A_14 = arith.constant 0 : index
    %get3A_15 = vector.load %arg4[%get3A_13, %get3A_14] : memref<1x128xf32, #tpu.memory_space<vmem>>, vector<1x128xf32>
    %add3A_16 = vector.broadcast %get3A_15 : vector<1x128xf32> to vector<10000x128xf32>
    %add3A_17 = arith.addf %mul3A_12, %add3A_16 : vector<10000x128xf32>
    %max3A = arith.constant 0.000000e+00 : f32
    %max3A_18 = vector.broadcast %max3A : f32 to vector<10000x128xf32>
    %max3A_19 = arith.maximumf %add3A_17, %max3A_18 : vector<10000x128xf32>
    %swap3A = arith.constant 0 : index
    %swap3A_20 = arith.constant 0 : index
    %swap3A_21 = vector.load %arg5[%swap3A, %swap3A_20] : memref<10000x128xf32, #tpu.memory_space<vmem>>, vector<10000x128xf32>
    tpu.vector_store %arg5[%swap3A, %swap3A_20], %max3A_19 {strides = array<i32>} : memref<10000x128xf32, #tpu.memory_space<vmem>>, vector<10000x128xf32>,
    return
  }
}

</mosaic_0001>

<sc_bundles>
// kernel: kernel.11.cloned.1.call-start
scs
__scs_entry_jumppad:
0x0: {  	(pc) =	sbr.rel $0x88, $3  }
0x1: {  	(tag) =	ssettag $0x0;
	lr =	simm.s32 $0x1  }
0x2: {  	[smem:$0x3F9B] =	sst lr;
	_ =	strace $0xD0000000  }
0x3: {  	_ = 	snop  }
0x4: {  	_ = 	snop  }
0x5: {  	_ = 	snop  }
0x6: {  	_ = 	snop  }
0x7: {  	_ = 	snop  }
__scs_overlays_trampoline_lowered:
0x8: {  	[smem:$0x3FAA] =	sst s0  }
0x9: {  	[smem:$0x3FAB] =	sst s1  }
0xa: {  	[smem:$0x3FAC] =	sst s2  }
0xb: {  	[smem:$0x3FAD] =	sst s3  }
0xc: {  	[smem:$0x3FAE] =	sst s4  }
0xd: {  	[smem:$0x3FAF] =	sst s5  }
0xe: {  	[smem:$0x3FB0] =	sst s6  }
0xf: {  	[smem:$0x3FB1] =	sst s7  }
0x10: {  	[smem:$0x3FB2] =	sst s8  }
0x11: {  	[smem:$0x3FB3] =	sst s9;
	s0 =	simm.s32 @!p0 $0x0  }
0x12: {  	s1 =	sld [smem:$0x3F99];
	s0 =	simm.s32 @p0 $0x1  }
0x13: {  	[smem:$0x3FB4] =	sst s0;
	s0 =	simm.s32 @!p1 $0x0  }
0x14: {  	s2 =	sld [smem:$0x3F98];
	s0 =	simm.s32 @p1 $0x1  }
0x15: {  	[smem:$0x3FB5] =	sst s0;
	s0 =	simm.s32 @!p2 $0x0  }
0x16: {  	s3 =	sld [smem:$0x3FDB];
	s0 =	simm.s32 @p2 $0x1  }
0x17: {  	s4 =	simm.s32 $0x1BF5;
	[smem:$0x3FB7] =	sst s0  }
0x18: {  	s0 =	sld [smem:$0x3F9A];
	_ =	swait.ge [sflag:s4], $0x0  }
0x19: {  	s7 =	sld [smem:$0x3F9B]  }
0x1a: {  	s8 =	sadd.s32 $0xFFFFE003, lr  }
0x1b: {  	s9 =	sadd.s32 $0xFFFFFEF7, lr;
	s5 =	simm.s32 $0xFFFFFFFF;
	p2 =	slt.u32 s8, $0xFFFFF086  }
0x1c: {  	p1 =	slt.u32 s9, $0xF7A;
	s5 =	simm.s32 @!p2 $0x0  }
0x1d: {  	s5 =	simm.s32 @p1 $0x1;
	p0 =	seq.s32 s7, s2  }
0x1e: {  	s7 =	smul.u32 @!p0 $0xF7A, s2;
	p2 =	seq.s32 @!p0 s5, $0x0  }
0x1f: {  	s9 =	smul.u32 $0xF7A, s1;
	s8 =	simm.s32 @!p0 $0x1BF5;
	p2 =	por !p2, p0  }
0x20: {  	[sflag:s8] =	ssyncset.s32 @!p0 $0xFFFFF086;
	s6 =	sadd.s32 @!p0 s3, s7;
	s7 =	simm.s32 @!p0 $0x108  }
0x21: {  	s3 =	sadd.s32 s3, s9;
	s6 =	sadd.s32 @!p0 $0x88, s6;
	s7 =	simm.s32 @p2 $0x1082  }
0x22: {  	[simem:s7], [sflag:s8] =	dma.local @!p0 [hbm:s6], $0xF7A  }
0x23: {  	s9 =	sor.u32 $0xD0000000, s2;
	s6 =	simm.s32 $0x108;
	_ =	swait.ge @!p0 [sflag:s8], $0x0  }
0x24: {  	s3 =	sadd.s32 $0x88, s3;
	s6 =	simm.s32 @!p1 $0x1082;
	[sflag:s4] =	ssyncset.s32 $0xFFFFF086  }
0x25: {  	[simem:s6], [sflag:s4] =	dma.local [hbm:s3], $0xF7A  }
0x26: {  	[smem:$0x3F9B] =	sst s1;
	(tag) =	ssettag s2;
	_ =	strace s9  }
0x27: {  	s1 =	sld [smem:$0x3FAB]  }
0x28: {  	s2 =	sld [smem:$0x3FAC]  }
0x29: {  	s4 =	sld [smem:$0x3FAE]  }
0x2a: {  	p0 =	seq.s32 s5, $0x0;
	s5 =	sld [smem:$0x3FAF]  }
0x2b: {  	s6 =	sld [smem:$0x3FB0]  }
0x2c: {  	s7 =	sld [smem:$0x3FB1]  }
0x2d: {  	s3 =	simm.s32 $0x108;
	s8 =	sld [smem:$0x3FB2]  }
0x2e: {  	s3 =	simm.s32 @!p0 $0x1082;
	s9 =	sld [smem:$0x3FB3]  }
0x2f: {  	lr =	sadd.s32 s0, s3;
	s0 =	sld [smem:$0x3FAA]  }
0x30: {  	s3 =	sld [smem:$0x3FAD]  }
0x31: {  	[smem:$0x3FB6] =	sst s10  }
0x32: {  	s10 =	sld [smem:$0x3FB4];
	_ =	sdelay $0x3  }
0x33: {  	p0 =	seq.s32 s10, $0x1;
	s10 =	sld [smem:$0x3FB6];
	_ =	sdelay $0x3  }
0x34: {  	[smem:$0x3FB6] =	sst s10  }
0x35: {  	s10 =	sld [smem:$0x3FB5];
	_ =	sdelay $0x3  }
0x36: {  	p1 =	seq.s32 s10, $0x1;
	s10 =	sld [smem:$0x3FB6];
	_ =	sdelay $0x3  }
0x37: {  	[smem:$0x3FB6] =	sst s10  }
0x38: {  	s10 =	sld [smem:$0x3FB7]  }
0x39: {  	_ = 	snop;
	(pc) =	sbr.ind lr, $3  }
0x3a: {  	_ = 	snop  }
0x3b: {  	_ = 	snop  }
0x3c: {  	p2 =	seq.s32 s10, $0x1;
	s10 =	sld [smem:$0x3FB6]  }
0x3d: {  	_ =	shalt  }
0x3e: {  	_ =	shalt  }
0x3f: {  	_ =	shalt  }
0x40: {  	_ =	shalt  }
0x41: {  	_ =	shalt  }
0x42: {  	_ =	shalt  }
0x43: {  	_ =	shalt  }
0x44: {  	_ =	shalt  }
0x45: {  	_ =	shalt  }
0x46: {  	_ =	shalt  }
0x47: {  	_ =	shalt  }
0x48: {  	_ =	shalt  }
0x49: {  	_ =	shalt  }
0x4a: {  	_ =	shalt  }
0x4b: {  	_ =	shalt  }
0x4c: {  	_ =	shalt  }
0x4d: {  	_ =	shalt  }
0x4e: {  	_ =	shalt  }
0x4f: {  	_ =	shalt  }
0x50: {  	_ =	shalt  }
0x51: {  	_ =	shalt  }
0x52: {  	_ =	shalt  }
0x53: {  	_ =	shalt  }
0x54: {  	_ =	shalt  }
0x55: {  	_ =	shalt  }
0x56: {  	_ =	shalt  }
0x57: {  	_ =	shalt  }
0x58: {  	_ =	shalt  }
0x59: {  	_ =	shalt  }
0x5a: {  	_ =	shalt  }
0x5b: {  	_ =	shalt  }
0x5c: {  	_ =	shalt  }
0x5d: {  	_ =	shalt  }
0x5e: {  	_ =	shalt  }
0x5f: {  	_ =	shalt  }
0x60: {  	_ =	shalt  }
0x61: {  	_ =	shalt  }
0x62: {  	_ =	shalt  }
0x63: {  	_ =	shalt  }
0x64: {  	_ =	shalt  }
0x65: {  	_ =	shalt  }
0x66: {  	_ =	shalt  }
0x67: {  	_ =	shalt  }
0x68: {  	_ =	shalt  }
0x69: {  	_ =	shalt  }
0x6a: {  	_ =	shalt  }
0x6b: {  	_ =	shalt  }
0x6c: {  	_ =	shalt  }
0x6d: {  	_ =	shalt  }
0x6e: {  	_ =	shalt  }
0x6f: {  	_ =	shalt  }
0x70: {  	_ =	shalt  }
0x71: {  	_ =	shalt  }
0x72: {  	_ =	shalt  }
0x73: {  	_ =	shalt  }
0x74: {  	_ =	shalt  }
0x75: {  	_ =	shalt  }
0x76: {  	_ =	shalt  }
0x77: {  	_ =	shalt  }
0x78: {  	_ =	shalt  }
0x79: {  	_ =	shalt  }
0x7a: {  	_ =	shalt  }
0x7b: {  	_ =	shalt  }
0x7c: {  	_ =	shalt  }
0x7d: {  	_ =	shalt  }
0x7e: {  	_ =	shalt  }
0x7f: {  	_ =	shalt  }
0x80: {  	_ =	shalt  }
0x81: {  	_ =	shalt  }
0x82: {  	_ =	shalt  }
0x83: {  	_ =	shalt  }
0x84: {  	_ =	shalt  }
0x85: {  	_ =	shalt  }
0x86: {  	_ =	shalt  }
0x87: {  	_ =	shalt  }
.Lfunc_end0:
.L_simem_size_0:
called_computation.1_lowered:
.L_overlay_start_0:
0x88: {  	s2 =	sld [smem:$0x3FD9]  }
0x89: {  	s3 =	sld [smem:$0x3FFE];
	_ =	sdelay $0x1  }
0x8a: {  	s1 =	srdreg.scid  }
0x8b: {  	s0 =	sand.u32 $0x1, s1  }
0x8c: {  	s17 =	sshll.u32 s0, $0xA;
	s2 =	sadd.s32 s3, s2  }
0x8d: {  	s2 =	sadd.s32 s2, s17  }
0x8e: {  	[smem:$0x3FC2] =	sst s2  }
0x8f: {  	_ = 	snop  }
0x90: {  	s2 =	sld [smem:$0x3FD0];
	(tm) =	ssettm $0x1  }
0x91: {  	s18 =	sld [smem:$0x3FFB];
	_ =	sdelay $0x3  }
0x92: {  	_ =	strace s18  }
0x93: {  	s3 =	sld [smem:$0x3FFC];
	_ =	sdelay $0x3  }
0x94: {  	_ =	strace s3  }
0x95: {  	s3 =	sld [smem:$0x3FFD];
	_ =	sdelay $0x3  }
0x96: {  	_ =	strace s3  }
0x97: {  	_ =	strace $0x8FFFFFFF  }
0x98: {  	s19 =	sld [smem:$0x3FDB];
	_ =	sdelay $0x1  }
0x99: {  	s4 =	simm.s32 $_scs_section_size  }
0x9a: {  	s5 =	simm.s32 $_size__tile_overlayer_lowered;
	s6 =	simm.s32 $_tile_overlayer_lowered  }
0x9b: {  	s22 =	simm.s32 $0x1BFF;
	s21 =	sshll.u32 s6, $0x1;
	s3 =	sadd.s32 s4, s19  }
0x9c: {  	s7 =	simm.s32 $0x0;
	s20 =	sshll.u32 s5, $0x1;
	s5 =	sadd.s32 s21, s3  }
0x9d: {  	[timem:s7], [sflag:s22] =	dma.local [hbm:s5], s20  }
0x9e: {  	_ =	swait.ge [sflag:s22], s20  }
0x9f: {  	s4 =	ssub.s32 $0x0, s20;
	[sflag:s22] =	ssyncset.done $0x0  }
0xa0: {  	[sflag:s22] =	ssyncadd.s32 s4;
	_ =	sdelay $0x1  }
0xa1: {  	s23 =	simm.s32 $0x1B8B  }
0xa2: {  	_ =	swait.ge [sflag:s23], $0x1  }
0xa3: {  	[sflag:s23] =	ssyncset.done $0x0  }
0xa4: {  	s25 =	simm.s32 $0x1B8E;
	s24 =	sld [smem:$0x3FFE];
	[sflag:s23] =	ssyncadd.s32 $0xFFFFFFFF  }
0xa5: {  	s26 =	simm.s32 $execute0_lowered;
	[smem:$0x3FD2] =	sst s25  }
0xa6: {  	s5 =	sshll.u32 s26, $0x1;
	_ =	strace $0x80000049;
	[dreg:$0x1] =	wrdreg $0xFFFFFFFF  }
0xa7: {  	s28 =	simm.s32 $_size_execute0_lowered;
	s3 =	sadd.s32 s3, s5;
	[dreg:$0x0] =	wrdreg $0x0  }
0xa8: {  	s5 =	sshll.u32 s28, $0x1;
	[dreg:$0x2] =	wrdreg s3  }
0xa9: {  	[dreg:$0x3] =	wrdreg s5  }
0xaa: {  	[dreg:$0x4] =	wrdreg $0xC0  }
0xab: {  	_ =	task [dreg:s7], $0x5FFFF  }
0xac: {  	[dreg:$0x1] =	wrdreg $0xFFFFFFFF  }
0xad: {  	[dreg:$0x0] =	wrdreg $0x60  }
0xae: {  	[dreg:$0x2] =	wrdreg s24  }
0xaf: {  	[dreg:$0x3] =	wrdreg s2  }
0xb0: {  	[dreg:$0x4] =	wrdreg $0xA8000  }
0xb1: {  	[dreg:$0x5] =	wrdreg $0x9  }
0xb2: {  	_ =	task.clear_ibuf [dreg:s7], $0x6FFFF;
	_ =	strace $0x90000049  }
0xb3: {  	s29 =	simm.s32 $0x9;
	_ =	strace $0x8000004B  }
0xb4: {  	_ =	swait.ge [sflag:s29], $0x1  }
0xb5: {  	[sflag:s29] =	ssyncadd.s32 $0xFFFFFFFF  }
0xb6: {  	_ =	strace $0x9000004B  }
0xb7: {  	_ =	sfence  }
0xb8: {  	s30 =	sld [smem:$0x0];
	_ =	sdelay $0x2  }
0xb9: {  	s31 =	sshll.u32 s1, $0xD;
	s1 =	sshrl.u32 s1, $0x2  }
0xba: {  	s3 =	sand.u32 $0x4000, s31;
	s1 =	sadd.s32 s1, s30  }
0xbb: {  	s0 =	sor.u32 s3, s0;
	s1 =	sshll.u32 s1, $0x11  }
0xbc: {  	s0 =	sor.u32 s1, s0  }
0xbd: {  	s0 =	sadd.s32 $0x8F2B, s0  }
0xbe: {  	[sflag:s0] =	ssyncadd.remote.s32 $0x1  }
0xbf: {  	_ =	sfence.sel $0xFFFF  }
0xc0: {  	[dreg:$0x0] =	wrdreg $0xFFFFFFFF;
	(pc) =	sbr.abs _section_cstart, $3  }
0xc1: {  	[dreg:$0x1] =	wrdreg $0xFFFFFFFF  }
0xc2: {  	_ =	task.clear_ibuf [dreg:s7], $0x2FFFF;
	_ =	strace $0x9FFFFFFF  }
0xc3: {  	(tm) =	ssettm $0x7FFFFFFF  }
tec
execute0_lowered:
.L_overlay_start_1:
0x0: {  	(tag) =	ssettag $0x1  }
0x1: {  	s0 =	rddreg [dreg:$0x0]  }
0x2: {  	s1 =	rddreg [dreg:$0x1]  }
0x3: {  	s2 =	rddreg [dreg:$0x2];
	s3 =	simm.s32 $0x0  }
0x4: {  	s4 =	srdreg.scid;
	s12 =	stileid.u32;
	s28 =	simm.s32 $0x4800  }
0x5: {  	s29 =	simm.s32 $0x80;
	s30 =	simm.s32 $0x6800;
	s31 =	simm.s32 $0xC0  }
0x6: {  	[smem:$0x7FF] =	sst s3;
	s4 =	sand.u32 $0x1, s4;
	s7 =	sadd.s32 $0xE200, s0  }
0x7: {  	s8 =	smul.u32 $0x50000, s12;
	s9 =	sadd.s32 $0x4200, s0;
	p0 =	seq.s32 s12, $0xF  }
0x8: {  	s26 =	smul.u32 $0x2800, s12;
	_ =	strace $0x8000004A;
	s5 =	ssub.s32 $0x2, s4  }
0x9: {  	s18 =	sshll.u32 s4, $0x4;
	s6 =	sshrl.u32 s5, $0x1;
	s8 =	sshrl.u32 s8, $0x2  }
0xa: {  	s10 =	ssub.s32 s5, s6;
	s5 =	simm.s32 $0x5;
	s16 =	sadd.s32 s8, s2  }
0xb: {  	s6 =	simm.s32 $0x5;
	s8 =	sor.u32 s12, s18;
	s11 =	sadd.s32 $0x2800, s16  }
0xc: {  	s12 =	simm.s32 $0x7;
	s19 =	sadd.s32 $0x5000, s16;
	[dreg:$0x4] =	wrdreg s11  }
0xd: {  	s6 =	simm.s32 @!p0 $0x8;
	s20 =	sadd.s32 $0x7800, s16;
	[dreg:$0x5] =	wrdreg s19  }
0xe: {  	s21 =	sadd.s32 $0xA000, s16;
	s22 =	smul.u32 $0x500, s8;
	[dreg:$0x6] =	wrdreg s20  }
0xf: {  	s13 =	sadd.s32 $0xC800, s16;
	s23 =	sadd.s32 $0xF000, s16;
	[dreg:$0x7] =	wrdreg s21  }
0x10: {  	s8 =	smul.u32 $0x2800, s8;
	s24 =	sadd.s32 $0x11800, s16;
	[dreg:$0x8] =	wrdreg s13  }
0x11: {  	p0 =	seq.s32 s4, $0x0;
	s4 =	simm.s32 $0x3F400;
	[dreg:$0x9] =	wrdreg s23  }
0x12: {  	[dreg:$0xa] =	wrdreg s24;
	s4 =	simm.s32 @!p0 $0x66600;
	s19 =	smax.u32 s10, $0x1  }
0x13: {  	s21 =	simm.s32 $0x2800;
	s23 =	simm.s32 $0x6;
	s24 =	simm.s32 $0x7  }
0x14: {  	s10 =	simm.s32 $0x2700;
	s13 =	simm.s32 $0x0;
	s25 =	sadd.s32 s7, s22  }
0x15: {  	s11 =	sadd.s32 s9, s22;
	s8 =	sshrl.u32 s8, $0x3;
	s0 =	sadd.s32 s4, s0  }
0x16: {  	s22 =	simm.s32 $0x1;
	s24 =	simm.s32 @!p0 $0x6;
	[dreg:$0xb] =	wrdreg s25  }
0x17: {  	s4 =	simm.s32 $0x2;
	[dreg:$0xc] =	wrdreg s11;
	s8 =	sadd.s32 $0x280, s8  }
0x18: {  	s15 =	sadd.s32 s26, s0;
	s25 =	simm.s32 $0x1400;
	s26 =	simm.s32 $0x40  }
0x19: {  	s0 =	simm.s32 $0x8800;
	s11 =	simm.s32 $0x2780;
	s17 =	sadd.s32 s7, s8  }
0x1a: {  	v0 =	vimm.f32 $0.0e+00;
	s18 =	sadd.s32 s9, s8;
	s8 =	simm.s32 $0x4;
	s9 =	simm.s32 $0x3  }
.LBB2_1:
0x1b: {  	s14 =	simm.s32 $0x0;
	s7 =	simm.s32 $0x200  }
.LBB2_2:
0x1c: {  	p0 =	sne.s32 s7, $0x9E00;
	[tilespmem:s14+$0x2870] =	vst v0  }
0x1d: {  	[tilespmem:s14+$0x2800] =	vst v0  }
0x1e: {  	[tilespmem:s14+$0x2810] =	vst v0  }
.Ltmp0:
0x1f: {  	[tilespmem:s14+$0x2820] =	vst v0;
	(pc) =	sbr.rel @p0 .LBB2_2-.Ltmp0, $4  }
0x20: {  	[tilespmem:s14+$0x2830] =	vst v0  }
0x21: {  	[tilespmem:s14+$0x2840] =	vst v0  }
0x22: {  	[tilespmem:s14+$0x2850] =	vst v0  }
0x23: {  	[tilespmem:s14+$0x2860] =	vst v0;
	s14 =	sshra.s32 s7, $0x2;
	s7 =	sadd.s32 $0x200, s7  }
0x24: {  	[tilespmem:s14+$0x2870] =	vst v0  }
0x25: {  	[tilespmem:s14+$0x2800] =	vst v0  }
0x26: {  	[tilespmem:s14+$0x2810] =	vst v0  }
0x27: {  	[tilespmem:s14+$0x2820] =	vst v0  }
0x28: {  	[tilespmem:s14+$0x2830] =	vst v0  }
0x29: {  	[tilespmem:s14+$0x2840] =	vst v0  }
0x2a: {  	[tilespmem:s14+$0x2850] =	vst v0  }
0x2b: {  	[tilespmem:s14+$0x2860] =	vst v0  }
0x2c: {  	[spmem:s16] =	stream.linear.scatter [tilespmem:s21], [sflag:$0x1], $0x2800, $0x38;
	[tilespmem:$0x1E800] =	vst v63  }
0x2d: {  	s7 =	rddreg [dreg:$0x4]  }
0x2e: {  	[spmem:s7] =	stream.linear.scatter [tilespmem:s21], [sflag:$0x1], $0x2800, $0x38;
	[tilespmem:$0x1E800] =	vst v63  }
0x2f: {  	s20 =	rddreg [dreg:$0x5]  }
0x30: {  	[spmem:s20] =	stream.linear.scatter [tilespmem:s21], [sflag:$0x1], $0x2800, $0x38;
	[tilespmem:$0x1E800] =	vst v63  }
0x31: {  	s14 =	rddreg [dreg:$0x6]  }
0x32: {  	[spmem:s14] =	stream.linear.scatter [tilespmem:s21], [sflag:$0x1], $0x2800, $0x38;
	[tilespmem:$0x1E800] =	vst v63  }
0x33: {  	s20 =	rddreg [dreg:$0x7]  }
0x34: {  	[spmem:s20] =	stream.linear.scatter [tilespmem:s21], [sflag:$0x1], $0x2800, $0x38;
	[tilespmem:$0x1E800] =	vst v63  }
0x35: {  	s14 =	rddreg [dreg:$0x8]  }
0x36: {  	[spmem:s14] =	stream.linear.scatter [tilespmem:s21], [sflag:$0x1], $0x2800, $0x38;
	[tilespmem:$0x1E800] =	vst v63  }
0x37: {  	s20 =	rddreg [dreg:$0x9]  }
0x38: {  	[spmem:s20] =	stream.linear.scatter [tilespmem:s21], [sflag:$0x1], $0x2800, $0x38;
	[tilespmem:$0x1E800] =	vst v63  }
0x39: {  	s14 =	rddreg [dreg:$0xa]  }
0x3a: {  	[spmem:s14] =	stream.linear.scatter [tilespmem:s21], [sflag:$0x1], $0x2800, $0x38;
	[tilespmem:$0x1E800] =	vst v63  }
0x3b: {  	_ =	swait.ge [sflag:s22], $0x2800  }
0x3c: {  	[sflag:s22] =	ssyncset.done $0x0  }
0x3d: {  	[sflag:s22] =	ssyncadd.s32 $0xFFFFD800  }
0x3e: {  	_ =	swait.ge [sflag:s22], $0x2800  }
0x3f: {  	[sflag:s22] =	ssyncset.done $0x0  }
0x40: {  	[sflag:s22] =	ssyncadd.s32 $0xFFFFD800  }
0x41: {  	_ =	swait.ge [sflag:s22], $0x2800  }
0x42: {  	[sflag:s22] =	ssyncset.done $0x0  }
0x43: {  	[sflag:s22] =	ssyncadd.s32 $0xFFFFD800  }
0x44: {  	_ =	swait.ge [sflag:s22], $0x2800  }
0x45: {  	[sflag:s22] =	ssyncset.done $0x0  }
0x46: {  	[sflag:s22] =	ssyncadd.s32 $0xFFFFD800  }
0x47: {  	_ =	swait.ge [sflag:s22], $0x2800  }
0x48: {  	[sflag:s22] =	ssyncset.done $0x0  }
0x49: {  	[sflag:s22] =	ssyncadd.s32 $0xFFFFD800  }
0x4a: {  	_ =	swait.ge [sflag:s22], $0x2800  }
0x4b: {  	[sflag:s22] =	ssyncset.done $0x0  }
0x4c: {  	[sflag:s22] =	ssyncadd.s32 $0xFFFFD800  }
0x4d: {  	_ =	swait.ge [sflag:s22], $0x2800  }
0x4e: {  	[sflag:s22] =	ssyncset.done $0x0  }
0x4f: {  	[sflag:s22] =	ssyncadd.s32 $0xFFFFD800  }
0x50: {  	_ =	swait.ge [sflag:s22], $0x2800  }
0x51: {  	[sflag:s22] =	ssyncset.done $0x0  }
0x52: {  	[sflag:s22] =	ssyncadd.s32 $0xFFFFD800  }
0x53: {  	[bflag:$0x0] =	sbarrier.arrive $0xFFFF  }
0x54: {  	s7 =	simm.s32 $0x0;
	s20 =	rddreg [dreg:$0xb]  }
0x55: {  	[tilespmem:s7], [sflag:$0x6] =	stream.linear.gather [hbm4b:s20+s7], $0x1400, $0x38;
	[tilespmem:$0x1E800] =	vst v63  }
0x56: {  	_ =	swait.ge [sflag:s23], $0x1400  }
0x57: {  	[sflag:s23] =	ssyncset.done $0x0  }
0x58: {  	s20 =	rddreg [dreg:$0xc];
	[sflag:s23] =	ssyncadd.s32 $0xFFFFEC00  }
0x59: {  	[tilespmem:s25], [sflag:$0x6] =	stream.linear.gather [hbm4b:s20+s7], $0x1400, $0x38;
	[tilespmem:$0x1E800] =	vst v63  }
0x5a: {  	_ =	swait.ge [sflag:s23], $0x1400  }
0x5b: {  	[sflag:s23] =	ssyncset.done $0x0  }
0x5c: {  	[sflag:s23] =	ssyncadd.s32 $0xFFFFEC00  }
0x5d: {  	[tilespmem:s21], [sflag:$0x2] =	stream.indirect.gather [hbm4b:s1+s26], $0x80, s7, s26, $0xb8;
	[tilespmem:$0x1E800] =	vst v63  }
0x5e: {  	_ = 	snop  }
0x5f: {  	[tilespmem:s28], [sflag:$0x4] =	stream.indirect.gather [hbm4b:s1+s26], $0x80, s26, s26, $0xb8;
	[tilespmem:$0x1E800] =	vst v63  }
0x60: {  	_ = 	snop  }
0x61: {  	[tilespmem:s30], [sflag:$0x3] =	stream.indirect.gather [hbm4b:s1+s26], $0x80, s29, s26, $0xb8;
	[tilespmem:$0x1E800] =	vst v63  }
0x62: {  	_ = 	snop  }
0x63: {  	[tilespmem:s0], [sflag:$0x5] =	stream.indirect.gather [hbm4b:s1+s26], $0x80, s31, s26, $0xb8;
	[tilespmem:$0x1E800] =	vst v63  }
0x64: {  	_ =	swait.ge [sflag:s4], $0x2000  }
0x65: {  	[sflag:s4] =	ssyncset.done $0x0  }
0x66: {  	[sflag:s4] =	ssyncadd.s32 $0xFFFFE000  }
0x67: {  	_ =	swait.ge [sflag:s8], $0x2000  }
0x68: {  	[sflag:s8] =	ssyncset.done $0x0  }
0x69: {  	s20 =	simm.s32 $0x1400;
	[sflag:s8] =	ssyncadd.s32 $0xFFFFE000  }
0x6a: {  	[spmem:s2] =	stream.indirect.scatter.add.f32 [tilespmem:s21], [sflag:$0x6], $0x80, s20, s29, $0xb8;
	[tilespmem:$0x1E800] =	vst v63  }
0x6b: {  	_ =	swait.ge [sflag:s23], $0x4000  }
0x6c: {  	[sflag:s23] =	ssyncset.done $0x0  }
0x6d: {  	s14 =	simm.s32 $0x100;
	[sflag:s23] =	ssyncadd.s32 $0xFFFFC000  }
0x6e: {  	[tilespmem:s21], [sflag:$0x2] =	stream.indirect.gather [hbm4b:s1+s26], $0x80, s14, s26, $0xb8;
	[tilespmem:$0x1E800] =	vst v63  }
0x6f: {  	s20 =	simm.s32 $0x140  }
0x70: {  	[tilespmem:s28], [sflag:$0x4] =	stream.indirect.gather [hbm4b:s1+s26], $0x80, s20, s26, $0xb8;
	[tilespmem:$0x1E800] =	vst v63  }
0x71: {  	_ =	swait.ge [sflag:s9], $0x2000  }
0x72: {  	[sflag:s9] =	ssyncset.done $0x0  }
0x73: {  	[sflag:s9] =	ssyncadd.s32 $0xFFFFE000  }
0x74: {  	_ =	swait.ge [sflag:s5], $0x2000  }
0x75: {  	[sflag:s5] =	ssyncset.done $0x0  }
0x76: {  	s14 =	simm.s32 $0x1480;
	[sflag:s5] =	ssyncadd.s32 $0xFFFFE000  }
0x77: {  	[spmem:s2] =	stream.indirect.scatter.add.f32 [tilespmem:s30], [sflag:$0x6], $0x80, s14, s29, $0xb8;
	[tilespmem:$0x1E800] =	vst v63  }
0x78: {  	_ =	swait.ge [sflag:s23], $0x4000  }
0x79: {  	s7 =	simm.s32 $0x1C0;
	[sflag:s23] =	ssyncset.done $0x0  }
0x7a: {  	s20 =	simm.s32 $0x180;
	s14 =	simm.s32 $0x400;
	[sflag:s23] =	ssyncadd.s32 $0xFFFFC000  }
0x7b: {  	[tilespmem:s30], [sflag:$0x3] =	stream.indirect.gather [hbm4b:s1+s26], $0x80, s20, s26, $0xb8;
	[tilespmem:$0x1E800] =	vst v63  }
.LBB2_4:
0x7c: {  	[tilespmem:s0], [sflag:$0x5] =	stream.indirect.gather [hbm4b:s1+s26], $0x80, s7, s26, $0xb8;
	[tilespmem:$0x1E800] =	vst v63  }
0x7d: {  	s7 =	smov.u32 s14  }
0x7e: {  	p0 =	sne.s32 s14, $0x4800;
	s14 =	sadd.s32 $0x400, s14;
	_ =	swait.ge [sflag:s4], $0x2000  }
0x7f: {  	[sflag:s4] =	ssyncset.done $0x0  }
0x80: {  	[sflag:s4] =	ssyncadd.s32 $0xFFFFE000  }
0x81: {  	_ =	swait.ge [sflag:s8], $0x2000  }
0x82: {  	s7 =	sshra.s32 s7, $0x2;
	[sflag:s8] =	ssyncset.done $0x0  }
0x83: {  	s20 =	sadd.s32 $0x1400, s7;
	[sflag:s8] =	ssyncadd.s32 $0xFFFFE000  }
0x84: {  	[spmem:s2] =	stream.indirect.scatter.add.f32 [tilespmem:s21], [sflag:$0x6], $0x80, s20, s29, $0xb8;
	[tilespmem:$0x1E800] =	vst v63  }
0x85: {  	_ =	swait.ge [sflag:s23], $0x4000  }
0x86: {  	[sflag:s23] =	ssyncset.done $0x0  }
0x87: {  	s20 =	sadd.s32 $0x100, s7;
	[sflag:s23] =	ssyncadd.s32 $0xFFFFC000  }
0x88: {  	[tilespmem:s21], [sflag:$0x2] =	stream.indirect.gather [hbm4b:s1+s26], $0x80, s20, s26, $0xb8;
	[tilespmem:$0x1E800] =	vst v63  }
0x89: {  	s20 =	sadd.s32 $0x140, s7  }
0x8a: {  	[tilespmem:s28], [sflag:$0x4] =	stream.indirect.gather [hbm4b:s1+s26], $0x80, s20, s26, $0xb8;
	[tilespmem:$0x1E800] =	vst v63  }
0x8b: {  	_ =	swait.ge [sflag:s9], $0x2000  }
0x8c: {  	[sflag:s9] =	ssyncset.done $0x0  }
0x8d: {  	[sflag:s9] =	ssyncadd.s32 $0xFFFFE000  }
0x8e: {  	_ =	swait.ge [sflag:s5], $0x2000  }
0x8f: {  	[sflag:s5] =	ssyncset.done $0x0  }
0x90: {  	s20 =	sadd.s32 $0x1480, s7;
	[sflag:s5] =	ssyncadd.s32 $0xFFFFE000  }
0x91: {  	[spmem:s2] =	stream.indirect.scatter.add.f32 [tilespmem:s30], [sflag:$0x6], $0x80, s20, s29, $0xb8;
	[tilespmem:$0x1E800] =	vst v63  }
.Ltmp1:
0x92: {  	_ =	swait.ge [sflag:s23], $0x4000;
	(pc) =	sbr.rel @p0 .LBB2_4-.Ltmp1, $4  }
0x93: {  	[sflag:s23] =	ssyncset.done $0x0  }
0x94: {  	s20 =	sadd.s32 $0x180, s7;
	[sflag:s23] =	ssyncadd.s32 $0xFFFFC000  }
0x95: {  	[tilespmem:s30], [sflag:$0x3] =	stream.indirect.gather [hbm4b:s1+s26], $0x80, s20, s26, $0xb8;
	[tilespmem:$0x1E800] =	vst v63  }
0x96: {  	s7 =	sadd.s32 $0x1C0, s7  }
0x97: {  	[tilespmem:s0], [sflag:$0x5] =	stream.indirect.gather [hbm4b:s1+s26], $0x80, s7, s26, $0xb8;
	[tilespmem:$0x1E800] =	vst v63  }
0x98: {  	_ =	swait.ge [sflag:s4], $0x2000  }
0x99: {  	[sflag:s4] =	ssyncset.done $0x0  }
0x9a: {  	[sflag:s4] =	ssyncadd.s32 $0xFFFFE000  }
0x9b: {  	_ =	swait.ge [sflag:s8], $0x2000  }
0x9c: {  	[sflag:s8] =	ssyncset.done $0x0  }
0x9d: {  	[sflag:s8] =	ssyncadd.s32 $0xFFFFE000  }
0x9e: {  	[spmem:s2] =	stream.indirect.scatter.add.f32 [tilespmem:s21], [sflag:$0x6], $0x80, s10, s29, $0xb8;
	[tilespmem:$0x1E800] =	vst v63  }
0x9f: {  	_ =	swait.ge [sflag:s23], $0x4000  }
0xa0: {  	[sflag:s23] =	ssyncset.done $0x0  }
0xa1: {  	[sflag:s23] =	ssyncadd.s32 $0xFFFFC000  }
0xa2: {  	_ =	swait.ge [sflag:s9], $0x2000  }
0xa3: {  	[sflag:s9] =	ssyncset.done $0x0  }
0xa4: {  	[sflag:s9] =	ssyncadd.s32 $0xFFFFE000  }
0xa5: {  	_ =	swait.ge [sflag:s5], $0x2000  }
0xa6: {  	[sflag:s5] =	ssyncset.done $0x0  }
0xa7: {  	[sflag:s5] =	ssyncadd.s32 $0xFFFFE000  }
0xa8: {  	[spmem:s2] =	stream.indirect.scatter.add.f32 [tilespmem:s30], [sflag:$0x6], $0x80, s11, s29, $0xb8;
	[tilespmem:$0x1E800] =	vst v63  }
0xa9: {  	_ =	swait.ge [sflag:s23], $0x4000  }
0xaa: {  	[sflag:s23] =	ssyncset.done $0x0  }
0xab: {  	s14 =	simm.s32 $0x0;
	[sflag:s23] =	ssyncadd.s32 $0xFFFFC000  }
0xac: {  	[tilespmem:s14], [sflag:$0x6] =	stream.linear.gather [hbm4b:s17+s14], $0x1400, $0x38;
	[tilespmem:$0x1E800] =	vst v63  }
0xad: {  	_ =	swait.ge [sflag:s23], $0x1400  }
0xae: {  	[sflag:s23] =	ssyncset.done $0x0  }
0xaf: {  	[sflag:s23] =	ssyncadd.s32 $0xFFFFEC00  }
0xb0: {  	[tilespmem:s25], [sflag:$0x6] =	stream.linear.gather [hbm4b:s18+s14], $0x1400, $0x38;
	[tilespmem:$0x1E800] =	vst v63  }
0xb1: {  	_ =	swait.ge [sflag:s23], $0x1400  }
0xb2: {  	[sflag:s23] =	ssyncset.done $0x0  }
0xb3: {  	[sflag:s23] =	ssyncadd.s32 $0xFFFFEC00  }
0xb4: {  	[tilespmem:s21], [sflag:$0x2] =	stream.indirect.gather [hbm4b:s1+s26], $0x80, s14, s26, $0xb8;
	[tilespmem:$0x1E800] =	vst v63  }
0xb5: {  	_ = 	snop  }
0xb6: {  	[tilespmem:s28], [sflag:$0x4] =	stream.indirect.gather [hbm4b:s1+s26], $0x80, s26, s26, $0xb8;
	[tilespmem:$0x1E800] =	vst v63  }
0xb7: {  	_ = 	snop  }
0xb8: {  	[tilespmem:s30], [sflag:$0x3] =	stream.indirect.gather [hbm4b:s1+s26], $0x80, s29, s26, $0xb8;
	[tilespmem:$0x1E800] =	vst v63  }
0xb9: {  	_ = 	snop  }
0xba: {  	[tilespmem:s0], [sflag:$0x5] =	stream.indirect.gather [hbm4b:s1+s26], $0x80, s31, s26, $0xb8;
	[tilespmem:$0x1E800] =	vst v63  }
0xbb: {  	_ =	swait.ge [sflag:s4], $0x2000  }
0xbc: {  	[sflag:s4] =	ssyncset.done $0x0  }
0xbd: {  	[sflag:s4] =	ssyncadd.s32 $0xFFFFE000  }
0xbe: {  	_ =	swait.ge [sflag:s8], $0x2000  }
0xbf: {  	[sflag:s8] =	ssyncset.done $0x0  }
0xc0: {  	s20 =	simm.s32 $0x1400;
	[sflag:s8] =	ssyncadd.s32 $0xFFFFE000  }
0xc1: {  	[spmem:s2] =	stream.indirect.scatter.add.f32 [tilespmem:s21], [sflag:$0x6], $0x80, s20, s29, $0xb8;
	[tilespmem:$0x1E800] =	vst v63  }
0xc2: {  	_ =	swait.ge [sflag:s23], $0x4000  }
0xc3: {  	[sflag:s23] =	ssyncset.done $0x0  }
0xc4: {  	s14 =	simm.s32 $0x100;
	[sflag:s23] =	ssyncadd.s32 $0xFFFFC000  }
0xc5: {  	[tilespmem:s21], [sflag:$0x2] =	stream.indirect.gather [hbm4b:s1+s26], $0x80, s14, s26, $0xb8;
	[tilespmem:$0x1E800] =	vst v63  }
0xc6: {  	s20 =	simm.s32 $0x140  }
0xc7: {  	[tilespmem:s28], [sflag:$0x4] =	stream.indirect.gather [hbm4b:s1+s26], $0x80, s20, s26, $0xb8;
	[tilespmem:$0x1E800] =	vst v63  }
0xc8: {  	_ =	swait.ge [sflag:s9], $0x2000  }
0xc9: {  	[sflag:s9] =	ssyncset.done $0x0  }
0xca: {  	[sflag:s9] =	ssyncadd.s32 $0xFFFFE000  }
0xcb: {  	_ =	swait.ge [sflag:s5], $0x2000  }
0xcc: {  	[sflag:s5] =	ssyncset.done $0x0  }
0xcd: {  	s14 =	simm.s32 $0x1480;
	[sflag:s5] =	ssyncadd.s32 $0xFFFFE000  }
0xce: {  	[spmem:s2] =	stream.indirect.scatter.add.f32 [tilespmem:s30], [sflag:$0x6], $0x80, s14, s29, $0xb8;
	[tilespmem:$0x1E800] =	vst v63  }
0xcf: {  	_ =	swait.ge [sflag:s23], $0x4000  }
0xd0: {  	s7 =	simm.s32 $0x1C0;
	[sflag:s23] =	ssyncset.done $0x0  }
0xd1: {  	s20 =	simm.s32 $0x180;
	s14 =	simm.s32 $0x400;
	[sflag:s23] =	ssyncadd.s32 $0xFFFFC000  }
0xd2: {  	[tilespmem:s30], [sflag:$0x3] =	stream.indirect.gather [hbm4b:s1+s26], $0x80, s20, s26, $0xb8;
	[tilespmem:$0x1E800] =	vst v63  }
.LBB2_6:
0xd3: {  	[tilespmem:s0], [sflag:$0x5] =	stream.indirect.gather [hbm4b:s1+s26], $0x80, s7, s26, $0xb8;
	[tilespmem:$0x1E800] =	vst v63  }
0xd4: {  	s7 =	smov.u32 s14  }
0xd5: {  	p0 =	sne.s32 s14, $0x4800;
	s14 =	sadd.s32 $0x400, s14;
	_ =	swait.ge [sflag:s4], $0x2000  }
0xd6: {  	[sflag:s4] =	ssyncset.done $0x0  }
0xd7: {  	[sflag:s4] =	ssyncadd.s32 $0xFFFFE000  }
0xd8: {  	_ =	swait.ge [sflag:s8], $0x2000  }
0xd9: {  	s7 =	sshra.s32 s7, $0x2;
	[sflag:s8] =	ssyncset.done $0x0  }
0xda: {  	s20 =	sadd.s32 $0x1400, s7;
	[sflag:s8] =	ssyncadd.s32 $0xFFFFE000  }
0xdb: {  	[spmem:s2] =	stream.indirect.scatter.add.f32 [tilespmem:s21], [sflag:$0x6], $0x80, s20, s29, $0xb8;
	[tilespmem:$0x1E800] =	vst v63  }
0xdc: {  	_ =	swait.ge [sflag:s23], $0x4000  }
0xdd: {  	[sflag:s23] =	ssyncset.done $0x0  }
0xde: {  	s20 =	sadd.s32 $0x100, s7;
	[sflag:s23] =	ssyncadd.s32 $0xFFFFC000  }
0xdf: {  	[tilespmem:s21], [sflag:$0x2] =	stream.indirect.gather [hbm4b:s1+s26], $0x80, s20, s26, $0xb8;
	[tilespmem:$0x1E800] =	vst v63  }
0xe0: {  	s20 =	sadd.s32 $0x140, s7  }
0xe1: {  	[tilespmem:s28], [sflag:$0x4] =	stream.indirect.gather [hbm4b:s1+s26], $0x80, s20, s26, $0xb8;
	[tilespmem:$0x1E800] =	vst v63  }
0xe2: {  	_ =	swait.ge [sflag:s9], $0x2000  }
0xe3: {  	[sflag:s9] =	ssyncset.done $0x0  }
0xe4: {  	[sflag:s9] =	ssyncadd.s32 $0xFFFFE000  }
0xe5: {  	_ =	swait.ge [sflag:s5], $0x2000  }
0xe6: {  	[sflag:s5] =	ssyncset.done $0x0  }
0xe7: {  	s20 =	sadd.s32 $0x1480, s7;
	[sflag:s5] =	ssyncadd.s32 $0xFFFFE000  }
0xe8: {  	[spmem:s2] =	stream.indirect.scatter.add.f32 [tilespmem:s30], [sflag:$0x6], $0x80, s20, s29, $0xb8;
	[tilespmem:$0x1E800] =	vst v63  }
.Ltmp2:
0xe9: {  	_ =	swait.ge [sflag:s23], $0x4000;
	(pc) =	sbr.rel @p0 .LBB2_6-.Ltmp2, $4  }
0xea: {  	[sflag:s23] =	ssyncset.done $0x0  }
0xeb: {  	s20 =	sadd.s32 $0x180, s7;
	[sflag:s23] =	ssyncadd.s32 $0xFFFFC000  }
0xec: {  	[tilespmem:s30], [sflag:$0x3] =	stream.indirect.gather [hbm4b:s1+s26], $0x80, s20, s26, $0xb8;
	[tilespmem:$0x1E800] =	vst v63  }
0xed: {  	s7 =	sadd.s32 $0x1C0, s7  }
0xee: {  	[tilespmem:s0], [sflag:$0x5] =	stream.indirect.gather [hbm4b:s1+s26], $0x80, s7, s26, $0xb8;
	[tilespmem:$0x1E800] =	vst v63  }
0xef: {  	_ =	swait.ge [sflag:s4], $0x2000  }
0xf0: {  	[sflag:s4] =	ssyncset.done $0x0  }
0xf1: {  	[sflag:s4] =	ssyncadd.s32 $0xFFFFE000  }
0xf2: {  	_ =	swait.ge [sflag:s8], $0x2000  }
0xf3: {  	[sflag:s8] =	ssyncset.done $0x0  }
0xf4: {  	[sflag:s8] =	ssyncadd.s32 $0xFFFFE000  }
0xf5: {  	[spmem:s2] =	stream.indirect.scatter.add.f32 [tilespmem:s21], [sflag:$0x6], $0x80, s10, s29, $0xb8;
	[tilespmem:$0x1E800] =	vst v63  }
0xf6: {  	_ =	swait.ge [sflag:s23], $0x4000  }
0xf7: {  	[sflag:s23] =	ssyncset.done $0x0  }
0xf8: {  	[sflag:s23] =	ssyncadd.s32 $0xFFFFC000  }
0xf9: {  	_ =	swait.ge [sflag:s9], $0x2000  }
0xfa: {  	[sflag:s9] =	ssyncset.done $0x0  }
0xfb: {  	[sflag:s9] =	ssyncadd.s32 $0xFFFFE000  }
0xfc: {  	_ =	swait.ge [sflag:s5], $0x2000  }
0xfd: {  	[sflag:s5] =	ssyncset.done $0x0  }
0xfe: {  	[sflag:s5] =	ssyncadd.s32 $0xFFFFE000  }
0xff: {  	[spmem:s2] =	stream.indirect.scatter.add.f32 [tilespmem:s30], [sflag:$0x6], $0x80, s11, s29, $0xb8;
	[tilespmem:$0x1E800] =	vst v63  }
0x100: {  	_ =	swait.ge [sflag:s23], $0x4000  }
0x101: {  	[sflag:s23] =	ssyncset.done $0x0  }
0x102: {  	[sflag:s23] =	ssyncadd.s32 $0xFFFFC000  }
0x103: {  	[bflag:$0x0] =	sbarrier.arrive $0xFFFF  }
0x104: {  	[tilespmem:s21], [sflag:$0x7] =	stream.linear.gather [spmem:s16], $0x2800, $0x38;
	[tilespmem:$0x1E800] =	vst v63  }
0x105: {  	p0 =	sne.s32 s6, $0x1;
	_ =	swait.ge [sflag:s12], $0x2800  }
.Ltmp3:
0x106: {  	[sflag:s12] =	ssyncset.done $0x0;
	(pc) =	sbr.rel @!p0 .LBB2_9-.Ltmp3, $4  }
0x107: {  	[sflag:s12] =	ssyncadd.s32 $0xFFFFD800  }
0x108: {  	[hbm4b:s15+s3] =	stream.linear.scatter [tilespmem:s21], [sflag:s24], $0x2800, $0x38;
	[tilespmem:$0x1E800] =	vst v63  }
0x109: {  	s14 =	sadd.s32 $0xFFFFFFFF, s6;
	_ =	swait.ge [sflag:s24], $0x2800  }
0x10a: {  	s20 =	smov.u32 s15;
	s7 =	smov.u32 s16;
	[sflag:s24] =	ssyncset.done $0x0  }
.LBB2_8:
0x10b: {  	[sflag:s24] =	ssyncadd.s32 $0xFFFFD800;
	s20 =	sadd.s32 $0x500, s20;
	s7 =	sadd.s32 $0x2800, s7  }
0x10c: {  	[tilespmem:s21], [sflag:$0x7] =	stream.linear.gather [spmem:s7], $0x2800, $0x38;
	[tilespmem:$0x1E800] =	vst v63  }
0x10d: {  	p0 =	sne.s32 s14, $0x1;
	s14 =	sadd.s32 $0xFFFFFFFF, s14;
	_ =	swait.ge [sflag:s12], $0x2800  }
.Ltmp4:
0x10e: {  	[sflag:s12] =	ssyncset.done $0x0;
	(pc) =	sbr.rel @p0 .LBB2_8-.Ltmp4, $4  }
0x10f: {  	[sflag:s12] =	ssyncadd.s32 $0xFFFFD800  }
0x110: {  	[hbm4b:s20+s3] =	stream.linear.scatter [tilespmem:s21], [sflag:s24], $0x2800, $0x38;
	[tilespmem:$0x1E800] =	vst v63  }
0x111: {  	_ =	swait.ge [sflag:s24], $0x2800  }
0x112: {  	[sflag:s24] =	ssyncset.done $0x0  }
.LBB2_9:
0x113: {  	s13 =	sadd.s32 $0x1, s13  }
0x114: {  	p0 =	sne.s32 s13, s19  }
.Ltmp5:
0x115: {  	_ = 	snop;
	(pc) =	sbr.rel @p0 .LBB2_1-.Ltmp5, $2  }
0x116: {  	_ =	sdelay $0x2  }
0x117: {  	[sflag:s24] =	ssyncadd.s32 $0xFFFFD800  }
0x118: {  	_ =	sfence.sel $0x180000  }
0x119: {  	[bflag:$0x0] =	sbarrier.arrive $0xFFFF  }
0x11a: {  	_ =	strace $0x9000004A  }
0x11b: {  	s0 =	stileid.u32;
	[bflag:$0x2] =	sbarrier.arrive $0xFFFF  }
0x11c: {  	p0 =	sne.s32 s0, $0x0;
	s0 =	rddreg [dreg:$0x3]  }
0x11d: {  	s0 =	sadd.s32 @!p0 $0x100000, s0  }
0x11e: {  	[sflag:s0] =	ssyncadd.tile.s32 @!p0 $0x1;
	_ =	shalt  }
.Lfunc_end2:
_tile_overlayer_lowered:
.L_overlay_start_2:
0x11f: {  	(tag) =	ssettag $0x2  }
0x120: {  	s0 =	rddreg [dreg:$0x0];
	s2 =	stileid.u32  }
0x121: {  	s1 =	rddreg [dreg:$0x1];
	p0 =	sne.s32 s2, $0x0  }
0x122: {  	s3 =	rddreg [dreg:$0x2];
	[bflag:$0x3] =	sbarrier.arrive $0xFFFF;
	s2 =	simm.s32 @!p0 $0x1C06  }
0x123: {  	[timem:s3], [sflag:s2] =	dma.local @!p0 [hbm:s0], s1  }
0x124: {  	s0 =	simm.s32 @!p0 $0x6  }
0x125: {  	_ =	swait.ge @!p0 [sflag:s0], s1  }
0x126: {  	s1 =	ssub.s32 @!p0 $0x0, s1;
	[sflag:s0] =	ssyncset.done @!p0 $0x0  }
0x127: {  	[sflag:s0] =	ssyncadd.s32 @!p0 s1  }
0x128: {  	[bflag:$0x3] =	sbarrier.arrive $0xFFFF  }
0x129: {  	_ =	shalt  }

// kernel: kernel.14.cloned.1.call-start
scs
__scs_entry_jumppad:
0x0: {  	(pc) =	sbr.rel $0x88, $3  }
0x1: {  	(tag) =	ssettag $0x0;
	lr =	simm.s32 $0x1  }
0x2: {  	[smem:$0x3F9B] =	sst lr;
	_ =	strace $0xD0000000  }
0x3: {  	_ = 	snop  }
0x4: {  	_ = 	snop  }
0x5: {  	_ = 	snop  }
0x6: {  	_ = 	snop  }
0x7: {  	_ = 	snop  }
__scs_overlays_trampoline_lowered:
0x8: {  	[smem:$0x3FAA] =	sst s0  }
0x9: {  	[smem:$0x3FAB] =	sst s1  }
0xa: {  	[smem:$0x3FAC] =	sst s2  }
0xb: {  	[smem:$0x3FAD] =	sst s3  }
0xc: {  	[smem:$0x3FAE] =	sst s4  }
0xd: {  	[smem:$0x3FAF] =	sst s5  }
0xe: {  	[smem:$0x3FB0] =	sst s6  }
0xf: {  	[smem:$0x3FB1] =	sst s7  }
0x10: {  	[smem:$0x3FB2] =	sst s8  }
0x11: {  	[smem:$0x3FB3] =	sst s9;
	s0 =	simm.s32 @!p0 $0x0  }
0x12: {  	s1 =	sld [smem:$0x3F99];
	s0 =	simm.s32 @p0 $0x1  }
0x13: {  	[smem:$0x3FB4] =	sst s0;
	s0 =	simm.s32 @!p1 $0x0  }
0x14: {  	s2 =	sld [smem:$0x3F98];
	s0 =	simm.s32 @p1 $0x1  }
0x15: {  	[smem:$0x3FB5] =	sst s0;
	s0 =	simm.s32 @!p2 $0x0  }
0x16: {  	s3 =	sld [smem:$0x3FDB];
	s0 =	simm.s32 @p2 $0x1  }
0x17: {  	s4 =	simm.s32 $0x1BF5;
	[smem:$0x3FB7] =	sst s0  }
0x18: {  	s0 =	sld [smem:$0x3F9A];
	_ =	swait.ge [sflag:s4], $0x0  }
0x19: {  	s7 =	sld [smem:$0x3F9B]  }
0x1a: {  	s8 =	sadd.s32 $0xFFFFE003, lr  }
0x1b: {  	s9 =	sadd.s32 $0xFFFFFEF7, lr;
	s5 =	simm.s32 $0xFFFFFFFF;
	p2 =	slt.u32 s8, $0xFFFFF086  }
0x1c: {  	p1 =	slt.u32 s9, $0xF7A;
	s5 =	simm.s32 @!p2 $0x0  }
0x1d: {  	s5 =	simm.s32 @p1 $0x1;
	p0 =	seq.s32 s7, s2  }
0x1e: {  	s7 =	smul.u32 @!p0 $0xF7A, s2;
	p2 =	seq.s32 @!p0 s5, $0x0  }
0x1f: {  	s9 =	smul.u32 $0xF7A, s1;
	s8 =	simm.s32 @!p0 $0x1BF5;
	p2 =	por !p2, p0  }
0x20: {  	[sflag:s8] =	ssyncset.s32 @!p0 $0xFFFFF086;
	s6 =	sadd.s32 @!p0 s3, s7;
	s7 =	simm.s32 @!p0 $0x108  }
0x21: {  	s3 =	sadd.s32 s3, s9;
	s6 =	sadd.s32 @!p0 $0x88, s6;
	s7 =	simm.s32 @p2 $0x1082  }
0x22: {  	[simem:s7], [sflag:s8] =	dma.local @!p0 [hbm:s6], $0xF7A  }
0x23: {  	s9 =	sor.u32 $0xD0000000, s2;
	s6 =	simm.s32 $0x108;
	_ =	swait.ge @!p0 [sflag:s8], $0x0  }
0x24: {  	s3 =	sadd.s32 $0x88, s3;
	s6 =	simm.s32 @!p1 $0x1082;
	[sflag:s4] =	ssyncset.s32 $0xFFFFF086  }
0x25: {  	[simem:s6], [sflag:s4] =	dma.local [hbm:s3], $0xF7A  }
0x26: {  	[smem:$0x3F9B] =	sst s1;
	(tag) =	ssettag s2;
	_ =	strace s9  }
0x27: {  	s1 =	sld [smem:$0x3FAB]  }
0x28: {  	s2 =	sld [smem:$0x3FAC]  }
0x29: {  	s4 =	sld [smem:$0x3FAE]  }
0x2a: {  	p0 =	seq.s32 s5, $0x0;
	s5 =	sld [smem:$0x3FAF]  }
0x2b: {  	s6 =	sld [smem:$0x3FB0]  }
0x2c: {  	s7 =	sld [smem:$0x3FB1]  }
0x2d: {  	s3 =	simm.s32 $0x108;
	s8 =	sld [smem:$0x3FB2]  }
0x2e: {  	s3 =	simm.s32 @!p0 $0x1082;
	s9 =	sld [smem:$0x3FB3]  }
0x2f: {  	lr =	sadd.s32 s0, s3;
	s0 =	sld [smem:$0x3FAA]  }
0x30: {  	s3 =	sld [smem:$0x3FAD]  }
0x31: {  	[smem:$0x3FB6] =	sst s10  }
0x32: {  	s10 =	sld [smem:$0x3FB4];
	_ =	sdelay $0x3  }
0x33: {  	p0 =	seq.s32 s10, $0x1;
	s10 =	sld [smem:$0x3FB6];
	_ =	sdelay $0x3  }
0x34: {  	[smem:$0x3FB6] =	sst s10  }
0x35: {  	s10 =	sld [smem:$0x3FB5];
	_ =	sdelay $0x3  }
0x36: {  	p1 =	seq.s32 s10, $0x1;
	s10 =	sld [smem:$0x3FB6];
	_ =	sdelay $0x3  }
0x37: {  	[smem:$0x3FB6] =	sst s10  }
0x38: {  	s10 =	sld [smem:$0x3FB7]  }
0x39: {  	_ = 	snop;
	(pc) =	sbr.ind lr, $3  }
0x3a: {  	_ = 	snop  }
0x3b: {  	_ = 	snop  }
0x3c: {  	p2 =	seq.s32 s10, $0x1;
	s10 =	sld [smem:$0x3FB6]  }
0x3d: {  	_ =	shalt  }
0x3e: {  	_ =	shalt  }
0x3f: {  	_ =	shalt  }
0x40: {  	_ =	shalt  }
0x41: {  	_ =	shalt  }
0x42: {  	_ =	shalt  }
0x43: {  	_ =	shalt  }
0x44: {  	_ =	shalt  }
0x45: {  	_ =	shalt  }
0x46: {  	_ =	shalt  }
0x47: {  	_ =	shalt  }
0x48: {  	_ =	shalt  }
0x49: {  	_ =	shalt  }
0x4a: {  	_ =	shalt  }
0x4b: {  	_ =	shalt  }
0x4c: {  	_ =	shalt  }
0x4d: {  	_ =	shalt  }
0x4e: {  	_ =	shalt  }
0x4f: {  	_ =	shalt  }
0x50: {  	_ =	shalt  }
0x51: {  	_ =	shalt  }
0x52: {  	_ =	shalt  }
0x53: {  	_ =	shalt  }
0x54: {  	_ =	shalt  }
0x55: {  	_ =	shalt  }
0x56: {  	_ =	shalt  }
0x57: {  	_ =	shalt  }
0x58: {  	_ =	shalt  }
0x59: {  	_ =	shalt  }
0x5a: {  	_ =	shalt  }
0x5b: {  	_ =	shalt  }
0x5c: {  	_ =	shalt  }
0x5d: {  	_ =	shalt  }
0x5e: {  	_ =	shalt  }
0x5f: {  	_ =	shalt  }
0x60: {  	_ =	shalt  }
0x61: {  	_ =	shalt  }
0x62: {  	_ =	shalt  }
0x63: {  	_ =	shalt  }
0x64: {  	_ =	shalt  }
0x65: {  	_ =	shalt  }
0x66: {  	_ =	shalt  }
0x67: {  	_ =	shalt  }
0x68: {  	_ =	shalt  }
0x69: {  	_ =	shalt  }
0x6a: {  	_ =	shalt  }
0x6b: {  	_ =	shalt  }
0x6c: {  	_ =	shalt  }
0x6d: {  	_ =	shalt  }
0x6e: {  	_ =	shalt  }
0x6f: {  	_ =	shalt  }
0x70: {  	_ =	shalt  }
0x71: {  	_ =	shalt  }
0x72: {  	_ =	shalt  }
0x73: {  	_ =	shalt  }
0x74: {  	_ =	shalt  }
0x75: {  	_ =	shalt  }
0x76: {  	_ =	shalt  }
0x77: {  	_ =	shalt  }
0x78: {  	_ =	shalt  }
0x79: {  	_ =	shalt  }
0x7a: {  	_ =	shalt  }
0x7b: {  	_ =	shalt  }
0x7c: {  	_ =	shalt  }
0x7d: {  	_ =	shalt  }
0x7e: {  	_ =	shalt  }
0x7f: {  	_ =	shalt  }
0x80: {  	_ =	shalt  }
0x81: {  	_ =	shalt  }
0x82: {  	_ =	shalt  }
0x83: {  	_ =	shalt  }
0x84: {  	_ =	shalt  }
0x85: {  	_ =	shalt  }
0x86: {  	_ =	shalt  }
0x87: {  	_ =	shalt  }
.Lfunc_end0:
.L_simem_size_0:
called_computation.2_lowered:
.L_overlay_start_0:
0x88: {  	s2 =	sld [smem:$0x3FD9]  }
0x89: {  	s3 =	sld [smem:$0x3FFE];
	_ =	sdelay $0x1  }
0x8a: {  	s1 =	srdreg.scid  }
0x8b: {  	s0 =	sand.u32 $0x1, s1  }
0x8c: {  	s17 =	sshll.u32 s0, $0xA;
	s2 =	sadd.s32 s3, s2  }
0x8d: {  	s2 =	sadd.s32 s2, s17  }
0x8e: {  	[smem:$0x3FC2] =	sst s2  }
0x8f: {  	_ = 	snop  }
0x90: {  	s2 =	sld [smem:$0x3FD0];
	(tm) =	ssettm $0x1  }
0x91: {  	s18 =	sld [smem:$0x3FFB];
	_ =	sdelay $0x3  }
0x92: {  	_ =	strace s18  }
0x93: {  	s3 =	sld [smem:$0x3FFC];
	_ =	sdelay $0x3  }
0x94: {  	_ =	strace s3  }
0x95: {  	s3 =	sld [smem:$0x3FFD];
	_ =	sdelay $0x3  }
0x96: {  	_ =	strace s3  }
0x97: {  	_ =	strace $0x8FFFFFFF  }
0x98: {  	s19 =	sld [smem:$0x3FDB];
	_ =	sdelay $0x1  }
0x99: {  	s4 =	simm.s32 $_scs_section_size  }
0x9a: {  	s5 =	simm.s32 $_size__tile_overlayer_lowered;
	s6 =	simm.s32 $_tile_overlayer_lowered  }
0x9b: {  	s22 =	simm.s32 $0x1BFF;
	s21 =	sshll.u32 s6, $0x1;
	s3 =	sadd.s32 s4, s19  }
0x9c: {  	s7 =	simm.s32 $0x0;
	s20 =	sshll.u32 s5, $0x1;
	s5 =	sadd.s32 s21, s3  }
0x9d: {  	[timem:s7], [sflag:s22] =	dma.local [hbm:s5], s20  }
0x9e: {  	_ =	swait.ge [sflag:s22], s20  }
0x9f: {  	s4 =	ssub.s32 $0x0, s20;
	[sflag:s22] =	ssyncset.done $0x0  }
0xa0: {  	[sflag:s22] =	ssyncadd.s32 s4;
	_ =	sdelay $0x1  }
0xa1: {  	s23 =	simm.s32 $0x1B8B  }
0xa2: {  	_ =	swait.ge [sflag:s23], $0x1  }
0xa3: {  	[sflag:s23] =	ssyncset.done $0x0  }
0xa4: {  	s25 =	simm.s32 $0x1B8E;
	s24 =	sld [smem:$0x3FFE];
	[sflag:s23] =	ssyncadd.s32 $0xFFFFFFFF  }
0xa5: {  	s26 =	simm.s32 $execute0_lowered;
	[smem:$0x3FD2] =	sst s25  }
0xa6: {  	s5 =	sshll.u32 s26, $0x1;
	_ =	strace $0x8000004C;
	[dreg:$0x1] =	wrdreg $0xFFFFFFFF  }
0xa7: {  	s28 =	simm.s32 $_size_execute0_lowered;
	s3 =	sadd.s32 s3, s5;
	[dreg:$0x0] =	wrdreg $0x0  }
0xa8: {  	s5 =	sshll.u32 s28, $0x1;
	[dreg:$0x2] =	wrdreg s3  }
0xa9: {  	[dreg:$0x3] =	wrdreg s5  }
0xaa: {  	[dreg:$0x4] =	wrdreg $0xC0  }
0xab: {  	_ =	task [dreg:s7], $0x5FFFF  }
0xac: {  	[dreg:$0x1] =	wrdreg $0xFFFFFFFF  }
0xad: {  	[dreg:$0x0] =	wrdreg $0x60  }
0xae: {  	[dreg:$0x2] =	wrdreg s24  }
0xaf: {  	[dreg:$0x3] =	wrdreg s2  }
0xb0: {  	[dreg:$0x4] =	wrdreg $0xA8000  }
0xb1: {  	[dreg:$0x5] =	wrdreg $0x9  }
0xb2: {  	_ =	task.clear_ibuf [dreg:s7], $0x6FFFF;
	_ =	strace $0x9000004C  }
0xb3: {  	s29 =	simm.s32 $0x9;
	_ =	strace $0x8000004E  }
0xb4: {  	_ =	swait.ge [sflag:s29], $0x1  }
0xb5: {  	[sflag:s29] =	ssyncadd.s32 $0xFFFFFFFF  }
0xb6: {  	_ =	strace $0x9000004E  }
0xb7: {  	_ =	sfence  }
0xb8: {  	s30 =	sld [smem:$0x0];
	_ =	sdelay $0x2  }
0xb9: {  	s31 =	sshll.u32 s1, $0xD;
	s1 =	sshrl.u32 s1, $0x2  }
0xba: {  	s3 =	sand.u32 $0x4000, s31;
	s1 =	sadd.s32 s1, s30  }
0xbb: {  	s0 =	sor.u32 s3, s0;
	s1 =	sshll.u32 s1, $0x11  }
0xbc: {  	s0 =	sor.u32 s1, s0  }
0xbd: {  	s0 =	sadd.s32 $0x8F2B, s0  }
0xbe: {  	[sflag:s0] =	ssyncadd.remote.s32 $0x1  }
0xbf: {  	_ =	sfence.sel $0xFFFF  }
0xc0: {  	[dreg:$0x0] =	wrdreg $0xFFFFFFFF;
	(pc) =	sbr.abs _section_cstart, $3  }
0xc1: {  	[dreg:$0x1] =	wrdreg $0xFFFFFFFF  }
0xc2: {  	_ =	task.clear_ibuf [dreg:s7], $0x2FFFF;
	_ =	strace $0x9FFFFFFF  }
0xc3: {  	(tm) =	ssettm $0x7FFFFFFF  }
tec
execute0_lowered:
.L_overlay_start_1:
0x0: {  	(tag) =	ssettag $0x1  }
0x1: {  	s0 =	rddreg [dreg:$0x0]  }
0x2: {  	s1 =	rddreg [dreg:$0x1]  }
0x3: {  	s2 =	rddreg [dreg:$0x2];
	s3 =	simm.s32 $0x0  }
0x4: {  	s4 =	srdreg.scid;
	s12 =	stileid.u32;
	s28 =	simm.s32 $0x4800  }
0x5: {  	s29 =	simm.s32 $0x80;
	s30 =	simm.s32 $0x6800;
	s31 =	simm.s32 $0xC0  }
0x6: {  	[smem:$0x7FF] =	sst s3;
	s4 =	sand.u32 $0x1, s4;
	s7 =	sadd.s32 $0xE200, s0  }
0x7: {  	s8 =	smul.u32 $0x50000, s12;
	s9 =	sadd.s32 $0x4200, s0;
	p0 =	seq.s32 s12, $0xF  }
0x8: {  	s26 =	smul.u32 $0x2800, s12;
	_ =	strace $0x8000004D;
	s5 =	ssub.s32 $0x2, s4  }
0x9: {  	s18 =	sshll.u32 s4, $0x4;
	s6 =	sshrl.u32 s5, $0x1;
	s8 =	sshrl.u32 s8, $0x2  }
0xa: {  	s10 =	ssub.s32 s5, s6;
	s5 =	simm.s32 $0x5;
	s16 =	sadd.s32 s8, s2  }
0xb: {  	s6 =	simm.s32 $0x5;
	s8 =	sor.u32 s12, s18;
	s11 =	sadd.s32 $0x2800, s16  }
0xc: {  	s12 =	simm.s32 $0x7;
	s19 =	sadd.s32 $0x5000, s16;
	[dreg:$0x4] =	wrdreg s11  }
0xd: {  	s6 =	simm.s32 @!p0 $0x8;
	s20 =	sadd.s32 $0x7800, s16;
	[dreg:$0x5] =	wrdreg s19  }
0xe: {  	s21 =	sadd.s32 $0xA000, s16;
	s22 =	smul.u32 $0x500, s8;
	[dreg:$0x6] =	wrdreg s20  }
0xf: {  	s13 =	sadd.s32 $0xC800, s16;
	s23 =	sadd.s32 $0xF000, s16;
	[dreg:$0x7] =	wrdreg s21  }
0x10: {  	s8 =	smul.u32 $0x2800, s8;
	s24 =	sadd.s32 $0x11800, s16;
	[dreg:$0x8] =	wrdreg s13  }
0x11: {  	p0 =	seq.s32 s4, $0x0;
	s4 =	simm.s32 $0x3F400;
	[dreg:$0x9] =	wrdreg s23  }
0x12: {  	[dreg:$0xa] =	wrdreg s24;
	s4 =	simm.s32 @!p0 $0x66600;
	s19 =	smax.u32 s10, $0x1  }
0x13: {  	s21 =	simm.s32 $0x2800;
	s23 =	simm.s32 $0x6;
	s24 =	simm.s32 $0x7  }
0x14: {  	s10 =	simm.s32 $0x2700;
	s13 =	simm.s32 $0x0;
	s25 =	sadd.s32 s7, s22  }
0x15: {  	s11 =	sadd.s32 s9, s22;
	s8 =	sshrl.u32 s8, $0x3;
	s0 =	sadd.s32 s4, s0  }
0x16: {  	s22 =	simm.s32 $0x1;
	s24 =	simm.s32 @!p0 $0x6;
	[dreg:$0xb] =	wrdreg s25  }
0x17: {  	s4 =	simm.s32 $0x2;
	[dreg:$0xc] =	wrdreg s11;
	s8 =	sadd.s32 $0x280, s8  }
0x18: {  	s15 =	sadd.s32 s26, s0;
	s25 =	simm.s32 $0x1400;
	s26 =	simm.s32 $0x40  }
0x19: {  	s0 =	simm.s32 $0x8800;
	s11 =	simm.s32 $0x2780;
	s17 =	sadd.s32 s7, s8  }
0x1a: {  	v0 =	vimm.f32 $0.0e+00;
	s18 =	sadd.s32 s9, s8;
	s8 =	simm.s32 $0x4;
	s9 =	simm.s32 $0x3  }
.LBB2_1:
0x1b: {  	s14 =	simm.s32 $0x0;
	s7 =	simm.s32 $0x200  }
.LBB2_2:
0x1c: {  	p0 =	sne.s32 s7, $0x9E00;
	[tilespmem:s14+$0x2870] =	vst v0  }
0x1d: {  	[tilespmem:s14+$0x2800] =	vst v0  }
0x1e: {  	[tilespmem:s14+$0x2810] =	vst v0  }
.Ltmp0:
0x1f: {  	[tilespmem:s14+$0x2820] =	vst v0;
	(pc) =	sbr.rel @p0 .LBB2_2-.Ltmp0, $4  }
0x20: {  	[tilespmem:s14+$0x2830] =	vst v0  }
0x21: {  	[tilespmem:s14+$0x2840] =	vst v0  }
0x22: {  	[tilespmem:s14+$0x2850] =	vst v0  }
0x23: {  	[tilespmem:s14+$0x2860] =	vst v0;
	s14 =	sshra.s32 s7, $0x2;
	s7 =	sadd.s32 $0x200, s7  }
0x24: {  	[tilespmem:s14+$0x2870] =	vst v0  }
0x25: {  	[tilespmem:s14+$0x2800] =	vst v0  }
0x26: {  	[tilespmem:s14+$0x2810] =	vst v0  }
0x27: {  	[tilespmem:s14+$0x2820] =	vst v0  }
0x28: {  	[tilespmem:s14+$0x2830] =	vst v0  }
0x29: {  	[tilespmem:s14+$0x2840] =	vst v0  }
0x2a: {  	[tilespmem:s14+$0x2850] =	vst v0  }
0x2b: {  	[tilespmem:s14+$0x2860] =	vst v0  }
0x2c: {  	[spmem:s16] =	stream.linear.scatter [tilespmem:s21], [sflag:$0x1], $0x2800, $0x38;
	[tilespmem:$0x1E800] =	vst v63  }
0x2d: {  	s7 =	rddreg [dreg:$0x4]  }
0x2e: {  	[spmem:s7] =	stream.linear.scatter [tilespmem:s21], [sflag:$0x1], $0x2800, $0x38;
	[tilespmem:$0x1E800] =	vst v63  }
0x2f: {  	s20 =	rddreg [dreg:$0x5]  }
0x30: {  	[spmem:s20] =	stream.linear.scatter [tilespmem:s21], [sflag:$0x1], $0x2800, $0x38;
	[tilespmem:$0x1E800] =	vst v63  }
0x31: {  	s14 =	rddreg [dreg:$0x6]  }
0x32: {  	[spmem:s14] =	stream.linear.scatter [tilespmem:s21], [sflag:$0x1], $0x2800, $0x38;
	[tilespmem:$0x1E800] =	vst v63  }
0x33: {  	s20 =	rddreg [dreg:$0x7]  }
0x34: {  	[spmem:s20] =	stream.linear.scatter [tilespmem:s21], [sflag:$0x1], $0x2800, $0x38;
	[tilespmem:$0x1E800] =	vst v63  }
0x35: {  	s14 =	rddreg [dreg:$0x8]  }
0x36: {  	[spmem:s14] =	stream.linear.scatter [tilespmem:s21], [sflag:$0x1], $0x2800, $0x38;
	[tilespmem:$0x1E800] =	vst v63  }
0x37: {  	s20 =	rddreg [dreg:$0x9]  }
0x38: {  	[spmem:s20] =	stream.linear.scatter [tilespmem:s21], [sflag:$0x1], $0x2800, $0x38;
	[tilespmem:$0x1E800] =	vst v63  }
0x39: {  	s14 =	rddreg [dreg:$0xa]  }
0x3a: {  	[spmem:s14] =	stream.linear.scatter [tilespmem:s21], [sflag:$0x1], $0x2800, $0x38;
	[tilespmem:$0x1E800] =	vst v63  }
0x3b: {  	_ =	swait.ge [sflag:s22], $0x2800  }
0x3c: {  	[sflag:s22] =	ssyncset.done $0x0  }
0x3d: {  	[sflag:s22] =	ssyncadd.s32 $0xFFFFD800  }
0x3e: {  	_ =	swait.ge [sflag:s22], $0x2800  }
0x3f: {  	[sflag:s22] =	ssyncset.done $0x0  }
0x40: {  	[sflag:s22] =	ssyncadd.s32 $0xFFFFD800  }
0x41: {  	_ =	swait.ge [sflag:s22], $0x2800  }
0x42: {  	[sflag:s22] =	ssyncset.done $0x0  }
0x43: {  	[sflag:s22] =	ssyncadd.s32 $0xFFFFD800  }
0x44: {  	_ =	swait.ge [sflag:s22], $0x2800  }
0x45: {  	[sflag:s22] =	ssyncset.done $0x0  }
0x46: {  	[sflag:s22] =	ssyncadd.s32 $0xFFFFD800  }
0x47: {  	_ =	swait.ge [sflag:s22], $0x2800  }
0x48: {  	[sflag:s22] =	ssyncset.done $0x0  }
0x49: {  	[sflag:s22] =	ssyncadd.s32 $0xFFFFD800  }
0x4a: {  	_ =	swait.ge [sflag:s22], $0x2800  }
0x4b: {  	[sflag:s22] =	ssyncset.done $0x0  }
0x4c: {  	[sflag:s22] =	ssyncadd.s32 $0xFFFFD800  }
0x4d: {  	_ =	swait.ge [sflag:s22], $0x2800  }
0x4e: {  	[sflag:s22] =	ssyncset.done $0x0  }
0x4f: {  	[sflag:s22] =	ssyncadd.s32 $0xFFFFD800  }
0x50: {  	_ =	swait.ge [sflag:s22], $0x2800  }
0x51: {  	[sflag:s22] =	ssyncset.done $0x0  }
0x52: {  	[sflag:s22] =	ssyncadd.s32 $0xFFFFD800  }
0x53: {  	[bflag:$0x0] =	sbarrier.arrive $0xFFFF  }
0x54: {  	s7 =	simm.s32 $0x0;
	s20 =	rddreg [dreg:$0xb]  }
0x55: {  	[tilespmem:s7], [sflag:$0x6] =	stream.linear.gather [hbm4b:s20+s7], $0x1400, $0x38;
	[tilespmem:$0x1E800] =	vst v63  }
0x56: {  	_ =	swait.ge [sflag:s23], $0x1400  }
0x57: {  	[sflag:s23] =	ssyncset.done $0x0  }
0x58: {  	s20 =	rddreg [dreg:$0xc];
	[sflag:s23] =	ssyncadd.s32 $0xFFFFEC00  }
0x59: {  	[tilespmem:s25], [sflag:$0x6] =	stream.linear.gather [hbm4b:s20+s7], $0x1400, $0x38;
	[tilespmem:$0x1E800] =	vst v63  }
0x5a: {  	_ =	swait.ge [sflag:s23], $0x1400  }
0x5b: {  	[sflag:s23] =	ssyncset.done $0x0  }
0x5c: {  	[sflag:s23] =	ssyncadd.s32 $0xFFFFEC00  }
0x5d: {  	[tilespmem:s21], [sflag:$0x2] =	stream.indirect.gather [hbm4b:s1+s26], $0x80, s7, s26, $0xb8;
	[tilespmem:$0x1E800] =	vst v63  }
0x5e: {  	_ = 	snop  }
0x5f: {  	[tilespmem:s28], [sflag:$0x4] =	stream.indirect.gather [hbm4b:s1+s26], $0x80, s26, s26, $0xb8;
	[tilespmem:$0x1E800] =	vst v63  }
0x60: {  	_ = 	snop  }
0x61: {  	[tilespmem:s30], [sflag:$0x3] =	stream.indirect.gather [hbm4b:s1+s26], $0x80, s29, s26, $0xb8;
	[tilespmem:$0x1E800] =	vst v63  }
0x62: {  	_ = 	snop  }
0x63: {  	[tilespmem:s0], [sflag:$0x5] =	stream.indirect.gather [hbm4b:s1+s26], $0x80, s31, s26, $0xb8;
	[tilespmem:$0x1E800] =	vst v63  }
0x64: {  	_ =	swait.ge [sflag:s4], $0x2000  }
0x65: {  	[sflag:s4] =	ssyncset.done $0x0  }
0x66: {  	[sflag:s4] =	ssyncadd.s32 $0xFFFFE000  }
0x67: {  	_ =	swait.ge [sflag:s8], $0x2000  }
0x68: {  	[sflag:s8] =	ssyncset.done $0x0  }
0x69: {  	s20 =	simm.s32 $0x1400;
	[sflag:s8] =	ssyncadd.s32 $0xFFFFE000  }
0x6a: {  	[spmem:s2] =	stream.indirect.scatter.add.f32 [tilespmem:s21], [sflag:$0x6], $0x80, s20, s29, $0xb8;
	[tilespmem:$0x1E800] =	vst v63  }
0x6b: {  	_ =	swait.ge [sflag:s23], $0x4000  }
0x6c: {  	[sflag:s23] =	ssyncset.done $0x0  }
0x6d: {  	s14 =	simm.s32 $0x100;
	[sflag:s23] =	ssyncadd.s32 $0xFFFFC000  }
0x6e: {  	[tilespmem:s21], [sflag:$0x2] =	stream.indirect.gather [hbm4b:s1+s26], $0x80, s14, s26, $0xb8;
	[tilespmem:$0x1E800] =	vst v63  }
0x6f: {  	s20 =	simm.s32 $0x140  }
0x70: {  	[tilespmem:s28], [sflag:$0x4] =	stream.indirect.gather [hbm4b:s1+s26], $0x80, s20, s26, $0xb8;
	[tilespmem:$0x1E800] =	vst v63  }
0x71: {  	_ =	swait.ge [sflag:s9], $0x2000  }
0x72: {  	[sflag:s9] =	ssyncset.done $0x0  }
0x73: {  	[sflag:s9] =	ssyncadd.s32 $0xFFFFE000  }
0x74: {  	_ =	swait.ge [sflag:s5], $0x2000  }
0x75: {  	[sflag:s5] =	ssyncset.done $0x0  }
0x76: {  	s14 =	simm.s32 $0x1480;
	[sflag:s5] =	ssyncadd.s32 $0xFFFFE000  }
0x77: {  	[spmem:s2] =	stream.indirect.scatter.add.f32 [tilespmem:s30], [sflag:$0x6], $0x80, s14, s29, $0xb8;
	[tilespmem:$0x1E800] =	vst v63  }
0x78: {  	_ =	swait.ge [sflag:s23], $0x4000  }
0x79: {  	s7 =	simm.s32 $0x1C0;
	[sflag:s23] =	ssyncset.done $0x0  }
0x7a: {  	s20 =	simm.s32 $0x180;
	s14 =	simm.s32 $0x400;
	[sflag:s23] =	ssyncadd.s32 $0xFFFFC000  }
0x7b: {  	[tilespmem:s30], [sflag:$0x3] =	stream.indirect.gather [hbm4b:s1+s26], $0x80, s20, s26, $0xb8;
	[tilespmem:$0x1E800] =	vst v63  }
.LBB2_4:
0x7c: {  	[tilespmem:s0], [sflag:$0x5] =	stream.indirect.gather [hbm4b:s1+s26], $0x80, s7, s26, $0xb8;
	[tilespmem:$0x1E800] =	vst v63  }
0x7d: {  	s7 =	smov.u32 s14  }
0x7e: {  	p0 =	sne.s32 s14, $0x4800;
	s14 =	sadd.s32 $0x400, s14;
	_ =	swait.ge [sflag:s4], $0x2000  }
0x7f: {  	[sflag:s4] =	ssyncset.done $0x0  }
0x80: {  	[sflag:s4] =	ssyncadd.s32 $0xFFFFE000  }
0x81: {  	_ =	swait.ge [sflag:s8], $0x2000  }
0x82: {  	s7 =	sshra.s32 s7, $0x2;
	[sflag:s8] =	ssyncset.done $0x0  }
0x83: {  	s20 =	sadd.s32 $0x1400, s7;
	[sflag:s8] =	ssyncadd.s32 $0xFFFFE000  }
0x84: {  	[spmem:s2] =	stream.indirect.scatter.add.f32 [tilespmem:s21], [sflag:$0x6], $0x80, s20, s29, $0xb8;
	[tilespmem:$0x1E800] =	vst v63  }
0x85: {  	_ =	swait.ge [sflag:s23], $0x4000  }
0x86: {  	[sflag:s23] =	ssyncset.done $0x0  }
0x87: {  	s20 =	sadd.s32 $0x100, s7;
	[sflag:s23] =	ssyncadd.s32 $0xFFFFC000  }
0x88: {  	[tilespmem:s21], [sflag:$0x2] =	stream.indirect.gather [hbm4b:s1+s26], $0x80, s20, s26, $0xb8;
	[tilespmem:$0x1E800] =	vst v63  }
0x89: {  	s20 =	sadd.s32 $0x140, s7  }
0x8a: {  	[tilespmem:s28], [sflag:$0x4] =	stream.indirect.gather [hbm4b:s1+s26], $0x80, s20, s26, $0xb8;
	[tilespmem:$0x1E800] =	vst v63  }
0x8b: {  	_ =	swait.ge [sflag:s9], $0x2000  }
0x8c: {  	[sflag:s9] =	ssyncset.done $0x0  }
0x8d: {  	[sflag:s9] =	ssyncadd.s32 $0xFFFFE000  }
0x8e: {  	_ =	swait.ge [sflag:s5], $0x2000  }
0x8f: {  	[sflag:s5] =	ssyncset.done $0x0  }
0x90: {  	s20 =	sadd.s32 $0x1480, s7;
	[sflag:s5] =	ssyncadd.s32 $0xFFFFE000  }
0x91: {  	[spmem:s2] =	stream.indirect.scatter.add.f32 [tilespmem:s30], [sflag:$0x6], $0x80, s20, s29, $0xb8;
	[tilespmem:$0x1E800] =	vst v63  }
.Ltmp1:
0x92: {  	_ =	swait.ge [sflag:s23], $0x4000;
	(pc) =	sbr.rel @p0 .LBB2_4-.Ltmp1, $4  }
0x93: {  	[sflag:s23] =	ssyncset.done $0x0  }
0x94: {  	s20 =	sadd.s32 $0x180, s7;
	[sflag:s23] =	ssyncadd.s32 $0xFFFFC000  }
0x95: {  	[tilespmem:s30], [sflag:$0x3] =	stream.indirect.gather [hbm4b:s1+s26], $0x80, s20, s26, $0xb8;
	[tilespmem:$0x1E800] =	vst v63  }
0x96: {  	s7 =	sadd.s32 $0x1C0, s7  }
0x97: {  	[tilespmem:s0], [sflag:$0x5] =	stream.indirect.gather [hbm4b:s1+s26], $0x80, s7, s26, $0xb8;
	[tilespmem:$0x1E800] =	vst v63  }
0x98: {  	_ =	swait.ge [sflag:s4], $0x2000  }
0x99: {  	[sflag:s4] =	ssyncset.done $0x0  }
0x9a: {  	[sflag:s4] =	ssyncadd.s32 $0xFFFFE000  }
0x9b: {  	_ =	swait.ge [sflag:s8], $0x2000  }
0x9c: {  	[sflag:s8] =	ssyncset.done $0x0  }
0x9d: {  	[sflag:s8] =	ssyncadd.s32 $0xFFFFE000  }
0x9e: {  	[spmem:s2] =	stream.indirect.scatter.add.f32 [tilespmem:s21], [sflag:$0x6], $0x80, s10, s29, $0xb8;
	[tilespmem:$0x1E800] =	vst v63  }
0x9f: {  	_ =	swait.ge [sflag:s23], $0x4000  }
0xa0: {  	[sflag:s23] =	ssyncset.done $0x0  }
0xa1: {  	[sflag:s23] =	ssyncadd.s32 $0xFFFFC000  }
0xa2: {  	_ =	swait.ge [sflag:s9], $0x2000  }
0xa3: {  	[sflag:s9] =	ssyncset.done $0x0  }
0xa4: {  	[sflag:s9] =	ssyncadd.s32 $0xFFFFE000  }
0xa5: {  	_ =	swait.ge [sflag:s5], $0x2000  }
0xa6: {  	[sflag:s5] =	ssyncset.done $0x0  }
0xa7: {  	[sflag:s5] =	ssyncadd.s32 $0xFFFFE000  }
0xa8: {  	[spmem:s2] =	stream.indirect.scatter.add.f32 [tilespmem:s30], [sflag:$0x6], $0x80, s11, s29, $0xb8;
	[tilespmem:$0x1E800] =	vst v63  }
0xa9: {  	_ =	swait.ge [sflag:s23], $0x4000  }
0xaa: {  	[sflag:s23] =	ssyncset.done $0x0  }
0xab: {  	s14 =	simm.s32 $0x0;
	[sflag:s23] =	ssyncadd.s32 $0xFFFFC000  }
0xac: {  	[tilespmem:s14], [sflag:$0x6] =	stream.linear.gather [hbm4b:s17+s14], $0x1400, $0x38;
	[tilespmem:$0x1E800] =	vst v63  }
0xad: {  	_ =	swait.ge [sflag:s23], $0x1400  }
0xae: {  	[sflag:s23] =	ssyncset.done $0x0  }
0xaf: {  	[sflag:s23] =	ssyncadd.s32 $0xFFFFEC00  }
0xb0: {  	[tilespmem:s25], [sflag:$0x6] =	stream.linear.gather [hbm4b:s18+s14], $0x1400, $0x38;
	[tilespmem:$0x1E800] =	vst v63  }
0xb1: {  	_ =	swait.ge [sflag:s23], $0x1400  }
0xb2: {  	[sflag:s23] =	ssyncset.done $0x0  }
0xb3: {  	[sflag:s23] =	ssyncadd.s32 $0xFFFFEC00  }
0xb4: {  	[tilespmem:s21], [sflag:$0x2] =	stream.indirect.gather [hbm4b:s1+s26], $0x80, s14, s26, $0xb8;
	[tilespmem:$0x1E800] =	vst v63  }
0xb5: {  	_ = 	snop  }
0xb6: {  	[tilespmem:s28], [sflag:$0x4] =	stream.indirect.gather [hbm4b:s1+s26], $0x80, s26, s26, $0xb8;
	[tilespmem:$0x1E800] =	vst v63  }
0xb7: {  	_ = 	snop  }
0xb8: {  	[tilespmem:s30], [sflag:$0x3] =	stream.indirect.gather [hbm4b:s1+s26], $0x80, s29, s26, $0xb8;
	[tilespmem:$0x1E800] =	vst v63  }
0xb9: {  	_ = 	snop  }
0xba: {  	[tilespmem:s0], [sflag:$0x5] =	stream.indirect.gather [hbm4b:s1+s26], $0x80, s31, s26, $0xb8;
	[tilespmem:$0x1E800] =	vst v63  }
0xbb: {  	_ =	swait.ge [sflag:s4], $0x2000  }
0xbc: {  	[sflag:s4] =	ssyncset.done $0x0  }
0xbd: {  	[sflag:s4] =	ssyncadd.s32 $0xFFFFE000  }
0xbe: {  	_ =	swait.ge [sflag:s8], $0x2000  }
0xbf: {  	[sflag:s8] =	ssyncset.done $0x0  }
0xc0: {  	s20 =	simm.s32 $0x1400;
	[sflag:s8] =	ssyncadd.s32 $0xFFFFE000  }
0xc1: {  	[spmem:s2] =	stream.indirect.scatter.add.f32 [tilespmem:s21], [sflag:$0x6], $0x80, s20, s29, $0xb8;
	[tilespmem:$0x1E800] =	vst v63  }
0xc2: {  	_ =	swait.ge [sflag:s23], $0x4000  }
0xc3: {  	[sflag:s23] =	ssyncset.done $0x0  }
0xc4: {  	s14 =	simm.s32 $0x100;
	[sflag:s23] =	ssyncadd.s32 $0xFFFFC000  }
0xc5: {  	[tilespmem:s21], [sflag:$0x2] =	stream.indirect.gather [hbm4b:s1+s26], $0x80, s14, s26, $0xb8;
	[tilespmem:$0x1E800] =	vst v63  }
0xc6: {  	s20 =	simm.s32 $0x140  }
0xc7: {  	[tilespmem:s28], [sflag:$0x4] =	stream.indirect.gather [hbm4b:s1+s26], $0x80, s20, s26, $0xb8;
	[tilespmem:$0x1E800] =	vst v63  }
0xc8: {  	_ =	swait.ge [sflag:s9], $0x2000  }
0xc9: {  	[sflag:s9] =	ssyncset.done $0x0  }
0xca: {  	[sflag:s9] =	ssyncadd.s32 $0xFFFFE000  }
0xcb: {  	_ =	swait.ge [sflag:s5], $0x2000  }
0xcc: {  	[sflag:s5] =	ssyncset.done $0x0  }
0xcd: {  	s14 =	simm.s32 $0x1480;
	[sflag:s5] =	ssyncadd.s32 $0xFFFFE000  }
0xce: {  	[spmem:s2] =	stream.indirect.scatter.add.f32 [tilespmem:s30], [sflag:$0x6], $0x80, s14, s29, $0xb8;
	[tilespmem:$0x1E800] =	vst v63  }
0xcf: {  	_ =	swait.ge [sflag:s23], $0x4000  }
0xd0: {  	s7 =	simm.s32 $0x1C0;
	[sflag:s23] =	ssyncset.done $0x0  }
0xd1: {  	s20 =	simm.s32 $0x180;
	s14 =	simm.s32 $0x400;
	[sflag:s23] =	ssyncadd.s32 $0xFFFFC000  }
0xd2: {  	[tilespmem:s30], [sflag:$0x3] =	stream.indirect.gather [hbm4b:s1+s26], $0x80, s20, s26, $0xb8;
	[tilespmem:$0x1E800] =	vst v63  }
.LBB2_6:
0xd3: {  	[tilespmem:s0], [sflag:$0x5] =	stream.indirect.gather [hbm4b:s1+s26], $0x80, s7, s26, $0xb8;
	[tilespmem:$0x1E800] =	vst v63  }
0xd4: {  	s7 =	smov.u32 s14  }
0xd5: {  	p0 =	sne.s32 s14, $0x4800;
	s14 =	sadd.s32 $0x400, s14;
	_ =	swait.ge [sflag:s4], $0x2000  }
0xd6: {  	[sflag:s4] =	ssyncset.done $0x0  }
0xd7: {  	[sflag:s4] =	ssyncadd.s32 $0xFFFFE000  }
0xd8: {  	_ =	swait.ge [sflag:s8], $0x2000  }
0xd9: {  	s7 =	sshra.s32 s7, $0x2;
	[sflag:s8] =	ssyncset.done $0x0  }
0xda: {  	s20 =	sadd.s32 $0x1400, s7;
	[sflag:s8] =	ssyncadd.s32 $0xFFFFE000  }
0xdb: {  	[spmem:s2] =	stream.indirect.scatter.add.f32 [tilespmem:s21], [sflag:$0x6], $0x80, s20, s29, $0xb8;
	[tilespmem:$0x1E800] =	vst v63  }
0xdc: {  	_ =	swait.ge [sflag:s23], $0x4000  }
0xdd: {  	[sflag:s23] =	ssyncset.done $0x0  }
0xde: {  	s20 =	sadd.s32 $0x100, s7;
	[sflag:s23] =	ssyncadd.s32 $0xFFFFC000  }
0xdf: {  	[tilespmem:s21], [sflag:$0x2] =	stream.indirect.gather [hbm4b:s1+s26], $0x80, s20, s26, $0xb8;
	[tilespmem:$0x1E800] =	vst v63  }
0xe0: {  	s20 =	sadd.s32 $0x140, s7  }
0xe1: {  	[tilespmem:s28], [sflag:$0x4] =	stream.indirect.gather [hbm4b:s1+s26], $0x80, s20, s26, $0xb8;
	[tilespmem:$0x1E800] =	vst v63  }
0xe2: {  	_ =	swait.ge [sflag:s9], $0x2000  }
0xe3: {  	[sflag:s9] =	ssyncset.done $0x0  }
0xe4: {  	[sflag:s9] =	ssyncadd.s32 $0xFFFFE000  }
0xe5: {  	_ =	swait.ge [sflag:s5], $0x2000  }
0xe6: {  	[sflag:s5] =	ssyncset.done $0x0  }
0xe7: {  	s20 =	sadd.s32 $0x1480, s7;
	[sflag:s5] =	ssyncadd.s32 $0xFFFFE000  }
0xe8: {  	[spmem:s2] =	stream.indirect.scatter.add.f32 [tilespmem:s30], [sflag:$0x6], $0x80, s20, s29, $0xb8;
	[tilespmem:$0x1E800] =	vst v63  }
.Ltmp2:
0xe9: {  	_ =	swait.ge [sflag:s23], $0x4000;
	(pc) =	sbr.rel @p0 .LBB2_6-.Ltmp2, $4  }
0xea: {  	[sflag:s23] =	ssyncset.done $0x0  }
0xeb: {  	s20 =	sadd.s32 $0x180, s7;
	[sflag:s23] =	ssyncadd.s32 $0xFFFFC000  }
0xec: {  	[tilespmem:s30], [sflag:$0x3] =	stream.indirect.gather [hbm4b:s1+s26], $0x80, s20, s26, $0xb8;
	[tilespmem:$0x1E800] =	vst v63  }
0xed: {  	s7 =	sadd.s32 $0x1C0, s7  }
0xee: {  	[tilespmem:s0], [sflag:$0x5] =	stream.indirect.gather [hbm4b:s1+s26], $0x80, s7, s26, $0xb8;
	[tilespmem:$0x1E800] =	vst v63  }
0xef: {  	_ =	swait.ge [sflag:s4], $0x2000  }
0xf0: {  	[sflag:s4] =	ssyncset.done $0x0  }
0xf1: {  	[sflag:s4] =	ssyncadd.s32 $0xFFFFE000  }
0xf2: {  	_ =	swait.ge [sflag:s8], $0x2000  }
0xf3: {  	[sflag:s8] =	ssyncset.done $0x0  }
0xf4: {  	[sflag:s8] =	ssyncadd.s32 $0xFFFFE000  }
0xf5: {  	[spmem:s2] =	stream.indirect.scatter.add.f32 [tilespmem:s21], [sflag:$0x6], $0x80, s10, s29, $0xb8;
	[tilespmem:$0x1E800] =	vst v63  }
0xf6: {  	_ =	swait.ge [sflag:s23], $0x4000  }
0xf7: {  	[sflag:s23] =	ssyncset.done $0x0  }
0xf8: {  	[sflag:s23] =	ssyncadd.s32 $0xFFFFC000  }
0xf9: {  	_ =	swait.ge [sflag:s9], $0x2000  }
0xfa: {  	[sflag:s9] =	ssyncset.done $0x0  }
0xfb: {  	[sflag:s9] =	ssyncadd.s32 $0xFFFFE000  }
0xfc: {  	_ =	swait.ge [sflag:s5], $0x2000  }
0xfd: {  	[sflag:s5] =	ssyncset.done $0x0  }
0xfe: {  	[sflag:s5] =	ssyncadd.s32 $0xFFFFE000  }
0xff: {  	[spmem:s2] =	stream.indirect.scatter.add.f32 [tilespmem:s30], [sflag:$0x6], $0x80, s11, s29, $0xb8;
	[tilespmem:$0x1E800] =	vst v63  }
0x100: {  	_ =	swait.ge [sflag:s23], $0x4000  }
0x101: {  	[sflag:s23] =	ssyncset.done $0x0  }
0x102: {  	[sflag:s23] =	ssyncadd.s32 $0xFFFFC000  }
0x103: {  	[bflag:$0x0] =	sbarrier.arrive $0xFFFF  }
0x104: {  	[tilespmem:s21], [sflag:$0x7] =	stream.linear.gather [spmem:s16], $0x2800, $0x38;
	[tilespmem:$0x1E800] =	vst v63  }
0x105: {  	p0 =	sne.s32 s6, $0x1;
	_ =	swait.ge [sflag:s12], $0x2800  }
.Ltmp3:
0x106: {  	[sflag:s12] =	ssyncset.done $0x0;
	(pc) =	sbr.rel @!p0 .LBB2_9-.Ltmp3, $4  }
0x107: {  	[sflag:s12] =	ssyncadd.s32 $0xFFFFD800  }
0x108: {  	[hbm4b:s15+s3] =	stream.linear.scatter [tilespmem:s21], [sflag:s24], $0x2800, $0x38;
	[tilespmem:$0x1E800] =	vst v63  }
0x109: {  	s14 =	sadd.s32 $0xFFFFFFFF, s6;
	_ =	swait.ge [sflag:s24], $0x2800  }
0x10a: {  	s20 =	smov.u32 s15;
	s7 =	smov.u32 s16;
	[sflag:s24] =	ssyncset.done $0x0  }
.LBB2_8:
0x10b: {  	[sflag:s24] =	ssyncadd.s32 $0xFFFFD800;
	s20 =	sadd.s32 $0x500, s20;
	s7 =	sadd.s32 $0x2800, s7  }
0x10c: {  	[tilespmem:s21], [sflag:$0x7] =	stream.linear.gather [spmem:s7], $0x2800, $0x38;
	[tilespmem:$0x1E800] =	vst v63  }
0x10d: {  	p0 =	sne.s32 s14, $0x1;
	s14 =	sadd.s32 $0xFFFFFFFF, s14;
	_ =	swait.ge [sflag:s12], $0x2800  }
.Ltmp4:
0x10e: {  	[sflag:s12] =	ssyncset.done $0x0;
	(pc) =	sbr.rel @p0 .LBB2_8-.Ltmp4, $4  }
0x10f: {  	[sflag:s12] =	ssyncadd.s32 $0xFFFFD800  }
0x110: {  	[hbm4b:s20+s3] =	stream.linear.scatter [tilespmem:s21], [sflag:s24], $0x2800, $0x38;
	[tilespmem:$0x1E800] =	vst v63  }
0x111: {  	_ =	swait.ge [sflag:s24], $0x2800  }
0x112: {  	[sflag:s24] =	ssyncset.done $0x0  }
.LBB2_9:
0x113: {  	s13 =	sadd.s32 $0x1, s13  }
0x114: {  	p0 =	sne.s32 s13, s19  }
.Ltmp5:
0x115: {  	_ = 	snop;
	(pc) =	sbr.rel @p0 .LBB2_1-.Ltmp5, $2  }
0x116: {  	_ =	sdelay $0x2  }
0x117: {  	[sflag:s24] =	ssyncadd.s32 $0xFFFFD800  }
0x118: {  	_ =	sfence.sel $0x180000  }
0x119: {  	[bflag:$0x0] =	sbarrier.arrive $0xFFFF  }
0x11a: {  	_ =	strace $0x9000004D  }
0x11b: {  	s0 =	stileid.u32;
	[bflag:$0x2] =	sbarrier.arrive $0xFFFF  }
0x11c: {  	p0 =	sne.s32 s0, $0x0;
	s0 =	rddreg [dreg:$0x3]  }
0x11d: {  	s0 =	sadd.s32 @!p0 $0x100000, s0  }
0x11e: {  	[sflag:s0] =	ssyncadd.tile.s32 @!p0 $0x1;
	_ =	shalt  }
.Lfunc_end2:
_tile_overlayer_lowered:
.L_overlay_start_2:
0x11f: {  	(tag) =	ssettag $0x2  }
0x120: {  	s0 =	rddreg [dreg:$0x0];
	s2 =	stileid.u32  }
0x121: {  	s1 =	rddreg [dreg:$0x1];
	p0 =	sne.s32 s2, $0x0  }
0x122: {  	s3 =	rddreg [dreg:$0x2];
	[bflag:$0x3] =	sbarrier.arrive $0xFFFF;
	s2 =	simm.s32 @!p0 $0x1C06  }
0x123: {  	[timem:s3], [sflag:s2] =	dma.local @!p0 [hbm:s0], s1  }
0x124: {  	s0 =	simm.s32 @!p0 $0x6  }
0x125: {  	_ =	swait.ge @!p0 [sflag:s0], s1  }
0x126: {  	s1 =	ssub.s32 @!p0 $0x0, s1;
	[sflag:s0] =	ssyncset.done @!p0 $0x0  }
0x127: {  	[sflag:s0] =	ssyncadd.s32 @!p0 s1  }
0x128: {  	[bflag:$0x3] =	sbarrier.arrive $0xFFFF  }
0x129: {  	_ =	shalt  }

// kernel: kernel.8.cloned.1.call-start
scs
__scs_entry_jumppad:
0x0: {  	(pc) =	sbr.rel $0x88, $3  }
0x1: {  	(tag) =	ssettag $0x0;
	lr =	simm.s32 $0x1  }
0x2: {  	[smem:$0x3F9B] =	sst lr;
	_ =	strace $0xD0000000  }
0x3: {  	_ = 	snop  }
0x4: {  	_ = 	snop  }
0x5: {  	_ = 	snop  }
0x6: {  	_ = 	snop  }
0x7: {  	_ = 	snop  }
__scs_overlays_trampoline_lowered:
0x8: {  	[smem:$0x3FAA] =	sst s0  }
0x9: {  	[smem:$0x3FAB] =	sst s1  }
0xa: {  	[smem:$0x3FAC] =	sst s2  }
0xb: {  	[smem:$0x3FAD] =	sst s3  }
0xc: {  	[smem:$0x3FAE] =	sst s4  }
0xd: {  	[smem:$0x3FAF] =	sst s5  }
0xe: {  	[smem:$0x3FB0] =	sst s6  }
0xf: {  	[smem:$0x3FB1] =	sst s7  }
0x10: {  	[smem:$0x3FB2] =	sst s8  }
0x11: {  	[smem:$0x3FB3] =	sst s9;
	s0 =	simm.s32 @!p0 $0x0  }
0x12: {  	s1 =	sld [smem:$0x3F99];
	s0 =	simm.s32 @p0 $0x1  }
0x13: {  	[smem:$0x3FB4] =	sst s0;
	s0 =	simm.s32 @!p1 $0x0  }
0x14: {  	s2 =	sld [smem:$0x3F98];
	s0 =	simm.s32 @p1 $0x1  }
0x15: {  	[smem:$0x3FB5] =	sst s0;
	s0 =	simm.s32 @!p2 $0x0  }
0x16: {  	s3 =	sld [smem:$0x3FDB];
	s0 =	simm.s32 @p2 $0x1  }
0x17: {  	s4 =	simm.s32 $0x1BF5;
	[smem:$0x3FB7] =	sst s0  }
0x18: {  	s0 =	sld [smem:$0x3F9A];
	_ =	swait.ge [sflag:s4], $0x0  }
0x19: {  	s7 =	sld [smem:$0x3F9B]  }
0x1a: {  	s8 =	sadd.s32 $0xFFFFE003, lr  }
0x1b: {  	s9 =	sadd.s32 $0xFFFFFEF7, lr;
	s5 =	simm.s32 $0xFFFFFFFF;
	p2 =	slt.u32 s8, $0xFFFFF086  }
0x1c: {  	p1 =	slt.u32 s9, $0xF7A;
	s5 =	simm.s32 @!p2 $0x0  }
0x1d: {  	s5 =	simm.s32 @p1 $0x1;
	p0 =	seq.s32 s7, s2  }
0x1e: {  	s7 =	smul.u32 @!p0 $0xF7A, s2;
	p2 =	seq.s32 @!p0 s5, $0x0  }
0x1f: {  	s9 =	smul.u32 $0xF7A, s1;
	s8 =	simm.s32 @!p0 $0x1BF5;
	p2 =	por !p2, p0  }
0x20: {  	[sflag:s8] =	ssyncset.s32 @!p0 $0xFFFFF086;
	s6 =	sadd.s32 @!p0 s3, s7;
	s7 =	simm.s32 @!p0 $0x108  }
0x21: {  	s3 =	sadd.s32 s3, s9;
	s6 =	sadd.s32 @!p0 $0x88, s6;
	s7 =	simm.s32 @p2 $0x1082  }
0x22: {  	[simem:s7], [sflag:s8] =	dma.local @!p0 [hbm:s6], $0xF7A  }
0x23: {  	s9 =	sor.u32 $0xD0000000, s2;
	s6 =	simm.s32 $0x108;
	_ =	swait.ge @!p0 [sflag:s8], $0x0  }
0x24: {  	s3 =	sadd.s32 $0x88, s3;
	s6 =	simm.s32 @!p1 $0x1082;
	[sflag:s4] =	ssyncset.s32 $0xFFFFF086  }
0x25: {  	[simem:s6], [sflag:s4] =	dma.local [hbm:s3], $0xF7A  }
0x26: {  	[smem:$0x3F9B] =	sst s1;
	(tag) =	ssettag s2;
	_ =	strace s9  }
0x27: {  	s1 =	sld [smem:$0x3FAB]  }
0x28: {  	s2 =	sld [smem:$0x3FAC]  }
0x29: {  	s4 =	sld [smem:$0x3FAE]  }
0x2a: {  	p0 =	seq.s32 s5, $0x0;
	s5 =	sld [smem:$0x3FAF]  }
0x2b: {  	s6 =	sld [smem:$0x3FB0]  }
0x2c: {  	s7 =	sld [smem:$0x3FB1]  }
0x2d: {  	s3 =	simm.s32 $0x108;
	s8 =	sld [smem:$0x3FB2]  }
0x2e: {  	s3 =	simm.s32 @!p0 $0x1082;
	s9 =	sld [smem:$0x3FB3]  }
0x2f: {  	lr =	sadd.s32 s0, s3;
	s0 =	sld [smem:$0x3FAA]  }
0x30: {  	s3 =	sld [smem:$0x3FAD]  }
0x31: {  	[smem:$0x3FB6] =	sst s10  }
0x32: {  	s10 =	sld [smem:$0x3FB4];
	_ =	sdelay $0x3  }
0x33: {  	p0 =	seq.s32 s10, $0x1;
	s10 =	sld [smem:$0x3FB6];
	_ =	sdelay $0x3  }
0x34: {  	[smem:$0x3FB6] =	sst s10  }
0x35: {  	s10 =	sld [smem:$0x3FB5];
	_ =	sdelay $0x3  }
0x36: {  	p1 =	seq.s32 s10, $0x1;
	s10 =	sld [smem:$0x3FB6];
	_ =	sdelay $0x3  }
0x37: {  	[smem:$0x3FB6] =	sst s10  }
0x38: {  	s10 =	sld [smem:$0x3FB7]  }
0x39: {  	_ = 	snop;
	(pc) =	sbr.ind lr, $3  }
0x3a: {  	_ = 	snop  }
0x3b: {  	_ = 	snop  }
0x3c: {  	p2 =	seq.s32 s10, $0x1;
	s10 =	sld [smem:$0x3FB6]  }
0x3d: {  	_ =	shalt  }
0x3e: {  	_ =	shalt  }
0x3f: {  	_ =	shalt  }
0x40: {  	_ =	shalt  }
0x41: {  	_ =	shalt  }
0x42: {  	_ =	shalt  }
0x43: {  	_ =	shalt  }
0x44: {  	_ =	shalt  }
0x45: {  	_ =	shalt  }
0x46: {  	_ =	shalt  }
0x47: {  	_ =	shalt  }
0x48: {  	_ =	shalt  }
0x49: {  	_ =	shalt  }
0x4a: {  	_ =	shalt  }
0x4b: {  	_ =	shalt  }
0x4c: {  	_ =	shalt  }
0x4d: {  	_ =	shalt  }
0x4e: {  	_ =	shalt  }
0x4f: {  	_ =	shalt  }
0x50: {  	_ =	shalt  }
0x51: {  	_ =	shalt  }
0x52: {  	_ =	shalt  }
0x53: {  	_ =	shalt  }
0x54: {  	_ =	shalt  }
0x55: {  	_ =	shalt  }
0x56: {  	_ =	shalt  }
0x57: {  	_ =	shalt  }
0x58: {  	_ =	shalt  }
0x59: {  	_ =	shalt  }
0x5a: {  	_ =	shalt  }
0x5b: {  	_ =	shalt  }
0x5c: {  	_ =	shalt  }
0x5d: {  	_ =	shalt  }
0x5e: {  	_ =	shalt  }
0x5f: {  	_ =	shalt  }
0x60: {  	_ =	shalt  }
0x61: {  	_ =	shalt  }
0x62: {  	_ =	shalt  }
0x63: {  	_ =	shalt  }
0x64: {  	_ =	shalt  }
0x65: {  	_ =	shalt  }
0x66: {  	_ =	shalt  }
0x67: {  	_ =	shalt  }
0x68: {  	_ =	shalt  }
0x69: {  	_ =	shalt  }
0x6a: {  	_ =	shalt  }
0x6b: {  	_ =	shalt  }
0x6c: {  	_ =	shalt  }
0x6d: {  	_ =	shalt  }
0x6e: {  	_ =	shalt  }
0x6f: {  	_ =	shalt  }
0x70: {  	_ =	shalt  }
0x71: {  	_ =	shalt  }
0x72: {  	_ =	shalt  }
0x73: {  	_ =	shalt  }
0x74: {  	_ =	shalt  }
0x75: {  	_ =	shalt  }
0x76: {  	_ =	shalt  }
0x77: {  	_ =	shalt  }
0x78: {  	_ =	shalt  }
0x79: {  	_ =	shalt  }
0x7a: {  	_ =	shalt  }
0x7b: {  	_ =	shalt  }
0x7c: {  	_ =	shalt  }
0x7d: {  	_ =	shalt  }
0x7e: {  	_ =	shalt  }
0x7f: {  	_ =	shalt  }
0x80: {  	_ =	shalt  }
0x81: {  	_ =	shalt  }
0x82: {  	_ =	shalt  }
0x83: {  	_ =	shalt  }
0x84: {  	_ =	shalt  }
0x85: {  	_ =	shalt  }
0x86: {  	_ =	shalt  }
0x87: {  	_ =	shalt  }
.Lfunc_end0:
.L_simem_size_0:
called_computation_lowered:
.L_overlay_start_0:
0x88: {  	s2 =	sld [smem:$0x3FD9]  }
0x89: {  	s3 =	sld [smem:$0x3FFE];
	_ =	sdelay $0x1  }
0x8a: {  	s1 =	srdreg.scid  }
0x8b: {  	s0 =	sand.u32 $0x1, s1  }
0x8c: {  	s17 =	sshll.u32 s0, $0xA;
	s2 =	sadd.s32 s3, s2  }
0x8d: {  	s2 =	sadd.s32 s2, s17  }
0x8e: {  	[smem:$0x3FC2] =	sst s2  }
0x8f: {  	_ = 	snop  }
0x90: {  	s2 =	sld [smem:$0x3FD0];
	(tm) =	ssettm $0x1  }
0x91: {  	s18 =	sld [smem:$0x3FFB];
	_ =	sdelay $0x3  }
0x92: {  	_ =	strace s18  }
0x93: {  	s3 =	sld [smem:$0x3FFC];
	_ =	sdelay $0x3  }
0x94: {  	_ =	strace s3  }
0x95: {  	s3 =	sld [smem:$0x3FFD];
	_ =	sdelay $0x3  }
0x96: {  	_ =	strace s3  }
0x97: {  	_ =	strace $0x8FFFFFFF  }
0x98: {  	s19 =	sld [smem:$0x3FDB];
	_ =	sdelay $0x1  }
0x99: {  	s4 =	simm.s32 $_scs_section_size  }
0x9a: {  	s5 =	simm.s32 $_size__tile_overlayer_lowered;
	s6 =	simm.s32 $_tile_overlayer_lowered  }
0x9b: {  	s22 =	simm.s32 $0x1BFF;
	s21 =	sshll.u32 s6, $0x1;
	s3 =	sadd.s32 s4, s19  }
0x9c: {  	s7 =	simm.s32 $0x0;
	s20 =	sshll.u32 s5, $0x1;
	s5 =	sadd.s32 s21, s3  }
0x9d: {  	[timem:s7], [sflag:s22] =	dma.local [hbm:s5], s20  }
0x9e: {  	_ =	swait.ge [sflag:s22], s20  }
0x9f: {  	s4 =	ssub.s32 $0x0, s20;
	[sflag:s22] =	ssyncset.done $0x0  }
0xa0: {  	[sflag:s22] =	ssyncadd.s32 s4;
	_ =	sdelay $0x1  }
0xa1: {  	s23 =	simm.s32 $0x1B8B  }
0xa2: {  	_ =	swait.ge [sflag:s23], $0x1  }
0xa3: {  	[sflag:s23] =	ssyncset.done $0x0  }
0xa4: {  	s25 =	simm.s32 $0x1B8E;
	s24 =	sld [smem:$0x3FFE];
	[sflag:s23] =	ssyncadd.s32 $0xFFFFFFFF  }
0xa5: {  	s26 =	simm.s32 $execute0_lowered;
	[smem:$0x3FD2] =	sst s25  }
0xa6: {  	s5 =	sshll.u32 s26, $0x1;
	_ =	strace $0x80000046;
	[dreg:$0x1] =	wrdreg $0xFFFFFFFF  }
0xa7: {  	s28 =	simm.s32 $_size_execute0_lowered;
	s3 =	sadd.s32 s3, s5;
	[dreg:$0x0] =	wrdreg $0x0  }
0xa8: {  	s5 =	sshll.u32 s28, $0x1;
	[dreg:$0x2] =	wrdreg s3  }
0xa9: {  	[dreg:$0x3] =	wrdreg s5  }
0xaa: {  	[dreg:$0x4] =	wrdreg $0xC0  }
0xab: {  	_ =	task [dreg:s7], $0x5FFFF  }
0xac: {  	[dreg:$0x1] =	wrdreg $0xFFFFFFFF  }
0xad: {  	[dreg:$0x0] =	wrdreg $0x60  }
0xae: {  	[dreg:$0x2] =	wrdreg s24  }
0xaf: {  	[dreg:$0x3] =	wrdreg s2  }
0xb0: {  	[dreg:$0x4] =	wrdreg $0x2B000  }
0xb1: {  	[dreg:$0x5] =	wrdreg $0x9  }
0xb2: {  	_ =	task.clear_ibuf [dreg:s7], $0x6FFFF;
	_ =	strace $0x90000046  }
0xb3: {  	s29 =	simm.s32 $0x9;
	_ =	strace $0x80000048  }
0xb4: {  	_ =	swait.ge [sflag:s29], $0x1  }
0xb5: {  	[sflag:s29] =	ssyncadd.s32 $0xFFFFFFFF  }
0xb6: {  	_ =	strace $0x90000048  }
0xb7: {  	_ =	sfence  }
0xb8: {  	s30 =	sld [smem:$0x0];
	_ =	sdelay $0x2  }
0xb9: {  	s31 =	sshll.u32 s1, $0xD;
	s1 =	sshrl.u32 s1, $0x2  }
0xba: {  	s3 =	sand.u32 $0x4000, s31;
	s1 =	sadd.s32 s1, s30  }
0xbb: {  	s0 =	sor.u32 s3, s0;
	s1 =	sshll.u32 s1, $0x11  }
0xbc: {  	s0 =	sor.u32 s1, s0  }
0xbd: {  	s0 =	sadd.s32 $0x8F2B, s0  }
0xbe: {  	[sflag:s0] =	ssyncadd.remote.s32 $0x1  }
0xbf: {  	_ =	sfence.sel $0xFFFF  }
0xc0: {  	[dreg:$0x0] =	wrdreg $0xFFFFFFFF;
	(pc) =	sbr.abs _section_cstart, $3  }
0xc1: {  	[dreg:$0x1] =	wrdreg $0xFFFFFFFF  }
0xc2: {  	_ =	task.clear_ibuf [dreg:s7], $0x2FFFF;
	_ =	strace $0x9FFFFFFF  }
0xc3: {  	(tm) =	ssettm $0x7FFFFFFF  }
tec
execute0_lowered:
.L_overlay_start_1:
0x0: {  	(tag) =	ssettag $0x1  }
0x1: {  	s10 =	rddreg [dreg:$0x0]  }
0x2: {  	s0 =	srdreg.scid;
	s9 =	rddreg [dreg:$0x1]  }
0x3: {  	s2 =	rddreg [dreg:$0x2];
	s3 =	simm.s32 $0x0;
	s14 =	simm.s32 $0x80  }
0x4: {  	s15 =	simm.s32 $0x2A80;
	s16 =	simm.s32 $0x0;
	s6 =	sand.u32 $0x1, s0  }
0x5: {  	s0 =	stileid.u32;
	[smem:$0x7FF] =	sst s3;
	s1 =	sshll.u32 s6, $0x4  }
0x6: {  	s5 =	smul.u32 $0x280, s0;
	s7 =	ssub.s32 $0x2, s6;
	p4 =	seq.s32 s6, $0x1  }
0x7: {  	p0 =	seq.s32 s0, $0xF;
	s4 =	sor.u32 s0, s1;
	s1 =	rddreg [dreg:$0x3]  }
0x8: {  	_ =	strace $0x80000047;
	s31 =	sshrl.u32 s7, $0x1;
	p1 =	por !p4, !p0  }
0x9: {  	p2 =	por p4, !p0;
	p3 =	por !p4, p0;
	p4 =	por p4, p0  }
0xa: {  	s4 =	smul.u32 $0x500, s4;
	s11 =	sshrl.u32 s5, $0x3;
	s13 =	ssub.s32 s7, s31  }
0xb: {  	s12 =	sadd.s32 s11, s10;
	s6 =	sadd.s32 s9, s11;
	s9 =	sadd.s32 $0x4B0, s9  }
0xc: {  	s11 =	smax.u32 s13, $0x1;
	s13 =	simm.s32 $0x1;
	s8 =	sadd.s32 s4, s10  }
0xd: {  	s4 =	sadd.s32 s5, s2;
	s7 =	sadd.s32 $0x18200, s12;
	s10 =	sadd.s32 $0x186B0, s10  }
0xe: {  	v0 =	vimm.f32 $0.0e+00;
	v1 =	vimm.f32 $1.000000000e+00;
	s12 =	simm.s32 $0x2800;
	s5 =	sadd.s32 $0x4200, s8;
	s8 =	sadd.s32 $0x2580, s2  }
.LBB2_1:
0xf: {  	[tilespmem:$0x2800] =	vst v0  }
0x10: {  	[tilespmem:$0x2810] =	vst v0  }
0x11: {  	[tilespmem:$0x2820] =	vst v0  }
0x12: {  	[tilespmem:$0x2830] =	vst v0  }
0x13: {  	[tilespmem:$0x2840] =	vst v0  }
0x14: {  	[tilespmem:$0x2850] =	vst v0  }
0x15: {  	[tilespmem:$0x2860] =	vst v0  }
0x16: {  	[tilespmem:$0x2870] =	vst v0  }
0x17: {  	[tilespmem:$0x2880] =	vst v0  }
0x18: {  	[tilespmem:$0x2890] =	vst v0  }
0x19: {  	[tilespmem:$0x28A0] =	vst v0  }
0x1a: {  	[tilespmem:$0x28B0] =	vst v0  }
0x1b: {  	[tilespmem:$0x28C0] =	vst v0  }
0x1c: {  	[tilespmem:$0x28D0] =	vst v0  }
0x1d: {  	[tilespmem:$0x28E0] =	vst v0  }
0x1e: {  	[tilespmem:$0x28F0] =	vst v0  }
0x1f: {  	[tilespmem:$0x2900] =	vst v0  }
0x20: {  	[tilespmem:$0x2910] =	vst v0  }
0x21: {  	[tilespmem:$0x2920] =	vst v0  }
0x22: {  	[tilespmem:$0x2930] =	vst v0  }
0x23: {  	[tilespmem:$0x2940] =	vst v0  }
0x24: {  	[tilespmem:$0x2950] =	vst v0  }
0x25: {  	[tilespmem:$0x2960] =	vst v0  }
0x26: {  	[tilespmem:$0x2970] =	vst v0  }
0x27: {  	[tilespmem:$0x2980] =	vst v0  }
0x28: {  	[tilespmem:$0x2990] =	vst v0  }
0x29: {  	[tilespmem:$0x29A0] =	vst v0  }
0x2a: {  	[tilespmem:$0x29B0] =	vst v0  }
0x2b: {  	[tilespmem:$0x29C0] =	vst v0  }
0x2c: {  	[tilespmem:$0x29D0] =	vst v0  }
0x2d: {  	[tilespmem:$0x29E0] =	vst v0  }
0x2e: {  	[tilespmem:$0x29F0] =	vst v0  }
0x2f: {  	[tilespmem:$0x2A00] =	vst v0  }
0x30: {  	[tilespmem:$0x2A10] =	vst v0  }
0x31: {  	[tilespmem:$0x2A20] =	vst v0  }
0x32: {  	[tilespmem:$0x2A30] =	vst v0  }
0x33: {  	[tilespmem:$0x2A40] =	vst v0  }
0x34: {  	[tilespmem:$0x2A50] =	vst v0  }
0x35: {  	[tilespmem:$0x2A60] =	vst v0  }
0x36: {  	[tilespmem:$0x2A70] =	vst v0  }
0x37: {  	[tilespmem:$0x2A80] =	vst v1  }
0x38: {  	[tilespmem:$0x2A90] =	vst v1  }
0x39: {  	[tilespmem:$0x2AA0] =	vst v1  }
0x3a: {  	[tilespmem:$0x2AB0] =	vst v1  }
0x3b: {  	[tilespmem:$0x2AC0] =	vst v1  }
0x3c: {  	[tilespmem:$0x2AD0] =	vst v1  }
0x3d: {  	[tilespmem:$0x2AE0] =	vst v1  }
0x3e: {  	[tilespmem:$0x2AF0] =	vst v1  }
0x3f: {  	[spmem:s4] =	stream.linear.scatter [tilespmem:s12], [sflag:$0x1], $0x280, $0x38;
	[tilespmem:$0x2D80] =	vst v63  }
0x40: {  	_ =	swait.ge [sflag:s13], $0x280  }
0x41: {  	[sflag:s13] =	ssyncset.done $0x0  }
0x42: {  	[sflag:s13] =	ssyncadd.s32 $0xFFFFFD80  }
0x43: {  	[tilespmem:s3], [sflag:$0x1] =	stream.linear.gather [hbm4b:s5+s3], $0x2800, $0x38;
	[tilespmem:$0x2D80] =	vst v63  }
0x44: {  	_ =	swait.ge [sflag:s13], $0x2800  }
0x45: {  	[sflag:s13] =	ssyncset.done $0x0  }
0x46: {  	[sflag:s13] =	ssyncadd.s32 $0xFFFFD800  }
0x47: {  	s17 =	simm.s32 $0x0;
	[bflag:$0x0] =	sbarrier.arrive $0xFFFF  }
0x48: {  	[spmem:s2] =	stream.indirect.scatter.add.f32 [tilespmem:s15], [sflag:$0x1], $0x1, s17, s14, $0xb8;
	[tilespmem:$0x2D80] =	vst v63  }
0x49: {  	_ =	swait.ge [sflag:s13], $0x80  }
0x4a: {  	s17 =	simm.s32 $0x200;
	[sflag:s13] =	ssyncset.done $0x0  }
.LBB2_2:
0x4b: {  	s18 =	sshra.s32 s17, $0x2;
	[sflag:s13] =	ssyncadd.s32 $0xFFFFFF80;
	p5 =	sne.s32 s17, $0x9E00  }
0x4c: {  	[spmem:s2] =	stream.indirect.scatter.add.f32 [tilespmem:s15], [sflag:$0x1], $0x1, s18, s14, $0xb8;
	[tilespmem:$0x2D80] =	vst v63  }
.Ltmp0:
0x4d: {  	_ = 	snop;
	(pc) =	sbr.rel @p5 .LBB2_2-.Ltmp0, $4  }
0x4e: {  	_ = 	snop  }
0x4f: {  	s17 =	sadd.s32 $0x200, s17  }
0x50: {  	_ =	swait.ge [sflag:s13], $0x80  }
0x51: {  	[sflag:s13] =	ssyncset.done $0x0  }
0x52: {  	[sflag:s13] =	ssyncadd.s32 $0xFFFFFF80  }
0x53: {  	s17 =	simm.s32 @p0 $0x2800;
	[bflag:$0x0] =	sbarrier.arrive $0xFFFF  }
0x54: {  	[tilespmem:s17], [sflag:$0x1] =	stream.linear.gather @p0 [spmem:s8], $0x190, $0x38;
	[tilespmem:$0x2D80] =	vst v63  }
0x55: {  	s17 =	simm.s32 @p0 $0x1  }
0x56: {  	_ =	swait.ge @p0 [sflag:s17], $0x190  }
0x57: {  	[sflag:s17] =	ssyncset.done @p0 $0x0  }
0x58: {  	s18 =	simm.s32 @!p1 $0x2800;
	[sflag:s17] =	ssyncadd.s32 @p0 $0xFFFFFE70;
	s17 =	simm.s32 @!p1 $0x0  }
0x59: {  	[hbm4b:s10+s17] =	stream.linear.scatter @!p1 [tilespmem:s18], [sflag:$0x1], $0x190, $0x38;
	[tilespmem:$0x2D80] =	vst v63  }
0x5a: {  	s17 =	simm.s32 @!p1 $0x1  }
0x5b: {  	_ =	swait.ge @!p1 [sflag:s17], $0x190  }
0x5c: {  	[sflag:s17] =	ssyncset.done @!p1 $0x0  }
0x5d: {  	s18 =	simm.s32 @!p2 $0x2800;
	[sflag:s17] =	ssyncadd.s32 @!p1 $0xFFFFFE70;
	s17 =	simm.s32 @!p2 $0x0  }
0x5e: {  	[hbm4b:s9+s17] =	stream.linear.scatter @!p2 [tilespmem:s18], [sflag:$0x1], $0x190, $0x38;
	[tilespmem:$0x2D80] =	vst v63  }
0x5f: {  	s17 =	simm.s32 @!p2 $0x1  }
0x60: {  	_ =	swait.ge @!p2 [sflag:s17], $0x190  }
0x61: {  	[sflag:s17] =	ssyncset.done @!p2 $0x0  }
0x62: {  	[sflag:s17] =	ssyncadd.s32 @!p2 $0xFFFFFE70;
	s17 =	simm.s32 @!p0 $0x2800  }
0x63: {  	[tilespmem:s17], [sflag:$0x1] =	stream.linear.gather @!p0 [spmem:s4], $0x280, $0x38;
	[tilespmem:$0x2D80] =	vst v63  }
0x64: {  	s17 =	simm.s32 @!p0 $0x1  }
0x65: {  	_ =	swait.ge @!p0 [sflag:s17], $0x280  }
0x66: {  	[sflag:s17] =	ssyncset.done @!p0 $0x0  }
0x67: {  	s18 =	simm.s32 @!p3 $0x2800;
	[sflag:s17] =	ssyncadd.s32 @!p0 $0xFFFFFD80;
	s17 =	simm.s32 @!p3 $0x0  }
0x68: {  	[hbm4b:s7+s17] =	stream.linear.scatter @!p3 [tilespmem:s18], [sflag:$0x1], $0x280, $0x38;
	[tilespmem:$0x2D80] =	vst v63  }
0x69: {  	s17 =	simm.s32 @!p3 $0x1  }
0x6a: {  	s16 =	sadd.s32 $0x1, s16;
	_ =	swait.ge @!p3 [sflag:s17], $0x280  }
0x6b: {  	p5 =	sne.s32 s16, s11;
	[sflag:s17] =	ssyncset.done @!p3 $0x0  }
0x6c: {  	s18 =	simm.s32 @!p4 $0x2800;
	[sflag:s17] =	ssyncadd.s32 @!p3 $0xFFFFFD80;
	s17 =	simm.s32 @!p4 $0x0  }
0x6d: {  	[hbm4b:s6+s17] =	stream.linear.scatter @!p4 [tilespmem:s18], [sflag:$0x1], $0x280, $0x38;
	[tilespmem:$0x2D80] =	vst v63  }
.Ltmp1:
0x6e: {  	_ = 	snop;
	(pc) =	sbr.rel @p5 .LBB2_1-.Ltmp1, $4  }
0x6f: {  	s17 =	simm.s32 @!p4 $0x1  }
0x70: {  	_ =	swait.ge @!p4 [sflag:s17], $0x280  }
0x71: {  	[sflag:s17] =	ssyncset.done @!p4 $0x0  }
0x72: {  	[sflag:s17] =	ssyncadd.s32 @!p4 $0xFFFFFD80  }
0x73: {  	_ =	sfence.sel $0x180000  }
0x74: {  	[bflag:$0x0] =	sbarrier.arrive $0xFFFF  }
0x75: {  	p0 =	sne.s32 s0, $0x0;
	_ =	strace $0x90000047  }
0x76: {  	s0 =	sadd.s32 @!p0 $0x100000, s1;
	[bflag:$0x2] =	sbarrier.arrive $0xFFFF  }
0x77: {  	[sflag:s0] =	ssyncadd.tile.s32 @!p0 $0x1;
	_ =	shalt  }
.Lfunc_end2:
_tile_overlayer_lowered:
.L_overlay_start_2:
0x78: {  	(tag) =	ssettag $0x2  }
0x79: {  	s0 =	rddreg [dreg:$0x0];
	s2 =	stileid.u32  }
0x7a: {  	s1 =	rddreg [dreg:$0x1];
	p0 =	sne.s32 s2, $0x0  }
0x7b: {  	s3 =	rddreg [dreg:$0x2];
	[bflag:$0x3] =	sbarrier.arrive $0xFFFF;
	s2 =	simm.s32 @!p0 $0x1C01  }
0x7c: {  	[timem:s3], [sflag:s2] =	dma.local @!p0 [hbm:s0], s1  }
0x7d: {  	s0 =	simm.s32 @!p0 $0x1  }
0x7e: {  	_ =	swait.ge @!p0 [sflag:s0], s1  }
0x7f: {  	s1 =	ssub.s32 @!p0 $0x0, s1;
	[sflag:s0] =	ssyncset.done @!p0 $0x0  }
0x80: {  	[sflag:s0] =	ssyncadd.s32 @!p0 s1  }
0x81: {  	[bflag:$0x3] =	sbarrier.arrive $0xFFFF  }
0x82: {  	_ =	shalt  }

</sc_bundles>
